<compile_context>
chip_gen: v7x
topology: tpu7x:2x2x1
jax: 0.10.2.dev20260603
libtpu: 0.0.44.dev20260713+nightly
codegen_flags: <defaults>
</compile_context>

<pallas_src>
import functools

import jax
import jax.numpy as jnp
from jax import lax
from jax.experimental import pallas as pl
from jax.experimental.pallas import tpu as pltpu
from jax.experimental.pallas import tpu_sc as plsc

_STRIDE = 16
_MIN_CONF = 0.1
_B, _H, _W = 8, 14, 14
_HS, _WS = _H * _STRIDE, _W * _STRIDE
_N = _H * _W
_NP = 224
_WIN = 48
_R = _WIN // 2
_XPAD = 32
_SW = _WS + 2 * _XPAD
_KSC = 2
_NSTRIP = 32 // _KSC
_SH = _HS // _NSTRIP
_STRIP_WORDS = _SH * _SW
_NROW = 7


def _sc_body(params_hbm, out_hbm, pvm, gxtab, wgytab, cfx, cfy, chv, cce,
             cx0, cy0, cjl, cjh, strip):
    lanes = lax.iota(jnp.int32, 16)
    wid = lax.axis_index("s") * 2 + lax.axis_index("c")
    b = wid // _NSTRIP
    ys0 = (wid % _NSTRIP) * _SH

    pltpu.sync_copy(params_hbm.at[b], pvm)

    zeros = jnp.zeros((16,), jnp.float32)

    def zero_body(i, _):
        strip[pl.ds(i * 16, 16)] = zeros
        return _
    lax.fori_loop(0, _STRIP_WORDS // 16, zero_body, None, unroll=8)

    cnt = jnp.int32(0)
    for g in range(_NP // 16):
        mxg = pvm[pl.ds(0 * _NP + g * 16, 16)]
        myg = pvm[pl.ds(1 * _NP + g * 16, 16)]
        vg = pvm[pl.ds(2 * _NP + g * 16, 16)]
        cg = pvm[pl.ds(3 * _NP + g * 16, 16)]
        jl0 = pvm[pl.ds(4 * _NP + g * 16, 16)].astype(jnp.int32)
        jh0 = pvm[pl.ds(5 * _NP + g * 16, 16)].astype(jnp.int32)
        hv = 0.5 / vg
        x0i = mxg.astype(jnp.int32)
        y0i = myg.astype(jnp.int32)
        fx = mxg - x0i.astype(jnp.float32) + float(_R)
        fy = myg - y0i.astype(jnp.float32) + float(_R)
        y0w = y0i - _R
        mask = ((cg > _MIN_CONF)
                & (y0w + jl0 < ys0 + _SH)
                & (y0w + jh0 > ys0))
        pos = cnt + lax.cumsum(mask.astype(jnp.int32), axis=0) - 1
        plsc.store_scatter(cfx, [pos], fx, mask=mask)
        plsc.store_scatter(cfy, [pos], fy, mask=mask)
        plsc.store_scatter(chv, [pos], hv, mask=mask)
        plsc.store_scatter(cce, [pos], cg, mask=mask)
        plsc.store_scatter(cx0, [pos], x0i - _R + _XPAD, mask=mask)
        plsc.store_scatter(cy0, [pos], y0w, mask=mask)
        plsc.store_scatter(cjl, [pos], jl0, mask=mask)
        plsc.store_scatter(cjh, [pos], jh0, mask=mask)
        cnt = cnt + plsc.all_reduce_population_count(mask)[0]

    jv0 = lanes.astype(jnp.float32)
    jv1 = jv0 + 16.0
    jv2 = jv0 + 32.0

    def tabgrp_body(q, _):
        fx = cfx[pl.ds(q * 16, 16)]
        fy = cfy[pl.ds(q * 16, 16)]
        hv = chv[pl.ds(q * 16, 16)]
        ce = cce[pl.ds(q * 16, 16)]
        base0 = q * 16 * _WIN
        for k in range(16):
            fxk = fx[k]
            fyk = fy[k]
            hvk = hv[k]
            cek = ce[k]
            cb = base0 + k * _WIN
            dx0, dx1, dx2 = jv0 - fxk, jv1 - fxk, jv2 - fxk
            gxtab[pl.ds(cb, 16)] = jnp.exp(-(dx0 * dx0) * hvk)
            gxtab[pl.ds(cb + 16, 16)] = jnp.exp(-(dx1 * dx1) * hvk)
            gxtab[pl.ds(cb + 32, 16)] = jnp.exp(-(dx2 * dx2) * hvk)
            dy0, dy1, dy2 = jv0 - fyk, jv1 - fyk, jv2 - fyk
            wgytab[pl.ds(cb, 16)] = jnp.exp(-(dy0 * dy0) * hvk) * cek
            wgytab[pl.ds(cb + 16, 16)] = jnp.exp(-(dy1 * dy1) * hvk) * cek
            wgytab[pl.ds(cb + 32, 16)] = jnp.exp(-(dy2 * dy2) * hvk) * cek
        return _
    lax.fori_loop(0, (cnt + 15) // 16, tabgrp_body, None)

    def cell_body(n, _):
        x0 = cx0[pl.ds(n, 16)][0]
        y0 = cy0[pl.ds(n, 16)][0]
        jlo = jnp.maximum(cjl[pl.ds(n, 16)][0], ys0 - y0)
        jhi = jnp.minimum(cjh[pl.ds(n, 16)][0], ys0 + _SH - y0)
        tbase = n * _WIN
        gx0 = plsc.load_gather(gxtab, [tbase + lanes])
        gx1 = plsc.load_gather(gxtab, [tbase + 16 + lanes])
        gx2 = plsc.load_gather(gxtab, [tbase + 32 + lanes])
        i0_init = (y0 + jlo - ys0) * _SW + x0 + lanes
        sbase = tbase + jlo

        nrows = jnp.maximum(0, jhi - jlo)
        npairs = nrows // 2

        def pair_body(t, i0):
            sv = wgytab[pl.ds(sbase + 2 * t, 16)]
            s0 = sv[0]
            s1 = sv[1]
            plsc.addupdate_scatter(strip, [i0], gx0 * s0)
            plsc.addupdate_scatter(strip, [i0 + 16], gx1 * s0)
            plsc.addupdate_scatter(strip, [i0 + 32], gx2 * s0)
            i1 = i0 + _SW
            plsc.addupdate_scatter(strip, [i1], gx0 * s1)
            plsc.addupdate_scatter(strip, [i1 + 16], gx1 * s1)
            plsc.addupdate_scatter(strip, [i1 + 32], gx2 * s1)
            return i1 + _SW
        i0f = lax.fori_loop(0, npairs, pair_body, i0_init)

        @pl.when(nrows % 2 == 1)
        def _tail():
            s = wgytab[pl.ds(sbase + 2 * npairs, 16)][0]
            plsc.addupdate_scatter(strip, [i0f], gx0 * s)
            plsc.addupdate_scatter(strip, [i0f + 16], gx1 * s)
            plsc.addupdate_scatter(strip, [i0f + 32], gx2 * s)
        return _
    lax.fori_loop(0, cnt, cell_body, None)

    pltpu.sync_copy(strip, out_hbm.at[pl.ds(wid * _STRIP_WORDS, _STRIP_WORDS)])


def _tc_body(my_ref, vr_ref, mx_ref, vc_ref, c_ref, out_ref):
    hs, np_ = out_ref.shape[1], my_ref.shape[2]
    ws = out_ref.shape[2]
    my = my_ref[0]
    hv_r = 0.5 / vr_ref[0]
    mx = mx_ref[0]
    hv_c = 0.5 / vc_ref[0]
    c = c_ref[0]
    ceff = jnp.where(c > _MIN_CONF, c, 0.0)

    y = lax.broadcasted_iota(jnp.int32, (hs, np_), 0).astype(jnp.float32)
    dy = y - my
    gyt = jnp.exp(-(dy * dy) * hv_r)

    x = lax.broadcasted_iota(jnp.int32, (np_, ws), 1).astype(jnp.float32)
    dx = x - mx
    cgx = ceff * jnp.exp(-(dx * dx) * hv_c)

    out_ref[0] = jnp.dot(gyt, cgx, preferred_element_type=jnp.float32)


def _tc_part(mean, variance, confidence):
    nb = mean.shape[0]
    m = mean.reshape(nb, _N, 2)
    pad = _NP - _N
    mx = jnp.pad(m[..., 0], ((0, 0), (0, pad)))
    my = jnp.pad(m[..., 1], ((0, 0), (0, pad)))
    v = jnp.pad(variance.reshape(nb, _N), ((0, 0), (0, pad)),
                constant_values=1.0)
    c = jnp.pad(confidence.reshape(nb, _N), ((0, 0), (0, pad)))

    row_spec = pl.BlockSpec((1, 1, _NP), lambda i: (i, 0, 0))
    col_spec = pl.BlockSpec((1, _NP, 1), lambda i: (i, 0, 0))
    return pl.pallas_call(
        _tc_body,
        grid=(nb,),
        in_specs=[row_spec, row_spec, col_spec, col_spec, col_spec],
        out_specs=pl.BlockSpec((1, _HS, _WS), lambda i: (i, 0, 0)),
        out_shape=jax.ShapeDtypeStruct((nb, _HS, _WS), jnp.float32),
    )(my[:, None, :], v[:, None, :], mx[:, :, None], v[:, :, None],
      c[:, :, None])


def _sc_part(mean, variance, confidence):
    nb = mean.shape[0]
    m = mean.reshape(nb, _N, 2)
    pad = _NP - _N
    mx = jnp.pad(m[..., 0], ((0, 0), (0, pad)), constant_values=112.0)
    my = jnp.pad(m[..., 1], ((0, 0), (0, pad)), constant_values=112.0)
    v = jnp.pad(variance.reshape(nb, _N), ((0, 0), (0, pad)),
                constant_values=1.0)
    c = jnp.pad(confidence.reshape(nb, _N), ((0, 0), (0, pad)))
    r = jnp.ceil(jnp.sqrt(2.0 * jnp.log(1.0 / 3e-4) * v))
    alive = c > _MIN_CONF
    jl0 = jnp.where(alive, jnp.maximum(0.0, float(_R) - r), 0.0)
    jh0 = jnp.where(alive, jnp.minimum(float(_WIN), float(_R) + r + 2.0), 0.0)
    params = jnp.stack([mx, my, v, c, jl0, jh0, jnp.zeros_like(mx)],
                       axis=1).reshape(nb, _NROW * _NP)

    mesh = plsc.VectorSubcoreMesh(core_axis_name="c", subcore_axis_name="s")
    run = functools.partial(
        pl.kernel,
        mesh=mesh,
        compiler_params=pltpu.CompilerParams(needs_layout_passes=False),
        out_type=jax.ShapeDtypeStruct((nb * _HS * _SW,), jnp.float32),
        scratch_types=[
            pltpu.VMEM((_NROW * _NP,), jnp.float32),
            pltpu.VMEM((_NP * _WIN,), jnp.float32),
            pltpu.VMEM((_NP * _WIN + 16,), jnp.float32),
            pltpu.VMEM((_NP + 16,), jnp.float32),
            pltpu.VMEM((_NP + 16,), jnp.float32),
            pltpu.VMEM((_NP + 16,), jnp.float32),
            pltpu.VMEM((_NP + 16,), jnp.float32),
            pltpu.VMEM((_NP + 16,), jnp.int32),
            pltpu.VMEM((_NP + 16,), jnp.int32),
            pltpu.VMEM((_NP + 16,), jnp.int32),
            pltpu.VMEM((_NP + 16,), jnp.int32),
            pltpu.VMEM((_STRIP_WORDS,), jnp.float32),
        ],
    )(_sc_body)
    padded = run(params)
    return padded.reshape(nb, _HS, _SW)[:, :, _XPAD:_XPAD + _WS]


def kernel(mean, variance, confidence):
    sc = _sc_part(mean[:_KSC], variance[:_KSC], confidence[:_KSC])
    tc = _tc_part(mean[_KSC:], variance[_KSC:], confidence[_KSC:])
    return jnp.concatenate([sc, tc], axis=0)

# --- scband reference (transcript-rebuilt; emitter-appended) ---
"""Pipeline reference for scband-decode-piflayer-74921409511747 (READ-ONLY COPY).

The authoritative reference and input builder live on the scoring server;
editing this copy changes nothing except your own understanding.
"""

import jax, jax.numpy as jnp
import numpy as np

STRIDE = 16
MIN_CONF = 0.1
B, H, W = 8, 14, 14


def setup_inputs(seed: int = 0) -> dict:
    key = jax.random.key(seed)
    k1, k2, k3 = jax.random.split(key, 3)
    # mean: sub-pixel center locations in output-pixel coordinates [0, H*stride)
    mean = jax.random.uniform(k1, (B, H, W, 2), dtype=jnp.float32, minval=0.0, maxval=float(H * STRIDE))
    # variance: positive Gaussian spread in pixels^2 (realistic PIF sigma range)
    variance = jax.random.uniform(k2, (B, H, W), dtype=jnp.float32, minval=2.0, maxval=32.0)
    # confidence in [0,1); ~90% of cells exceed min_confidence=0.1
    confidence = jax.random.uniform(k3, (B, H, W), dtype=jnp.float32)
    return {"mean": mean, "variance": variance, "confidence": confidence}


def reference(mean, variance, confidence):
    Bn, Hn, Wn, _ = mean.shape
    Hs, Ws = Hn * STRIDE, Wn * STRIDE
    # tf.meshgrid(x_range, y_range) with default 'xy' indexing, stacked on axis=-1:
    # channel 0 = x coordinate, channel 1 = y coordinate, shape [Hs, Ws, 2]
    xs = jnp.arange(Ws, dtype=jnp.float32)
    ys = jnp.arange(Hs, dtype=jnp.float32)
    pos_x, pos_y = jnp.meshgrid(xs, ys)  # each [Hs, Ws]

    m = mean.reshape(Bn, -1, 2)
    v = variance.reshape(Bn, -1)
    c = confidence.reshape(Bn, -1)
    # tf.where(confidence > min_confidence) + gather_nd + per-cell scatter-add
    # is equivalent to summing all cells with confidence zeroed below threshold
    # (variance > 0 guarantees exp term is finite in (0, 1]).
    ceff = jnp.where(c > MIN_CONF, c, 0.0)

    N = m.shape[1]
    acc = jnp.zeros((Bn, Hs, Ws), dtype=jnp.float32)
    chunk = 49  # chunk over cells to bound peak memory
    for s in range(0, N, chunk):
        mm = m[:, s:s + chunk]            # [B, ch, 2]
        vv = v[:, s:s + chunk]            # [B, ch]
        cc = ceff[:, s:s + chunk]         # [B, ch]
        dx = pos_x[None, None, :, :] - mm[:, :, 0][:, :, None, None]  # [B, ch, Hs, Ws]
        dy = pos_y[None, None, :, :] - mm[:, :, 1][:, :, None, None]
        g = jnp.exp(-(dx * dx + dy * dy) / (2.0 * vv[:, :, None, None]))
        acc = acc + jnp.sum(g * cc[:, :, None, None], axis=1)
    return acc

if __name__ == "__main__":
    import jax
    _d = setup_inputs()
    print(jax.jit(kernel)(*tuple(_d.values())))

</pallas_src>

<mosaic_0001>
#map = affine_map<(d0, d1) -> (0, 0)>
#map1 = affine_map<(d0, d1) -> (0)>
module attributes {stable_mosaic.version = 14 : i64} {
  func.func @_sc_body(%arg0: i32, %arg1: i32, %arg2: memref<2x1568xf32, #tpu.memory_space<hbm>>, %arg3: memref<129024xf32, #tpu.memory_space<hbm>>, %arg4: memref<1568xf32, #tpu.memory_space<vmem>>, %arg5: memref<10752xf32, #tpu.memory_space<vmem>>, %arg6: memref<10768xf32, #tpu.memory_space<vmem>>, %arg7: memref<240xf32, #tpu.memory_space<vmem>>, %arg8: memref<240xf32, #tpu.memory_space<vmem>>, %arg9: memref<240xf32, #tpu.memory_space<vmem>>, %arg10: memref<240xf32, #tpu.memory_space<vmem>>, %arg11: memref<240xi32, #tpu.memory_space<vmem>>, %arg12: memref<240xi32, #tpu.memory_space<vmem>>, %arg13: memref<240xi32, #tpu.memory_space<vmem>>, %arg14: memref<240xi32, #tpu.memory_space<vmem>>, %arg15: memref<4032xf32, #tpu.memory_space<vmem>>) attributes {dimension_semantics = [#tpu.dimension_semantics<core_parallel>, #tpu.dimension_semantics<subcore_parallel>], iteration_bounds = array<i64: 2, 16>, scalar_prefetch = 0 : i64, scratch_operands = 12 : i64, tpu.core_type = #tpu.core_type<sc_vector_subcore>, window_params = [{transform_indices = #map}, {transform_indices = #map1}]} {
    %iota3A = tpu.iota {dimensions = array<i32: 0>} : vector<16xi32>
    %mul3A = arith.constant 2 : i32
    %mul3A_0 = arith.muli %arg1, %mul3A : i32
    %add3A = arith.addi %mul3A_0, %arg0 : i32
    %jit3A = arith.constant 16 : i32
    %div3A = arith.divsi %add3A, %jit3A : i32
    %sign3A = arith.constant 0 : i32
    %sign3A_1 = arith.cmpi sgt, %add3A, %sign3A : i32
    %sign3A_2 = arith.extui %sign3A_1 : i1 to i32
    %sign3A_3 = arith.constant 0 : i32
    %sign3A_4 = arith.cmpi slt, %add3A, %sign3A_3 : i32
    %sign3A_5 = arith.extui %sign3A_4 : i1 to i32
    %sign3A_6 = arith.subi %sign3A_2, %sign3A_5 : i32
    %sign3A_7 = arith.constant 0 : i32
    %sign3A_8 = arith.cmpi sgt, %jit3A, %sign3A_7 : i32
    %sign3A_9 = arith.extui %sign3A_8 : i1 to i32
    %sign3A_10 = arith.constant 0 : i32
    %sign3A_11 = arith.cmpi slt, %jit3A, %sign3A_10 : i32
    %sign3A_12 = arith.extui %sign3A_11 : i1 to i32
    %sign3A_13 = arith.subi %sign3A_9, %sign3A_12 : i32
    %ne3A = arith.cmpi ne, %sign3A_6, %sign3A_13 : i32
    %rem3A = arith.remsi %add3A, %jit3A : i32
    %ne3A_14 = arith.constant 0 : i32
    %ne3A_15 = arith.cmpi ne, %rem3A, %ne3A_14 : i32
    %and3A = arith.andi %ne3A, %ne3A_15 : i1
    %sub3A = arith.constant 1 : i32
    %sub3A_16 = arith.subi %div3A, %sub3A : i32
    %select_n3A = arith.select %and3A, %sub3A_16, %div3A : i32
    %jit3A_17 = arith.constant 16 : i32
    %eq3A = arith.constant 0 : i32
    %eq3A_18 = arith.cmpi eq, %jit3A_17, %eq3A : i32
    %jit3A_19 = arith.constant 1 : i32
    %select_n3A_20 = arith.select %eq3A_18, %jit3A_19, %jit3A_17 : i32
    %rem3A_21 = arith.remsi %add3A, %select_n3A_20 : i32
    %ne3A_22 = arith.constant 0 : i32
    %ne3A_23 = arith.cmpi ne, %rem3A_21, %ne3A_22 : i32
    %lt3A = arith.constant 0 : i32
    %lt3A_24 = arith.cmpi slt, %rem3A_21, %lt3A : i32
    %lt3A_25 = arith.constant 0 : i32
    %lt3A_26 = arith.cmpi slt, %select_n3A_20, %lt3A_25 : i32
    %ne3A_27 = arith.xori %lt3A_24, %lt3A_26 : i1
    %and3A_28 = arith.andi %ne3A_27, %ne3A_23 : i1
    %add3A_29 = arith.addi %rem3A_21, %select_n3A_20 : i32
    %select_n3A_30 = arith.select %and3A_28, %add3A_29, %rem3A_21 : i32
    %mul3A_31 = arith.constant 14 : i32
    %mul3A_32 = arith.muli %select_n3A_30, %mul3A_31 : i32
    "tpu.region"() ({
      %run_scoped3A = tpu.sem_alloc : memref<!tpu.dma_semaphore, #tpu.memory_space<semaphore_mem>>
      %dma_start3A = arith.constant 0 : i32
      %dma_start3A_1004 = tpu.memref_slice %arg2[%select_n3A, %dma_start3A] : memref<2x1568xf32, #tpu.memory_space<hbm>> -> memref<1x1568xf32, #tpu.memory_space<hbm>>
      %dma_start3A_1005 = tpu.memref_squeeze %dma_start3A_1004 : memref<1x1568xf32, #tpu.memory_space<hbm>> -> memref<1568xf32, #tpu.memory_space<hbm>>
      %dma_start3A_1006 = arith.constant 0 : i32
      %dma_start3A_1007 = tpu.memref_slice %arg2[%select_n3A, %dma_start3A_1006] : memref<2x1568xf32, #tpu.memory_space<hbm>> -> memref<1x1568xf32, #tpu.memory_space<hbm>>
      %dma_start3A_1008 = tpu.memref_squeeze %dma_start3A_1007 : memref<1x1568xf32, #tpu.memory_space<hbm>> -> memref<1568xf32, #tpu.memory_space<hbm>>
      tpu.enqueue_dma source(%dma_start3A_1008 : memref<1568xf32, #tpu.memory_space<hbm>>) target(%arg4 : memref<1568xf32, #tpu.memory_space<vmem>>) target_semaphore(%run_scoped3A : memref<!tpu.dma_semaphore, #tpu.memory_space<semaphore_mem>>)
      %dma_wait3A = arith.constant 0 : i32
      %dma_wait3A_1009 = tpu.memref_slice %arg2[%select_n3A, %dma_wait3A] : memref<2x1568xf32, #tpu.memory_space<hbm>> -> memref<1x1568xf32, #tpu.memory_space<hbm>>
      %dma_wait3A_1010 = tpu.memref_squeeze %dma_wait3A_1009 : memref<1x1568xf32, #tpu.memory_space<hbm>> -> memref<1568xf32, #tpu.memory_space<hbm>>
      %dma_wait3A_1011 = arith.constant 0 : i32
      %dma_wait3A_1012 = tpu.memref_slice %arg2[%select_n3A, %dma_wait3A_1011] : memref<2x1568xf32, #tpu.memory_space<hbm>> -> memref<1x1568xf32, #tpu.memory_space<hbm>>
      %dma_wait3A_1013 = tpu.memref_squeeze %dma_wait3A_1012 : memref<1x1568xf32, #tpu.memory_space<hbm>> -> memref<1568xf32, #tpu.memory_space<hbm>>
      tpu.wait_dma2 semaphore(%run_scoped3A : memref<!tpu.dma_semaphore, #tpu.memory_space<semaphore_mem>>) src(%dma_wait3A_1013 : memref<1568xf32, #tpu.memory_space<hbm>>) dst(%arg4 : memref<1568xf32, #tpu.memory_space<vmem>>)
      tpu.yield
    }) : () -> ()
    %broadcast_in_dim3A = arith.constant 0.000000e+00 : f32
    %broadcast_in_dim3A_33 = vector.broadcast %broadcast_in_dim3A : f32 to vector<16xf32>
    %scan3A = arith.constant 0 : i32
    %scan3A_34 = arith.constant 248 : i32
    %scan3A_35 = arith.addi %scan3A, %scan3A_34 : i32
    %scan3A_36 = arith.constant 8 : i32
    scf.for %scan3A_1004 = %scan3A to %scan3A_35 step %scan3A_36  : i32 {
      %mul3A_1005 = arith.constant 16 : i32
      %mul3A_1006 = arith.muli %scan3A_1004, %mul3A_1005 : i32
      %swap3A_1007 = arith.index_cast %mul3A_1006 : i32 to index
      %swap3A_1008 = tpu.vector_load %arg15[%swap3A_1007] {strides = array<i32>} : memref<4032xf32, #tpu.memory_space<vmem>>, vector<16xf32>,
      tpu.vector_store %arg15[%swap3A_1007], %broadcast_in_dim3A_33 {strides = array<i32>} : memref<4032xf32, #tpu.memory_space<vmem>>, vector<16xf32>,
      %scan3A_1009 = arith.constant 1 : i32
      %scan3A_1010 = arith.addi %scan3A_1004, %scan3A_1009 : i32
      %mul3A_1011 = arith.constant 16 : i32
      %mul3A_1012 = arith.muli %scan3A_1010, %mul3A_1011 : i32
      %swap3A_1013 = arith.index_cast %mul3A_1012 : i32 to index
      %swap3A_1014 = tpu.vector_load %arg15[%swap3A_1013] {strides = array<i32>} : memref<4032xf32, #tpu.memory_space<vmem>>, vector<16xf32>,
      tpu.vector_store %arg15[%swap3A_1013], %broadcast_in_dim3A_33 {strides = array<i32>} : memref<4032xf32, #tpu.memory_space<vmem>>, vector<16xf32>,
      %scan3A_1015 = arith.constant 2 : i32
      %scan3A_1016 = arith.addi %scan3A_1004, %scan3A_1015 : i32
      %mul3A_1017 = arith.constant 16 : i32
      %mul3A_1018 = arith.muli %scan3A_1016, %mul3A_1017 : i32
      %swap3A_1019 = arith.index_cast %mul3A_1018 : i32 to index
      %swap3A_1020 = tpu.vector_load %arg15[%swap3A_1019] {strides = array<i32>} : memref<4032xf32, #tpu.memory_space<vmem>>, vector<16xf32>,
      tpu.vector_store %arg15[%swap3A_1019], %broadcast_in_dim3A_33 {strides = array<i32>} : memref<4032xf32, #tpu.memory_space<vmem>>, vector<16xf32>,
      %scan3A_1021 = arith.constant 3 : i32
      %scan3A_1022 = arith.addi %scan3A_1004, %scan3A_1021 : i32
      %mul3A_1023 = arith.constant 16 : i32
      %mul3A_1024 = arith.muli %scan3A_1022, %mul3A_1023 : i32
      %swap3A_1025 = arith.index_cast %mul3A_1024 : i32 to index
      %swap3A_1026 = tpu.vector_load %arg15[%swap3A_1025] {strides = array<i32>} : memref<4032xf32, #tpu.memory_space<vmem>>, vector<16xf32>,
      tpu.vector_store %arg15[%swap3A_1025], %broadcast_in_dim3A_33 {strides = array<i32>} : memref<4032xf32, #tpu.memory_space<vmem>>, vector<16xf32>,
      %scan3A_1027 = arith.constant 4 : i32
      %scan3A_1028 = arith.addi %scan3A_1004, %scan3A_1027 : i32
      %mul3A_1029 = arith.constant 16 : i32
      %mul3A_1030 = arith.muli %scan3A_1028, %mul3A_1029 : i32
      %swap3A_1031 = arith.index_cast %mul3A_1030 : i32 to index
      %swap3A_1032 = tpu.vector_load %arg15[%swap3A_1031] {strides = array<i32>} : memref<4032xf32, #tpu.memory_space<vmem>>, vector<16xf32>,
      tpu.vector_store %arg15[%swap3A_1031], %broadcast_in_dim3A_33 {strides = array<i32>} : memref<4032xf32, #tpu.memory_space<vmem>>, vector<16xf32>,
      %scan3A_1033 = arith.constant 5 : i32
      %scan3A_1034 = arith.addi %scan3A_1004, %scan3A_1033 : i32
      %mul3A_1035 = arith.constant 16 : i32
      %mul3A_1036 = arith.muli %scan3A_1034, %mul3A_1035 : i32
      %swap3A_1037 = arith.index_cast %mul3A_1036 : i32 to index
      %swap3A_1038 = tpu.vector_load %arg15[%swap3A_1037] {strides = array<i32>} : memref<4032xf32, #tpu.memory_space<vmem>>, vector<16xf32>,
      tpu.vector_store %arg15[%swap3A_1037], %broadcast_in_dim3A_33 {strides = array<i32>} : memref<4032xf32, #tpu.memory_space<vmem>>, vector<16xf32>,
      %scan3A_1039 = arith.constant 6 : i32
      %scan3A_1040 = arith.addi %scan3A_1004, %scan3A_1039 : i32
      %mul3A_1041 = arith.constant 16 : i32
      %mul3A_1042 = arith.muli %scan3A_1040, %mul3A_1041 : i32
      %swap3A_1043 = arith.index_cast %mul3A_1042 : i32 to index
      %swap3A_1044 = tpu.vector_load %arg15[%swap3A_1043] {strides = array<i32>} : memref<4032xf32, #tpu.memory_space<vmem>>, vector<16xf32>,
      tpu.vector_store %arg15[%swap3A_1043], %broadcast_in_dim3A_33 {strides = array<i32>} : memref<4032xf32, #tpu.memory_space<vmem>>, vector<16xf32>,
      %scan3A_1045 = arith.constant 7 : i32
      %scan3A_1046 = arith.addi %scan3A_1004, %scan3A_1045 : i32
      %mul3A_1047 = arith.constant 16 : i32
      %mul3A_1048 = arith.muli %scan3A_1046, %mul3A_1047 : i32
      %swap3A_1049 = arith.index_cast %mul3A_1048 : i32 to index
      %swap3A_1050 = tpu.vector_load %arg15[%swap3A_1049] {strides = array<i32>} : memref<4032xf32, #tpu.memory_space<vmem>>, vector<16xf32>,
      tpu.vector_store %arg15[%swap3A_1049], %broadcast_in_dim3A_33 {strides = array<i32>} : memref<4032xf32, #tpu.memory_space<vmem>>, vector<16xf32>,
    }
    %scan3A_37 = arith.constant 248 : i32
    %scan3A_38 = arith.addi %scan3A, %scan3A_37 : i32
    %mul3A_39 = arith.constant 16 : i32
    %mul3A_40 = arith.muli %scan3A_38, %mul3A_39 : i32
    %swap3A = arith.index_cast %mul3A_40 : i32 to index
    %swap3A_41 = tpu.vector_load %arg15[%swap3A] {strides = array<i32>} : memref<4032xf32, #tpu.memory_space<vmem>>, vector<16xf32>,
    tpu.vector_store %arg15[%swap3A], %broadcast_in_dim3A_33 {strides = array<i32>} : memref<4032xf32, #tpu.memory_space<vmem>>, vector<16xf32>,
    %scan3A_42 = arith.constant 249 : i32
    %scan3A_43 = arith.addi %scan3A, %scan3A_42 : i32
    %mul3A_44 = arith.constant 16 : i32
    %mul3A_45 = arith.muli %scan3A_43, %mul3A_44 : i32
    %swap3A_46 = arith.index_cast %mul3A_45 : i32 to index
    %swap3A_47 = tpu.vector_load %arg15[%swap3A_46] {strides = array<i32>} : memref<4032xf32, #tpu.memory_space<vmem>>, vector<16xf32>,
    tpu.vector_store %arg15[%swap3A_46], %broadcast_in_dim3A_33 {strides = array<i32>} : memref<4032xf32, #tpu.memory_space<vmem>>, vector<16xf32>,
    %scan3A_48 = arith.constant 250 : i32
    %scan3A_49 = arith.addi %scan3A, %scan3A_48 : i32
    %mul3A_50 = arith.constant 16 : i32
    %mul3A_51 = arith.muli %scan3A_49, %mul3A_50 : i32
    %swap3A_52 = arith.index_cast %mul3A_51 : i32 to index
    %swap3A_53 = tpu.vector_load %arg15[%swap3A_52] {strides = array<i32>} : memref<4032xf32, #tpu.memory_space<vmem>>, vector<16xf32>,
    tpu.vector_store %arg15[%swap3A_52], %broadcast_in_dim3A_33 {strides = array<i32>} : memref<4032xf32, #tpu.memory_space<vmem>>, vector<16xf32>,
    %scan3A_54 = arith.constant 251 : i32
    %scan3A_55 = arith.addi %scan3A, %scan3A_54 : i32
    %mul3A_56 = arith.constant 16 : i32
    %mul3A_57 = arith.muli %scan3A_55, %mul3A_56 : i32
    %swap3A_58 = arith.index_cast %mul3A_57 : i32 to index
    %swap3A_59 = tpu.vector_load %arg15[%swap3A_58] {strides = array<i32>} : memref<4032xf32, #tpu.memory_space<vmem>>, vector<16xf32>,
    tpu.vector_store %arg15[%swap3A_58], %broadcast_in_dim3A_33 {strides = array<i32>} : memref<4032xf32, #tpu.memory_space<vmem>>, vector<16xf32>,
    %scan3A_60 = arith.constant 252 : i32
    %get3A = arith.constant 0 : index
    %get3A_61 = tpu.vector_load %arg4[%get3A] {strides = array<i32>} : memref<1568xf32, #tpu.memory_space<vmem>>, vector<16xf32>,
    %get3A_62 = arith.constant 224 : index
    %get3A_63 = tpu.vector_load %arg4[%get3A_62] {strides = array<i32>} : memref<1568xf32, #tpu.memory_space<vmem>>, vector<16xf32>,
    %get3A_64 = arith.constant 448 : index
    %get3A_65 = tpu.vector_load %arg4[%get3A_64] {strides = array<i32>} : memref<1568xf32, #tpu.memory_space<vmem>>, vector<16xf32>,
    %get3A_66 = arith.constant 672 : index
    %get3A_67 = tpu.vector_load %arg4[%get3A_66] {strides = array<i32>} : memref<1568xf32, #tpu.memory_space<vmem>>, vector<16xf32>,
    %get3A_68 = arith.constant 896 : index
    %get3A_69 = tpu.vector_load %arg4[%get3A_68] {strides = array<i32>} : memref<1568xf32, #tpu.memory_space<vmem>>, vector<16xf32>,
    %convert_element_type3A = arith.fptosi %get3A_69 : vector<16xf32> to vector<16xi32>
    %get3A_70 = arith.constant 1120 : index
    %get3A_71 = tpu.vector_load %arg4[%get3A_70] {strides = array<i32>} : memref<1568xf32, #tpu.memory_space<vmem>>, vector<16xf32>,
    %convert_element_type3A_72 = arith.fptosi %get3A_71 : vector<16xf32> to vector<16xi32>
    %div3A_73 = arith.constant 5.000000e-01 : f32
    %div3A_74 = vector.broadcast %div3A_73 : f32 to vector<16xf32>
    %div3A_75 = arith.divf %div3A_74, %get3A_65 : vector<16xf32>
    %convert_element_type3A_76 = arith.fptosi %get3A_61 : vector<16xf32> to vector<16xi32>
    %convert_element_type3A_77 = arith.fptosi %get3A_63 : vector<16xf32> to vector<16xi32>
    %convert_element_type3A_78 = arith.sitofp %convert_element_type3A_76 : vector<16xi32> to vector<16xf32>
    %sub3A_79 = arith.subf %get3A_61, %convert_element_type3A_78 : vector<16xf32>
    %add3A_80 = arith.constant 2.400000e+01 : f32
    %add3A_81 = vector.broadcast %add3A_80 : f32 to vector<16xf32>
    %add3A_82 = arith.addf %sub3A_79, %add3A_81 : vector<16xf32>
    %convert_element_type3A_83 = arith.sitofp %convert_element_type3A_77 : vector<16xi32> to vector<16xf32>
    %sub3A_84 = arith.subf %get3A_63, %convert_element_type3A_83 : vector<16xf32>
    %add3A_85 = arith.constant 2.400000e+01 : f32
    %add3A_86 = vector.broadcast %add3A_85 : f32 to vector<16xf32>
    %add3A_87 = arith.addf %sub3A_84, %add3A_86 : vector<16xf32>
    %sub3A_88 = arith.constant 24 : i32
    %sub3A_89 = vector.broadcast %sub3A_88 : i32 to vector<16xi32>
    %sub3A_90 = arith.subi %convert_element_type3A_77, %sub3A_89 : vector<16xi32>
    %gt3A = arith.constant 1.000000e-01 : f32
    %gt3A_91 = vector.broadcast %gt3A : f32 to vector<16xf32>
    %gt3A_92 = arith.cmpf ogt, %get3A_67, %gt3A_91 : vector<16xf32>
    %add3A_93 = arith.addi %sub3A_90, %convert_element_type3A : vector<16xi32>
    %add3A_94 = arith.constant 14 : i32
    %add3A_95 = arith.addi %mul3A_32, %add3A_94 : i32
    %lt3A_96 = vector.broadcast %add3A_95 : i32 to vector<16xi32>
    %lt3A_97 = arith.cmpi slt, %add3A_93, %lt3A_96 : vector<16xi32>
    %and3A_98 = arith.andi %gt3A_92, %lt3A_97 : vector<16xi1>
    %add3A_99 = arith.addi %sub3A_90, %convert_element_type3A_72 : vector<16xi32>
    %gt3A_100 = vector.broadcast %mul3A_32 : i32 to vector<16xi32>
    %gt3A_101 = arith.cmpi sgt, %add3A_99, %gt3A_100 : vector<16xi32>
    %and3A_102 = arith.andi %and3A_98, %gt3A_101 : vector<16xi1>
    %convert_element_type3A_103 = arith.extui %and3A_102 : vector<16xi1> to vector<16xi32>
    %cumsum3A = arith.constant true
    %cumsum3A_104 = vector.broadcast %cumsum3A : i1 to vector<16xi1>
    %cumsum3A_105 = tpu.scan <sum>, %convert_element_type3A_103 masked %cumsum3A_104 : vector<16xi32>, vector<16xi1> -> vector<16xi32>
    %add3A_106 = arith.constant 0 : i32
    %add3A_107 = vector.broadcast %add3A_106 : i32 to vector<16xi32>
    %add3A_108 = arith.addi %add3A_107, %cumsum3A_105 : vector<16xi32>
    %sub3A_109 = arith.constant 1 : i32
    %sub3A_110 = vector.broadcast %sub3A_109 : i32 to vector<16xi32>
    %sub3A_111 = arith.subi %add3A_108, %sub3A_110 : vector<16xi32>
    tpu.vector_store_idx %arg7[%sub3A_111], %add3A_82 masked %and3A_102 : memref<240xf32, #tpu.memory_space<vmem>>[vector<16xi32>], vector<16xf32>, vector<16xi1>
    tpu.vector_store_idx %arg8[%sub3A_111], %add3A_87 masked %and3A_102 : memref<240xf32, #tpu.memory_space<vmem>>[vector<16xi32>], vector<16xf32>, vector<16xi1>
    tpu.vector_store_idx %arg9[%sub3A_111], %div3A_75 masked %and3A_102 : memref<240xf32, #tpu.memory_space<vmem>>[vector<16xi32>], vector<16xf32>, vector<16xi1>
    tpu.vector_store_idx %arg10[%sub3A_111], %get3A_67 masked %and3A_102 : memref<240xf32, #tpu.memory_space<vmem>>[vector<16xi32>], vector<16xf32>, vector<16xi1>
    %sub3A_112 = arith.constant 24 : i32
    %sub3A_113 = vector.broadcast %sub3A_112 : i32 to vector<16xi32>
    %sub3A_114 = arith.subi %convert_element_type3A_76, %sub3A_113 : vector<16xi32>
    %add3A_115 = arith.constant 32 : i32
    %add3A_116 = vector.broadcast %add3A_115 : i32 to vector<16xi32>
    %add3A_117 = arith.addi %sub3A_114, %add3A_116 : vector<16xi32>
    tpu.vector_store_idx %arg11[%sub3A_111], %add3A_117 masked %and3A_102 : memref<240xi32, #tpu.memory_space<vmem>>[vector<16xi32>], vector<16xi32>, vector<16xi1>
    tpu.vector_store_idx %arg12[%sub3A_111], %sub3A_90 masked %and3A_102 : memref<240xi32, #tpu.memory_space<vmem>>[vector<16xi32>], vector<16xi32>, vector<16xi1>
    tpu.vector_store_idx %arg13[%sub3A_111], %convert_element_type3A masked %and3A_102 : memref<240xi32, #tpu.memory_space<vmem>>[vector<16xi32>], vector<16xi32>, vector<16xi1>
    tpu.vector_store_idx %arg14[%sub3A_111], %convert_element_type3A_72 masked %and3A_102 : memref<240xi32, #tpu.memory_space<vmem>>[vector<16xi32>], vector<16xi32>, vector<16xi1>
    %all_reduce_population_count3A = tpu.all_reduce %and3A_102 {dim = 0 : i64, kind = #tpu.reduction_kind<sum>} : vector<16xi1> -> vector<16xi32>
    %slice3A = vector.extract_strided_slice %all_reduce_population_count3A {offsets = [0], sizes = [1], strides = [1]} : vector<16xi32> to vector<1xi32>
    %squeeze3A = vector.extract %slice3A[0] : i32 from vector<1xi32>
    %add3A_118 = arith.constant 0 : i32
    %add3A_119 = arith.addi %add3A_118, %squeeze3A : i32
    %get3A_120 = arith.constant 16 : index
    %get3A_121 = tpu.vector_load %arg4[%get3A_120] {strides = array<i32>} : memref<1568xf32, #tpu.memory_space<vmem>>, vector<16xf32>,
    %get3A_122 = arith.constant 240 : index
    %get3A_123 = tpu.vector_load %arg4[%get3A_122] {strides = array<i32>} : memref<1568xf32, #tpu.memory_space<vmem>>, vector<16xf32>,
    %get3A_124 = arith.constant 464 : index
    %get3A_125 = tpu.vector_load %arg4[%get3A_124] {strides = array<i32>} : memref<1568xf32, #tpu.memory_space<vmem>>, vector<16xf32>,
    %get3A_126 = arith.constant 688 : index
    %get3A_127 = tpu.vector_load %arg4[%get3A_126] {strides = array<i32>} : memref<1568xf32, #tpu.memory_space<vmem>>, vector<16xf32>,
    %get3A_128 = arith.constant 912 : index
    %get3A_129 = tpu.vector_load %arg4[%get3A_128] {strides = array<i32>} : memref<1568xf32, #tpu.memory_space<vmem>>, vector<16xf32>,
    %convert_element_type3A_130 = arith.fptosi %get3A_129 : vector<16xf32> to vector<16xi32>
    %get3A_131 = arith.constant 1136 : index
    %get3A_132 = tpu.vector_load %arg4[%get3A_131] {strides = array<i32>} : memref<1568xf32, #tpu.memory_space<vmem>>, vector<16xf32>,
    %convert_element_type3A_133 = arith.fptosi %get3A_132 : vector<16xf32> to vector<16xi32>
    %div3A_134 = arith.constant 5.000000e-01 : f32
    %div3A_135 = vector.broadcast %div3A_134 : f32 to vector<16xf32>
    %div3A_136 = arith.divf %div3A_135, %get3A_125 : vector<16xf32>
    %convert_element_type3A_137 = arith.fptosi %get3A_121 : vector<16xf32> to vector<16xi32>
    %convert_element_type3A_138 = arith.fptosi %get3A_123 : vector<16xf32> to vector<16xi32>
    %convert_element_type3A_139 = arith.sitofp %convert_element_type3A_137 : vector<16xi32> to vector<16xf32>
    %sub3A_140 = arith.subf %get3A_121, %convert_element_type3A_139 : vector<16xf32>
    %add3A_141 = arith.constant 2.400000e+01 : f32
    %add3A_142 = vector.broadcast %add3A_141 : f32 to vector<16xf32>
    %add3A_143 = arith.addf %sub3A_140, %add3A_142 : vector<16xf32>
    %convert_element_type3A_144 = arith.sitofp %convert_element_type3A_138 : vector<16xi32> to vector<16xf32>
    %sub3A_145 = arith.subf %get3A_123, %convert_element_type3A_144 : vector<16xf32>
    %add3A_146 = arith.constant 2.400000e+01 : f32
    %add3A_147 = vector.broadcast %add3A_146 : f32 to vector<16xf32>
    %add3A_148 = arith.addf %sub3A_145, %add3A_147 : vector<16xf32>
    %sub3A_149 = arith.constant 24 : i32
    %sub3A_150 = vector.broadcast %sub3A_149 : i32 to vector<16xi32>
    %sub3A_151 = arith.subi %convert_element_type3A_138, %sub3A_150 : vector<16xi32>
    %gt3A_152 = arith.constant 1.000000e-01 : f32
    %gt3A_153 = vector.broadcast %gt3A_152 : f32 to vector<16xf32>
    %gt3A_154 = arith.cmpf ogt, %get3A_127, %gt3A_153 : vector<16xf32>
    %add3A_155 = arith.addi %sub3A_151, %convert_element_type3A_130 : vector<16xi32>
    %add3A_156 = arith.constant 14 : i32
    %add3A_157 = arith.addi %mul3A_32, %add3A_156 : i32
    %lt3A_158 = vector.broadcast %add3A_157 : i32 to vector<16xi32>
    %lt3A_159 = arith.cmpi slt, %add3A_155, %lt3A_158 : vector<16xi32>
    %and3A_160 = arith.andi %gt3A_154, %lt3A_159 : vector<16xi1>
    %add3A_161 = arith.addi %sub3A_151, %convert_element_type3A_133 : vector<16xi32>
    %gt3A_162 = vector.broadcast %mul3A_32 : i32 to vector<16xi32>
    %gt3A_163 = arith.cmpi sgt, %add3A_161, %gt3A_162 : vector<16xi32>
    %and3A_164 = arith.andi %and3A_160, %gt3A_163 : vector<16xi1>
    %convert_element_type3A_165 = arith.extui %and3A_164 : vector<16xi1> to vector<16xi32>
    %cumsum3A_166 = arith.constant true
    %cumsum3A_167 = vector.broadcast %cumsum3A_166 : i1 to vector<16xi1>
    %cumsum3A_168 = tpu.scan <sum>, %convert_element_type3A_165 masked %cumsum3A_167 : vector<16xi32>, vector<16xi1> -> vector<16xi32>
    %add3A_169 = vector.broadcast %add3A_119 : i32 to vector<16xi32>
    %add3A_170 = arith.addi %add3A_169, %cumsum3A_168 : vector<16xi32>
    %sub3A_171 = arith.constant 1 : i32
    %sub3A_172 = vector.broadcast %sub3A_171 : i32 to vector<16xi32>
    %sub3A_173 = arith.subi %add3A_170, %sub3A_172 : vector<16xi32>
    tpu.vector_store_idx %arg7[%sub3A_173], %add3A_143 masked %and3A_164 : memref<240xf32, #tpu.memory_space<vmem>>[vector<16xi32>], vector<16xf32>, vector<16xi1>
    tpu.vector_store_idx %arg8[%sub3A_173], %add3A_148 masked %and3A_164 : memref<240xf32, #tpu.memory_space<vmem>>[vector<16xi32>], vector<16xf32>, vector<16xi1>
    tpu.vector_store_idx %arg9[%sub3A_173], %div3A_136 masked %and3A_164 : memref<240xf32, #tpu.memory_space<vmem>>[vector<16xi32>], vector<16xf32>, vector<16xi1>
    tpu.vector_store_idx %arg10[%sub3A_173], %get3A_127 masked %and3A_164 : memref<240xf32, #tpu.memory_space<vmem>>[vector<16xi32>], vector<16xf32>, vector<16xi1>
    %sub3A_174 = arith.constant 24 : i32
    %sub3A_175 = vector.broadcast %sub3A_174 : i32 to vector<16xi32>
    %sub3A_176 = arith.subi %convert_element_type3A_137, %sub3A_175 : vector<16xi32>
    %add3A_177 = arith.constant 32 : i32
    %add3A_178 = vector.broadcast %add3A_177 : i32 to vector<16xi32>
    %add3A_179 = arith.addi %sub3A_176, %add3A_178 : vector<16xi32>
    tpu.vector_store_idx %arg11[%sub3A_173], %add3A_179 masked %and3A_164 : memref<240xi32, #tpu.memory_space<vmem>>[vector<16xi32>], vector<16xi32>, vector<16xi1>
    tpu.vector_store_idx %arg12[%sub3A_173], %sub3A_151 masked %and3A_164 : memref<240xi32, #tpu.memory_space<vmem>>[vector<16xi32>], vector<16xi32>, vector<16xi1>
    tpu.vector_store_idx %arg13[%sub3A_173], %convert_element_type3A_130 masked %and3A_164 : memref<240xi32, #tpu.memory_space<vmem>>[vector<16xi32>], vector<16xi32>, vector<16xi1>
    tpu.vector_store_idx %arg14[%sub3A_173], %convert_element_type3A_133 masked %and3A_164 : memref<240xi32, #tpu.memory_space<vmem>>[vector<16xi32>], vector<16xi32>, vector<16xi1>
    %all_reduce_population_count3A_180 = tpu.all_reduce %and3A_164 {dim = 0 : i64, kind = #tpu.reduction_kind<sum>} : vector<16xi1> -> vector<16xi32>
    %slice3A_181 = vector.extract_strided_slice %all_reduce_population_count3A_180 {offsets = [0], sizes = [1], strides = [1]} : vector<16xi32> to vector<1xi32>
    %squeeze3A_182 = vector.extract %slice3A_181[0] : i32 from vector<1xi32>
    %add3A_183 = arith.addi %add3A_119, %squeeze3A_182 : i32
    %get3A_184 = arith.constant 32 : index
    %get3A_185 = tpu.vector_load %arg4[%get3A_184] {strides = array<i32>} : memref<1568xf32, #tpu.memory_space<vmem>>, vector<16xf32>,
    %get3A_186 = arith.constant 256 : index
    %get3A_187 = tpu.vector_load %arg4[%get3A_186] {strides = array<i32>} : memref<1568xf32, #tpu.memory_space<vmem>>, vector<16xf32>,
    %get3A_188 = arith.constant 480 : index
    %get3A_189 = tpu.vector_load %arg4[%get3A_188] {strides = array<i32>} : memref<1568xf32, #tpu.memory_space<vmem>>, vector<16xf32>,
    %get3A_190 = arith.constant 704 : index
    %get3A_191 = tpu.vector_load %arg4[%get3A_190] {strides = array<i32>} : memref<1568xf32, #tpu.memory_space<vmem>>, vector<16xf32>,
    %get3A_192 = arith.constant 928 : index
    %get3A_193 = tpu.vector_load %arg4[%get3A_192] {strides = array<i32>} : memref<1568xf32, #tpu.memory_space<vmem>>, vector<16xf32>,
    %convert_element_type3A_194 = arith.fptosi %get3A_193 : vector<16xf32> to vector<16xi32>
    %get3A_195 = arith.constant 1152 : index
    %get3A_196 = tpu.vector_load %arg4[%get3A_195] {strides = array<i32>} : memref<1568xf32, #tpu.memory_space<vmem>>, vector<16xf32>,
    %convert_element_type3A_197 = arith.fptosi %get3A_196 : vector<16xf32> to vector<16xi32>
    %div3A_198 = arith.constant 5.000000e-01 : f32
    %div3A_199 = vector.broadcast %div3A_198 : f32 to vector<16xf32>
    %div3A_200 = arith.divf %div3A_199, %get3A_189 : vector<16xf32>
    %convert_element_type3A_201 = arith.fptosi %get3A_185 : vector<16xf32> to vector<16xi32>
    %convert_element_type3A_202 = arith.fptosi %get3A_187 : vector<16xf32> to vector<16xi32>
    %convert_element_type3A_203 = arith.sitofp %convert_element_type3A_201 : vector<16xi32> to vector<16xf32>
    %sub3A_204 = arith.subf %get3A_185, %convert_element_type3A_203 : vector<16xf32>
    %add3A_205 = arith.constant 2.400000e+01 : f32
    %add3A_206 = vector.broadcast %add3A_205 : f32 to vector<16xf32>
    %add3A_207 = arith.addf %sub3A_204, %add3A_206 : vector<16xf32>
    %convert_element_type3A_208 = arith.sitofp %convert_element_type3A_202 : vector<16xi32> to vector<16xf32>
    %sub3A_209 = arith.subf %get3A_187, %convert_element_type3A_208 : vector<16xf32>
    %add3A_210 = arith.constant 2.400000e+01 : f32
    %add3A_211 = vector.broadcast %add3A_210 : f32 to vector<16xf32>
    %add3A_212 = arith.addf %sub3A_209, %add3A_211 : vector<16xf32>
    %sub3A_213 = arith.constant 24 : i32
    %sub3A_214 = vector.broadcast %sub3A_213 : i32 to vector<16xi32>
    %sub3A_215 = arith.subi %convert_element_type3A_202, %sub3A_214 : vector<16xi32>
    %gt3A_216 = arith.constant 1.000000e-01 : f32
    %gt3A_217 = vector.broadcast %gt3A_216 : f32 to vector<16xf32>
    %gt3A_218 = arith.cmpf ogt, %get3A_191, %gt3A_217 : vector<16xf32>
    %add3A_219 = arith.addi %sub3A_215, %convert_element_type3A_194 : vector<16xi32>
    %add3A_220 = arith.constant 14 : i32
    %add3A_221 = arith.addi %mul3A_32, %add3A_220 : i32
    %lt3A_222 = vector.broadcast %add3A_221 : i32 to vector<16xi32>
    %lt3A_223 = arith.cmpi slt, %add3A_219, %lt3A_222 : vector<16xi32>
    %and3A_224 = arith.andi %gt3A_218, %lt3A_223 : vector<16xi1>
    %add3A_225 = arith.addi %sub3A_215, %convert_element_type3A_197 : vector<16xi32>
    %gt3A_226 = vector.broadcast %mul3A_32 : i32 to vector<16xi32>
    %gt3A_227 = arith.cmpi sgt, %add3A_225, %gt3A_226 : vector<16xi32>
    %and3A_228 = arith.andi %and3A_224, %gt3A_227 : vector<16xi1>
    %convert_element_type3A_229 = arith.extui %and3A_228 : vector<16xi1> to vector<16xi32>
    %cumsum3A_230 = arith.constant true
    %cumsum3A_231 = vector.broadcast %cumsum3A_230 : i1 to vector<16xi1>
    %cumsum3A_232 = tpu.scan <sum>, %convert_element_type3A_229 masked %cumsum3A_231 : vector<16xi32>, vector<16xi1> -> vector<16xi32>
    %add3A_233 = vector.broadcast %add3A_183 : i32 to vector<16xi32>
    %add3A_234 = arith.addi %add3A_233, %cumsum3A_232 : vector<16xi32>
    %sub3A_235 = arith.constant 1 : i32
    %sub3A_236 = vector.broadcast %sub3A_235 : i32 to vector<16xi32>
    %sub3A_237 = arith.subi %add3A_234, %sub3A_236 : vector<16xi32>
    tpu.vector_store_idx %arg7[%sub3A_237], %add3A_207 masked %and3A_228 : memref<240xf32, #tpu.memory_space<vmem>>[vector<16xi32>], vector<16xf32>, vector<16xi1>
    tpu.vector_store_idx %arg8[%sub3A_237], %add3A_212 masked %and3A_228 : memref<240xf32, #tpu.memory_space<vmem>>[vector<16xi32>], vector<16xf32>, vector<16xi1>
    tpu.vector_store_idx %arg9[%sub3A_237], %div3A_200 masked %and3A_228 : memref<240xf32, #tpu.memory_space<vmem>>[vector<16xi32>], vector<16xf32>, vector<16xi1>
    tpu.vector_store_idx %arg10[%sub3A_237], %get3A_191 masked %and3A_228 : memref<240xf32, #tpu.memory_space<vmem>>[vector<16xi32>], vector<16xf32>, vector<16xi1>
    %sub3A_238 = arith.constant 24 : i32
    %sub3A_239 = vector.broadcast %sub3A_238 : i32 to vector<16xi32>
    %sub3A_240 = arith.subi %convert_element_type3A_201, %sub3A_239 : vector<16xi32>
    %add3A_241 = arith.constant 32 : i32
    %add3A_242 = vector.broadcast %add3A_241 : i32 to vector<16xi32>
    %add3A_243 = arith.addi %sub3A_240, %add3A_242 : vector<16xi32>
    tpu.vector_store_idx %arg11[%sub3A_237], %add3A_243 masked %and3A_228 : memref<240xi32, #tpu.memory_space<vmem>>[vector<16xi32>], vector<16xi32>, vector<16xi1>
    tpu.vector_store_idx %arg12[%sub3A_237], %sub3A_215 masked %and3A_228 : memref<240xi32, #tpu.memory_space<vmem>>[vector<16xi32>], vector<16xi32>, vector<16xi1>
    tpu.vector_store_idx %arg13[%sub3A_237], %convert_element_type3A_194 masked %and3A_228 : memref<240xi32, #tpu.memory_space<vmem>>[vector<16xi32>], vector<16xi32>, vector<16xi1>
    tpu.vector_store_idx %arg14[%sub3A_237], %convert_element_type3A_197 masked %and3A_228 : memref<240xi32, #tpu.memory_space<vmem>>[vector<16xi32>], vector<16xi32>, vector<16xi1>
    %all_reduce_population_count3A_244 = tpu.all_reduce %and3A_228 {dim = 0 : i64, kind = #tpu.reduction_kind<sum>} : vector<16xi1> -> vector<16xi32>
    %slice3A_245 = vector.extract_strided_slice %all_reduce_population_count3A_244 {offsets = [0], sizes = [1], strides = [1]} : vector<16xi32> to vector<1xi32>
    %squeeze3A_246 = vector.extract %slice3A_245[0] : i32 from vector<1xi32>
    %add3A_247 = arith.addi %add3A_183, %squeeze3A_246 : i32
    %get3A_248 = arith.constant 48 : index
    %get3A_249 = tpu.vector_load %arg4[%get3A_248] {strides = array<i32>} : memref<1568xf32, #tpu.memory_space<vmem>>, vector<16xf32>,
    %get3A_250 = arith.constant 272 : index
    %get3A_251 = tpu.vector_load %arg4[%get3A_250] {strides = array<i32>} : memref<1568xf32, #tpu.memory_space<vmem>>, vector<16xf32>,
    %get3A_252 = arith.constant 496 : index
    %get3A_253 = tpu.vector_load %arg4[%get3A_252] {strides = array<i32>} : memref<1568xf32, #tpu.memory_space<vmem>>, vector<16xf32>,
    %get3A_254 = arith.constant 720 : index
    %get3A_255 = tpu.vector_load %arg4[%get3A_254] {strides = array<i32>} : memref<1568xf32, #tpu.memory_space<vmem>>, vector<16xf32>,
    %get3A_256 = arith.constant 944 : index
    %get3A_257 = tpu.vector_load %arg4[%get3A_256] {strides = array<i32>} : memref<1568xf32, #tpu.memory_space<vmem>>, vector<16xf32>,
    %convert_element_type3A_258 = arith.fptosi %get3A_257 : vector<16xf32> to vector<16xi32>
    %get3A_259 = arith.constant 1168 : index
    %get3A_260 = tpu.vector_load %arg4[%get3A_259] {strides = array<i32>} : memref<1568xf32, #tpu.memory_space<vmem>>, vector<16xf32>,
    %convert_element_type3A_261 = arith.fptosi %get3A_260 : vector<16xf32> to vector<16xi32>
    %div3A_262 = arith.constant 5.000000e-01 : f32
    %div3A_263 = vector.broadcast %div3A_262 : f32 to vector<16xf32>
    %div3A_264 = arith.divf %div3A_263, %get3A_253 : vector<16xf32>
    %convert_element_type3A_265 = arith.fptosi %get3A_249 : vector<16xf32> to vector<16xi32>
    %convert_element_type3A_266 = arith.fptosi %get3A_251 : vector<16xf32> to vector<16xi32>
    %convert_element_type3A_267 = arith.sitofp %convert_element_type3A_265 : vector<16xi32> to vector<16xf32>
    %sub3A_268 = arith.subf %get3A_249, %convert_element_type3A_267 : vector<16xf32>
    %add3A_269 = arith.constant 2.400000e+01 : f32
    %add3A_270 = vector.broadcast %add3A_269 : f32 to vector<16xf32>
    %add3A_271 = arith.addf %sub3A_268, %add3A_270 : vector<16xf32>
    %convert_element_type3A_272 = arith.sitofp %convert_element_type3A_266 : vector<16xi32> to vector<16xf32>
    %sub3A_273 = arith.subf %get3A_251, %convert_element_type3A_272 : vector<16xf32>
    %add3A_274 = arith.constant 2.400000e+01 : f32
    %add3A_275 = vector.broadcast %add3A_274 : f32 to vector<16xf32>
    %add3A_276 = arith.addf %sub3A_273, %add3A_275 : vector<16xf32>
    %sub3A_277 = arith.constant 24 : i32
    %sub3A_278 = vector.broadcast %sub3A_277 : i32 to vector<16xi32>
    %sub3A_279 = arith.subi %convert_element_type3A_266, %sub3A_278 : vector<16xi32>
    %gt3A_280 = arith.constant 1.000000e-01 : f32
    %gt3A_281 = vector.broadcast %gt3A_280 : f32 to vector<16xf32>
    %gt3A_282 = arith.cmpf ogt, %get3A_255, %gt3A_281 : vector<16xf32>
    %add3A_283 = arith.addi %sub3A_279, %convert_element_type3A_258 : vector<16xi32>
    %add3A_284 = arith.constant 14 : i32
    %add3A_285 = arith.addi %mul3A_32, %add3A_284 : i32
    %lt3A_286 = vector.broadcast %add3A_285 : i32 to vector<16xi32>
    %lt3A_287 = arith.cmpi slt, %add3A_283, %lt3A_286 : vector<16xi32>
    %and3A_288 = arith.andi %gt3A_282, %lt3A_287 : vector<16xi1>
    %add3A_289 = arith.addi %sub3A_279, %convert_element_type3A_261 : vector<16xi32>
    %gt3A_290 = vector.broadcast %mul3A_32 : i32 to vector<16xi32>
    %gt3A_291 = arith.cmpi sgt, %add3A_289, %gt3A_290 : vector<16xi32>
    %and3A_292 = arith.andi %and3A_288, %gt3A_291 : vector<16xi1>
    %convert_element_type3A_293 = arith.extui %and3A_292 : vector<16xi1> to vector<16xi32>
    %cumsum3A_294 = arith.constant true
    %cumsum3A_295 = vector.broadcast %cumsum3A_294 : i1 to vector<16xi1>
    %cumsum3A_296 = tpu.scan <sum>, %convert_element_type3A_293 masked %cumsum3A_295 : vector<16xi32>, vector<16xi1> -> vector<16xi32>
    %add3A_297 = vector.broadcast %add3A_247 : i32 to vector<16xi32>
    %add3A_298 = arith.addi %add3A_297, %cumsum3A_296 : vector<16xi32>
    %sub3A_299 = arith.constant 1 : i32
    %sub3A_300 = vector.broadcast %sub3A_299 : i32 to vector<16xi32>
    %sub3A_301 = arith.subi %add3A_298, %sub3A_300 : vector<16xi32>
    tpu.vector_store_idx %arg7[%sub3A_301], %add3A_271 masked %and3A_292 : memref<240xf32, #tpu.memory_space<vmem>>[vector<16xi32>], vector<16xf32>, vector<16xi1>
    tpu.vector_store_idx %arg8[%sub3A_301], %add3A_276 masked %and3A_292 : memref<240xf32, #tpu.memory_space<vmem>>[vector<16xi32>], vector<16xf32>, vector<16xi1>
    tpu.vector_store_idx %arg9[%sub3A_301], %div3A_264 masked %and3A_292 : memref<240xf32, #tpu.memory_space<vmem>>[vector<16xi32>], vector<16xf32>, vector<16xi1>
    tpu.vector_store_idx %arg10[%sub3A_301], %get3A_255 masked %and3A_292 : memref<240xf32, #tpu.memory_space<vmem>>[vector<16xi32>], vector<16xf32>, vector<16xi1>
    %sub3A_302 = arith.constant 24 : i32
    %sub3A_303 = vector.broadcast %sub3A_302 : i32 to vector<16xi32>
    %sub3A_304 = arith.subi %convert_element_type3A_265, %sub3A_303 : vector<16xi32>
    %add3A_305 = arith.constant 32 : i32
    %add3A_306 = vector.broadcast %add3A_305 : i32 to vector<16xi32>
    %add3A_307 = arith.addi %sub3A_304, %add3A_306 : vector<16xi32>
    tpu.vector_store_idx %arg11[%sub3A_301], %add3A_307 masked %and3A_292 : memref<240xi32, #tpu.memory_space<vmem>>[vector<16xi32>], vector<16xi32>, vector<16xi1>
    tpu.vector_store_idx %arg12[%sub3A_301], %sub3A_279 masked %and3A_292 : memref<240xi32, #tpu.memory_space<vmem>>[vector<16xi32>], vector<16xi32>, vector<16xi1>
    tpu.vector_store_idx %arg13[%sub3A_301], %convert_element_type3A_258 masked %and3A_292 : memref<240xi32, #tpu.memory_space<vmem>>[vector<16xi32>], vector<16xi32>, vector<16xi1>
    tpu.vector_store_idx %arg14[%sub3A_301], %convert_element_type3A_261 masked %and3A_292 : memref<240xi32, #tpu.memory_space<vmem>>[vector<16xi32>], vector<16xi32>, vector<16xi1>
    %all_reduce_population_count3A_308 = tpu.all_reduce %and3A_292 {dim = 0 : i64, kind = #tpu.reduction_kind<sum>} : vector<16xi1> -> vector<16xi32>
    %slice3A_309 = vector.extract_strided_slice %all_reduce_population_count3A_308 {offsets = [0], sizes = [1], strides = [1]} : vector<16xi32> to vector<1xi32>
    %squeeze3A_310 = vector.extract %slice3A_309[0] : i32 from vector<1xi32>
    %add3A_311 = arith.addi %add3A_247, %squeeze3A_310 : i32
    %get3A_312 = arith.constant 64 : index
    %get3A_313 = tpu.vector_load %arg4[%get3A_312] {strides = array<i32>} : memref<1568xf32, #tpu.memory_space<vmem>>, vector<16xf32>,
    %get3A_314 = arith.constant 288 : index
    %get3A_315 = tpu.vector_load %arg4[%get3A_314] {strides = array<i32>} : memref<1568xf32, #tpu.memory_space<vmem>>, vector<16xf32>,
    %get3A_316 = arith.constant 512 : index
    %get3A_317 = tpu.vector_load %arg4[%get3A_316] {strides = array<i32>} : memref<1568xf32, #tpu.memory_space<vmem>>, vector<16xf32>,
    %get3A_318 = arith.constant 736 : index
    %get3A_319 = tpu.vector_load %arg4[%get3A_318] {strides = array<i32>} : memref<1568xf32, #tpu.memory_space<vmem>>, vector<16xf32>,
    %get3A_320 = arith.constant 960 : index
    %get3A_321 = tpu.vector_load %arg4[%get3A_320] {strides = array<i32>} : memref<1568xf32, #tpu.memory_space<vmem>>, vector<16xf32>,
    %convert_element_type3A_322 = arith.fptosi %get3A_321 : vector<16xf32> to vector<16xi32>
    %get3A_323 = arith.constant 1184 : index
    %get3A_324 = tpu.vector_load %arg4[%get3A_323] {strides = array<i32>} : memref<1568xf32, #tpu.memory_space<vmem>>, vector<16xf32>,
    %convert_element_type3A_325 = arith.fptosi %get3A_324 : vector<16xf32> to vector<16xi32>
    %div3A_326 = arith.constant 5.000000e-01 : f32
    %div3A_327 = vector.broadcast %div3A_326 : f32 to vector<16xf32>
    %div3A_328 = arith.divf %div3A_327, %get3A_317 : vector<16xf32>
    %convert_element_type3A_329 = arith.fptosi %get3A_313 : vector<16xf32> to vector<16xi32>
    %convert_element_type3A_330 = arith.fptosi %get3A_315 : vector<16xf32> to vector<16xi32>
    %convert_element_type3A_331 = arith.sitofp %convert_element_type3A_329 : vector<16xi32> to vector<16xf32>
    %sub3A_332 = arith.subf %get3A_313, %convert_element_type3A_331 : vector<16xf32>
    %add3A_333 = arith.constant 2.400000e+01 : f32
    %add3A_334 = vector.broadcast %add3A_333 : f32 to vector<16xf32>
    %add3A_335 = arith.addf %sub3A_332, %add3A_334 : vector<16xf32>
    %convert_element_type3A_336 = arith.sitofp %convert_element_type3A_330 : vector<16xi32> to vector<16xf32>
    %sub3A_337 = arith.subf %get3A_315, %convert_element_type3A_336 : vector<16xf32>
    %add3A_338 = arith.constant 2.400000e+01 : f32
    %add3A_339 = vector.broadcast %add3A_338 : f32 to vector<16xf32>
    %add3A_340 = arith.addf %sub3A_337, %add3A_339 : vector<16xf32>
    %sub3A_341 = arith.constant 24 : i32
    %sub3A_342 = vector.broadcast %sub3A_341 : i32 to vector<16xi32>
    %sub3A_343 = arith.subi %convert_element_type3A_330, %sub3A_342 : vector<16xi32>
    %gt3A_344 = arith.constant 1.000000e-01 : f32
    %gt3A_345 = vector.broadcast %gt3A_344 : f32 to vector<16xf32>
    %gt3A_346 = arith.cmpf ogt, %get3A_319, %gt3A_345 : vector<16xf32>
    %add3A_347 = arith.addi %sub3A_343, %convert_element_type3A_322 : vector<16xi32>
    %add3A_348 = arith.constant 14 : i32
    %add3A_349 = arith.addi %mul3A_32, %add3A_348 : i32
    %lt3A_350 = vector.broadcast %add3A_349 : i32 to vector<16xi32>
    %lt3A_351 = arith.cmpi slt, %add3A_347, %lt3A_350 : vector<16xi32>
    %and3A_352 = arith.andi %gt3A_346, %lt3A_351 : vector<16xi1>
    %add3A_353 = arith.addi %sub3A_343, %convert_element_type3A_325 : vector<16xi32>
    %gt3A_354 = vector.broadcast %mul3A_32 : i32 to vector<16xi32>
    %gt3A_355 = arith.cmpi sgt, %add3A_353, %gt3A_354 : vector<16xi32>
    %and3A_356 = arith.andi %and3A_352, %gt3A_355 : vector<16xi1>
    %convert_element_type3A_357 = arith.extui %and3A_356 : vector<16xi1> to vector<16xi32>
    %cumsum3A_358 = arith.constant true
    %cumsum3A_359 = vector.broadcast %cumsum3A_358 : i1 to vector<16xi1>
    %cumsum3A_360 = tpu.scan <sum>, %convert_element_type3A_357 masked %cumsum3A_359 : vector<16xi32>, vector<16xi1> -> vector<16xi32>
    %add3A_361 = vector.broadcast %add3A_311 : i32 to vector<16xi32>
    %add3A_362 = arith.addi %add3A_361, %cumsum3A_360 : vector<16xi32>
    %sub3A_363 = arith.constant 1 : i32
    %sub3A_364 = vector.broadcast %sub3A_363 : i32 to vector<16xi32>
    %sub3A_365 = arith.subi %add3A_362, %sub3A_364 : vector<16xi32>
    tpu.vector_store_idx %arg7[%sub3A_365], %add3A_335 masked %and3A_356 : memref<240xf32, #tpu.memory_space<vmem>>[vector<16xi32>], vector<16xf32>, vector<16xi1>
    tpu.vector_store_idx %arg8[%sub3A_365], %add3A_340 masked %and3A_356 : memref<240xf32, #tpu.memory_space<vmem>>[vector<16xi32>], vector<16xf32>, vector<16xi1>
    tpu.vector_store_idx %arg9[%sub3A_365], %div3A_328 masked %and3A_356 : memref<240xf32, #tpu.memory_space<vmem>>[vector<16xi32>], vector<16xf32>, vector<16xi1>
    tpu.vector_store_idx %arg10[%sub3A_365], %get3A_319 masked %and3A_356 : memref<240xf32, #tpu.memory_space<vmem>>[vector<16xi32>], vector<16xf32>, vector<16xi1>
    %sub3A_366 = arith.constant 24 : i32
    %sub3A_367 = vector.broadcast %sub3A_366 : i32 to vector<16xi32>
    %sub3A_368 = arith.subi %convert_element_type3A_329, %sub3A_367 : vector<16xi32>
    %add3A_369 = arith.constant 32 : i32
    %add3A_370 = vector.broadcast %add3A_369 : i32 to vector<16xi32>
    %add3A_371 = arith.addi %sub3A_368, %add3A_370 : vector<16xi32>
    tpu.vector_store_idx %arg11[%sub3A_365], %add3A_371 masked %and3A_356 : memref<240xi32, #tpu.memory_space<vmem>>[vector<16xi32>], vector<16xi32>, vector<16xi1>
    tpu.vector_store_idx %arg12[%sub3A_365], %sub3A_343 masked %and3A_356 : memref<240xi32, #tpu.memory_space<vmem>>[vector<16xi32>], vector<16xi32>, vector<16xi1>
    tpu.vector_store_idx %arg13[%sub3A_365], %convert_element_type3A_322 masked %and3A_356 : memref<240xi32, #tpu.memory_space<vmem>>[vector<16xi32>], vector<16xi32>, vector<16xi1>
    tpu.vector_store_idx %arg14[%sub3A_365], %convert_element_type3A_325 masked %and3A_356 : memref<240xi32, #tpu.memory_space<vmem>>[vector<16xi32>], vector<16xi32>, vector<16xi1>
    %all_reduce_population_count3A_372 = tpu.all_reduce %and3A_356 {dim = 0 : i64, kind = #tpu.reduction_kind<sum>} : vector<16xi1> -> vector<16xi32>
    %slice3A_373 = vector.extract_strided_slice %all_reduce_population_count3A_372 {offsets = [0], sizes = [1], strides = [1]} : vector<16xi32> to vector<1xi32>
    %squeeze3A_374 = vector.extract %slice3A_373[0] : i32 from vector<1xi32>
    %add3A_375 = arith.addi %add3A_311, %squeeze3A_374 : i32
    %get3A_376 = arith.constant 80 : index
    %get3A_377 = tpu.vector_load %arg4[%get3A_376] {strides = array<i32>} : memref<1568xf32, #tpu.memory_space<vmem>>, vector<16xf32>,
    %get3A_378 = arith.constant 304 : index
    %get3A_379 = tpu.vector_load %arg4[%get3A_378] {strides = array<i32>} : memref<1568xf32, #tpu.memory_space<vmem>>, vector<16xf32>,
    %get3A_380 = arith.constant 528 : index
    %get3A_381 = tpu.vector_load %arg4[%get3A_380] {strides = array<i32>} : memref<1568xf32, #tpu.memory_space<vmem>>, vector<16xf32>,
    %get3A_382 = arith.constant 752 : index
    %get3A_383 = tpu.vector_load %arg4[%get3A_382] {strides = array<i32>} : memref<1568xf32, #tpu.memory_space<vmem>>, vector<16xf32>,
    %get3A_384 = arith.constant 976 : index
    %get3A_385 = tpu.vector_load %arg4[%get3A_384] {strides = array<i32>} : memref<1568xf32, #tpu.memory_space<vmem>>, vector<16xf32>,
    %convert_element_type3A_386 = arith.fptosi %get3A_385 : vector<16xf32> to vector<16xi32>
    %get3A_387 = arith.constant 1200 : index
    %get3A_388 = tpu.vector_load %arg4[%get3A_387] {strides = array<i32>} : memref<1568xf32, #tpu.memory_space<vmem>>, vector<16xf32>,
    %convert_element_type3A_389 = arith.fptosi %get3A_388 : vector<16xf32> to vector<16xi32>
    %div3A_390 = arith.constant 5.000000e-01 : f32
    %div3A_391 = vector.broadcast %div3A_390 : f32 to vector<16xf32>
    %div3A_392 = arith.divf %div3A_391, %get3A_381 : vector<16xf32>
    %convert_element_type3A_393 = arith.fptosi %get3A_377 : vector<16xf32> to vector<16xi32>
    %convert_element_type3A_394 = arith.fptosi %get3A_379 : vector<16xf32> to vector<16xi32>
    %convert_element_type3A_395 = arith.sitofp %convert_element_type3A_393 : vector<16xi32> to vector<16xf32>
    %sub3A_396 = arith.subf %get3A_377, %convert_element_type3A_395 : vector<16xf32>
    %add3A_397 = arith.constant 2.400000e+01 : f32
    %add3A_398 = vector.broadcast %add3A_397 : f32 to vector<16xf32>
    %add3A_399 = arith.addf %sub3A_396, %add3A_398 : vector<16xf32>
    %convert_element_type3A_400 = arith.sitofp %convert_element_type3A_394 : vector<16xi32> to vector<16xf32>
    %sub3A_401 = arith.subf %get3A_379, %convert_element_type3A_400 : vector<16xf32>
    %add3A_402 = arith.constant 2.400000e+01 : f32
    %add3A_403 = vector.broadcast %add3A_402 : f32 to vector<16xf32>
    %add3A_404 = arith.addf %sub3A_401, %add3A_403 : vector<16xf32>
    %sub3A_405 = arith.constant 24 : i32
    %sub3A_406 = vector.broadcast %sub3A_405 : i32 to vector<16xi32>
    %sub3A_407 = arith.subi %convert_element_type3A_394, %sub3A_406 : vector<16xi32>
    %gt3A_408 = arith.constant 1.000000e-01 : f32
    %gt3A_409 = vector.broadcast %gt3A_408 : f32 to vector<16xf32>
    %gt3A_410 = arith.cmpf ogt, %get3A_383, %gt3A_409 : vector<16xf32>
    %add3A_411 = arith.addi %sub3A_407, %convert_element_type3A_386 : vector<16xi32>
    %add3A_412 = arith.constant 14 : i32
    %add3A_413 = arith.addi %mul3A_32, %add3A_412 : i32
    %lt3A_414 = vector.broadcast %add3A_413 : i32 to vector<16xi32>
    %lt3A_415 = arith.cmpi slt, %add3A_411, %lt3A_414 : vector<16xi32>
    %and3A_416 = arith.andi %gt3A_410, %lt3A_415 : vector<16xi1>
    %add3A_417 = arith.addi %sub3A_407, %convert_element_type3A_389 : vector<16xi32>
    %gt3A_418 = vector.broadcast %mul3A_32 : i32 to vector<16xi32>
    %gt3A_419 = arith.cmpi sgt, %add3A_417, %gt3A_418 : vector<16xi32>
    %and3A_420 = arith.andi %and3A_416, %gt3A_419 : vector<16xi1>
    %convert_element_type3A_421 = arith.extui %and3A_420 : vector<16xi1> to vector<16xi32>
    %cumsum3A_422 = arith.constant true
    %cumsum3A_423 = vector.broadcast %cumsum3A_422 : i1 to vector<16xi1>
    %cumsum3A_424 = tpu.scan <sum>, %convert_element_type3A_421 masked %cumsum3A_423 : vector<16xi32>, vector<16xi1> -> vector<16xi32>
    %add3A_425 = vector.broadcast %add3A_375 : i32 to vector<16xi32>
    %add3A_426 = arith.addi %add3A_425, %cumsum3A_424 : vector<16xi32>
    %sub3A_427 = arith.constant 1 : i32
    %sub3A_428 = vector.broadcast %sub3A_427 : i32 to vector<16xi32>
    %sub3A_429 = arith.subi %add3A_426, %sub3A_428 : vector<16xi32>
    tpu.vector_store_idx %arg7[%sub3A_429], %add3A_399 masked %and3A_420 : memref<240xf32, #tpu.memory_space<vmem>>[vector<16xi32>], vector<16xf32>, vector<16xi1>
    tpu.vector_store_idx %arg8[%sub3A_429], %add3A_404 masked %and3A_420 : memref<240xf32, #tpu.memory_space<vmem>>[vector<16xi32>], vector<16xf32>, vector<16xi1>
    tpu.vector_store_idx %arg9[%sub3A_429], %div3A_392 masked %and3A_420 : memref<240xf32, #tpu.memory_space<vmem>>[vector<16xi32>], vector<16xf32>, vector<16xi1>
    tpu.vector_store_idx %arg10[%sub3A_429], %get3A_383 masked %and3A_420 : memref<240xf32, #tpu.memory_space<vmem>>[vector<16xi32>], vector<16xf32>, vector<16xi1>
    %sub3A_430 = arith.constant 24 : i32
    %sub3A_431 = vector.broadcast %sub3A_430 : i32 to vector<16xi32>
    %sub3A_432 = arith.subi %convert_element_type3A_393, %sub3A_431 : vector<16xi32>
    %add3A_433 = arith.constant 32 : i32
    %add3A_434 = vector.broadcast %add3A_433 : i32 to vector<16xi32>
    %add3A_435 = arith.addi %sub3A_432, %add3A_434 : vector<16xi32>
    tpu.vector_store_idx %arg11[%sub3A_429], %add3A_435 masked %and3A_420 : memref<240xi32, #tpu.memory_space<vmem>>[vector<16xi32>], vector<16xi32>, vector<16xi1>
    tpu.vector_store_idx %arg12[%sub3A_429], %sub3A_407 masked %and3A_420 : memref<240xi32, #tpu.memory_space<vmem>>[vector<16xi32>], vector<16xi32>, vector<16xi1>
    tpu.vector_store_idx %arg13[%sub3A_429], %convert_element_type3A_386 masked %and3A_420 : memref<240xi32, #tpu.memory_space<vmem>>[vector<16xi32>], vector<16xi32>, vector<16xi1>
    tpu.vector_store_idx %arg14[%sub3A_429], %convert_element_type3A_389 masked %and3A_420 : memref<240xi32, #tpu.memory_space<vmem>>[vector<16xi32>], vector<16xi32>, vector<16xi1>
    %all_reduce_population_count3A_436 = tpu.all_reduce %and3A_420 {dim = 0 : i64, kind = #tpu.reduction_kind<sum>} : vector<16xi1> -> vector<16xi32>
    %slice3A_437 = vector.extract_strided_slice %all_reduce_population_count3A_436 {offsets = [0], sizes = [1], strides = [1]} : vector<16xi32> to vector<1xi32>
    %squeeze3A_438 = vector.extract %slice3A_437[0] : i32 from vector<1xi32>
    %add3A_439 = arith.addi %add3A_375, %squeeze3A_438 : i32
    %get3A_440 = arith.constant 96 : index
    %get3A_441 = tpu.vector_load %arg4[%get3A_440] {strides = array<i32>} : memref<1568xf32, #tpu.memory_space<vmem>>, vector<16xf32>,
    %get3A_442 = arith.constant 320 : index
    %get3A_443 = tpu.vector_load %arg4[%get3A_442] {strides = array<i32>} : memref<1568xf32, #tpu.memory_space<vmem>>, vector<16xf32>,
    %get3A_444 = arith.constant 544 : index
    %get3A_445 = tpu.vector_load %arg4[%get3A_444] {strides = array<i32>} : memref<1568xf32, #tpu.memory_space<vmem>>, vector<16xf32>,
    %get3A_446 = arith.constant 768 : index
    %get3A_447 = tpu.vector_load %arg4[%get3A_446] {strides = array<i32>} : memref<1568xf32, #tpu.memory_space<vmem>>, vector<16xf32>,
    %get3A_448 = arith.constant 992 : index
    %get3A_449 = tpu.vector_load %arg4[%get3A_448] {strides = array<i32>} : memref<1568xf32, #tpu.memory_space<vmem>>, vector<16xf32>,
    %convert_element_type3A_450 = arith.fptosi %get3A_449 : vector<16xf32> to vector<16xi32>
    %get3A_451 = arith.constant 1216 : index
    %get3A_452 = tpu.vector_load %arg4[%get3A_451] {strides = array<i32>} : memref<1568xf32, #tpu.memory_space<vmem>>, vector<16xf32>,
    %convert_element_type3A_453 = arith.fptosi %get3A_452 : vector<16xf32> to vector<16xi32>
    %div3A_454 = arith.constant 5.000000e-01 : f32
    %div3A_455 = vector.broadcast %div3A_454 : f32 to vector<16xf32>
    %div3A_456 = arith.divf %div3A_455, %get3A_445 : vector<16xf32>
    %convert_element_type3A_457 = arith.fptosi %get3A_441 : vector<16xf32> to vector<16xi32>
    %convert_element_type3A_458 = arith.fptosi %get3A_443 : vector<16xf32> to vector<16xi32>
    %convert_element_type3A_459 = arith.sitofp %convert_element_type3A_457 : vector<16xi32> to vector<16xf32>
    %sub3A_460 = arith.subf %get3A_441, %convert_element_type3A_459 : vector<16xf32>
    %add3A_461 = arith.constant 2.400000e+01 : f32
    %add3A_462 = vector.broadcast %add3A_461 : f32 to vector<16xf32>
    %add3A_463 = arith.addf %sub3A_460, %add3A_462 : vector<16xf32>
    %convert_element_type3A_464 = arith.sitofp %convert_element_type3A_458 : vector<16xi32> to vector<16xf32>
    %sub3A_465 = arith.subf %get3A_443, %convert_element_type3A_464 : vector<16xf32>
    %add3A_466 = arith.constant 2.400000e+01 : f32
    %add3A_467 = vector.broadcast %add3A_466 : f32 to vector<16xf32>
    %add3A_468 = arith.addf %sub3A_465, %add3A_467 : vector<16xf32>
    %sub3A_469 = arith.constant 24 : i32
    %sub3A_470 = vector.broadcast %sub3A_469 : i32 to vector<16xi32>
    %sub3A_471 = arith.subi %convert_element_type3A_458, %sub3A_470 : vector<16xi32>
    %gt3A_472 = arith.constant 1.000000e-01 : f32
    %gt3A_473 = vector.broadcast %gt3A_472 : f32 to vector<16xf32>
    %gt3A_474 = arith.cmpf ogt, %get3A_447, %gt3A_473 : vector<16xf32>
    %add3A_475 = arith.addi %sub3A_471, %convert_element_type3A_450 : vector<16xi32>
    %add3A_476 = arith.constant 14 : i32
    %add3A_477 = arith.addi %mul3A_32, %add3A_476 : i32
    %lt3A_478 = vector.broadcast %add3A_477 : i32 to vector<16xi32>
    %lt3A_479 = arith.cmpi slt, %add3A_475, %lt3A_478 : vector<16xi32>
    %and3A_480 = arith.andi %gt3A_474, %lt3A_479 : vector<16xi1>
    %add3A_481 = arith.addi %sub3A_471, %convert_element_type3A_453 : vector<16xi32>
    %gt3A_482 = vector.broadcast %mul3A_32 : i32 to vector<16xi32>
    %gt3A_483 = arith.cmpi sgt, %add3A_481, %gt3A_482 : vector<16xi32>
    %and3A_484 = arith.andi %and3A_480, %gt3A_483 : vector<16xi1>
    %convert_element_type3A_485 = arith.extui %and3A_484 : vector<16xi1> to vector<16xi32>
    %cumsum3A_486 = arith.constant true
    %cumsum3A_487 = vector.broadcast %cumsum3A_486 : i1 to vector<16xi1>
    %cumsum3A_488 = tpu.scan <sum>, %convert_element_type3A_485 masked %cumsum3A_487 : vector<16xi32>, vector<16xi1> -> vector<16xi32>
    %add3A_489 = vector.broadcast %add3A_439 : i32 to vector<16xi32>
    %add3A_490 = arith.addi %add3A_489, %cumsum3A_488 : vector<16xi32>
    %sub3A_491 = arith.constant 1 : i32
    %sub3A_492 = vector.broadcast %sub3A_491 : i32 to vector<16xi32>
    %sub3A_493 = arith.subi %add3A_490, %sub3A_492 : vector<16xi32>
    tpu.vector_store_idx %arg7[%sub3A_493], %add3A_463 masked %and3A_484 : memref<240xf32, #tpu.memory_space<vmem>>[vector<16xi32>], vector<16xf32>, vector<16xi1>
    tpu.vector_store_idx %arg8[%sub3A_493], %add3A_468 masked %and3A_484 : memref<240xf32, #tpu.memory_space<vmem>>[vector<16xi32>], vector<16xf32>, vector<16xi1>
    tpu.vector_store_idx %arg9[%sub3A_493], %div3A_456 masked %and3A_484 : memref<240xf32, #tpu.memory_space<vmem>>[vector<16xi32>], vector<16xf32>, vector<16xi1>
    tpu.vector_store_idx %arg10[%sub3A_493], %get3A_447 masked %and3A_484 : memref<240xf32, #tpu.memory_space<vmem>>[vector<16xi32>], vector<16xf32>, vector<16xi1>
    %sub3A_494 = arith.constant 24 : i32
    %sub3A_495 = vector.broadcast %sub3A_494 : i32 to vector<16xi32>
    %sub3A_496 = arith.subi %convert_element_type3A_457, %sub3A_495 : vector<16xi32>
    %add3A_497 = arith.constant 32 : i32
    %add3A_498 = vector.broadcast %add3A_497 : i32 to vector<16xi32>
    %add3A_499 = arith.addi %sub3A_496, %add3A_498 : vector<16xi32>
    tpu.vector_store_idx %arg11[%sub3A_493], %add3A_499 masked %and3A_484 : memref<240xi32, #tpu.memory_space<vmem>>[vector<16xi32>], vector<16xi32>, vector<16xi1>
    tpu.vector_store_idx %arg12[%sub3A_493], %sub3A_471 masked %and3A_484 : memref<240xi32, #tpu.memory_space<vmem>>[vector<16xi32>], vector<16xi32>, vector<16xi1>
    tpu.vector_store_idx %arg13[%sub3A_493], %convert_element_type3A_450 masked %and3A_484 : memref<240xi32, #tpu.memory_space<vmem>>[vector<16xi32>], vector<16xi32>, vector<16xi1>
    tpu.vector_store_idx %arg14[%sub3A_493], %convert_element_type3A_453 masked %and3A_484 : memref<240xi32, #tpu.memory_space<vmem>>[vector<16xi32>], vector<16xi32>, vector<16xi1>
    %all_reduce_population_count3A_500 = tpu.all_reduce %and3A_484 {dim = 0 : i64, kind = #tpu.reduction_kind<sum>} : vector<16xi1> -> vector<16xi32>
    %slice3A_501 = vector.extract_strided_slice %all_reduce_population_count3A_500 {offsets = [0], sizes = [1], strides = [1]} : vector<16xi32> to vector<1xi32>
    %squeeze3A_502 = vector.extract %slice3A_501[0] : i32 from vector<1xi32>
    %add3A_503 = arith.addi %add3A_439, %squeeze3A_502 : i32
    %get3A_504 = arith.constant 112 : index
    %get3A_505 = tpu.vector_load %arg4[%get3A_504] {strides = array<i32>} : memref<1568xf32, #tpu.memory_space<vmem>>, vector<16xf32>,
    %get3A_506 = arith.constant 336 : index
    %get3A_507 = tpu.vector_load %arg4[%get3A_506] {strides = array<i32>} : memref<1568xf32, #tpu.memory_space<vmem>>, vector<16xf32>,
    %get3A_508 = arith.constant 560 : index
    %get3A_509 = tpu.vector_load %arg4[%get3A_508] {strides = array<i32>} : memref<1568xf32, #tpu.memory_space<vmem>>, vector<16xf32>,
    %get3A_510 = arith.constant 784 : index
    %get3A_511 = tpu.vector_load %arg4[%get3A_510] {strides = array<i32>} : memref<1568xf32, #tpu.memory_space<vmem>>, vector<16xf32>,
    %get3A_512 = arith.constant 1008 : index
    %get3A_513 = tpu.vector_load %arg4[%get3A_512] {strides = array<i32>} : memref<1568xf32, #tpu.memory_space<vmem>>, vector<16xf32>,
    %convert_element_type3A_514 = arith.fptosi %get3A_513 : vector<16xf32> to vector<16xi32>
    %get3A_515 = arith.constant 1232 : index
    %get3A_516 = tpu.vector_load %arg4[%get3A_515] {strides = array<i32>} : memref<1568xf32, #tpu.memory_space<vmem>>, vector<16xf32>,
    %convert_element_type3A_517 = arith.fptosi %get3A_516 : vector<16xf32> to vector<16xi32>
    %div3A_518 = arith.constant 5.000000e-01 : f32
    %div3A_519 = vector.broadcast %div3A_518 : f32 to vector<16xf32>
    %div3A_520 = arith.divf %div3A_519, %get3A_509 : vector<16xf32>
    %convert_element_type3A_521 = arith.fptosi %get3A_505 : vector<16xf32> to vector<16xi32>
    %convert_element_type3A_522 = arith.fptosi %get3A_507 : vector<16xf32> to vector<16xi32>
    %convert_element_type3A_523 = arith.sitofp %convert_element_type3A_521 : vector<16xi32> to vector<16xf32>
    %sub3A_524 = arith.subf %get3A_505, %convert_element_type3A_523 : vector<16xf32>
    %add3A_525 = arith.constant 2.400000e+01 : f32
    %add3A_526 = vector.broadcast %add3A_525 : f32 to vector<16xf32>
    %add3A_527 = arith.addf %sub3A_524, %add3A_526 : vector<16xf32>
    %convert_element_type3A_528 = arith.sitofp %convert_element_type3A_522 : vector<16xi32> to vector<16xf32>
    %sub3A_529 = arith.subf %get3A_507, %convert_element_type3A_528 : vector<16xf32>
    %add3A_530 = arith.constant 2.400000e+01 : f32
    %add3A_531 = vector.broadcast %add3A_530 : f32 to vector<16xf32>
    %add3A_532 = arith.addf %sub3A_529, %add3A_531 : vector<16xf32>
    %sub3A_533 = arith.constant 24 : i32
    %sub3A_534 = vector.broadcast %sub3A_533 : i32 to vector<16xi32>
    %sub3A_535 = arith.subi %convert_element_type3A_522, %sub3A_534 : vector<16xi32>
    %gt3A_536 = arith.constant 1.000000e-01 : f32
    %gt3A_537 = vector.broadcast %gt3A_536 : f32 to vector<16xf32>
    %gt3A_538 = arith.cmpf ogt, %get3A_511, %gt3A_537 : vector<16xf32>
    %add3A_539 = arith.addi %sub3A_535, %convert_element_type3A_514 : vector<16xi32>
    %add3A_540 = arith.constant 14 : i32
    %add3A_541 = arith.addi %mul3A_32, %add3A_540 : i32
    %lt3A_542 = vector.broadcast %add3A_541 : i32 to vector<16xi32>
    %lt3A_543 = arith.cmpi slt, %add3A_539, %lt3A_542 : vector<16xi32>
    %and3A_544 = arith.andi %gt3A_538, %lt3A_543 : vector<16xi1>
    %add3A_545 = arith.addi %sub3A_535, %convert_element_type3A_517 : vector<16xi32>
    %gt3A_546 = vector.broadcast %mul3A_32 : i32 to vector<16xi32>
    %gt3A_547 = arith.cmpi sgt, %add3A_545, %gt3A_546 : vector<16xi32>
    %and3A_548 = arith.andi %and3A_544, %gt3A_547 : vector<16xi1>
    %convert_element_type3A_549 = arith.extui %and3A_548 : vector<16xi1> to vector<16xi32>
    %cumsum3A_550 = arith.constant true
    %cumsum3A_551 = vector.broadcast %cumsum3A_550 : i1 to vector<16xi1>
    %cumsum3A_552 = tpu.scan <sum>, %convert_element_type3A_549 masked %cumsum3A_551 : vector<16xi32>, vector<16xi1> -> vector<16xi32>
    %add3A_553 = vector.broadcast %add3A_503 : i32 to vector<16xi32>
    %add3A_554 = arith.addi %add3A_553, %cumsum3A_552 : vector<16xi32>
    %sub3A_555 = arith.constant 1 : i32
    %sub3A_556 = vector.broadcast %sub3A_555 : i32 to vector<16xi32>
    %sub3A_557 = arith.subi %add3A_554, %sub3A_556 : vector<16xi32>
    tpu.vector_store_idx %arg7[%sub3A_557], %add3A_527 masked %and3A_548 : memref<240xf32, #tpu.memory_space<vmem>>[vector<16xi32>], vector<16xf32>, vector<16xi1>
    tpu.vector_store_idx %arg8[%sub3A_557], %add3A_532 masked %and3A_548 : memref<240xf32, #tpu.memory_space<vmem>>[vector<16xi32>], vector<16xf32>, vector<16xi1>
    tpu.vector_store_idx %arg9[%sub3A_557], %div3A_520 masked %and3A_548 : memref<240xf32, #tpu.memory_space<vmem>>[vector<16xi32>], vector<16xf32>, vector<16xi1>
    tpu.vector_store_idx %arg10[%sub3A_557], %get3A_511 masked %and3A_548 : memref<240xf32, #tpu.memory_space<vmem>>[vector<16xi32>], vector<16xf32>, vector<16xi1>
    %sub3A_558 = arith.constant 24 : i32
    %sub3A_559 = vector.broadcast %sub3A_558 : i32 to vector<16xi32>
    %sub3A_560 = arith.subi %convert_element_type3A_521, %sub3A_559 : vector<16xi32>
    %add3A_561 = arith.constant 32 : i32
    %add3A_562 = vector.broadcast %add3A_561 : i32 to vector<16xi32>
    %add3A_563 = arith.addi %sub3A_560, %add3A_562 : vector<16xi32>
    tpu.vector_store_idx %arg11[%sub3A_557], %add3A_563 masked %and3A_548 : memref<240xi32, #tpu.memory_space<vmem>>[vector<16xi32>], vector<16xi32>, vector<16xi1>
    tpu.vector_store_idx %arg12[%sub3A_557], %sub3A_535 masked %and3A_548 : memref<240xi32, #tpu.memory_space<vmem>>[vector<16xi32>], vector<16xi32>, vector<16xi1>
    tpu.vector_store_idx %arg13[%sub3A_557], %convert_element_type3A_514 masked %and3A_548 : memref<240xi32, #tpu.memory_space<vmem>>[vector<16xi32>], vector<16xi32>, vector<16xi1>
    tpu.vector_store_idx %arg14[%sub3A_557], %convert_element_type3A_517 masked %and3A_548 : memref<240xi32, #tpu.memory_space<vmem>>[vector<16xi32>], vector<16xi32>, vector<16xi1>
    %all_reduce_population_count3A_564 = tpu.all_reduce %and3A_548 {dim = 0 : i64, kind = #tpu.reduction_kind<sum>} : vector<16xi1> -> vector<16xi32>
    %slice3A_565 = vector.extract_strided_slice %all_reduce_population_count3A_564 {offsets = [0], sizes = [1], strides = [1]} : vector<16xi32> to vector<1xi32>
    %squeeze3A_566 = vector.extract %slice3A_565[0] : i32 from vector<1xi32>
    %add3A_567 = arith.addi %add3A_503, %squeeze3A_566 : i32
    %get3A_568 = arith.constant 128 : index
    %get3A_569 = tpu.vector_load %arg4[%get3A_568] {strides = array<i32>} : memref<1568xf32, #tpu.memory_space<vmem>>, vector<16xf32>,
    %get3A_570 = arith.constant 352 : index
    %get3A_571 = tpu.vector_load %arg4[%get3A_570] {strides = array<i32>} : memref<1568xf32, #tpu.memory_space<vmem>>, vector<16xf32>,
    %get3A_572 = arith.constant 576 : index
    %get3A_573 = tpu.vector_load %arg4[%get3A_572] {strides = array<i32>} : memref<1568xf32, #tpu.memory_space<vmem>>, vector<16xf32>,
    %get3A_574 = arith.constant 800 : index
    %get3A_575 = tpu.vector_load %arg4[%get3A_574] {strides = array<i32>} : memref<1568xf32, #tpu.memory_space<vmem>>, vector<16xf32>,
    %get3A_576 = arith.constant 1024 : index
    %get3A_577 = tpu.vector_load %arg4[%get3A_576] {strides = array<i32>} : memref<1568xf32, #tpu.memory_space<vmem>>, vector<16xf32>,
    %convert_element_type3A_578 = arith.fptosi %get3A_577 : vector<16xf32> to vector<16xi32>
    %get3A_579 = arith.constant 1248 : index
    %get3A_580 = tpu.vector_load %arg4[%get3A_579] {strides = array<i32>} : memref<1568xf32, #tpu.memory_space<vmem>>, vector<16xf32>,
    %convert_element_type3A_581 = arith.fptosi %get3A_580 : vector<16xf32> to vector<16xi32>
    %div3A_582 = arith.constant 5.000000e-01 : f32
    %div3A_583 = vector.broadcast %div3A_582 : f32 to vector<16xf32>
    %div3A_584 = arith.divf %div3A_583, %get3A_573 : vector<16xf32>
    %convert_element_type3A_585 = arith.fptosi %get3A_569 : vector<16xf32> to vector<16xi32>
    %convert_element_type3A_586 = arith.fptosi %get3A_571 : vector<16xf32> to vector<16xi32>
    %convert_element_type3A_587 = arith.sitofp %convert_element_type3A_585 : vector<16xi32> to vector<16xf32>
    %sub3A_588 = arith.subf %get3A_569, %convert_element_type3A_587 : vector<16xf32>
    %add3A_589 = arith.constant 2.400000e+01 : f32
    %add3A_590 = vector.broadcast %add3A_589 : f32 to vector<16xf32>
    %add3A_591 = arith.addf %sub3A_588, %add3A_590 : vector<16xf32>
    %convert_element_type3A_592 = arith.sitofp %convert_element_type3A_586 : vector<16xi32> to vector<16xf32>
    %sub3A_593 = arith.subf %get3A_571, %convert_element_type3A_592 : vector<16xf32>
    %add3A_594 = arith.constant 2.400000e+01 : f32
    %add3A_595 = vector.broadcast %add3A_594 : f32 to vector<16xf32>
    %add3A_596 = arith.addf %sub3A_593, %add3A_595 : vector<16xf32>
    %sub3A_597 = arith.constant 24 : i32
    %sub3A_598 = vector.broadcast %sub3A_597 : i32 to vector<16xi32>
    %sub3A_599 = arith.subi %convert_element_type3A_586, %sub3A_598 : vector<16xi32>
    %gt3A_600 = arith.constant 1.000000e-01 : f32
    %gt3A_601 = vector.broadcast %gt3A_600 : f32 to vector<16xf32>
    %gt3A_602 = arith.cmpf ogt, %get3A_575, %gt3A_601 : vector<16xf32>
    %add3A_603 = arith.addi %sub3A_599, %convert_element_type3A_578 : vector<16xi32>
    %add3A_604 = arith.constant 14 : i32
    %add3A_605 = arith.addi %mul3A_32, %add3A_604 : i32
    %lt3A_606 = vector.broadcast %add3A_605 : i32 to vector<16xi32>
    %lt3A_607 = arith.cmpi slt, %add3A_603, %lt3A_606 : vector<16xi32>
    %and3A_608 = arith.andi %gt3A_602, %lt3A_607 : vector<16xi1>
    %add3A_609 = arith.addi %sub3A_599, %convert_element_type3A_581 : vector<16xi32>
    %gt3A_610 = vector.broadcast %mul3A_32 : i32 to vector<16xi32>
    %gt3A_611 = arith.cmpi sgt, %add3A_609, %gt3A_610 : vector<16xi32>
    %and3A_612 = arith.andi %and3A_608, %gt3A_611 : vector<16xi1>
    %convert_element_type3A_613 = arith.extui %and3A_612 : vector<16xi1> to vector<16xi32>
    %cumsum3A_614 = arith.constant true
    %cumsum3A_615 = vector.broadcast %cumsum3A_614 : i1 to vector<16xi1>
    %cumsum3A_616 = tpu.scan <sum>, %convert_element_type3A_613 masked %cumsum3A_615 : vector<16xi32>, vector<16xi1> -> vector<16xi32>
    %add3A_617 = vector.broadcast %add3A_567 : i32 to vector<16xi32>
    %add3A_618 = arith.addi %add3A_617, %cumsum3A_616 : vector<16xi32>
    %sub3A_619 = arith.constant 1 : i32
    %sub3A_620 = vector.broadcast %sub3A_619 : i32 to vector<16xi32>
    %sub3A_621 = arith.subi %add3A_618, %sub3A_620 : vector<16xi32>
    tpu.vector_store_idx %arg7[%sub3A_621], %add3A_591 masked %and3A_612 : memref<240xf32, #tpu.memory_space<vmem>>[vector<16xi32>], vector<16xf32>, vector<16xi1>
    tpu.vector_store_idx %arg8[%sub3A_621], %add3A_596 masked %and3A_612 : memref<240xf32, #tpu.memory_space<vmem>>[vector<16xi32>], vector<16xf32>, vector<16xi1>
    tpu.vector_store_idx %arg9[%sub3A_621], %div3A_584 masked %and3A_612 : memref<240xf32, #tpu.memory_space<vmem>>[vector<16xi32>], vector<16xf32>, vector<16xi1>
    tpu.vector_store_idx %arg10[%sub3A_621], %get3A_575 masked %and3A_612 : memref<240xf32, #tpu.memory_space<vmem>>[vector<16xi32>], vector<16xf32>, vector<16xi1>
    %sub3A_622 = arith.constant 24 : i32
    %sub3A_623 = vector.broadcast %sub3A_622 : i32 to vector<16xi32>
    %sub3A_624 = arith.subi %convert_element_type3A_585, %sub3A_623 : vector<16xi32>
    %add3A_625 = arith.constant 32 : i32
    %add3A_626 = vector.broadcast %add3A_625 : i32 to vector<16xi32>
    %add3A_627 = arith.addi %sub3A_624, %add3A_626 : vector<16xi32>
    tpu.vector_store_idx %arg11[%sub3A_621], %add3A_627 masked %and3A_612 : memref<240xi32, #tpu.memory_space<vmem>>[vector<16xi32>], vector<16xi32>, vector<16xi1>
    tpu.vector_store_idx %arg12[%sub3A_621], %sub3A_599 masked %and3A_612 : memref<240xi32, #tpu.memory_space<vmem>>[vector<16xi32>], vector<16xi32>, vector<16xi1>
    tpu.vector_store_idx %arg13[%sub3A_621], %convert_element_type3A_578 masked %and3A_612 : memref<240xi32, #tpu.memory_space<vmem>>[vector<16xi32>], vector<16xi32>, vector<16xi1>
    tpu.vector_store_idx %arg14[%sub3A_621], %convert_element_type3A_581 masked %and3A_612 : memref<240xi32, #tpu.memory_space<vmem>>[vector<16xi32>], vector<16xi32>, vector<16xi1>
    %all_reduce_population_count3A_628 = tpu.all_reduce %and3A_612 {dim = 0 : i64, kind = #tpu.reduction_kind<sum>} : vector<16xi1> -> vector<16xi32>
    %slice3A_629 = vector.extract_strided_slice %all_reduce_population_count3A_628 {offsets = [0], sizes = [1], strides = [1]} : vector<16xi32> to vector<1xi32>
    %squeeze3A_630 = vector.extract %slice3A_629[0] : i32 from vector<1xi32>
    %add3A_631 = arith.addi %add3A_567, %squeeze3A_630 : i32
    %get3A_632 = arith.constant 144 : index
    %get3A_633 = tpu.vector_load %arg4[%get3A_632] {strides = array<i32>} : memref<1568xf32, #tpu.memory_space<vmem>>, vector<16xf32>,
    %get3A_634 = arith.constant 368 : index
    %get3A_635 = tpu.vector_load %arg4[%get3A_634] {strides = array<i32>} : memref<1568xf32, #tpu.memory_space<vmem>>, vector<16xf32>,
    %get3A_636 = arith.constant 592 : index
    %get3A_637 = tpu.vector_load %arg4[%get3A_636] {strides = array<i32>} : memref<1568xf32, #tpu.memory_space<vmem>>, vector<16xf32>,
    %get3A_638 = arith.constant 816 : index
    %get3A_639 = tpu.vector_load %arg4[%get3A_638] {strides = array<i32>} : memref<1568xf32, #tpu.memory_space<vmem>>, vector<16xf32>,
    %get3A_640 = arith.constant 1040 : index
    %get3A_641 = tpu.vector_load %arg4[%get3A_640] {strides = array<i32>} : memref<1568xf32, #tpu.memory_space<vmem>>, vector<16xf32>,
    %convert_element_type3A_642 = arith.fptosi %get3A_641 : vector<16xf32> to vector<16xi32>
    %get3A_643 = arith.constant 1264 : index
    %get3A_644 = tpu.vector_load %arg4[%get3A_643] {strides = array<i32>} : memref<1568xf32, #tpu.memory_space<vmem>>, vector<16xf32>,
    %convert_element_type3A_645 = arith.fptosi %get3A_644 : vector<16xf32> to vector<16xi32>
    %div3A_646 = arith.constant 5.000000e-01 : f32
    %div3A_647 = vector.broadcast %div3A_646 : f32 to vector<16xf32>
    %div3A_648 = arith.divf %div3A_647, %get3A_637 : vector<16xf32>
    %convert_element_type3A_649 = arith.fptosi %get3A_633 : vector<16xf32> to vector<16xi32>
    %convert_element_type3A_650 = arith.fptosi %get3A_635 : vector<16xf32> to vector<16xi32>
    %convert_element_type3A_651 = arith.sitofp %convert_element_type3A_649 : vector<16xi32> to vector<16xf32>
    %sub3A_652 = arith.subf %get3A_633, %convert_element_type3A_651 : vector<16xf32>
    %add3A_653 = arith.constant 2.400000e+01 : f32
    %add3A_654 = vector.broadcast %add3A_653 : f32 to vector<16xf32>
    %add3A_655 = arith.addf %sub3A_652, %add3A_654 : vector<16xf32>
    %convert_element_type3A_656 = arith.sitofp %convert_element_type3A_650 : vector<16xi32> to vector<16xf32>
    %sub3A_657 = arith.subf %get3A_635, %convert_element_type3A_656 : vector<16xf32>
    %add3A_658 = arith.constant 2.400000e+01 : f32
    %add3A_659 = vector.broadcast %add3A_658 : f32 to vector<16xf32>
    %add3A_660 = arith.addf %sub3A_657, %add3A_659 : vector<16xf32>
    %sub3A_661 = arith.constant 24 : i32
    %sub3A_662 = vector.broadcast %sub3A_661 : i32 to vector<16xi32>
    %sub3A_663 = arith.subi %convert_element_type3A_650, %sub3A_662 : vector<16xi32>
    %gt3A_664 = arith.constant 1.000000e-01 : f32
    %gt3A_665 = vector.broadcast %gt3A_664 : f32 to vector<16xf32>
    %gt3A_666 = arith.cmpf ogt, %get3A_639, %gt3A_665 : vector<16xf32>
    %add3A_667 = arith.addi %sub3A_663, %convert_element_type3A_642 : vector<16xi32>
    %add3A_668 = arith.constant 14 : i32
    %add3A_669 = arith.addi %mul3A_32, %add3A_668 : i32
    %lt3A_670 = vector.broadcast %add3A_669 : i32 to vector<16xi32>
    %lt3A_671 = arith.cmpi slt, %add3A_667, %lt3A_670 : vector<16xi32>
    %and3A_672 = arith.andi %gt3A_666, %lt3A_671 : vector<16xi1>
    %add3A_673 = arith.addi %sub3A_663, %convert_element_type3A_645 : vector<16xi32>
    %gt3A_674 = vector.broadcast %mul3A_32 : i32 to vector<16xi32>
    %gt3A_675 = arith.cmpi sgt, %add3A_673, %gt3A_674 : vector<16xi32>
    %and3A_676 = arith.andi %and3A_672, %gt3A_675 : vector<16xi1>
    %convert_element_type3A_677 = arith.extui %and3A_676 : vector<16xi1> to vector<16xi32>
    %cumsum3A_678 = arith.constant true
    %cumsum3A_679 = vector.broadcast %cumsum3A_678 : i1 to vector<16xi1>
    %cumsum3A_680 = tpu.scan <sum>, %convert_element_type3A_677 masked %cumsum3A_679 : vector<16xi32>, vector<16xi1> -> vector<16xi32>
    %add3A_681 = vector.broadcast %add3A_631 : i32 to vector<16xi32>
    %add3A_682 = arith.addi %add3A_681, %cumsum3A_680 : vector<16xi32>
    %sub3A_683 = arith.constant 1 : i32
    %sub3A_684 = vector.broadcast %sub3A_683 : i32 to vector<16xi32>
    %sub3A_685 = arith.subi %add3A_682, %sub3A_684 : vector<16xi32>
    tpu.vector_store_idx %arg7[%sub3A_685], %add3A_655 masked %and3A_676 : memref<240xf32, #tpu.memory_space<vmem>>[vector<16xi32>], vector<16xf32>, vector<16xi1>
    tpu.vector_store_idx %arg8[%sub3A_685], %add3A_660 masked %and3A_676 : memref<240xf32, #tpu.memory_space<vmem>>[vector<16xi32>], vector<16xf32>, vector<16xi1>
    tpu.vector_store_idx %arg9[%sub3A_685], %div3A_648 masked %and3A_676 : memref<240xf32, #tpu.memory_space<vmem>>[vector<16xi32>], vector<16xf32>, vector<16xi1>
    tpu.vector_store_idx %arg10[%sub3A_685], %get3A_639 masked %and3A_676 : memref<240xf32, #tpu.memory_space<vmem>>[vector<16xi32>], vector<16xf32>, vector<16xi1>
    %sub3A_686 = arith.constant 24 : i32
    %sub3A_687 = vector.broadcast %sub3A_686 : i32 to vector<16xi32>
    %sub3A_688 = arith.subi %convert_element_type3A_649, %sub3A_687 : vector<16xi32>
    %add3A_689 = arith.constant 32 : i32
    %add3A_690 = vector.broadcast %add3A_689 : i32 to vector<16xi32>
    %add3A_691 = arith.addi %sub3A_688, %add3A_690 : vector<16xi32>
    tpu.vector_store_idx %arg11[%sub3A_685], %add3A_691 masked %and3A_676 : memref<240xi32, #tpu.memory_space<vmem>>[vector<16xi32>], vector<16xi32>, vector<16xi1>
    tpu.vector_store_idx %arg12[%sub3A_685], %sub3A_663 masked %and3A_676 : memref<240xi32, #tpu.memory_space<vmem>>[vector<16xi32>], vector<16xi32>, vector<16xi1>
    tpu.vector_store_idx %arg13[%sub3A_685], %convert_element_type3A_642 masked %and3A_676 : memref<240xi32, #tpu.memory_space<vmem>>[vector<16xi32>], vector<16xi32>, vector<16xi1>
    tpu.vector_store_idx %arg14[%sub3A_685], %convert_element_type3A_645 masked %and3A_676 : memref<240xi32, #tpu.memory_space<vmem>>[vector<16xi32>], vector<16xi32>, vector<16xi1>
    %all_reduce_population_count3A_692 = tpu.all_reduce %and3A_676 {dim = 0 : i64, kind = #tpu.reduction_kind<sum>} : vector<16xi1> -> vector<16xi32>
    %slice3A_693 = vector.extract_strided_slice %all_reduce_population_count3A_692 {offsets = [0], sizes = [1], strides = [1]} : vector<16xi32> to vector<1xi32>
    %squeeze3A_694 = vector.extract %slice3A_693[0] : i32 from vector<1xi32>
    %add3A_695 = arith.addi %add3A_631, %squeeze3A_694 : i32
    %get3A_696 = arith.constant 160 : index
    %get3A_697 = tpu.vector_load %arg4[%get3A_696] {strides = array<i32>} : memref<1568xf32, #tpu.memory_space<vmem>>, vector<16xf32>,
    %get3A_698 = arith.constant 384 : index
    %get3A_699 = tpu.vector_load %arg4[%get3A_698] {strides = array<i32>} : memref<1568xf32, #tpu.memory_space<vmem>>, vector<16xf32>,
    %get3A_700 = arith.constant 608 : index
    %get3A_701 = tpu.vector_load %arg4[%get3A_700] {strides = array<i32>} : memref<1568xf32, #tpu.memory_space<vmem>>, vector<16xf32>,
    %get3A_702 = arith.constant 832 : index
    %get3A_703 = tpu.vector_load %arg4[%get3A_702] {strides = array<i32>} : memref<1568xf32, #tpu.memory_space<vmem>>, vector<16xf32>,
    %get3A_704 = arith.constant 1056 : index
    %get3A_705 = tpu.vector_load %arg4[%get3A_704] {strides = array<i32>} : memref<1568xf32, #tpu.memory_space<vmem>>, vector<16xf32>,
    %convert_element_type3A_706 = arith.fptosi %get3A_705 : vector<16xf32> to vector<16xi32>
    %get3A_707 = arith.constant 1280 : index
    %get3A_708 = tpu.vector_load %arg4[%get3A_707] {strides = array<i32>} : memref<1568xf32, #tpu.memory_space<vmem>>, vector<16xf32>,
    %convert_element_type3A_709 = arith.fptosi %get3A_708 : vector<16xf32> to vector<16xi32>
    %div3A_710 = arith.constant 5.000000e-01 : f32
    %div3A_711 = vector.broadcast %div3A_710 : f32 to vector<16xf32>
    %div3A_712 = arith.divf %div3A_711, %get3A_701 : vector<16xf32>
    %convert_element_type3A_713 = arith.fptosi %get3A_697 : vector<16xf32> to vector<16xi32>
    %convert_element_type3A_714 = arith.fptosi %get3A_699 : vector<16xf32> to vector<16xi32>
    %convert_element_type3A_715 = arith.sitofp %convert_element_type3A_713 : vector<16xi32> to vector<16xf32>
    %sub3A_716 = arith.subf %get3A_697, %convert_element_type3A_715 : vector<16xf32>
    %add3A_717 = arith.constant 2.400000e+01 : f32
    %add3A_718 = vector.broadcast %add3A_717 : f32 to vector<16xf32>
    %add3A_719 = arith.addf %sub3A_716, %add3A_718 : vector<16xf32>
    %convert_element_type3A_720 = arith.sitofp %convert_element_type3A_714 : vector<16xi32> to vector<16xf32>
    %sub3A_721 = arith.subf %get3A_699, %convert_element_type3A_720 : vector<16xf32>
    %add3A_722 = arith.constant 2.400000e+01 : f32
    %add3A_723 = vector.broadcast %add3A_722 : f32 to vector<16xf32>
    %add3A_724 = arith.addf %sub3A_721, %add3A_723 : vector<16xf32>
    %sub3A_725 = arith.constant 24 : i32
    %sub3A_726 = vector.broadcast %sub3A_725 : i32 to vector<16xi32>
    %sub3A_727 = arith.subi %convert_element_type3A_714, %sub3A_726 : vector<16xi32>
    %gt3A_728 = arith.constant 1.000000e-01 : f32
    %gt3A_729 = vector.broadcast %gt3A_728 : f32 to vector<16xf32>
    %gt3A_730 = arith.cmpf ogt, %get3A_703, %gt3A_729 : vector<16xf32>
    %add3A_731 = arith.addi %sub3A_727, %convert_element_type3A_706 : vector<16xi32>
    %add3A_732 = arith.constant 14 : i32
    %add3A_733 = arith.addi %mul3A_32, %add3A_732 : i32
    %lt3A_734 = vector.broadcast %add3A_733 : i32 to vector<16xi32>
    %lt3A_735 = arith.cmpi slt, %add3A_731, %lt3A_734 : vector<16xi32>
    %and3A_736 = arith.andi %gt3A_730, %lt3A_735 : vector<16xi1>
    %add3A_737 = arith.addi %sub3A_727, %convert_element_type3A_709 : vector<16xi32>
    %gt3A_738 = vector.broadcast %mul3A_32 : i32 to vector<16xi32>
    %gt3A_739 = arith.cmpi sgt, %add3A_737, %gt3A_738 : vector<16xi32>
    %and3A_740 = arith.andi %and3A_736, %gt3A_739 : vector<16xi1>
    %convert_element_type3A_741 = arith.extui %and3A_740 : vector<16xi1> to vector<16xi32>
    %cumsum3A_742 = arith.constant true
    %cumsum3A_743 = vector.broadcast %cumsum3A_742 : i1 to vector<16xi1>
    %cumsum3A_744 = tpu.scan <sum>, %convert_element_type3A_741 masked %cumsum3A_743 : vector<16xi32>, vector<16xi1> -> vector<16xi32>
    %add3A_745 = vector.broadcast %add3A_695 : i32 to vector<16xi32>
    %add3A_746 = arith.addi %add3A_745, %cumsum3A_744 : vector<16xi32>
    %sub3A_747 = arith.constant 1 : i32
    %sub3A_748 = vector.broadcast %sub3A_747 : i32 to vector<16xi32>
    %sub3A_749 = arith.subi %add3A_746, %sub3A_748 : vector<16xi32>
    tpu.vector_store_idx %arg7[%sub3A_749], %add3A_719 masked %and3A_740 : memref<240xf32, #tpu.memory_space<vmem>>[vector<16xi32>], vector<16xf32>, vector<16xi1>
    tpu.vector_store_idx %arg8[%sub3A_749], %add3A_724 masked %and3A_740 : memref<240xf32, #tpu.memory_space<vmem>>[vector<16xi32>], vector<16xf32>, vector<16xi1>
    tpu.vector_store_idx %arg9[%sub3A_749], %div3A_712 masked %and3A_740 : memref<240xf32, #tpu.memory_space<vmem>>[vector<16xi32>], vector<16xf32>, vector<16xi1>
    tpu.vector_store_idx %arg10[%sub3A_749], %get3A_703 masked %and3A_740 : memref<240xf32, #tpu.memory_space<vmem>>[vector<16xi32>], vector<16xf32>, vector<16xi1>
    %sub3A_750 = arith.constant 24 : i32
    %sub3A_751 = vector.broadcast %sub3A_750 : i32 to vector<16xi32>
    %sub3A_752 = arith.subi %convert_element_type3A_713, %sub3A_751 : vector<16xi32>
    %add3A_753 = arith.constant 32 : i32
    %add3A_754 = vector.broadcast %add3A_753 : i32 to vector<16xi32>
    %add3A_755 = arith.addi %sub3A_752, %add3A_754 : vector<16xi32>
    tpu.vector_store_idx %arg11[%sub3A_749], %add3A_755 masked %and3A_740 : memref<240xi32, #tpu.memory_space<vmem>>[vector<16xi32>], vector<16xi32>, vector<16xi1>
    tpu.vector_store_idx %arg12[%sub3A_749], %sub3A_727 masked %and3A_740 : memref<240xi32, #tpu.memory_space<vmem>>[vector<16xi32>], vector<16xi32>, vector<16xi1>
    tpu.vector_store_idx %arg13[%sub3A_749], %convert_element_type3A_706 masked %and3A_740 : memref<240xi32, #tpu.memory_space<vmem>>[vector<16xi32>], vector<16xi32>, vector<16xi1>
    tpu.vector_store_idx %arg14[%sub3A_749], %convert_element_type3A_709 masked %and3A_740 : memref<240xi32, #tpu.memory_space<vmem>>[vector<16xi32>], vector<16xi32>, vector<16xi1>
    %all_reduce_population_count3A_756 = tpu.all_reduce %and3A_740 {dim = 0 : i64, kind = #tpu.reduction_kind<sum>} : vector<16xi1> -> vector<16xi32>
    %slice3A_757 = vector.extract_strided_slice %all_reduce_population_count3A_756 {offsets = [0], sizes = [1], strides = [1]} : vector<16xi32> to vector<1xi32>
    %squeeze3A_758 = vector.extract %slice3A_757[0] : i32 from vector<1xi32>
    %add3A_759 = arith.addi %add3A_695, %squeeze3A_758 : i32
    %get3A_760 = arith.constant 176 : index
    %get3A_761 = tpu.vector_load %arg4[%get3A_760] {strides = array<i32>} : memref<1568xf32, #tpu.memory_space<vmem>>, vector<16xf32>,
    %get3A_762 = arith.constant 400 : index
    %get3A_763 = tpu.vector_load %arg4[%get3A_762] {strides = array<i32>} : memref<1568xf32, #tpu.memory_space<vmem>>, vector<16xf32>,
    %get3A_764 = arith.constant 624 : index
    %get3A_765 = tpu.vector_load %arg4[%get3A_764] {strides = array<i32>} : memref<1568xf32, #tpu.memory_space<vmem>>, vector<16xf32>,
    %get3A_766 = arith.constant 848 : index
    %get3A_767 = tpu.vector_load %arg4[%get3A_766] {strides = array<i32>} : memref<1568xf32, #tpu.memory_space<vmem>>, vector<16xf32>,
    %get3A_768 = arith.constant 1072 : index
    %get3A_769 = tpu.vector_load %arg4[%get3A_768] {strides = array<i32>} : memref<1568xf32, #tpu.memory_space<vmem>>, vector<16xf32>,
    %convert_element_type3A_770 = arith.fptosi %get3A_769 : vector<16xf32> to vector<16xi32>
    %get3A_771 = arith.constant 1296 : index
    %get3A_772 = tpu.vector_load %arg4[%get3A_771] {strides = array<i32>} : memref<1568xf32, #tpu.memory_space<vmem>>, vector<16xf32>,
    %convert_element_type3A_773 = arith.fptosi %get3A_772 : vector<16xf32> to vector<16xi32>
    %div3A_774 = arith.constant 5.000000e-01 : f32
    %div3A_775 = vector.broadcast %div3A_774 : f32 to vector<16xf32>
    %div3A_776 = arith.divf %div3A_775, %get3A_765 : vector<16xf32>
    %convert_element_type3A_777 = arith.fptosi %get3A_761 : vector<16xf32> to vector<16xi32>
    %convert_element_type3A_778 = arith.fptosi %get3A_763 : vector<16xf32> to vector<16xi32>
    %convert_element_type3A_779 = arith.sitofp %convert_element_type3A_777 : vector<16xi32> to vector<16xf32>
    %sub3A_780 = arith.subf %get3A_761, %convert_element_type3A_779 : vector<16xf32>
    %add3A_781 = arith.constant 2.400000e+01 : f32
    %add3A_782 = vector.broadcast %add3A_781 : f32 to vector<16xf32>
    %add3A_783 = arith.addf %sub3A_780, %add3A_782 : vector<16xf32>
    %convert_element_type3A_784 = arith.sitofp %convert_element_type3A_778 : vector<16xi32> to vector<16xf32>
    %sub3A_785 = arith.subf %get3A_763, %convert_element_type3A_784 : vector<16xf32>
    %add3A_786 = arith.constant 2.400000e+01 : f32
    %add3A_787 = vector.broadcast %add3A_786 : f32 to vector<16xf32>
    %add3A_788 = arith.addf %sub3A_785, %add3A_787 : vector<16xf32>
    %sub3A_789 = arith.constant 24 : i32
    %sub3A_790 = vector.broadcast %sub3A_789 : i32 to vector<16xi32>
    %sub3A_791 = arith.subi %convert_element_type3A_778, %sub3A_790 : vector<16xi32>
    %gt3A_792 = arith.constant 1.000000e-01 : f32
    %gt3A_793 = vector.broadcast %gt3A_792 : f32 to vector<16xf32>
    %gt3A_794 = arith.cmpf ogt, %get3A_767, %gt3A_793 : vector<16xf32>
    %add3A_795 = arith.addi %sub3A_791, %convert_element_type3A_770 : vector<16xi32>
    %add3A_796 = arith.constant 14 : i32
    %add3A_797 = arith.addi %mul3A_32, %add3A_796 : i32
    %lt3A_798 = vector.broadcast %add3A_797 : i32 to vector<16xi32>
    %lt3A_799 = arith.cmpi slt, %add3A_795, %lt3A_798 : vector<16xi32>
    %and3A_800 = arith.andi %gt3A_794, %lt3A_799 : vector<16xi1>
    %add3A_801 = arith.addi %sub3A_791, %convert_element_type3A_773 : vector<16xi32>
    %gt3A_802 = vector.broadcast %mul3A_32 : i32 to vector<16xi32>
    %gt3A_803 = arith.cmpi sgt, %add3A_801, %gt3A_802 : vector<16xi32>
    %and3A_804 = arith.andi %and3A_800, %gt3A_803 : vector<16xi1>
    %convert_element_type3A_805 = arith.extui %and3A_804 : vector<16xi1> to vector<16xi32>
    %cumsum3A_806 = arith.constant true
    %cumsum3A_807 = vector.broadcast %cumsum3A_806 : i1 to vector<16xi1>
    %cumsum3A_808 = tpu.scan <sum>, %convert_element_type3A_805 masked %cumsum3A_807 : vector<16xi32>, vector<16xi1> -> vector<16xi32>
    %add3A_809 = vector.broadcast %add3A_759 : i32 to vector<16xi32>
    %add3A_810 = arith.addi %add3A_809, %cumsum3A_808 : vector<16xi32>
    %sub3A_811 = arith.constant 1 : i32
    %sub3A_812 = vector.broadcast %sub3A_811 : i32 to vector<16xi32>
    %sub3A_813 = arith.subi %add3A_810, %sub3A_812 : vector<16xi32>
    tpu.vector_store_idx %arg7[%sub3A_813], %add3A_783 masked %and3A_804 : memref<240xf32, #tpu.memory_space<vmem>>[vector<16xi32>], vector<16xf32>, vector<16xi1>
    tpu.vector_store_idx %arg8[%sub3A_813], %add3A_788 masked %and3A_804 : memref<240xf32, #tpu.memory_space<vmem>>[vector<16xi32>], vector<16xf32>, vector<16xi1>
    tpu.vector_store_idx %arg9[%sub3A_813], %div3A_776 masked %and3A_804 : memref<240xf32, #tpu.memory_space<vmem>>[vector<16xi32>], vector<16xf32>, vector<16xi1>
    tpu.vector_store_idx %arg10[%sub3A_813], %get3A_767 masked %and3A_804 : memref<240xf32, #tpu.memory_space<vmem>>[vector<16xi32>], vector<16xf32>, vector<16xi1>
    %sub3A_814 = arith.constant 24 : i32
    %sub3A_815 = vector.broadcast %sub3A_814 : i32 to vector<16xi32>
    %sub3A_816 = arith.subi %convert_element_type3A_777, %sub3A_815 : vector<16xi32>
    %add3A_817 = arith.constant 32 : i32
    %add3A_818 = vector.broadcast %add3A_817 : i32 to vector<16xi32>
    %add3A_819 = arith.addi %sub3A_816, %add3A_818 : vector<16xi32>
    tpu.vector_store_idx %arg11[%sub3A_813], %add3A_819 masked %and3A_804 : memref<240xi32, #tpu.memory_space<vmem>>[vector<16xi32>], vector<16xi32>, vector<16xi1>
    tpu.vector_store_idx %arg12[%sub3A_813], %sub3A_791 masked %and3A_804 : memref<240xi32, #tpu.memory_space<vmem>>[vector<16xi32>], vector<16xi32>, vector<16xi1>
    tpu.vector_store_idx %arg13[%sub3A_813], %convert_element_type3A_770 masked %and3A_804 : memref<240xi32, #tpu.memory_space<vmem>>[vector<16xi32>], vector<16xi32>, vector<16xi1>
    tpu.vector_store_idx %arg14[%sub3A_813], %convert_element_type3A_773 masked %and3A_804 : memref<240xi32, #tpu.memory_space<vmem>>[vector<16xi32>], vector<16xi32>, vector<16xi1>
    %all_reduce_population_count3A_820 = tpu.all_reduce %and3A_804 {dim = 0 : i64, kind = #tpu.reduction_kind<sum>} : vector<16xi1> -> vector<16xi32>
    %slice3A_821 = vector.extract_strided_slice %all_reduce_population_count3A_820 {offsets = [0], sizes = [1], strides = [1]} : vector<16xi32> to vector<1xi32>
    %squeeze3A_822 = vector.extract %slice3A_821[0] : i32 from vector<1xi32>
    %add3A_823 = arith.addi %add3A_759, %squeeze3A_822 : i32
    %get3A_824 = arith.constant 192 : index
    %get3A_825 = tpu.vector_load %arg4[%get3A_824] {strides = array<i32>} : memref<1568xf32, #tpu.memory_space<vmem>>, vector<16xf32>,
    %get3A_826 = arith.constant 416 : index
    %get3A_827 = tpu.vector_load %arg4[%get3A_826] {strides = array<i32>} : memref<1568xf32, #tpu.memory_space<vmem>>, vector<16xf32>,
    %get3A_828 = arith.constant 640 : index
    %get3A_829 = tpu.vector_load %arg4[%get3A_828] {strides = array<i32>} : memref<1568xf32, #tpu.memory_space<vmem>>, vector<16xf32>,
    %get3A_830 = arith.constant 864 : index
    %get3A_831 = tpu.vector_load %arg4[%get3A_830] {strides = array<i32>} : memref<1568xf32, #tpu.memory_space<vmem>>, vector<16xf32>,
    %get3A_832 = arith.constant 1088 : index
    %get3A_833 = tpu.vector_load %arg4[%get3A_832] {strides = array<i32>} : memref<1568xf32, #tpu.memory_space<vmem>>, vector<16xf32>,
    %convert_element_type3A_834 = arith.fptosi %get3A_833 : vector<16xf32> to vector<16xi32>
    %get3A_835 = arith.constant 1312 : index
    %get3A_836 = tpu.vector_load %arg4[%get3A_835] {strides = array<i32>} : memref<1568xf32, #tpu.memory_space<vmem>>, vector<16xf32>,
    %convert_element_type3A_837 = arith.fptosi %get3A_836 : vector<16xf32> to vector<16xi32>
    %div3A_838 = arith.constant 5.000000e-01 : f32
    %div3A_839 = vector.broadcast %div3A_838 : f32 to vector<16xf32>
    %div3A_840 = arith.divf %div3A_839, %get3A_829 : vector<16xf32>
    %convert_element_type3A_841 = arith.fptosi %get3A_825 : vector<16xf32> to vector<16xi32>
    %convert_element_type3A_842 = arith.fptosi %get3A_827 : vector<16xf32> to vector<16xi32>
    %convert_element_type3A_843 = arith.sitofp %convert_element_type3A_841 : vector<16xi32> to vector<16xf32>
    %sub3A_844 = arith.subf %get3A_825, %convert_element_type3A_843 : vector<16xf32>
    %add3A_845 = arith.constant 2.400000e+01 : f32
    %add3A_846 = vector.broadcast %add3A_845 : f32 to vector<16xf32>
    %add3A_847 = arith.addf %sub3A_844, %add3A_846 : vector<16xf32>
    %convert_element_type3A_848 = arith.sitofp %convert_element_type3A_842 : vector<16xi32> to vector<16xf32>
    %sub3A_849 = arith.subf %get3A_827, %convert_element_type3A_848 : vector<16xf32>
    %add3A_850 = arith.constant 2.400000e+01 : f32
    %add3A_851 = vector.broadcast %add3A_850 : f32 to vector<16xf32>
    %add3A_852 = arith.addf %sub3A_849, %add3A_851 : vector<16xf32>
    %sub3A_853 = arith.constant 24 : i32
    %sub3A_854 = vector.broadcast %sub3A_853 : i32 to vector<16xi32>
    %sub3A_855 = arith.subi %convert_element_type3A_842, %sub3A_854 : vector<16xi32>
    %gt3A_856 = arith.constant 1.000000e-01 : f32
    %gt3A_857 = vector.broadcast %gt3A_856 : f32 to vector<16xf32>
    %gt3A_858 = arith.cmpf ogt, %get3A_831, %gt3A_857 : vector<16xf32>
    %add3A_859 = arith.addi %sub3A_855, %convert_element_type3A_834 : vector<16xi32>
    %add3A_860 = arith.constant 14 : i32
    %add3A_861 = arith.addi %mul3A_32, %add3A_860 : i32
    %lt3A_862 = vector.broadcast %add3A_861 : i32 to vector<16xi32>
    %lt3A_863 = arith.cmpi slt, %add3A_859, %lt3A_862 : vector<16xi32>
    %and3A_864 = arith.andi %gt3A_858, %lt3A_863 : vector<16xi1>
    %add3A_865 = arith.addi %sub3A_855, %convert_element_type3A_837 : vector<16xi32>
    %gt3A_866 = vector.broadcast %mul3A_32 : i32 to vector<16xi32>
    %gt3A_867 = arith.cmpi sgt, %add3A_865, %gt3A_866 : vector<16xi32>
    %and3A_868 = arith.andi %and3A_864, %gt3A_867 : vector<16xi1>
    %convert_element_type3A_869 = arith.extui %and3A_868 : vector<16xi1> to vector<16xi32>
    %cumsum3A_870 = arith.constant true
    %cumsum3A_871 = vector.broadcast %cumsum3A_870 : i1 to vector<16xi1>
    %cumsum3A_872 = tpu.scan <sum>, %convert_element_type3A_869 masked %cumsum3A_871 : vector<16xi32>, vector<16xi1> -> vector<16xi32>
    %add3A_873 = vector.broadcast %add3A_823 : i32 to vector<16xi32>
    %add3A_874 = arith.addi %add3A_873, %cumsum3A_872 : vector<16xi32>
    %sub3A_875 = arith.constant 1 : i32
    %sub3A_876 = vector.broadcast %sub3A_875 : i32 to vector<16xi32>
    %sub3A_877 = arith.subi %add3A_874, %sub3A_876 : vector<16xi32>
    tpu.vector_store_idx %arg7[%sub3A_877], %add3A_847 masked %and3A_868 : memref<240xf32, #tpu.memory_space<vmem>>[vector<16xi32>], vector<16xf32>, vector<16xi1>
    tpu.vector_store_idx %arg8[%sub3A_877], %add3A_852 masked %and3A_868 : memref<240xf32, #tpu.memory_space<vmem>>[vector<16xi32>], vector<16xf32>, vector<16xi1>
    tpu.vector_store_idx %arg9[%sub3A_877], %div3A_840 masked %and3A_868 : memref<240xf32, #tpu.memory_space<vmem>>[vector<16xi32>], vector<16xf32>, vector<16xi1>
    tpu.vector_store_idx %arg10[%sub3A_877], %get3A_831 masked %and3A_868 : memref<240xf32, #tpu.memory_space<vmem>>[vector<16xi32>], vector<16xf32>, vector<16xi1>
    %sub3A_878 = arith.constant 24 : i32
    %sub3A_879 = vector.broadcast %sub3A_878 : i32 to vector<16xi32>
    %sub3A_880 = arith.subi %convert_element_type3A_841, %sub3A_879 : vector<16xi32>
    %add3A_881 = arith.constant 32 : i32
    %add3A_882 = vector.broadcast %add3A_881 : i32 to vector<16xi32>
    %add3A_883 = arith.addi %sub3A_880, %add3A_882 : vector<16xi32>
    tpu.vector_store_idx %arg11[%sub3A_877], %add3A_883 masked %and3A_868 : memref<240xi32, #tpu.memory_space<vmem>>[vector<16xi32>], vector<16xi32>, vector<16xi1>
    tpu.vector_store_idx %arg12[%sub3A_877], %sub3A_855 masked %and3A_868 : memref<240xi32, #tpu.memory_space<vmem>>[vector<16xi32>], vector<16xi32>, vector<16xi1>
    tpu.vector_store_idx %arg13[%sub3A_877], %convert_element_type3A_834 masked %and3A_868 : memref<240xi32, #tpu.memory_space<vmem>>[vector<16xi32>], vector<16xi32>, vector<16xi1>
    tpu.vector_store_idx %arg14[%sub3A_877], %convert_element_type3A_837 masked %and3A_868 : memref<240xi32, #tpu.memory_space<vmem>>[vector<16xi32>], vector<16xi32>, vector<16xi1>
    %all_reduce_population_count3A_884 = tpu.all_reduce %and3A_868 {dim = 0 : i64, kind = #tpu.reduction_kind<sum>} : vector<16xi1> -> vector<16xi32>
    %slice3A_885 = vector.extract_strided_slice %all_reduce_population_count3A_884 {offsets = [0], sizes = [1], strides = [1]} : vector<16xi32> to vector<1xi32>
    %squeeze3A_886 = vector.extract %slice3A_885[0] : i32 from vector<1xi32>
    %add3A_887 = arith.addi %add3A_823, %squeeze3A_886 : i32
    %get3A_888 = arith.constant 208 : index
    %get3A_889 = tpu.vector_load %arg4[%get3A_888] {strides = array<i32>} : memref<1568xf32, #tpu.memory_space<vmem>>, vector<16xf32>,
    %get3A_890 = arith.constant 432 : index
    %get3A_891 = tpu.vector_load %arg4[%get3A_890] {strides = array<i32>} : memref<1568xf32, #tpu.memory_space<vmem>>, vector<16xf32>,
    %get3A_892 = arith.constant 656 : index
    %get3A_893 = tpu.vector_load %arg4[%get3A_892] {strides = array<i32>} : memref<1568xf32, #tpu.memory_space<vmem>>, vector<16xf32>,
    %get3A_894 = arith.constant 880 : index
    %get3A_895 = tpu.vector_load %arg4[%get3A_894] {strides = array<i32>} : memref<1568xf32, #tpu.memory_space<vmem>>, vector<16xf32>,
    %get3A_896 = arith.constant 1104 : index
    %get3A_897 = tpu.vector_load %arg4[%get3A_896] {strides = array<i32>} : memref<1568xf32, #tpu.memory_space<vmem>>, vector<16xf32>,
    %convert_element_type3A_898 = arith.fptosi %get3A_897 : vector<16xf32> to vector<16xi32>
    %get3A_899 = arith.constant 1328 : index
    %get3A_900 = tpu.vector_load %arg4[%get3A_899] {strides = array<i32>} : memref<1568xf32, #tpu.memory_space<vmem>>, vector<16xf32>,
    %convert_element_type3A_901 = arith.fptosi %get3A_900 : vector<16xf32> to vector<16xi32>
    %div3A_902 = arith.constant 5.000000e-01 : f32
    %div3A_903 = vector.broadcast %div3A_902 : f32 to vector<16xf32>
    %div3A_904 = arith.divf %div3A_903, %get3A_893 : vector<16xf32>
    %convert_element_type3A_905 = arith.fptosi %get3A_889 : vector<16xf32> to vector<16xi32>
    %convert_element_type3A_906 = arith.fptosi %get3A_891 : vector<16xf32> to vector<16xi32>
    %convert_element_type3A_907 = arith.sitofp %convert_element_type3A_905 : vector<16xi32> to vector<16xf32>
    %sub3A_908 = arith.subf %get3A_889, %convert_element_type3A_907 : vector<16xf32>
    %add3A_909 = arith.constant 2.400000e+01 : f32
    %add3A_910 = vector.broadcast %add3A_909 : f32 to vector<16xf32>
    %add3A_911 = arith.addf %sub3A_908, %add3A_910 : vector<16xf32>
    %convert_element_type3A_912 = arith.sitofp %convert_element_type3A_906 : vector<16xi32> to vector<16xf32>
    %sub3A_913 = arith.subf %get3A_891, %convert_element_type3A_912 : vector<16xf32>
    %add3A_914 = arith.constant 2.400000e+01 : f32
    %add3A_915 = vector.broadcast %add3A_914 : f32 to vector<16xf32>
    %add3A_916 = arith.addf %sub3A_913, %add3A_915 : vector<16xf32>
    %sub3A_917 = arith.constant 24 : i32
    %sub3A_918 = vector.broadcast %sub3A_917 : i32 to vector<16xi32>
    %sub3A_919 = arith.subi %convert_element_type3A_906, %sub3A_918 : vector<16xi32>
    %gt3A_920 = arith.constant 1.000000e-01 : f32
    %gt3A_921 = vector.broadcast %gt3A_920 : f32 to vector<16xf32>
    %gt3A_922 = arith.cmpf ogt, %get3A_895, %gt3A_921 : vector<16xf32>
    %add3A_923 = arith.addi %sub3A_919, %convert_element_type3A_898 : vector<16xi32>
    %add3A_924 = arith.constant 14 : i32
    %add3A_925 = arith.addi %mul3A_32, %add3A_924 : i32
    %lt3A_926 = vector.broadcast %add3A_925 : i32 to vector<16xi32>
    %lt3A_927 = arith.cmpi slt, %add3A_923, %lt3A_926 : vector<16xi32>
    %and3A_928 = arith.andi %gt3A_922, %lt3A_927 : vector<16xi1>
    %add3A_929 = arith.addi %sub3A_919, %convert_element_type3A_901 : vector<16xi32>
    %gt3A_930 = vector.broadcast %mul3A_32 : i32 to vector<16xi32>
    %gt3A_931 = arith.cmpi sgt, %add3A_929, %gt3A_930 : vector<16xi32>
    %and3A_932 = arith.andi %and3A_928, %gt3A_931 : vector<16xi1>
    %convert_element_type3A_933 = arith.extui %and3A_932 : vector<16xi1> to vector<16xi32>
    %cumsum3A_934 = arith.constant true
    %cumsum3A_935 = vector.broadcast %cumsum3A_934 : i1 to vector<16xi1>
    %cumsum3A_936 = tpu.scan <sum>, %convert_element_type3A_933 masked %cumsum3A_935 : vector<16xi32>, vector<16xi1> -> vector<16xi32>
    %add3A_937 = vector.broadcast %add3A_887 : i32 to vector<16xi32>
    %add3A_938 = arith.addi %add3A_937, %cumsum3A_936 : vector<16xi32>
    %sub3A_939 = arith.constant 1 : i32
    %sub3A_940 = vector.broadcast %sub3A_939 : i32 to vector<16xi32>
    %sub3A_941 = arith.subi %add3A_938, %sub3A_940 : vector<16xi32>
    tpu.vector_store_idx %arg7[%sub3A_941], %add3A_911 masked %and3A_932 : memref<240xf32, #tpu.memory_space<vmem>>[vector<16xi32>], vector<16xf32>, vector<16xi1>
    tpu.vector_store_idx %arg8[%sub3A_941], %add3A_916 masked %and3A_932 : memref<240xf32, #tpu.memory_space<vmem>>[vector<16xi32>], vector<16xf32>, vector<16xi1>
    tpu.vector_store_idx %arg9[%sub3A_941], %div3A_904 masked %and3A_932 : memref<240xf32, #tpu.memory_space<vmem>>[vector<16xi32>], vector<16xf32>, vector<16xi1>
    tpu.vector_store_idx %arg10[%sub3A_941], %get3A_895 masked %and3A_932 : memref<240xf32, #tpu.memory_space<vmem>>[vector<16xi32>], vector<16xf32>, vector<16xi1>
    %sub3A_942 = arith.constant 24 : i32
    %sub3A_943 = vector.broadcast %sub3A_942 : i32 to vector<16xi32>
    %sub3A_944 = arith.subi %convert_element_type3A_905, %sub3A_943 : vector<16xi32>
    %add3A_945 = arith.constant 32 : i32
    %add3A_946 = vector.broadcast %add3A_945 : i32 to vector<16xi32>
    %add3A_947 = arith.addi %sub3A_944, %add3A_946 : vector<16xi32>
    tpu.vector_store_idx %arg11[%sub3A_941], %add3A_947 masked %and3A_932 : memref<240xi32, #tpu.memory_space<vmem>>[vector<16xi32>], vector<16xi32>, vector<16xi1>
    tpu.vector_store_idx %arg12[%sub3A_941], %sub3A_919 masked %and3A_932 : memref<240xi32, #tpu.memory_space<vmem>>[vector<16xi32>], vector<16xi32>, vector<16xi1>
    tpu.vector_store_idx %arg13[%sub3A_941], %convert_element_type3A_898 masked %and3A_932 : memref<240xi32, #tpu.memory_space<vmem>>[vector<16xi32>], vector<16xi32>, vector<16xi1>
    tpu.vector_store_idx %arg14[%sub3A_941], %convert_element_type3A_901 masked %and3A_932 : memref<240xi32, #tpu.memory_space<vmem>>[vector<16xi32>], vector<16xi32>, vector<16xi1>
    %all_reduce_population_count3A_948 = tpu.all_reduce %and3A_932 {dim = 0 : i64, kind = #tpu.reduction_kind<sum>} : vector<16xi1> -> vector<16xi32>
    %slice3A_949 = vector.extract_strided_slice %all_reduce_population_count3A_948 {offsets = [0], sizes = [1], strides = [1]} : vector<16xi32> to vector<1xi32>
    %squeeze3A_950 = vector.extract %slice3A_949[0] : i32 from vector<1xi32>
    %add3A_951 = arith.addi %add3A_887, %squeeze3A_950 : i32
    %convert_element_type3A_952 = arith.sitofp %iota3A : vector<16xi32> to vector<16xf32>
    %add3A_953 = arith.constant 1.600000e+01 : f32
    %add3A_954 = vector.broadcast %add3A_953 : f32 to vector<16xf32>
    %add3A_955 = arith.addf %convert_element_type3A_952, %add3A_954 : vector<16xf32>
    %add3A_956 = arith.constant 3.200000e+01 : f32
    %add3A_957 = vector.broadcast %add3A_956 : f32 to vector<16xf32>
    %add3A_958 = arith.addf %convert_element_type3A_952, %add3A_957 : vector<16xf32>
    %add3A_959 = arith.constant 15 : i32
    %add3A_960 = arith.addi %add3A_951, %add3A_959 : i32
    %jit3A_961 = arith.constant 16 : i32
    %div3A_962 = arith.divsi %add3A_960, %jit3A_961 : i32
    %sign3A_963 = arith.constant 0 : i32
    %sign3A_964 = arith.cmpi sgt, %add3A_960, %sign3A_963 : i32
    %sign3A_965 = arith.extui %sign3A_964 : i1 to i32
    %sign3A_966 = arith.constant 0 : i32
    %sign3A_967 = arith.cmpi slt, %add3A_960, %sign3A_966 : i32
    %sign3A_968 = arith.extui %sign3A_967 : i1 to i32
    %sign3A_969 = arith.subi %sign3A_965, %sign3A_968 : i32
    %sign3A_970 = arith.constant 0 : i32
    %sign3A_971 = arith.cmpi sgt, %jit3A_961, %sign3A_970 : i32
    %sign3A_972 = arith.extui %sign3A_971 : i1 to i32
    %sign3A_973 = arith.constant 0 : i32
    %sign3A_974 = arith.cmpi slt, %jit3A_961, %sign3A_973 : i32
    %sign3A_975 = arith.extui %sign3A_974 : i1 to i32
    %sign3A_976 = arith.subi %sign3A_972, %sign3A_975 : i32
    %ne3A_977 = arith.cmpi ne, %sign3A_969, %sign3A_976 : i32
    %rem3A_978 = arith.remsi %add3A_960, %jit3A_961 : i32
    %ne3A_979 = arith.constant 0 : i32
    %ne3A_980 = arith.cmpi ne, %rem3A_978, %ne3A_979 : i32
    %and3A_981 = arith.andi %ne3A_977, %ne3A_980 : i1
    %sub3A_982 = arith.constant 1 : i32
    %sub3A_983 = arith.subi %div3A_962, %sub3A_982 : i32
    %select_n3A_984 = arith.select %and3A_981, %sub3A_983, %div3A_962 : i32
    %while3A = arith.constant 0 : i32
    %while3A_985 = arith.subi %select_n3A_984, %while3A : i32
    %while3A_986 = arith.addi %while3A, %while3A_985 : i32
    %while3A_987 = arith.constant 1 : i32
    %while3A_988 = arith.divsi %while3A_985, %while3A_987 : i32
    %while3A_989 = arith.muli %while3A_988, %while3A_987 : i32
    %while3A_990 = arith.addi %while3A, %while3A_989 : i32
    %while3A_991 = arith.constant 1 : i32
    scf.for %while3A_1004 = %while3A to %while3A_990 step %while3A_991  : i32 {
      %mul3A_1005 = arith.constant 16 : i32
      %mul3A_1006 = arith.muli %while3A_1004, %mul3A_1005 : i32
      %get3A_1007 = arith.index_cast %mul3A_1006 : i32 to index
      %get3A_1008 = tpu.vector_load %arg7[%get3A_1007] {strides = array<i32>} : memref<240xf32, #tpu.memory_space<vmem>>, vector<16xf32>,
      %mul3A_1009 = arith.constant 16 : i32
      %mul3A_1010 = arith.muli %while3A_1004, %mul3A_1009 : i32
      %get3A_1011 = arith.index_cast %mul3A_1010 : i32 to index
      %get3A_1012 = tpu.vector_load %arg8[%get3A_1011] {strides = array<i32>} : memref<240xf32, #tpu.memory_space<vmem>>, vector<16xf32>,
      %mul3A_1013 = arith.constant 16 : i32
      %mul3A_1014 = arith.muli %while3A_1004, %mul3A_1013 : i32
      %get3A_1015 = arith.index_cast %mul3A_1014 : i32 to index
      %get3A_1016 = tpu.vector_load %arg9[%get3A_1015] {strides = array<i32>} : memref<240xf32, #tpu.memory_space<vmem>>, vector<16xf32>,
      %mul3A_1017 = arith.constant 16 : i32
      %mul3A_1018 = arith.muli %while3A_1004, %mul3A_1017 : i32
      %get3A_1019 = arith.index_cast %mul3A_1018 : i32 to index
      %get3A_1020 = tpu.vector_load %arg10[%get3A_1019] {strides = array<i32>} : memref<240xf32, #tpu.memory_space<vmem>>, vector<16xf32>,
      %mul3A_1021 = arith.constant 16 : i32
      %mul3A_1022 = arith.muli %while3A_1004, %mul3A_1021 : i32
      %mul3A_1023 = arith.constant 48 : i32
      %mul3A_1024 = arith.muli %mul3A_1022, %mul3A_1023 : i32
      %slice3A_1025 = vector.extract_strided_slice %get3A_1008 {offsets = [0], sizes = [1], strides = [1]} : vector<16xf32> to vector<1xf32>
      %squeeze3A_1026 = vector.extract %slice3A_1025[0] : f32 from vector<1xf32>
      %slice3A_1027 = vector.extract_strided_slice %get3A_1012 {offsets = [0], sizes = [1], strides = [1]} : vector<16xf32> to vector<1xf32>
      %squeeze3A_1028 = vector.extract %slice3A_1027[0] : f32 from vector<1xf32>
      %slice3A_1029 = vector.extract_strided_slice %get3A_1016 {offsets = [0], sizes = [1], strides = [1]} : vector<16xf32> to vector<1xf32>
      %squeeze3A_1030 = vector.extract %slice3A_1029[0] : f32 from vector<1xf32>
      %slice3A_1031 = vector.extract_strided_slice %get3A_1020 {offsets = [0], sizes = [1], strides = [1]} : vector<16xf32> to vector<1xf32>
      %squeeze3A_1032 = vector.extract %slice3A_1031[0] : f32 from vector<1xf32>
      %add3A_1033 = arith.constant 0 : i32
      %add3A_1034 = arith.addi %mul3A_1024, %add3A_1033 : i32
      %sub3A_1035 = vector.broadcast %squeeze3A_1026 : f32 to vector<16xf32>
      %sub3A_1036 = arith.subf %convert_element_type3A_952, %sub3A_1035 : vector<16xf32>
      %sub3A_1037 = vector.broadcast %squeeze3A_1026 : f32 to vector<16xf32>
      %sub3A_1038 = arith.subf %add3A_955, %sub3A_1037 : vector<16xf32>
      %sub3A_1039 = vector.broadcast %squeeze3A_1026 : f32 to vector<16xf32>
      %sub3A_1040 = arith.subf %add3A_958, %sub3A_1039 : vector<16xf32>
      %mul3A_1041 = arith.mulf %sub3A_1036, %sub3A_1036 : vector<16xf32>
      %neg3A = arith.constant 0.000000e+00 : f32
      %neg3A_1042 = vector.broadcast %neg3A : f32 to vector<16xf32>
      %neg3A_1043 = arith.subf %neg3A_1042, %mul3A_1041 : vector<16xf32>
      %mul3A_1044 = vector.broadcast %squeeze3A_1030 : f32 to vector<16xf32>
      %mul3A_1045 = arith.mulf %neg3A_1043, %mul3A_1044 : vector<16xf32>
      %exp3A = math.exp %mul3A_1045 : vector<16xf32>
      %swap3A_1046 = arith.index_cast %add3A_1034 : i32 to index
      %swap3A_1047 = tpu.vector_load %arg5[%swap3A_1046] {strides = array<i32>} : memref<10752xf32, #tpu.memory_space<vmem>>, vector<16xf32>,
      tpu.vector_store %arg5[%swap3A_1046], %exp3A {strides = array<i32>} : memref<10752xf32, #tpu.memory_space<vmem>>, vector<16xf32>,
      %mul3A_1048 = arith.mulf %sub3A_1038, %sub3A_1038 : vector<16xf32>
      %neg3A_1049 = arith.constant 0.000000e+00 : f32
      %neg3A_1050 = vector.broadcast %neg3A_1049 : f32 to vector<16xf32>
      %neg3A_1051 = arith.subf %neg3A_1050, %mul3A_1048 : vector<16xf32>
      %mul3A_1052 = vector.broadcast %squeeze3A_1030 : f32 to vector<16xf32>
      %mul3A_1053 = arith.mulf %neg3A_1051, %mul3A_1052 : vector<16xf32>
      %exp3A_1054 = math.exp %mul3A_1053 : vector<16xf32>
      %add3A_1055 = arith.constant 16 : i32
      %add3A_1056 = arith.addi %add3A_1034, %add3A_1055 : i32
      %swap3A_1057 = arith.index_cast %add3A_1056 : i32 to index
      %swap3A_1058 = tpu.vector_load %arg5[%swap3A_1057] {strides = array<i32>} : memref<10752xf32, #tpu.memory_space<vmem>>, vector<16xf32>,
      tpu.vector_store %arg5[%swap3A_1057], %exp3A_1054 {strides = array<i32>} : memref<10752xf32, #tpu.memory_space<vmem>>, vector<16xf32>,
      %mul3A_1059 = arith.mulf %sub3A_1040, %sub3A_1040 : vector<16xf32>
      %neg3A_1060 = arith.constant 0.000000e+00 : f32
      %neg3A_1061 = vector.broadcast %neg3A_1060 : f32 to vector<16xf32>
      %neg3A_1062 = arith.subf %neg3A_1061, %mul3A_1059 : vector<16xf32>
      %mul3A_1063 = vector.broadcast %squeeze3A_1030 : f32 to vector<16xf32>
      %mul3A_1064 = arith.mulf %neg3A_1062, %mul3A_1063 : vector<16xf32>
      %exp3A_1065 = math.exp %mul3A_1064 : vector<16xf32>
      %add3A_1066 = arith.constant 32 : i32
      %add3A_1067 = arith.addi %add3A_1034, %add3A_1066 : i32
      %swap3A_1068 = arith.index_cast %add3A_1067 : i32 to index
      %swap3A_1069 = tpu.vector_load %arg5[%swap3A_1068] {strides = array<i32>} : memref<10752xf32, #tpu.memory_space<vmem>>, vector<16xf32>,
      tpu.vector_store %arg5[%swap3A_1068], %exp3A_1065 {strides = array<i32>} : memref<10752xf32, #tpu.memory_space<vmem>>, vector<16xf32>,
      %sub3A_1070 = vector.broadcast %squeeze3A_1028 : f32 to vector<16xf32>
      %sub3A_1071 = arith.subf %convert_element_type3A_952, %sub3A_1070 : vector<16xf32>
      %sub3A_1072 = vector.broadcast %squeeze3A_1028 : f32 to vector<16xf32>
      %sub3A_1073 = arith.subf %add3A_955, %sub3A_1072 : vector<16xf32>
      %sub3A_1074 = vector.broadcast %squeeze3A_1028 : f32 to vector<16xf32>
      %sub3A_1075 = arith.subf %add3A_958, %sub3A_1074 : vector<16xf32>
      %mul3A_1076 = arith.mulf %sub3A_1071, %sub3A_1071 : vector<16xf32>
      %neg3A_1077 = arith.constant 0.000000e+00 : f32
      %neg3A_1078 = vector.broadcast %neg3A_1077 : f32 to vector<16xf32>
      %neg3A_1079 = arith.subf %neg3A_1078, %mul3A_1076 : vector<16xf32>
      %mul3A_1080 = vector.broadcast %squeeze3A_1030 : f32 to vector<16xf32>
      %mul3A_1081 = arith.mulf %neg3A_1079, %mul3A_1080 : vector<16xf32>
      %exp3A_1082 = math.exp %mul3A_1081 : vector<16xf32>
      %mul3A_1083 = vector.broadcast %squeeze3A_1032 : f32 to vector<16xf32>
      %mul3A_1084 = arith.mulf %exp3A_1082, %mul3A_1083 : vector<16xf32>
      %swap3A_1085 = arith.index_cast %add3A_1034 : i32 to index
      %swap3A_1086 = tpu.vector_load %arg6[%swap3A_1085] {strides = array<i32>} : memref<10768xf32, #tpu.memory_space<vmem>>, vector<16xf32>,
      tpu.vector_store %arg6[%swap3A_1085], %mul3A_1084 {strides = array<i32>} : memref<10768xf32, #tpu.memory_space<vmem>>, vector<16xf32>,
      %mul3A_1087 = arith.mulf %sub3A_1073, %sub3A_1073 : vector<16xf32>
      %neg3A_1088 = arith.constant 0.000000e+00 : f32
      %neg3A_1089 = vector.broadcast %neg3A_1088 : f32 to vector<16xf32>
      %neg3A_1090 = arith.subf %neg3A_1089, %mul3A_1087 : vector<16xf32>
      %mul3A_1091 = vector.broadcast %squeeze3A_1030 : f32 to vector<16xf32>
      %mul3A_1092 = arith.mulf %neg3A_1090, %mul3A_1091 : vector<16xf32>
      %exp3A_1093 = math.exp %mul3A_1092 : vector<16xf32>
      %mul3A_1094 = vector.broadcast %squeeze3A_1032 : f32 to vector<16xf32>
      %mul3A_1095 = arith.mulf %exp3A_1093, %mul3A_1094 : vector<16xf32>
      %add3A_1096 = arith.constant 16 : i32
      %add3A_1097 = arith.addi %add3A_1034, %add3A_1096 : i32
      %swap3A_1098 = arith.index_cast %add3A_1097 : i32 to index
      %swap3A_1099 = tpu.vector_load %arg6[%swap3A_1098] {strides = array<i32>} : memref<10768xf32, #tpu.memory_space<vmem>>, vector<16xf32>,
      tpu.vector_store %arg6[%swap3A_1098], %mul3A_1095 {strides = array<i32>} : memref<10768xf32, #tpu.memory_space<vmem>>, vector<16xf32>,
      %mul3A_1100 = arith.mulf %sub3A_1075, %sub3A_1075 : vector<16xf32>
      %neg3A_1101 = arith.constant 0.000000e+00 : f32
      %neg3A_1102 = vector.broadcast %neg3A_1101 : f32 to vector<16xf32>
      %neg3A_1103 = arith.subf %neg3A_1102, %mul3A_1100 : vector<16xf32>
      %mul3A_1104 = vector.broadcast %squeeze3A_1030 : f32 to vector<16xf32>
      %mul3A_1105 = arith.mulf %neg3A_1103, %mul3A_1104 : vector<16xf32>
      %exp3A_1106 = math.exp %mul3A_1105 : vector<16xf32>
      %mul3A_1107 = vector.broadcast %squeeze3A_1032 : f32 to vector<16xf32>
      %mul3A_1108 = arith.mulf %exp3A_1106, %mul3A_1107 : vector<16xf32>
      %add3A_1109 = arith.constant 32 : i32
      %add3A_1110 = arith.addi %add3A_1034, %add3A_1109 : i32
      %swap3A_1111 = arith.index_cast %add3A_1110 : i32 to index
      %swap3A_1112 = tpu.vector_load %arg6[%swap3A_1111] {strides = array<i32>} : memref<10768xf32, #tpu.memory_space<vmem>>, vector<16xf32>,
      tpu.vector_store %arg6[%swap3A_1111], %mul3A_1108 {strides = array<i32>} : memref<10768xf32, #tpu.memory_space<vmem>>, vector<16xf32>,
      %slice3A_1113 = vector.extract_strided_slice %get3A_1008 {offsets = [1], sizes = [1], strides = [1]} : vector<16xf32> to vector<1xf32>
      %squeeze3A_1114 = vector.extract %slice3A_1113[0] : f32 from vector<1xf32>
      %slice3A_1115 = vector.extract_strided_slice %get3A_1012 {offsets = [1], sizes = [1], strides = [1]} : vector<16xf32> to vector<1xf32>
      %squeeze3A_1116 = vector.extract %slice3A_1115[0] : f32 from vector<1xf32>
      %slice3A_1117 = vector.extract_strided_slice %get3A_1016 {offsets = [1], sizes = [1], strides = [1]} : vector<16xf32> to vector<1xf32>
      %squeeze3A_1118 = vector.extract %slice3A_1117[0] : f32 from vector<1xf32>
      %slice3A_1119 = vector.extract_strided_slice %get3A_1020 {offsets = [1], sizes = [1], strides = [1]} : vector<16xf32> to vector<1xf32>
      %squeeze3A_1120 = vector.extract %slice3A_1119[0] : f32 from vector<1xf32>
      %add3A_1121 = arith.constant 48 : i32
      %add3A_1122 = arith.addi %mul3A_1024, %add3A_1121 : i32
      %sub3A_1123 = vector.broadcast %squeeze3A_1114 : f32 to vector<16xf32>
      %sub3A_1124 = arith.subf %convert_element_type3A_952, %sub3A_1123 : vector<16xf32>
      %sub3A_1125 = vector.broadcast %squeeze3A_1114 : f32 to vector<16xf32>
      %sub3A_1126 = arith.subf %add3A_955, %sub3A_1125 : vector<16xf32>
      %sub3A_1127 = vector.broadcast %squeeze3A_1114 : f32 to vector<16xf32>
      %sub3A_1128 = arith.subf %add3A_958, %sub3A_1127 : vector<16xf32>
      %mul3A_1129 = arith.mulf %sub3A_1124, %sub3A_1124 : vector<16xf32>
      %neg3A_1130 = arith.constant 0.000000e+00 : f32
      %neg3A_1131 = vector.broadcast %neg3A_1130 : f32 to vector<16xf32>
      %neg3A_1132 = arith.subf %neg3A_1131, %mul3A_1129 : vector<16xf32>
      %mul3A_1133 = vector.broadcast %squeeze3A_1118 : f32 to vector<16xf32>
      %mul3A_1134 = arith.mulf %neg3A_1132, %mul3A_1133 : vector<16xf32>
      %exp3A_1135 = math.exp %mul3A_1134 : vector<16xf32>
      %swap3A_1136 = arith.index_cast %add3A_1122 : i32 to index
      %swap3A_1137 = tpu.vector_load %arg5[%swap3A_1136] {strides = array<i32>} : memref<10752xf32, #tpu.memory_space<vmem>>, vector<16xf32>,
      tpu.vector_store %arg5[%swap3A_1136], %exp3A_1135 {strides = array<i32>} : memref<10752xf32, #tpu.memory_space<vmem>>, vector<16xf32>,
      %mul3A_1138 = arith.mulf %sub3A_1126, %sub3A_1126 : vector<16xf32>
      %neg3A_1139 = arith.constant 0.000000e+00 : f32
      %neg3A_1140 = vector.broadcast %neg3A_1139 : f32 to vector<16xf32>
      %neg3A_1141 = arith.subf %neg3A_1140, %mul3A_1138 : vector<16xf32>
      %mul3A_1142 = vector.broadcast %squeeze3A_1118 : f32 to vector<16xf32>
      %mul3A_1143 = arith.mulf %neg3A_1141, %mul3A_1142 : vector<16xf32>
      %exp3A_1144 = math.exp %mul3A_1143 : vector<16xf32>
      %add3A_1145 = arith.constant 16 : i32
      %add3A_1146 = arith.addi %add3A_1122, %add3A_1145 : i32
      %swap3A_1147 = arith.index_cast %add3A_1146 : i32 to index
      %swap3A_1148 = tpu.vector_load %arg5[%swap3A_1147] {strides = array<i32>} : memref<10752xf32, #tpu.memory_space<vmem>>, vector<16xf32>,
      tpu.vector_store %arg5[%swap3A_1147], %exp3A_1144 {strides = array<i32>} : memref<10752xf32, #tpu.memory_space<vmem>>, vector<16xf32>,
      %mul3A_1149 = arith.mulf %sub3A_1128, %sub3A_1128 : vector<16xf32>
      %neg3A_1150 = arith.constant 0.000000e+00 : f32
      %neg3A_1151 = vector.broadcast %neg3A_1150 : f32 to vector<16xf32>
      %neg3A_1152 = arith.subf %neg3A_1151, %mul3A_1149 : vector<16xf32>
      %mul3A_1153 = vector.broadcast %squeeze3A_1118 : f32 to vector<16xf32>
      %mul3A_1154 = arith.mulf %neg3A_1152, %mul3A_1153 : vector<16xf32>
      %exp3A_1155 = math.exp %mul3A_1154 : vector<16xf32>
      %add3A_1156 = arith.constant 32 : i32
      %add3A_1157 = arith.addi %add3A_1122, %add3A_1156 : i32
      %swap3A_1158 = arith.index_cast %add3A_1157 : i32 to index
      %swap3A_1159 = tpu.vector_load %arg5[%swap3A_1158] {strides = array<i32>} : memref<10752xf32, #tpu.memory_space<vmem>>, vector<16xf32>,
      tpu.vector_store %arg5[%swap3A_1158], %exp3A_1155 {strides = array<i32>} : memref<10752xf32, #tpu.memory_space<vmem>>, vector<16xf32>,
      %sub3A_1160 = vector.broadcast %squeeze3A_1116 : f32 to vector<16xf32>
      %sub3A_1161 = arith.subf %convert_element_type3A_952, %sub3A_1160 : vector<16xf32>
      %sub3A_1162 = vector.broadcast %squeeze3A_1116 : f32 to vector<16xf32>
      %sub3A_1163 = arith.subf %add3A_955, %sub3A_1162 : vector<16xf32>
      %sub3A_1164 = vector.broadcast %squeeze3A_1116 : f32 to vector<16xf32>
      %sub3A_1165 = arith.subf %add3A_958, %sub3A_1164 : vector<16xf32>
      %mul3A_1166 = arith.mulf %sub3A_1161, %sub3A_1161 : vector<16xf32>
      %neg3A_1167 = arith.constant 0.000000e+00 : f32
      %neg3A_1168 = vector.broadcast %neg3A_1167 : f32 to vector<16xf32>
      %neg3A_1169 = arith.subf %neg3A_1168, %mul3A_1166 : vector<16xf32>
      %mul3A_1170 = vector.broadcast %squeeze3A_1118 : f32 to vector<16xf32>
      %mul3A_1171 = arith.mulf %neg3A_1169, %mul3A_1170 : vector<16xf32>
      %exp3A_1172 = math.exp %mul3A_1171 : vector<16xf32>
      %mul3A_1173 = vector.broadcast %squeeze3A_1120 : f32 to vector<16xf32>
      %mul3A_1174 = arith.mulf %exp3A_1172, %mul3A_1173 : vector<16xf32>
      %swap3A_1175 = arith.index_cast %add3A_1122 : i32 to index
      %swap3A_1176 = tpu.vector_load %arg6[%swap3A_1175] {strides = array<i32>} : memref<10768xf32, #tpu.memory_space<vmem>>, vector<16xf32>,
      tpu.vector_store %arg6[%swap3A_1175], %mul3A_1174 {strides = array<i32>} : memref<10768xf32, #tpu.memory_space<vmem>>, vector<16xf32>,
      %mul3A_1177 = arith.mulf %sub3A_1163, %sub3A_1163 : vector<16xf32>
      %neg3A_1178 = arith.constant 0.000000e+00 : f32
      %neg3A_1179 = vector.broadcast %neg3A_1178 : f32 to vector<16xf32>
      %neg3A_1180 = arith.subf %neg3A_1179, %mul3A_1177 : vector<16xf32>
      %mul3A_1181 = vector.broadcast %squeeze3A_1118 : f32 to vector<16xf32>
      %mul3A_1182 = arith.mulf %neg3A_1180, %mul3A_1181 : vector<16xf32>
      %exp3A_1183 = math.exp %mul3A_1182 : vector<16xf32>
      %mul3A_1184 = vector.broadcast %squeeze3A_1120 : f32 to vector<16xf32>
      %mul3A_1185 = arith.mulf %exp3A_1183, %mul3A_1184 : vector<16xf32>
      %add3A_1186 = arith.constant 16 : i32
      %add3A_1187 = arith.addi %add3A_1122, %add3A_1186 : i32
      %swap3A_1188 = arith.index_cast %add3A_1187 : i32 to index
      %swap3A_1189 = tpu.vector_load %arg6[%swap3A_1188] {strides = array<i32>} : memref<10768xf32, #tpu.memory_space<vmem>>, vector<16xf32>,
      tpu.vector_store %arg6[%swap3A_1188], %mul3A_1185 {strides = array<i32>} : memref<10768xf32, #tpu.memory_space<vmem>>, vector<16xf32>,
      %mul3A_1190 = arith.mulf %sub3A_1165, %sub3A_1165 : vector<16xf32>
      %neg3A_1191 = arith.constant 0.000000e+00 : f32
      %neg3A_1192 = vector.broadcast %neg3A_1191 : f32 to vector<16xf32>
      %neg3A_1193 = arith.subf %neg3A_1192, %mul3A_1190 : vector<16xf32>
      %mul3A_1194 = vector.broadcast %squeeze3A_1118 : f32 to vector<16xf32>
      %mul3A_1195 = arith.mulf %neg3A_1193, %mul3A_1194 : vector<16xf32>
      %exp3A_1196 = math.exp %mul3A_1195 : vector<16xf32>
      %mul3A_1197 = vector.broadcast %squeeze3A_1120 : f32 to vector<16xf32>
      %mul3A_1198 = arith.mulf %exp3A_1196, %mul3A_1197 : vector<16xf32>
      %add3A_1199 = arith.constant 32 : i32
      %add3A_1200 = arith.addi %add3A_1122, %add3A_1199 : i32
      %swap3A_1201 = arith.index_cast %add3A_1200 : i32 to index
      %swap3A_1202 = tpu.vector_load %arg6[%swap3A_1201] {strides = array<i32>} : memref<10768xf32, #tpu.memory_space<vmem>>, vector<16xf32>,
      tpu.vector_store %arg6[%swap3A_1201], %mul3A_1198 {strides = array<i32>} : memref<10768xf32, #tpu.memory_space<vmem>>, vector<16xf32>,
      %slice3A_1203 = vector.extract_strided_slice %get3A_1008 {offsets = [2], sizes = [1], strides = [1]} : vector<16xf32> to vector<1xf32>
      %squeeze3A_1204 = vector.extract %slice3A_1203[0] : f32 from vector<1xf32>
      %slice3A_1205 = vector.extract_strided_slice %get3A_1012 {offsets = [2], sizes = [1], strides = [1]} : vector<16xf32> to vector<1xf32>
      %squeeze3A_1206 = vector.extract %slice3A_1205[0] : f32 from vector<1xf32>
      %slice3A_1207 = vector.extract_strided_slice %get3A_1016 {offsets = [2], sizes = [1], strides = [1]} : vector<16xf32> to vector<1xf32>
      %squeeze3A_1208 = vector.extract %slice3A_1207[0] : f32 from vector<1xf32>
      %slice3A_1209 = vector.extract_strided_slice %get3A_1020 {offsets = [2], sizes = [1], strides = [1]} : vector<16xf32> to vector<1xf32>
      %squeeze3A_1210 = vector.extract %slice3A_1209[0] : f32 from vector<1xf32>
      %add3A_1211 = arith.constant 96 : i32
      %add3A_1212 = arith.addi %mul3A_1024, %add3A_1211 : i32
      %sub3A_1213 = vector.broadcast %squeeze3A_1204 : f32 to vector<16xf32>
      %sub3A_1214 = arith.subf %convert_element_type3A_952, %sub3A_1213 : vector<16xf32>
      %sub3A_1215 = vector.broadcast %squeeze3A_1204 : f32 to vector<16xf32>
      %sub3A_1216 = arith.subf %add3A_955, %sub3A_1215 : vector<16xf32>
      %sub3A_1217 = vector.broadcast %squeeze3A_1204 : f32 to vector<16xf32>
      %sub3A_1218 = arith.subf %add3A_958, %sub3A_1217 : vector<16xf32>
      %mul3A_1219 = arith.mulf %sub3A_1214, %sub3A_1214 : vector<16xf32>
      %neg3A_1220 = arith.constant 0.000000e+00 : f32
      %neg3A_1221 = vector.broadcast %neg3A_1220 : f32 to vector<16xf32>
      %neg3A_1222 = arith.subf %neg3A_1221, %mul3A_1219 : vector<16xf32>
      %mul3A_1223 = vector.broadcast %squeeze3A_1208 : f32 to vector<16xf32>
      %mul3A_1224 = arith.mulf %neg3A_1222, %mul3A_1223 : vector<16xf32>
      %exp3A_1225 = math.exp %mul3A_1224 : vector<16xf32>
      %swap3A_1226 = arith.index_cast %add3A_1212 : i32 to index
      %swap3A_1227 = tpu.vector_load %arg5[%swap3A_1226] {strides = array<i32>} : memref<10752xf32, #tpu.memory_space<vmem>>, vector<16xf32>,
      tpu.vector_store %arg5[%swap3A_1226], %exp3A_1225 {strides = array<i32>} : memref<10752xf32, #tpu.memory_space<vmem>>, vector<16xf32>,
      %mul3A_1228 = arith.mulf %sub3A_1216, %sub3A_1216 : vector<16xf32>
      %neg3A_1229 = arith.constant 0.000000e+00 : f32
      %neg3A_1230 = vector.broadcast %neg3A_1229 : f32 to vector<16xf32>
      %neg3A_1231 = arith.subf %neg3A_1230, %mul3A_1228 : vector<16xf32>
      %mul3A_1232 = vector.broadcast %squeeze3A_1208 : f32 to vector<16xf32>
      %mul3A_1233 = arith.mulf %neg3A_1231, %mul3A_1232 : vector<16xf32>
      %exp3A_1234 = math.exp %mul3A_1233 : vector<16xf32>
      %add3A_1235 = arith.constant 16 : i32
      %add3A_1236 = arith.addi %add3A_1212, %add3A_1235 : i32
      %swap3A_1237 = arith.index_cast %add3A_1236 : i32 to index
      %swap3A_1238 = tpu.vector_load %arg5[%swap3A_1237] {strides = array<i32>} : memref<10752xf32, #tpu.memory_space<vmem>>, vector<16xf32>,
      tpu.vector_store %arg5[%swap3A_1237], %exp3A_1234 {strides = array<i32>} : memref<10752xf32, #tpu.memory_space<vmem>>, vector<16xf32>,
      %mul3A_1239 = arith.mulf %sub3A_1218, %sub3A_1218 : vector<16xf32>
      %neg3A_1240 = arith.constant 0.000000e+00 : f32
      %neg3A_1241 = vector.broadcast %neg3A_1240 : f32 to vector<16xf32>
      %neg3A_1242 = arith.subf %neg3A_1241, %mul3A_1239 : vector<16xf32>
      %mul3A_1243 = vector.broadcast %squeeze3A_1208 : f32 to vector<16xf32>
      %mul3A_1244 = arith.mulf %neg3A_1242, %mul3A_1243 : vector<16xf32>
      %exp3A_1245 = math.exp %mul3A_1244 : vector<16xf32>
      %add3A_1246 = arith.constant 32 : i32
      %add3A_1247 = arith.addi %add3A_1212, %add3A_1246 : i32
      %swap3A_1248 = arith.index_cast %add3A_1247 : i32 to index
      %swap3A_1249 = tpu.vector_load %arg5[%swap3A_1248] {strides = array<i32>} : memref<10752xf32, #tpu.memory_space<vmem>>, vector<16xf32>,
      tpu.vector_store %arg5[%swap3A_1248], %exp3A_1245 {strides = array<i32>} : memref<10752xf32, #tpu.memory_space<vmem>>, vector<16xf32>,
      %sub3A_1250 = vector.broadcast %squeeze3A_1206 : f32 to vector<16xf32>
      %sub3A_1251 = arith.subf %convert_element_type3A_952, %sub3A_1250 : vector<16xf32>
      %sub3A_1252 = vector.broadcast %squeeze3A_1206 : f32 to vector<16xf32>
      %sub3A_1253 = arith.subf %add3A_955, %sub3A_1252 : vector<16xf32>
      %sub3A_1254 = vector.broadcast %squeeze3A_1206 : f32 to vector<16xf32>
      %sub3A_1255 = arith.subf %add3A_958, %sub3A_1254 : vector<16xf32>
      %mul3A_1256 = arith.mulf %sub3A_1251, %sub3A_1251 : vector<16xf32>
      %neg3A_1257 = arith.constant 0.000000e+00 : f32
      %neg3A_1258 = vector.broadcast %neg3A_1257 : f32 to vector<16xf32>
      %neg3A_1259 = arith.subf %neg3A_1258, %mul3A_1256 : vector<16xf32>
      %mul3A_1260 = vector.broadcast %squeeze3A_1208 : f32 to vector<16xf32>
      %mul3A_1261 = arith.mulf %neg3A_1259, %mul3A_1260 : vector<16xf32>
      %exp3A_1262 = math.exp %mul3A_1261 : vector<16xf32>
      %mul3A_1263 = vector.broadcast %squeeze3A_1210 : f32 to vector<16xf32>
      %mul3A_1264 = arith.mulf %exp3A_1262, %mul3A_1263 : vector<16xf32>
      %swap3A_1265 = arith.index_cast %add3A_1212 : i32 to index
      %swap3A_1266 = tpu.vector_load %arg6[%swap3A_1265] {strides = array<i32>} : memref<10768xf32, #tpu.memory_space<vmem>>, vector<16xf32>,
      tpu.vector_store %arg6[%swap3A_1265], %mul3A_1264 {strides = array<i32>} : memref<10768xf32, #tpu.memory_space<vmem>>, vector<16xf32>,
      %mul3A_1267 = arith.mulf %sub3A_1253, %sub3A_1253 : vector<16xf32>
      %neg3A_1268 = arith.constant 0.000000e+00 : f32
      %neg3A_1269 = vector.broadcast %neg3A_1268 : f32 to vector<16xf32>
      %neg3A_1270 = arith.subf %neg3A_1269, %mul3A_1267 : vector<16xf32>
      %mul3A_1271 = vector.broadcast %squeeze3A_1208 : f32 to vector<16xf32>
      %mul3A_1272 = arith.mulf %neg3A_1270, %mul3A_1271 : vector<16xf32>
      %exp3A_1273 = math.exp %mul3A_1272 : vector<16xf32>
      %mul3A_1274 = vector.broadcast %squeeze3A_1210 : f32 to vector<16xf32>
      %mul3A_1275 = arith.mulf %exp3A_1273, %mul3A_1274 : vector<16xf32>
      %add3A_1276 = arith.constant 16 : i32
      %add3A_1277 = arith.addi %add3A_1212, %add3A_1276 : i32
      %swap3A_1278 = arith.index_cast %add3A_1277 : i32 to index
      %swap3A_1279 = tpu.vector_load %arg6[%swap3A_1278] {strides = array<i32>} : memref<10768xf32, #tpu.memory_space<vmem>>, vector<16xf32>,
      tpu.vector_store %arg6[%swap3A_1278], %mul3A_1275 {strides = array<i32>} : memref<10768xf32, #tpu.memory_space<vmem>>, vector<16xf32>,
      %mul3A_1280 = arith.mulf %sub3A_1255, %sub3A_1255 : vector<16xf32>
      %neg3A_1281 = arith.constant 0.000000e+00 : f32
      %neg3A_1282 = vector.broadcast %neg3A_1281 : f32 to vector<16xf32>
      %neg3A_1283 = arith.subf %neg3A_1282, %mul3A_1280 : vector<16xf32>
      %mul3A_1284 = vector.broadcast %squeeze3A_1208 : f32 to vector<16xf32>
      %mul3A_1285 = arith.mulf %neg3A_1283, %mul3A_1284 : vector<16xf32>
      %exp3A_1286 = math.exp %mul3A_1285 : vector<16xf32>
      %mul3A_1287 = vector.broadcast %squeeze3A_1210 : f32 to vector<16xf32>
      %mul3A_1288 = arith.mulf %exp3A_1286, %mul3A_1287 : vector<16xf32>
      %add3A_1289 = arith.constant 32 : i32
      %add3A_1290 = arith.addi %add3A_1212, %add3A_1289 : i32
      %swap3A_1291 = arith.index_cast %add3A_1290 : i32 to index
      %swap3A_1292 = tpu.vector_load %arg6[%swap3A_1291] {strides = array<i32>} : memref<10768xf32, #tpu.memory_space<vmem>>, vector<16xf32>,
      tpu.vector_store %arg6[%swap3A_1291], %mul3A_1288 {strides = array<i32>} : memref<10768xf32, #tpu.memory_space<vmem>>, vector<16xf32>,
      %slice3A_1293 = vector.extract_strided_slice %get3A_1008 {offsets = [3], sizes = [1], strides = [1]} : vector<16xf32> to vector<1xf32>
      %squeeze3A_1294 = vector.extract %slice3A_1293[0] : f32 from vector<1xf32>
      %slice3A_1295 = vector.extract_strided_slice %get3A_1012 {offsets = [3], sizes = [1], strides = [1]} : vector<16xf32> to vector<1xf32>
      %squeeze3A_1296 = vector.extract %slice3A_1295[0] : f32 from vector<1xf32>
      %slice3A_1297 = vector.extract_strided_slice %get3A_1016 {offsets = [3], sizes = [1], strides = [1]} : vector<16xf32> to vector<1xf32>
      %squeeze3A_1298 = vector.extract %slice3A_1297[0] : f32 from vector<1xf32>
      %slice3A_1299 = vector.extract_strided_slice %get3A_1020 {offsets = [3], sizes = [1], strides = [1]} : vector<16xf32> to vector<1xf32>
      %squeeze3A_1300 = vector.extract %slice3A_1299[0] : f32 from vector<1xf32>
      %add3A_1301 = arith.constant 144 : i32
      %add3A_1302 = arith.addi %mul3A_1024, %add3A_1301 : i32
      %sub3A_1303 = vector.broadcast %squeeze3A_1294 : f32 to vector<16xf32>
      %sub3A_1304 = arith.subf %convert_element_type3A_952, %sub3A_1303 : vector<16xf32>
      %sub3A_1305 = vector.broadcast %squeeze3A_1294 : f32 to vector<16xf32>
      %sub3A_1306 = arith.subf %add3A_955, %sub3A_1305 : vector<16xf32>
      %sub3A_1307 = vector.broadcast %squeeze3A_1294 : f32 to vector<16xf32>
      %sub3A_1308 = arith.subf %add3A_958, %sub3A_1307 : vector<16xf32>
      %mul3A_1309 = arith.mulf %sub3A_1304, %sub3A_1304 : vector<16xf32>
      %neg3A_1310 = arith.constant 0.000000e+00 : f32
      %neg3A_1311 = vector.broadcast %neg3A_1310 : f32 to vector<16xf32>
      %neg3A_1312 = arith.subf %neg3A_1311, %mul3A_1309 : vector<16xf32>
      %mul3A_1313 = vector.broadcast %squeeze3A_1298 : f32 to vector<16xf32>
      %mul3A_1314 = arith.mulf %neg3A_1312, %mul3A_1313 : vector<16xf32>
      %exp3A_1315 = math.exp %mul3A_1314 : vector<16xf32>
      %swap3A_1316 = arith.index_cast %add3A_1302 : i32 to index
      %swap3A_1317 = tpu.vector_load %arg5[%swap3A_1316] {strides = array<i32>} : memref<10752xf32, #tpu.memory_space<vmem>>, vector<16xf32>,
      tpu.vector_store %arg5[%swap3A_1316], %exp3A_1315 {strides = array<i32>} : memref<10752xf32, #tpu.memory_space<vmem>>, vector<16xf32>,
      %mul3A_1318 = arith.mulf %sub3A_1306, %sub3A_1306 : vector<16xf32>
      %neg3A_1319 = arith.constant 0.000000e+00 : f32
      %neg3A_1320 = vector.broadcast %neg3A_1319 : f32 to vector<16xf32>
      %neg3A_1321 = arith.subf %neg3A_1320, %mul3A_1318 : vector<16xf32>
      %mul3A_1322 = vector.broadcast %squeeze3A_1298 : f32 to vector<16xf32>
      %mul3A_1323 = arith.mulf %neg3A_1321, %mul3A_1322 : vector<16xf32>
      %exp3A_1324 = math.exp %mul3A_1323 : vector<16xf32>
      %add3A_1325 = arith.constant 16 : i32
      %add3A_1326 = arith.addi %add3A_1302, %add3A_1325 : i32
      %swap3A_1327 = arith.index_cast %add3A_1326 : i32 to index
      %swap3A_1328 = tpu.vector_load %arg5[%swap3A_1327] {strides = array<i32>} : memref<10752xf32, #tpu.memory_space<vmem>>, vector<16xf32>,
      tpu.vector_store %arg5[%swap3A_1327], %exp3A_1324 {strides = array<i32>} : memref<10752xf32, #tpu.memory_space<vmem>>, vector<16xf32>,
      %mul3A_1329 = arith.mulf %sub3A_1308, %sub3A_1308 : vector<16xf32>
      %neg3A_1330 = arith.constant 0.000000e+00 : f32
      %neg3A_1331 = vector.broadcast %neg3A_1330 : f32 to vector<16xf32>
      %neg3A_1332 = arith.subf %neg3A_1331, %mul3A_1329 : vector<16xf32>
      %mul3A_1333 = vector.broadcast %squeeze3A_1298 : f32 to vector<16xf32>
      %mul3A_1334 = arith.mulf %neg3A_1332, %mul3A_1333 : vector<16xf32>
      %exp3A_1335 = math.exp %mul3A_1334 : vector<16xf32>
      %add3A_1336 = arith.constant 32 : i32
      %add3A_1337 = arith.addi %add3A_1302, %add3A_1336 : i32
      %swap3A_1338 = arith.index_cast %add3A_1337 : i32 to index
      %swap3A_1339 = tpu.vector_load %arg5[%swap3A_1338] {strides = array<i32>} : memref<10752xf32, #tpu.memory_space<vmem>>, vector<16xf32>,
      tpu.vector_store %arg5[%swap3A_1338], %exp3A_1335 {strides = array<i32>} : memref<10752xf32, #tpu.memory_space<vmem>>, vector<16xf32>,
      %sub3A_1340 = vector.broadcast %squeeze3A_1296 : f32 to vector<16xf32>
      %sub3A_1341 = arith.subf %convert_element_type3A_952, %sub3A_1340 : vector<16xf32>
      %sub3A_1342 = vector.broadcast %squeeze3A_1296 : f32 to vector<16xf32>
      %sub3A_1343 = arith.subf %add3A_955, %sub3A_1342 : vector<16xf32>
      %sub3A_1344 = vector.broadcast %squeeze3A_1296 : f32 to vector<16xf32>
      %sub3A_1345 = arith.subf %add3A_958, %sub3A_1344 : vector<16xf32>
      %mul3A_1346 = arith.mulf %sub3A_1341, %sub3A_1341 : vector<16xf32>
      %neg3A_1347 = arith.constant 0.000000e+00 : f32
      %neg3A_1348 = vector.broadcast %neg3A_1347 : f32 to vector<16xf32>
      %neg3A_1349 = arith.subf %neg3A_1348, %mul3A_1346 : vector<16xf32>
      %mul3A_1350 = vector.broadcast %squeeze3A_1298 : f32 to vector<16xf32>
      %mul3A_1351 = arith.mulf %neg3A_1349, %mul3A_1350 : vector<16xf32>
      %exp3A_1352 = math.exp %mul3A_1351 : vector<16xf32>
      %mul3A_1353 = vector.broadcast %squeeze3A_1300 : f32 to vector<16xf32>
      %mul3A_1354 = arith.mulf %exp3A_1352, %mul3A_1353 : vector<16xf32>
      %swap3A_1355 = arith.index_cast %add3A_1302 : i32 to index
      %swap3A_1356 = tpu.vector_load %arg6[%swap3A_1355] {strides = array<i32>} : memref<10768xf32, #tpu.memory_space<vmem>>, vector<16xf32>,
      tpu.vector_store %arg6[%swap3A_1355], %mul3A_1354 {strides = array<i32>} : memref<10768xf32, #tpu.memory_space<vmem>>, vector<16xf32>,
      %mul3A_1357 = arith.mulf %sub3A_1343, %sub3A_1343 : vector<16xf32>
      %neg3A_1358 = arith.constant 0.000000e+00 : f32
      %neg3A_1359 = vector.broadcast %neg3A_1358 : f32 to vector<16xf32>
      %neg3A_1360 = arith.subf %neg3A_1359, %mul3A_1357 : vector<16xf32>
      %mul3A_1361 = vector.broadcast %squeeze3A_1298 : f32 to vector<16xf32>
      %mul3A_1362 = arith.mulf %neg3A_1360, %mul3A_1361 : vector<16xf32>
      %exp3A_1363 = math.exp %mul3A_1362 : vector<16xf32>
      %mul3A_1364 = vector.broadcast %squeeze3A_1300 : f32 to vector<16xf32>
      %mul3A_1365 = arith.mulf %exp3A_1363, %mul3A_1364 : vector<16xf32>
      %add3A_1366 = arith.constant 16 : i32
      %add3A_1367 = arith.addi %add3A_1302, %add3A_1366 : i32
      %swap3A_1368 = arith.index_cast %add3A_1367 : i32 to index
      %swap3A_1369 = tpu.vector_load %arg6[%swap3A_1368] {strides = array<i32>} : memref<10768xf32, #tpu.memory_space<vmem>>, vector<16xf32>,
      tpu.vector_store %arg6[%swap3A_1368], %mul3A_1365 {strides = array<i32>} : memref<10768xf32, #tpu.memory_space<vmem>>, vector<16xf32>,
      %mul3A_1370 = arith.mulf %sub3A_1345, %sub3A_1345 : vector<16xf32>
      %neg3A_1371 = arith.constant 0.000000e+00 : f32
      %neg3A_1372 = vector.broadcast %neg3A_1371 : f32 to vector<16xf32>
      %neg3A_1373 = arith.subf %neg3A_1372, %mul3A_1370 : vector<16xf32>
      %mul3A_1374 = vector.broadcast %squeeze3A_1298 : f32 to vector<16xf32>
      %mul3A_1375 = arith.mulf %neg3A_1373, %mul3A_1374 : vector<16xf32>
      %exp3A_1376 = math.exp %mul3A_1375 : vector<16xf32>
      %mul3A_1377 = vector.broadcast %squeeze3A_1300 : f32 to vector<16xf32>
      %mul3A_1378 = arith.mulf %exp3A_1376, %mul3A_1377 : vector<16xf32>
      %add3A_1379 = arith.constant 32 : i32
      %add3A_1380 = arith.addi %add3A_1302, %add3A_1379 : i32
      %swap3A_1381 = arith.index_cast %add3A_1380 : i32 to index
      %swap3A_1382 = tpu.vector_load %arg6[%swap3A_1381] {strides = array<i32>} : memref<10768xf32, #tpu.memory_space<vmem>>, vector<16xf32>,
      tpu.vector_store %arg6[%swap3A_1381], %mul3A_1378 {strides = array<i32>} : memref<10768xf32, #tpu.memory_space<vmem>>, vector<16xf32>,
      %slice3A_1383 = vector.extract_strided_slice %get3A_1008 {offsets = [4], sizes = [1], strides = [1]} : vector<16xf32> to vector<1xf32>
      %squeeze3A_1384 = vector.extract %slice3A_1383[0] : f32 from vector<1xf32>
      %slice3A_1385 = vector.extract_strided_slice %get3A_1012 {offsets = [4], sizes = [1], strides = [1]} : vector<16xf32> to vector<1xf32>
      %squeeze3A_1386 = vector.extract %slice3A_1385[0] : f32 from vector<1xf32>
      %slice3A_1387 = vector.extract_strided_slice %get3A_1016 {offsets = [4], sizes = [1], strides = [1]} : vector<16xf32> to vector<1xf32>
      %squeeze3A_1388 = vector.extract %slice3A_1387[0] : f32 from vector<1xf32>
      %slice3A_1389 = vector.extract_strided_slice %get3A_1020 {offsets = [4], sizes = [1], strides = [1]} : vector<16xf32> to vector<1xf32>
      %squeeze3A_1390 = vector.extract %slice3A_1389[0] : f32 from vector<1xf32>
      %add3A_1391 = arith.constant 192 : i32
      %add3A_1392 = arith.addi %mul3A_1024, %add3A_1391 : i32
      %sub3A_1393 = vector.broadcast %squeeze3A_1384 : f32 to vector<16xf32>
      %sub3A_1394 = arith.subf %convert_element_type3A_952, %sub3A_1393 : vector<16xf32>
      %sub3A_1395 = vector.broadcast %squeeze3A_1384 : f32 to vector<16xf32>
      %sub3A_1396 = arith.subf %add3A_955, %sub3A_1395 : vector<16xf32>
      %sub3A_1397 = vector.broadcast %squeeze3A_1384 : f32 to vector<16xf32>
      %sub3A_1398 = arith.subf %add3A_958, %sub3A_1397 : vector<16xf32>
      %mul3A_1399 = arith.mulf %sub3A_1394, %sub3A_1394 : vector<16xf32>
      %neg3A_1400 = arith.constant 0.000000e+00 : f32
      %neg3A_1401 = vector.broadcast %neg3A_1400 : f32 to vector<16xf32>
      %neg3A_1402 = arith.subf %neg3A_1401, %mul3A_1399 : vector<16xf32>
      %mul3A_1403 = vector.broadcast %squeeze3A_1388 : f32 to vector<16xf32>
      %mul3A_1404 = arith.mulf %neg3A_1402, %mul3A_1403 : vector<16xf32>
      %exp3A_1405 = math.exp %mul3A_1404 : vector<16xf32>
      %swap3A_1406 = arith.index_cast %add3A_1392 : i32 to index
      %swap3A_1407 = tpu.vector_load %arg5[%swap3A_1406] {strides = array<i32>} : memref<10752xf32, #tpu.memory_space<vmem>>, vector<16xf32>,
      tpu.vector_store %arg5[%swap3A_1406], %exp3A_1405 {strides = array<i32>} : memref<10752xf32, #tpu.memory_space<vmem>>, vector<16xf32>,
      %mul3A_1408 = arith.mulf %sub3A_1396, %sub3A_1396 : vector<16xf32>
      %neg3A_1409 = arith.constant 0.000000e+00 : f32
      %neg3A_1410 = vector.broadcast %neg3A_1409 : f32 to vector<16xf32>
      %neg3A_1411 = arith.subf %neg3A_1410, %mul3A_1408 : vector<16xf32>
      %mul3A_1412 = vector.broadcast %squeeze3A_1388 : f32 to vector<16xf32>
      %mul3A_1413 = arith.mulf %neg3A_1411, %mul3A_1412 : vector<16xf32>
      %exp3A_1414 = math.exp %mul3A_1413 : vector<16xf32>
      %add3A_1415 = arith.constant 16 : i32
      %add3A_1416 = arith.addi %add3A_1392, %add3A_1415 : i32
      %swap3A_1417 = arith.index_cast %add3A_1416 : i32 to index
      %swap3A_1418 = tpu.vector_load %arg5[%swap3A_1417] {strides = array<i32>} : memref<10752xf32, #tpu.memory_space<vmem>>, vector<16xf32>,
      tpu.vector_store %arg5[%swap3A_1417], %exp3A_1414 {strides = array<i32>} : memref<10752xf32, #tpu.memory_space<vmem>>, vector<16xf32>,
      %mul3A_1419 = arith.mulf %sub3A_1398, %sub3A_1398 : vector<16xf32>
      %neg3A_1420 = arith.constant 0.000000e+00 : f32
      %neg3A_1421 = vector.broadcast %neg3A_1420 : f32 to vector<16xf32>
      %neg3A_1422 = arith.subf %neg3A_1421, %mul3A_1419 : vector<16xf32>
      %mul3A_1423 = vector.broadcast %squeeze3A_1388 : f32 to vector<16xf32>
      %mul3A_1424 = arith.mulf %neg3A_1422, %mul3A_1423 : vector<16xf32>
      %exp3A_1425 = math.exp %mul3A_1424 : vector<16xf32>
      %add3A_1426 = arith.constant 32 : i32
      %add3A_1427 = arith.addi %add3A_1392, %add3A_1426 : i32
      %swap3A_1428 = arith.index_cast %add3A_1427 : i32 to index
      %swap3A_1429 = tpu.vector_load %arg5[%swap3A_1428] {strides = array<i32>} : memref<10752xf32, #tpu.memory_space<vmem>>, vector<16xf32>,
      tpu.vector_store %arg5[%swap3A_1428], %exp3A_1425 {strides = array<i32>} : memref<10752xf32, #tpu.memory_space<vmem>>, vector<16xf32>,
      %sub3A_1430 = vector.broadcast %squeeze3A_1386 : f32 to vector<16xf32>
      %sub3A_1431 = arith.subf %convert_element_type3A_952, %sub3A_1430 : vector<16xf32>
      %sub3A_1432 = vector.broadcast %squeeze3A_1386 : f32 to vector<16xf32>
      %sub3A_1433 = arith.subf %add3A_955, %sub3A_1432 : vector<16xf32>
      %sub3A_1434 = vector.broadcast %squeeze3A_1386 : f32 to vector<16xf32>
      %sub3A_1435 = arith.subf %add3A_958, %sub3A_1434 : vector<16xf32>
      %mul3A_1436 = arith.mulf %sub3A_1431, %sub3A_1431 : vector<16xf32>
      %neg3A_1437 = arith.constant 0.000000e+00 : f32
      %neg3A_1438 = vector.broadcast %neg3A_1437 : f32 to vector<16xf32>
      %neg3A_1439 = arith.subf %neg3A_1438, %mul3A_1436 : vector<16xf32>
      %mul3A_1440 = vector.broadcast %squeeze3A_1388 : f32 to vector<16xf32>
      %mul3A_1441 = arith.mulf %neg3A_1439, %mul3A_1440 : vector<16xf32>
      %exp3A_1442 = math.exp %mul3A_1441 : vector<16xf32>
      %mul3A_1443 = vector.broadcast %squeeze3A_1390 : f32 to vector<16xf32>
      %mul3A_1444 = arith.mulf %exp3A_1442, %mul3A_1443 : vector<16xf32>
      %swap3A_1445 = arith.index_cast %add3A_1392 : i32 to index
      %swap3A_1446 = tpu.vector_load %arg6[%swap3A_1445] {strides = array<i32>} : memref<10768xf32, #tpu.memory_space<vmem>>, vector<16xf32>,
      tpu.vector_store %arg6[%swap3A_1445], %mul3A_1444 {strides = array<i32>} : memref<10768xf32, #tpu.memory_space<vmem>>, vector<16xf32>,
      %mul3A_1447 = arith.mulf %sub3A_1433, %sub3A_1433 : vector<16xf32>
      %neg3A_1448 = arith.constant 0.000000e+00 : f32
      %neg3A_1449 = vector.broadcast %neg3A_1448 : f32 to vector<16xf32>
      %neg3A_1450 = arith.subf %neg3A_1449, %mul3A_1447 : vector<16xf32>
      %mul3A_1451 = vector.broadcast %squeeze3A_1388 : f32 to vector<16xf32>
      %mul3A_1452 = arith.mulf %neg3A_1450, %mul3A_1451 : vector<16xf32>
      %exp3A_1453 = math.exp %mul3A_1452 : vector<16xf32>
      %mul3A_1454 = vector.broadcast %squeeze3A_1390 : f32 to vector<16xf32>
      %mul3A_1455 = arith.mulf %exp3A_1453, %mul3A_1454 : vector<16xf32>
      %add3A_1456 = arith.constant 16 : i32
      %add3A_1457 = arith.addi %add3A_1392, %add3A_1456 : i32
      %swap3A_1458 = arith.index_cast %add3A_1457 : i32 to index
      %swap3A_1459 = tpu.vector_load %arg6[%swap3A_1458] {strides = array<i32>} : memref<10768xf32, #tpu.memory_space<vmem>>, vector<16xf32>,
      tpu.vector_store %arg6[%swap3A_1458], %mul3A_1455 {strides = array<i32>} : memref<10768xf32, #tpu.memory_space<vmem>>, vector<16xf32>,
      %mul3A_1460 = arith.mulf %sub3A_1435, %sub3A_1435 : vector<16xf32>
      %neg3A_1461 = arith.constant 0.000000e+00 : f32
      %neg3A_1462 = vector.broadcast %neg3A_1461 : f32 to vector<16xf32>
      %neg3A_1463 = arith.subf %neg3A_1462, %mul3A_1460 : vector<16xf32>
      %mul3A_1464 = vector.broadcast %squeeze3A_1388 : f32 to vector<16xf32>
      %mul3A_1465 = arith.mulf %neg3A_1463, %mul3A_1464 : vector<16xf32>
      %exp3A_1466 = math.exp %mul3A_1465 : vector<16xf32>
      %mul3A_1467 = vector.broadcast %squeeze3A_1390 : f32 to vector<16xf32>
      %mul3A_1468 = arith.mulf %exp3A_1466, %mul3A_1467 : vector<16xf32>
      %add3A_1469 = arith.constant 32 : i32
      %add3A_1470 = arith.addi %add3A_1392, %add3A_1469 : i32
      %swap3A_1471 = arith.index_cast %add3A_1470 : i32 to index
      %swap3A_1472 = tpu.vector_load %arg6[%swap3A_1471] {strides = array<i32>} : memref<10768xf32, #tpu.memory_space<vmem>>, vector<16xf32>,
      tpu.vector_store %arg6[%swap3A_1471], %mul3A_1468 {strides = array<i32>} : memref<10768xf32, #tpu.memory_space<vmem>>, vector<16xf32>,
      %slice3A_1473 = vector.extract_strided_slice %get3A_1008 {offsets = [5], sizes = [1], strides = [1]} : vector<16xf32> to vector<1xf32>
      %squeeze3A_1474 = vector.extract %slice3A_1473[0] : f32 from vector<1xf32>
      %slice3A_1475 = vector.extract_strided_slice %get3A_1012 {offsets = [5], sizes = [1], strides = [1]} : vector<16xf32> to vector<1xf32>
      %squeeze3A_1476 = vector.extract %slice3A_1475[0] : f32 from vector<1xf32>
      %slice3A_1477 = vector.extract_strided_slice %get3A_1016 {offsets = [5], sizes = [1], strides = [1]} : vector<16xf32> to vector<1xf32>
      %squeeze3A_1478 = vector.extract %slice3A_1477[0] : f32 from vector<1xf32>
      %slice3A_1479 = vector.extract_strided_slice %get3A_1020 {offsets = [5], sizes = [1], strides = [1]} : vector<16xf32> to vector<1xf32>
      %squeeze3A_1480 = vector.extract %slice3A_1479[0] : f32 from vector<1xf32>
      %add3A_1481 = arith.constant 240 : i32
      %add3A_1482 = arith.addi %mul3A_1024, %add3A_1481 : i32
      %sub3A_1483 = vector.broadcast %squeeze3A_1474 : f32 to vector<16xf32>
      %sub3A_1484 = arith.subf %convert_element_type3A_952, %sub3A_1483 : vector<16xf32>
      %sub3A_1485 = vector.broadcast %squeeze3A_1474 : f32 to vector<16xf32>
      %sub3A_1486 = arith.subf %add3A_955, %sub3A_1485 : vector<16xf32>
      %sub3A_1487 = vector.broadcast %squeeze3A_1474 : f32 to vector<16xf32>
      %sub3A_1488 = arith.subf %add3A_958, %sub3A_1487 : vector<16xf32>
      %mul3A_1489 = arith.mulf %sub3A_1484, %sub3A_1484 : vector<16xf32>
      %neg3A_1490 = arith.constant 0.000000e+00 : f32
      %neg3A_1491 = vector.broadcast %neg3A_1490 : f32 to vector<16xf32>
      %neg3A_1492 = arith.subf %neg3A_1491, %mul3A_1489 : vector<16xf32>
      %mul3A_1493 = vector.broadcast %squeeze3A_1478 : f32 to vector<16xf32>
      %mul3A_1494 = arith.mulf %neg3A_1492, %mul3A_1493 : vector<16xf32>
      %exp3A_1495 = math.exp %mul3A_1494 : vector<16xf32>
      %swap3A_1496 = arith.index_cast %add3A_1482 : i32 to index
      %swap3A_1497 = tpu.vector_load %arg5[%swap3A_1496] {strides = array<i32>} : memref<10752xf32, #tpu.memory_space<vmem>>, vector<16xf32>,
      tpu.vector_store %arg5[%swap3A_1496], %exp3A_1495 {strides = array<i32>} : memref<10752xf32, #tpu.memory_space<vmem>>, vector<16xf32>,
      %mul3A_1498 = arith.mulf %sub3A_1486, %sub3A_1486 : vector<16xf32>
      %neg3A_1499 = arith.constant 0.000000e+00 : f32
      %neg3A_1500 = vector.broadcast %neg3A_1499 : f32 to vector<16xf32>
      %neg3A_1501 = arith.subf %neg3A_1500, %mul3A_1498 : vector<16xf32>
      %mul3A_1502 = vector.broadcast %squeeze3A_1478 : f32 to vector<16xf32>
      %mul3A_1503 = arith.mulf %neg3A_1501, %mul3A_1502 : vector<16xf32>
      %exp3A_1504 = math.exp %mul3A_1503 : vector<16xf32>
      %add3A_1505 = arith.constant 16 : i32
      %add3A_1506 = arith.addi %add3A_1482, %add3A_1505 : i32
      %swap3A_1507 = arith.index_cast %add3A_1506 : i32 to index
      %swap3A_1508 = tpu.vector_load %arg5[%swap3A_1507] {strides = array<i32>} : memref<10752xf32, #tpu.memory_space<vmem>>, vector<16xf32>,
      tpu.vector_store %arg5[%swap3A_1507], %exp3A_1504 {strides = array<i32>} : memref<10752xf32, #tpu.memory_space<vmem>>, vector<16xf32>,
      %mul3A_1509 = arith.mulf %sub3A_1488, %sub3A_1488 : vector<16xf32>
      %neg3A_1510 = arith.constant 0.000000e+00 : f32
      %neg3A_1511 = vector.broadcast %neg3A_1510 : f32 to vector<16xf32>
      %neg3A_1512 = arith.subf %neg3A_1511, %mul3A_1509 : vector<16xf32>
      %mul3A_1513 = vector.broadcast %squeeze3A_1478 : f32 to vector<16xf32>
      %mul3A_1514 = arith.mulf %neg3A_1512, %mul3A_1513 : vector<16xf32>
      %exp3A_1515 = math.exp %mul3A_1514 : vector<16xf32>
      %add3A_1516 = arith.constant 32 : i32
      %add3A_1517 = arith.addi %add3A_1482, %add3A_1516 : i32
      %swap3A_1518 = arith.index_cast %add3A_1517 : i32 to index
      %swap3A_1519 = tpu.vector_load %arg5[%swap3A_1518] {strides = array<i32>} : memref<10752xf32, #tpu.memory_space<vmem>>, vector<16xf32>,
      tpu.vector_store %arg5[%swap3A_1518], %exp3A_1515 {strides = array<i32>} : memref<10752xf32, #tpu.memory_space<vmem>>, vector<16xf32>,
      %sub3A_1520 = vector.broadcast %squeeze3A_1476 : f32 to vector<16xf32>
      %sub3A_1521 = arith.subf %convert_element_type3A_952, %sub3A_1520 : vector<16xf32>
      %sub3A_1522 = vector.broadcast %squeeze3A_1476 : f32 to vector<16xf32>
      %sub3A_1523 = arith.subf %add3A_955, %sub3A_1522 : vector<16xf32>
      %sub3A_1524 = vector.broadcast %squeeze3A_1476 : f32 to vector<16xf32>
      %sub3A_1525 = arith.subf %add3A_958, %sub3A_1524 : vector<16xf32>
      %mul3A_1526 = arith.mulf %sub3A_1521, %sub3A_1521 : vector<16xf32>
      %neg3A_1527 = arith.constant 0.000000e+00 : f32
      %neg3A_1528 = vector.broadcast %neg3A_1527 : f32 to vector<16xf32>
      %neg3A_1529 = arith.subf %neg3A_1528, %mul3A_1526 : vector<16xf32>
      %mul3A_1530 = vector.broadcast %squeeze3A_1478 : f32 to vector<16xf32>
      %mul3A_1531 = arith.mulf %neg3A_1529, %mul3A_1530 : vector<16xf32>
      %exp3A_1532 = math.exp %mul3A_1531 : vector<16xf32>
      %mul3A_1533 = vector.broadcast %squeeze3A_1480 : f32 to vector<16xf32>
      %mul3A_1534 = arith.mulf %exp3A_1532, %mul3A_1533 : vector<16xf32>
      %swap3A_1535 = arith.index_cast %add3A_1482 : i32 to index
      %swap3A_1536 = tpu.vector_load %arg6[%swap3A_1535] {strides = array<i32>} : memref<10768xf32, #tpu.memory_space<vmem>>, vector<16xf32>,
      tpu.vector_store %arg6[%swap3A_1535], %mul3A_1534 {strides = array<i32>} : memref<10768xf32, #tpu.memory_space<vmem>>, vector<16xf32>,
      %mul3A_1537 = arith.mulf %sub3A_1523, %sub3A_1523 : vector<16xf32>
      %neg3A_1538 = arith.constant 0.000000e+00 : f32
      %neg3A_1539 = vector.broadcast %neg3A_1538 : f32 to vector<16xf32>
      %neg3A_1540 = arith.subf %neg3A_1539, %mul3A_1537 : vector<16xf32>
      %mul3A_1541 = vector.broadcast %squeeze3A_1478 : f32 to vector<16xf32>
      %mul3A_1542 = arith.mulf %neg3A_1540, %mul3A_1541 : vector<16xf32>
      %exp3A_1543 = math.exp %mul3A_1542 : vector<16xf32>
      %mul3A_1544 = vector.broadcast %squeeze3A_1480 : f32 to vector<16xf32>
      %mul3A_1545 = arith.mulf %exp3A_1543, %mul3A_1544 : vector<16xf32>
      %add3A_1546 = arith.constant 16 : i32
      %add3A_1547 = arith.addi %add3A_1482, %add3A_1546 : i32
      %swap3A_1548 = arith.index_cast %add3A_1547 : i32 to index
      %swap3A_1549 = tpu.vector_load %arg6[%swap3A_1548] {strides = array<i32>} : memref<10768xf32, #tpu.memory_space<vmem>>, vector<16xf32>,
      tpu.vector_store %arg6[%swap3A_1548], %mul3A_1545 {strides = array<i32>} : memref<10768xf32, #tpu.memory_space<vmem>>, vector<16xf32>,
      %mul3A_1550 = arith.mulf %sub3A_1525, %sub3A_1525 : vector<16xf32>
      %neg3A_1551 = arith.constant 0.000000e+00 : f32
      %neg3A_1552 = vector.broadcast %neg3A_1551 : f32 to vector<16xf32>
      %neg3A_1553 = arith.subf %neg3A_1552, %mul3A_1550 : vector<16xf32>
      %mul3A_1554 = vector.broadcast %squeeze3A_1478 : f32 to vector<16xf32>
      %mul3A_1555 = arith.mulf %neg3A_1553, %mul3A_1554 : vector<16xf32>
      %exp3A_1556 = math.exp %mul3A_1555 : vector<16xf32>
      %mul3A_1557 = vector.broadcast %squeeze3A_1480 : f32 to vector<16xf32>
      %mul3A_1558 = arith.mulf %exp3A_1556, %mul3A_1557 : vector<16xf32>
      %add3A_1559 = arith.constant 32 : i32
      %add3A_1560 = arith.addi %add3A_1482, %add3A_1559 : i32
      %swap3A_1561 = arith.index_cast %add3A_1560 : i32 to index
      %swap3A_1562 = tpu.vector_load %arg6[%swap3A_1561] {strides = array<i32>} : memref<10768xf32, #tpu.memory_space<vmem>>, vector<16xf32>,
      tpu.vector_store %arg6[%swap3A_1561], %mul3A_1558 {strides = array<i32>} : memref<10768xf32, #tpu.memory_space<vmem>>, vector<16xf32>,
      %slice3A_1563 = vector.extract_strided_slice %get3A_1008 {offsets = [6], sizes = [1], strides = [1]} : vector<16xf32> to vector<1xf32>
      %squeeze3A_1564 = vector.extract %slice3A_1563[0] : f32 from vector<1xf32>
      %slice3A_1565 = vector.extract_strided_slice %get3A_1012 {offsets = [6], sizes = [1], strides = [1]} : vector<16xf32> to vector<1xf32>
      %squeeze3A_1566 = vector.extract %slice3A_1565[0] : f32 from vector<1xf32>
      %slice3A_1567 = vector.extract_strided_slice %get3A_1016 {offsets = [6], sizes = [1], strides = [1]} : vector<16xf32> to vector<1xf32>
      %squeeze3A_1568 = vector.extract %slice3A_1567[0] : f32 from vector<1xf32>
      %slice3A_1569 = vector.extract_strided_slice %get3A_1020 {offsets = [6], sizes = [1], strides = [1]} : vector<16xf32> to vector<1xf32>
      %squeeze3A_1570 = vector.extract %slice3A_1569[0] : f32 from vector<1xf32>
      %add3A_1571 = arith.constant 288 : i32
      %add3A_1572 = arith.addi %mul3A_1024, %add3A_1571 : i32
      %sub3A_1573 = vector.broadcast %squeeze3A_1564 : f32 to vector<16xf32>
      %sub3A_1574 = arith.subf %convert_element_type3A_952, %sub3A_1573 : vector<16xf32>
      %sub3A_1575 = vector.broadcast %squeeze3A_1564 : f32 to vector<16xf32>
      %sub3A_1576 = arith.subf %add3A_955, %sub3A_1575 : vector<16xf32>
      %sub3A_1577 = vector.broadcast %squeeze3A_1564 : f32 to vector<16xf32>
      %sub3A_1578 = arith.subf %add3A_958, %sub3A_1577 : vector<16xf32>
      %mul3A_1579 = arith.mulf %sub3A_1574, %sub3A_1574 : vector<16xf32>
      %neg3A_1580 = arith.constant 0.000000e+00 : f32
      %neg3A_1581 = vector.broadcast %neg3A_1580 : f32 to vector<16xf32>
      %neg3A_1582 = arith.subf %neg3A_1581, %mul3A_1579 : vector<16xf32>
      %mul3A_1583 = vector.broadcast %squeeze3A_1568 : f32 to vector<16xf32>
      %mul3A_1584 = arith.mulf %neg3A_1582, %mul3A_1583 : vector<16xf32>
      %exp3A_1585 = math.exp %mul3A_1584 : vector<16xf32>
      %swap3A_1586 = arith.index_cast %add3A_1572 : i32 to index
      %swap3A_1587 = tpu.vector_load %arg5[%swap3A_1586] {strides = array<i32>} : memref<10752xf32, #tpu.memory_space<vmem>>, vector<16xf32>,
      tpu.vector_store %arg5[%swap3A_1586], %exp3A_1585 {strides = array<i32>} : memref<10752xf32, #tpu.memory_space<vmem>>, vector<16xf32>,
      %mul3A_1588 = arith.mulf %sub3A_1576, %sub3A_1576 : vector<16xf32>
      %neg3A_1589 = arith.constant 0.000000e+00 : f32
      %neg3A_1590 = vector.broadcast %neg3A_1589 : f32 to vector<16xf32>
      %neg3A_1591 = arith.subf %neg3A_1590, %mul3A_1588 : vector<16xf32>
      %mul3A_1592 = vector.broadcast %squeeze3A_1568 : f32 to vector<16xf32>
      %mul3A_1593 = arith.mulf %neg3A_1591, %mul3A_1592 : vector<16xf32>
      %exp3A_1594 = math.exp %mul3A_1593 : vector<16xf32>
      %add3A_1595 = arith.constant 16 : i32
      %add3A_1596 = arith.addi %add3A_1572, %add3A_1595 : i32
      %swap3A_1597 = arith.index_cast %add3A_1596 : i32 to index
      %swap3A_1598 = tpu.vector_load %arg5[%swap3A_1597] {strides = array<i32>} : memref<10752xf32, #tpu.memory_space<vmem>>, vector<16xf32>,
      tpu.vector_store %arg5[%swap3A_1597], %exp3A_1594 {strides = array<i32>} : memref<10752xf32, #tpu.memory_space<vmem>>, vector<16xf32>,
      %mul3A_1599 = arith.mulf %sub3A_1578, %sub3A_1578 : vector<16xf32>
      %neg3A_1600 = arith.constant 0.000000e+00 : f32
      %neg3A_1601 = vector.broadcast %neg3A_1600 : f32 to vector<16xf32>
      %neg3A_1602 = arith.subf %neg3A_1601, %mul3A_1599 : vector<16xf32>
      %mul3A_1603 = vector.broadcast %squeeze3A_1568 : f32 to vector<16xf32>
      %mul3A_1604 = arith.mulf %neg3A_1602, %mul3A_1603 : vector<16xf32>
      %exp3A_1605 = math.exp %mul3A_1604 : vector<16xf32>
      %add3A_1606 = arith.constant 32 : i32
      %add3A_1607 = arith.addi %add3A_1572, %add3A_1606 : i32
      %swap3A_1608 = arith.index_cast %add3A_1607 : i32 to index
      %swap3A_1609 = tpu.vector_load %arg5[%swap3A_1608] {strides = array<i32>} : memref<10752xf32, #tpu.memory_space<vmem>>, vector<16xf32>,
      tpu.vector_store %arg5[%swap3A_1608], %exp3A_1605 {strides = array<i32>} : memref<10752xf32, #tpu.memory_space<vmem>>, vector<16xf32>,
      %sub3A_1610 = vector.broadcast %squeeze3A_1566 : f32 to vector<16xf32>
      %sub3A_1611 = arith.subf %convert_element_type3A_952, %sub3A_1610 : vector<16xf32>
      %sub3A_1612 = vector.broadcast %squeeze3A_1566 : f32 to vector<16xf32>
      %sub3A_1613 = arith.subf %add3A_955, %sub3A_1612 : vector<16xf32>
      %sub3A_1614 = vector.broadcast %squeeze3A_1566 : f32 to vector<16xf32>
      %sub3A_1615 = arith.subf %add3A_958, %sub3A_1614 : vector<16xf32>
      %mul3A_1616 = arith.mulf %sub3A_1611, %sub3A_1611 : vector<16xf32>
      %neg3A_1617 = arith.constant 0.000000e+00 : f32
      %neg3A_1618 = vector.broadcast %neg3A_1617 : f32 to vector<16xf32>
      %neg3A_1619 = arith.subf %neg3A_1618, %mul3A_1616 : vector<16xf32>
      %mul3A_1620 = vector.broadcast %squeeze3A_1568 : f32 to vector<16xf32>
      %mul3A_1621 = arith.mulf %neg3A_1619, %mul3A_1620 : vector<16xf32>
      %exp3A_1622 = math.exp %mul3A_1621 : vector<16xf32>
      %mul3A_1623 = vector.broadcast %squeeze3A_1570 : f32 to vector<16xf32>
      %mul3A_1624 = arith.mulf %exp3A_1622, %mul3A_1623 : vector<16xf32>
      %swap3A_1625 = arith.index_cast %add3A_1572 : i32 to index
      %swap3A_1626 = tpu.vector_load %arg6[%swap3A_1625] {strides = array<i32>} : memref<10768xf32, #tpu.memory_space<vmem>>, vector<16xf32>,
      tpu.vector_store %arg6[%swap3A_1625], %mul3A_1624 {strides = array<i32>} : memref<10768xf32, #tpu.memory_space<vmem>>, vector<16xf32>,
      %mul3A_1627 = arith.mulf %sub3A_1613, %sub3A_1613 : vector<16xf32>
      %neg3A_1628 = arith.constant 0.000000e+00 : f32
      %neg3A_1629 = vector.broadcast %neg3A_1628 : f32 to vector<16xf32>
      %neg3A_1630 = arith.subf %neg3A_1629, %mul3A_1627 : vector<16xf32>
      %mul3A_1631 = vector.broadcast %squeeze3A_1568 : f32 to vector<16xf32>
      %mul3A_1632 = arith.mulf %neg3A_1630, %mul3A_1631 : vector<16xf32>
      %exp3A_1633 = math.exp %mul3A_1632 : vector<16xf32>
      %mul3A_1634 = vector.broadcast %squeeze3A_1570 : f32 to vector<16xf32>
      %mul3A_1635 = arith.mulf %exp3A_1633, %mul3A_1634 : vector<16xf32>
      %add3A_1636 = arith.constant 16 : i32
      %add3A_1637 = arith.addi %add3A_1572, %add3A_1636 : i32
      %swap3A_1638 = arith.index_cast %add3A_1637 : i32 to index
      %swap3A_1639 = tpu.vector_load %arg6[%swap3A_1638] {strides = array<i32>} : memref<10768xf32, #tpu.memory_space<vmem>>, vector<16xf32>,
      tpu.vector_store %arg6[%swap3A_1638], %mul3A_1635 {strides = array<i32>} : memref<10768xf32, #tpu.memory_space<vmem>>, vector<16xf32>,
      %mul3A_1640 = arith.mulf %sub3A_1615, %sub3A_1615 : vector<16xf32>
      %neg3A_1641 = arith.constant 0.000000e+00 : f32
      %neg3A_1642 = vector.broadcast %neg3A_1641 : f32 to vector<16xf32>
      %neg3A_1643 = arith.subf %neg3A_1642, %mul3A_1640 : vector<16xf32>
      %mul3A_1644 = vector.broadcast %squeeze3A_1568 : f32 to vector<16xf32>
      %mul3A_1645 = arith.mulf %neg3A_1643, %mul3A_1644 : vector<16xf32>
      %exp3A_1646 = math.exp %mul3A_1645 : vector<16xf32>
      %mul3A_1647 = vector.broadcast %squeeze3A_1570 : f32 to vector<16xf32>
      %mul3A_1648 = arith.mulf %exp3A_1646, %mul3A_1647 : vector<16xf32>
      %add3A_1649 = arith.constant 32 : i32
      %add3A_1650 = arith.addi %add3A_1572, %add3A_1649 : i32
      %swap3A_1651 = arith.index_cast %add3A_1650 : i32 to index
      %swap3A_1652 = tpu.vector_load %arg6[%swap3A_1651] {strides = array<i32>} : memref<10768xf32, #tpu.memory_space<vmem>>, vector<16xf32>,
      tpu.vector_store %arg6[%swap3A_1651], %mul3A_1648 {strides = array<i32>} : memref<10768xf32, #tpu.memory_space<vmem>>, vector<16xf32>,
      %slice3A_1653 = vector.extract_strided_slice %get3A_1008 {offsets = [7], sizes = [1], strides = [1]} : vector<16xf32> to vector<1xf32>
      %squeeze3A_1654 = vector.extract %slice3A_1653[0] : f32 from vector<1xf32>
      %slice3A_1655 = vector.extract_strided_slice %get3A_1012 {offsets = [7], sizes = [1], strides = [1]} : vector<16xf32> to vector<1xf32>
      %squeeze3A_1656 = vector.extract %slice3A_1655[0] : f32 from vector<1xf32>
      %slice3A_1657 = vector.extract_strided_slice %get3A_1016 {offsets = [7], sizes = [1], strides = [1]} : vector<16xf32> to vector<1xf32>
      %squeeze3A_1658 = vector.extract %slice3A_1657[0] : f32 from vector<1xf32>
      %slice3A_1659 = vector.extract_strided_slice %get3A_1020 {offsets = [7], sizes = [1], strides = [1]} : vector<16xf32> to vector<1xf32>
      %squeeze3A_1660 = vector.extract %slice3A_1659[0] : f32 from vector<1xf32>
      %add3A_1661 = arith.constant 336 : i32
      %add3A_1662 = arith.addi %mul3A_1024, %add3A_1661 : i32
      %sub3A_1663 = vector.broadcast %squeeze3A_1654 : f32 to vector<16xf32>
      %sub3A_1664 = arith.subf %convert_element_type3A_952, %sub3A_1663 : vector<16xf32>
      %sub3A_1665 = vector.broadcast %squeeze3A_1654 : f32 to vector<16xf32>
      %sub3A_1666 = arith.subf %add3A_955, %sub3A_1665 : vector<16xf32>
      %sub3A_1667 = vector.broadcast %squeeze3A_1654 : f32 to vector<16xf32>
      %sub3A_1668 = arith.subf %add3A_958, %sub3A_1667 : vector<16xf32>
      %mul3A_1669 = arith.mulf %sub3A_1664, %sub3A_1664 : vector<16xf32>
      %neg3A_1670 = arith.constant 0.000000e+00 : f32
      %neg3A_1671 = vector.broadcast %neg3A_1670 : f32 to vector<16xf32>
      %neg3A_1672 = arith.subf %neg3A_1671, %mul3A_1669 : vector<16xf32>
      %mul3A_1673 = vector.broadcast %squeeze3A_1658 : f32 to vector<16xf32>
      %mul3A_1674 = arith.mulf %neg3A_1672, %mul3A_1673 : vector<16xf32>
      %exp3A_1675 = math.exp %mul3A_1674 : vector<16xf32>
      %swap3A_1676 = arith.index_cast %add3A_1662 : i32 to index
      %swap3A_1677 = tpu.vector_load %arg5[%swap3A_1676] {strides = array<i32>} : memref<10752xf32, #tpu.memory_space<vmem>>, vector<16xf32>,
      tpu.vector_store %arg5[%swap3A_1676], %exp3A_1675 {strides = array<i32>} : memref<10752xf32, #tpu.memory_space<vmem>>, vector<16xf32>,
      %mul3A_1678 = arith.mulf %sub3A_1666, %sub3A_1666 : vector<16xf32>
      %neg3A_1679 = arith.constant 0.000000e+00 : f32
      %neg3A_1680 = vector.broadcast %neg3A_1679 : f32 to vector<16xf32>
      %neg3A_1681 = arith.subf %neg3A_1680, %mul3A_1678 : vector<16xf32>
      %mul3A_1682 = vector.broadcast %squeeze3A_1658 : f32 to vector<16xf32>
      %mul3A_1683 = arith.mulf %neg3A_1681, %mul3A_1682 : vector<16xf32>
      %exp3A_1684 = math.exp %mul3A_1683 : vector<16xf32>
      %add3A_1685 = arith.constant 16 : i32
      %add3A_1686 = arith.addi %add3A_1662, %add3A_1685 : i32
      %swap3A_1687 = arith.index_cast %add3A_1686 : i32 to index
      %swap3A_1688 = tpu.vector_load %arg5[%swap3A_1687] {strides = array<i32>} : memref<10752xf32, #tpu.memory_space<vmem>>, vector<16xf32>,
      tpu.vector_store %arg5[%swap3A_1687], %exp3A_1684 {strides = array<i32>} : memref<10752xf32, #tpu.memory_space<vmem>>, vector<16xf32>,
      %mul3A_1689 = arith.mulf %sub3A_1668, %sub3A_1668 : vector<16xf32>
      %neg3A_1690 = arith.constant 0.000000e+00 : f32
      %neg3A_1691 = vector.broadcast %neg3A_1690 : f32 to vector<16xf32>
      %neg3A_1692 = arith.subf %neg3A_1691, %mul3A_1689 : vector<16xf32>
      %mul3A_1693 = vector.broadcast %squeeze3A_1658 : f32 to vector<16xf32>
      %mul3A_1694 = arith.mulf %neg3A_1692, %mul3A_1693 : vector<16xf32>
      %exp3A_1695 = math.exp %mul3A_1694 : vector<16xf32>
      %add3A_1696 = arith.constant 32 : i32
      %add3A_1697 = arith.addi %add3A_1662, %add3A_1696 : i32
      %swap3A_1698 = arith.index_cast %add3A_1697 : i32 to index
      %swap3A_1699 = tpu.vector_load %arg5[%swap3A_1698] {strides = array<i32>} : memref<10752xf32, #tpu.memory_space<vmem>>, vector<16xf32>,
      tpu.vector_store %arg5[%swap3A_1698], %exp3A_1695 {strides = array<i32>} : memref<10752xf32, #tpu.memory_space<vmem>>, vector<16xf32>,
      %sub3A_1700 = vector.broadcast %squeeze3A_1656 : f32 to vector<16xf32>
      %sub3A_1701 = arith.subf %convert_element_type3A_952, %sub3A_1700 : vector<16xf32>
      %sub3A_1702 = vector.broadcast %squeeze3A_1656 : f32 to vector<16xf32>
      %sub3A_1703 = arith.subf %add3A_955, %sub3A_1702 : vector<16xf32>
      %sub3A_1704 = vector.broadcast %squeeze3A_1656 : f32 to vector<16xf32>
      %sub3A_1705 = arith.subf %add3A_958, %sub3A_1704 : vector<16xf32>
      %mul3A_1706 = arith.mulf %sub3A_1701, %sub3A_1701 : vector<16xf32>
      %neg3A_1707 = arith.constant 0.000000e+00 : f32
      %neg3A_1708 = vector.broadcast %neg3A_1707 : f32 to vector<16xf32>
      %neg3A_1709 = arith.subf %neg3A_1708, %mul3A_1706 : vector<16xf32>
      %mul3A_1710 = vector.broadcast %squeeze3A_1658 : f32 to vector<16xf32>
      %mul3A_1711 = arith.mulf %neg3A_1709, %mul3A_1710 : vector<16xf32>
      %exp3A_1712 = math.exp %mul3A_1711 : vector<16xf32>
      %mul3A_1713 = vector.broadcast %squeeze3A_1660 : f32 to vector<16xf32>
      %mul3A_1714 = arith.mulf %exp3A_1712, %mul3A_1713 : vector<16xf32>
      %swap3A_1715 = arith.index_cast %add3A_1662 : i32 to index
      %swap3A_1716 = tpu.vector_load %arg6[%swap3A_1715] {strides = array<i32>} : memref<10768xf32, #tpu.memory_space<vmem>>, vector<16xf32>,
      tpu.vector_store %arg6[%swap3A_1715], %mul3A_1714 {strides = array<i32>} : memref<10768xf32, #tpu.memory_space<vmem>>, vector<16xf32>,
      %mul3A_1717 = arith.mulf %sub3A_1703, %sub3A_1703 : vector<16xf32>
      %neg3A_1718 = arith.constant 0.000000e+00 : f32
      %neg3A_1719 = vector.broadcast %neg3A_1718 : f32 to vector<16xf32>
      %neg3A_1720 = arith.subf %neg3A_1719, %mul3A_1717 : vector<16xf32>
      %mul3A_1721 = vector.broadcast %squeeze3A_1658 : f32 to vector<16xf32>
      %mul3A_1722 = arith.mulf %neg3A_1720, %mul3A_1721 : vector<16xf32>
      %exp3A_1723 = math.exp %mul3A_1722 : vector<16xf32>
      %mul3A_1724 = vector.broadcast %squeeze3A_1660 : f32 to vector<16xf32>
      %mul3A_1725 = arith.mulf %exp3A_1723, %mul3A_1724 : vector<16xf32>
      %add3A_1726 = arith.constant 16 : i32
      %add3A_1727 = arith.addi %add3A_1662, %add3A_1726 : i32
      %swap3A_1728 = arith.index_cast %add3A_1727 : i32 to index
      %swap3A_1729 = tpu.vector_load %arg6[%swap3A_1728] {strides = array<i32>} : memref<10768xf32, #tpu.memory_space<vmem>>, vector<16xf32>,
      tpu.vector_store %arg6[%swap3A_1728], %mul3A_1725 {strides = array<i32>} : memref<10768xf32, #tpu.memory_space<vmem>>, vector<16xf32>,
      %mul3A_1730 = arith.mulf %sub3A_1705, %sub3A_1705 : vector<16xf32>
      %neg3A_1731 = arith.constant 0.000000e+00 : f32
      %neg3A_1732 = vector.broadcast %neg3A_1731 : f32 to vector<16xf32>
      %neg3A_1733 = arith.subf %neg3A_1732, %mul3A_1730 : vector<16xf32>
      %mul3A_1734 = vector.broadcast %squeeze3A_1658 : f32 to vector<16xf32>
      %mul3A_1735 = arith.mulf %neg3A_1733, %mul3A_1734 : vector<16xf32>
      %exp3A_1736 = math.exp %mul3A_1735 : vector<16xf32>
      %mul3A_1737 = vector.broadcast %squeeze3A_1660 : f32 to vector<16xf32>
      %mul3A_1738 = arith.mulf %exp3A_1736, %mul3A_1737 : vector<16xf32>
      %add3A_1739 = arith.constant 32 : i32
      %add3A_1740 = arith.addi %add3A_1662, %add3A_1739 : i32
      %swap3A_1741 = arith.index_cast %add3A_1740 : i32 to index
      %swap3A_1742 = tpu.vector_load %arg6[%swap3A_1741] {strides = array<i32>} : memref<10768xf32, #tpu.memory_space<vmem>>, vector<16xf32>,
      tpu.vector_store %arg6[%swap3A_1741], %mul3A_1738 {strides = array<i32>} : memref<10768xf32, #tpu.memory_space<vmem>>, vector<16xf32>,
      %slice3A_1743 = vector.extract_strided_slice %get3A_1008 {offsets = [8], sizes = [1], strides = [1]} : vector<16xf32> to vector<1xf32>
      %squeeze3A_1744 = vector.extract %slice3A_1743[0] : f32 from vector<1xf32>
      %slice3A_1745 = vector.extract_strided_slice %get3A_1012 {offsets = [8], sizes = [1], strides = [1]} : vector<16xf32> to vector<1xf32>
      %squeeze3A_1746 = vector.extract %slice3A_1745[0] : f32 from vector<1xf32>
      %slice3A_1747 = vector.extract_strided_slice %get3A_1016 {offsets = [8], sizes = [1], strides = [1]} : vector<16xf32> to vector<1xf32>
      %squeeze3A_1748 = vector.extract %slice3A_1747[0] : f32 from vector<1xf32>
      %slice3A_1749 = vector.extract_strided_slice %get3A_1020 {offsets = [8], sizes = [1], strides = [1]} : vector<16xf32> to vector<1xf32>
      %squeeze3A_1750 = vector.extract %slice3A_1749[0] : f32 from vector<1xf32>
      %add3A_1751 = arith.constant 384 : i32
      %add3A_1752 = arith.addi %mul3A_1024, %add3A_1751 : i32
      %sub3A_1753 = vector.broadcast %squeeze3A_1744 : f32 to vector<16xf32>
      %sub3A_1754 = arith.subf %convert_element_type3A_952, %sub3A_1753 : vector<16xf32>
      %sub3A_1755 = vector.broadcast %squeeze3A_1744 : f32 to vector<16xf32>
      %sub3A_1756 = arith.subf %add3A_955, %sub3A_1755 : vector<16xf32>
      %sub3A_1757 = vector.broadcast %squeeze3A_1744 : f32 to vector<16xf32>
      %sub3A_1758 = arith.subf %add3A_958, %sub3A_1757 : vector<16xf32>
      %mul3A_1759 = arith.mulf %sub3A_1754, %sub3A_1754 : vector<16xf32>
      %neg3A_1760 = arith.constant 0.000000e+00 : f32
      %neg3A_1761 = vector.broadcast %neg3A_1760 : f32 to vector<16xf32>
      %neg3A_1762 = arith.subf %neg3A_1761, %mul3A_1759 : vector<16xf32>
      %mul3A_1763 = vector.broadcast %squeeze3A_1748 : f32 to vector<16xf32>
      %mul3A_1764 = arith.mulf %neg3A_1762, %mul3A_1763 : vector<16xf32>
      %exp3A_1765 = math.exp %mul3A_1764 : vector<16xf32>
      %swap3A_1766 = arith.index_cast %add3A_1752 : i32 to index
      %swap3A_1767 = tpu.vector_load %arg5[%swap3A_1766] {strides = array<i32>} : memref<10752xf32, #tpu.memory_space<vmem>>, vector<16xf32>,
      tpu.vector_store %arg5[%swap3A_1766], %exp3A_1765 {strides = array<i32>} : memref<10752xf32, #tpu.memory_space<vmem>>, vector<16xf32>,
      %mul3A_1768 = arith.mulf %sub3A_1756, %sub3A_1756 : vector<16xf32>
      %neg3A_1769 = arith.constant 0.000000e+00 : f32
      %neg3A_1770 = vector.broadcast %neg3A_1769 : f32 to vector<16xf32>
      %neg3A_1771 = arith.subf %neg3A_1770, %mul3A_1768 : vector<16xf32>
      %mul3A_1772 = vector.broadcast %squeeze3A_1748 : f32 to vector<16xf32>
      %mul3A_1773 = arith.mulf %neg3A_1771, %mul3A_1772 : vector<16xf32>
      %exp3A_1774 = math.exp %mul3A_1773 : vector<16xf32>
      %add3A_1775 = arith.constant 16 : i32
      %add3A_1776 = arith.addi %add3A_1752, %add3A_1775 : i32
      %swap3A_1777 = arith.index_cast %add3A_1776 : i32 to index
      %swap3A_1778 = tpu.vector_load %arg5[%swap3A_1777] {strides = array<i32>} : memref<10752xf32, #tpu.memory_space<vmem>>, vector<16xf32>,
      tpu.vector_store %arg5[%swap3A_1777], %exp3A_1774 {strides = array<i32>} : memref<10752xf32, #tpu.memory_space<vmem>>, vector<16xf32>,
      %mul3A_1779 = arith.mulf %sub3A_1758, %sub3A_1758 : vector<16xf32>
      %neg3A_1780 = arith.constant 0.000000e+00 : f32
      %neg3A_1781 = vector.broadcast %neg3A_1780 : f32 to vector<16xf32>
      %neg3A_1782 = arith.subf %neg3A_1781, %mul3A_1779 : vector<16xf32>
      %mul3A_1783 = vector.broadcast %squeeze3A_1748 : f32 to vector<16xf32>
      %mul3A_1784 = arith.mulf %neg3A_1782, %mul3A_1783 : vector<16xf32>
      %exp3A_1785 = math.exp %mul3A_1784 : vector<16xf32>
      %add3A_1786 = arith.constant 32 : i32
      %add3A_1787 = arith.addi %add3A_1752, %add3A_1786 : i32
      %swap3A_1788 = arith.index_cast %add3A_1787 : i32 to index
      %swap3A_1789 = tpu.vector_load %arg5[%swap3A_1788] {strides = array<i32>} : memref<10752xf32, #tpu.memory_space<vmem>>, vector<16xf32>,
      tpu.vector_store %arg5[%swap3A_1788], %exp3A_1785 {strides = array<i32>} : memref<10752xf32, #tpu.memory_space<vmem>>, vector<16xf32>,
      %sub3A_1790 = vector.broadcast %squeeze3A_1746 : f32 to vector<16xf32>
      %sub3A_1791 = arith.subf %convert_element_type3A_952, %sub3A_1790 : vector<16xf32>
      %sub3A_1792 = vector.broadcast %squeeze3A_1746 : f32 to vector<16xf32>
      %sub3A_1793 = arith.subf %add3A_955, %sub3A_1792 : vector<16xf32>
      %sub3A_1794 = vector.broadcast %squeeze3A_1746 : f32 to vector<16xf32>
      %sub3A_1795 = arith.subf %add3A_958, %sub3A_1794 : vector<16xf32>
      %mul3A_1796 = arith.mulf %sub3A_1791, %sub3A_1791 : vector<16xf32>
      %neg3A_1797 = arith.constant 0.000000e+00 : f32
      %neg3A_1798 = vector.broadcast %neg3A_1797 : f32 to vector<16xf32>
      %neg3A_1799 = arith.subf %neg3A_1798, %mul3A_1796 : vector<16xf32>
      %mul3A_1800 = vector.broadcast %squeeze3A_1748 : f32 to vector<16xf32>
      %mul3A_1801 = arith.mulf %neg3A_1799, %mul3A_1800 : vector<16xf32>
      %exp3A_1802 = math.exp %mul3A_1801 : vector<16xf32>
      %mul3A_1803 = vector.broadcast %squeeze3A_1750 : f32 to vector<16xf32>
      %mul3A_1804 = arith.mulf %exp3A_1802, %mul3A_1803 : vector<16xf32>
      %swap3A_1805 = arith.index_cast %add3A_1752 : i32 to index
      %swap3A_1806 = tpu.vector_load %arg6[%swap3A_1805] {strides = array<i32>} : memref<10768xf32, #tpu.memory_space<vmem>>, vector<16xf32>,
      tpu.vector_store %arg6[%swap3A_1805], %mul3A_1804 {strides = array<i32>} : memref<10768xf32, #tpu.memory_space<vmem>>, vector<16xf32>,
      %mul3A_1807 = arith.mulf %sub3A_1793, %sub3A_1793 : vector<16xf32>
      %neg3A_1808 = arith.constant 0.000000e+00 : f32
      %neg3A_1809 = vector.broadcast %neg3A_1808 : f32 to vector<16xf32>
      %neg3A_1810 = arith.subf %neg3A_1809, %mul3A_1807 : vector<16xf32>
      %mul3A_1811 = vector.broadcast %squeeze3A_1748 : f32 to vector<16xf32>
      %mul3A_1812 = arith.mulf %neg3A_1810, %mul3A_1811 : vector<16xf32>
      %exp3A_1813 = math.exp %mul3A_1812 : vector<16xf32>
      %mul3A_1814 = vector.broadcast %squeeze3A_1750 : f32 to vector<16xf32>
      %mul3A_1815 = arith.mulf %exp3A_1813, %mul3A_1814 : vector<16xf32>
      %add3A_1816 = arith.constant 16 : i32
      %add3A_1817 = arith.addi %add3A_1752, %add3A_1816 : i32
      %swap3A_1818 = arith.index_cast %add3A_1817 : i32 to index
      %swap3A_1819 = tpu.vector_load %arg6[%swap3A_1818] {strides = array<i32>} : memref<10768xf32, #tpu.memory_space<vmem>>, vector<16xf32>,
      tpu.vector_store %arg6[%swap3A_1818], %mul3A_1815 {strides = array<i32>} : memref<10768xf32, #tpu.memory_space<vmem>>, vector<16xf32>,
      %mul3A_1820 = arith.mulf %sub3A_1795, %sub3A_1795 : vector<16xf32>
      %neg3A_1821 = arith.constant 0.000000e+00 : f32
      %neg3A_1822 = vector.broadcast %neg3A_1821 : f32 to vector<16xf32>
      %neg3A_1823 = arith.subf %neg3A_1822, %mul3A_1820 : vector<16xf32>
      %mul3A_1824 = vector.broadcast %squeeze3A_1748 : f32 to vector<16xf32>
      %mul3A_1825 = arith.mulf %neg3A_1823, %mul3A_1824 : vector<16xf32>
      %exp3A_1826 = math.exp %mul3A_1825 : vector<16xf32>
      %mul3A_1827 = vector.broadcast %squeeze3A_1750 : f32 to vector<16xf32>
      %mul3A_1828 = arith.mulf %exp3A_1826, %mul3A_1827 : vector<16xf32>
      %add3A_1829 = arith.constant 32 : i32
      %add3A_1830 = arith.addi %add3A_1752, %add3A_1829 : i32
      %swap3A_1831 = arith.index_cast %add3A_1830 : i32 to index
      %swap3A_1832 = tpu.vector_load %arg6[%swap3A_1831] {strides = array<i32>} : memref<10768xf32, #tpu.memory_space<vmem>>, vector<16xf32>,
      tpu.vector_store %arg6[%swap3A_1831], %mul3A_1828 {strides = array<i32>} : memref<10768xf32, #tpu.memory_space<vmem>>, vector<16xf32>,
      %slice3A_1833 = vector.extract_strided_slice %get3A_1008 {offsets = [9], sizes = [1], strides = [1]} : vector<16xf32> to vector<1xf32>
      %squeeze3A_1834 = vector.extract %slice3A_1833[0] : f32 from vector<1xf32>
      %slice3A_1835 = vector.extract_strided_slice %get3A_1012 {offsets = [9], sizes = [1], strides = [1]} : vector<16xf32> to vector<1xf32>
      %squeeze3A_1836 = vector.extract %slice3A_1835[0] : f32 from vector<1xf32>
      %slice3A_1837 = vector.extract_strided_slice %get3A_1016 {offsets = [9], sizes = [1], strides = [1]} : vector<16xf32> to vector<1xf32>
      %squeeze3A_1838 = vector.extract %slice3A_1837[0] : f32 from vector<1xf32>
      %slice3A_1839 = vector.extract_strided_slice %get3A_1020 {offsets = [9], sizes = [1], strides = [1]} : vector<16xf32> to vector<1xf32>
      %squeeze3A_1840 = vector.extract %slice3A_1839[0] : f32 from vector<1xf32>
      %add3A_1841 = arith.constant 432 : i32
      %add3A_1842 = arith.addi %mul3A_1024, %add3A_1841 : i32
      %sub3A_1843 = vector.broadcast %squeeze3A_1834 : f32 to vector<16xf32>
      %sub3A_1844 = arith.subf %convert_element_type3A_952, %sub3A_1843 : vector<16xf32>
      %sub3A_1845 = vector.broadcast %squeeze3A_1834 : f32 to vector<16xf32>
      %sub3A_1846 = arith.subf %add3A_955, %sub3A_1845 : vector<16xf32>
      %sub3A_1847 = vector.broadcast %squeeze3A_1834 : f32 to vector<16xf32>
      %sub3A_1848 = arith.subf %add3A_958, %sub3A_1847 : vector<16xf32>
      %mul3A_1849 = arith.mulf %sub3A_1844, %sub3A_1844 : vector<16xf32>
      %neg3A_1850 = arith.constant 0.000000e+00 : f32
      %neg3A_1851 = vector.broadcast %neg3A_1850 : f32 to vector<16xf32>
      %neg3A_1852 = arith.subf %neg3A_1851, %mul3A_1849 : vector<16xf32>
      %mul3A_1853 = vector.broadcast %squeeze3A_1838 : f32 to vector<16xf32>
      %mul3A_1854 = arith.mulf %neg3A_1852, %mul3A_1853 : vector<16xf32>
      %exp3A_1855 = math.exp %mul3A_1854 : vector<16xf32>
      %swap3A_1856 = arith.index_cast %add3A_1842 : i32 to index
      %swap3A_1857 = tpu.vector_load %arg5[%swap3A_1856] {strides = array<i32>} : memref<10752xf32, #tpu.memory_space<vmem>>, vector<16xf32>,
      tpu.vector_store %arg5[%swap3A_1856], %exp3A_1855 {strides = array<i32>} : memref<10752xf32, #tpu.memory_space<vmem>>, vector<16xf32>,
      %mul3A_1858 = arith.mulf %sub3A_1846, %sub3A_1846 : vector<16xf32>
      %neg3A_1859 = arith.constant 0.000000e+00 : f32
      %neg3A_1860 = vector.broadcast %neg3A_1859 : f32 to vector<16xf32>
      %neg3A_1861 = arith.subf %neg3A_1860, %mul3A_1858 : vector<16xf32>
      %mul3A_1862 = vector.broadcast %squeeze3A_1838 : f32 to vector<16xf32>
      %mul3A_1863 = arith.mulf %neg3A_1861, %mul3A_1862 : vector<16xf32>
      %exp3A_1864 = math.exp %mul3A_1863 : vector<16xf32>
      %add3A_1865 = arith.constant 16 : i32
      %add3A_1866 = arith.addi %add3A_1842, %add3A_1865 : i32
      %swap3A_1867 = arith.index_cast %add3A_1866 : i32 to index
      %swap3A_1868 = tpu.vector_load %arg5[%swap3A_1867] {strides = array<i32>} : memref<10752xf32, #tpu.memory_space<vmem>>, vector<16xf32>,
      tpu.vector_store %arg5[%swap3A_1867], %exp3A_1864 {strides = array<i32>} : memref<10752xf32, #tpu.memory_space<vmem>>, vector<16xf32>,
      %mul3A_1869 = arith.mulf %sub3A_1848, %sub3A_1848 : vector<16xf32>
      %neg3A_1870 = arith.constant 0.000000e+00 : f32
      %neg3A_1871 = vector.broadcast %neg3A_1870 : f32 to vector<16xf32>
      %neg3A_1872 = arith.subf %neg3A_1871, %mul3A_1869 : vector<16xf32>
      %mul3A_1873 = vector.broadcast %squeeze3A_1838 : f32 to vector<16xf32>
      %mul3A_1874 = arith.mulf %neg3A_1872, %mul3A_1873 : vector<16xf32>
      %exp3A_1875 = math.exp %mul3A_1874 : vector<16xf32>
      %add3A_1876 = arith.constant 32 : i32
      %add3A_1877 = arith.addi %add3A_1842, %add3A_1876 : i32
      %swap3A_1878 = arith.index_cast %add3A_1877 : i32 to index
      %swap3A_1879 = tpu.vector_load %arg5[%swap3A_1878] {strides = array<i32>} : memref<10752xf32, #tpu.memory_space<vmem>>, vector<16xf32>,
      tpu.vector_store %arg5[%swap3A_1878], %exp3A_1875 {strides = array<i32>} : memref<10752xf32, #tpu.memory_space<vmem>>, vector<16xf32>,
      %sub3A_1880 = vector.broadcast %squeeze3A_1836 : f32 to vector<16xf32>
      %sub3A_1881 = arith.subf %convert_element_type3A_952, %sub3A_1880 : vector<16xf32>
      %sub3A_1882 = vector.broadcast %squeeze3A_1836 : f32 to vector<16xf32>
      %sub3A_1883 = arith.subf %add3A_955, %sub3A_1882 : vector<16xf32>
      %sub3A_1884 = vector.broadcast %squeeze3A_1836 : f32 to vector<16xf32>
      %sub3A_1885 = arith.subf %add3A_958, %sub3A_1884 : vector<16xf32>
      %mul3A_1886 = arith.mulf %sub3A_1881, %sub3A_1881 : vector<16xf32>
      %neg3A_1887 = arith.constant 0.000000e+00 : f32
      %neg3A_1888 = vector.broadcast %neg3A_1887 : f32 to vector<16xf32>
      %neg3A_1889 = arith.subf %neg3A_1888, %mul3A_1886 : vector<16xf32>
      %mul3A_1890 = vector.broadcast %squeeze3A_1838 : f32 to vector<16xf32>
      %mul3A_1891 = arith.mulf %neg3A_1889, %mul3A_1890 : vector<16xf32>
      %exp3A_1892 = math.exp %mul3A_1891 : vector<16xf32>
      %mul3A_1893 = vector.broadcast %squeeze3A_1840 : f32 to vector<16xf32>
      %mul3A_1894 = arith.mulf %exp3A_1892, %mul3A_1893 : vector<16xf32>
      %swap3A_1895 = arith.index_cast %add3A_1842 : i32 to index
      %swap3A_1896 = tpu.vector_load %arg6[%swap3A_1895] {strides = array<i32>} : memref<10768xf32, #tpu.memory_space<vmem>>, vector<16xf32>,
      tpu.vector_store %arg6[%swap3A_1895], %mul3A_1894 {strides = array<i32>} : memref<10768xf32, #tpu.memory_space<vmem>>, vector<16xf32>,
      %mul3A_1897 = arith.mulf %sub3A_1883, %sub3A_1883 : vector<16xf32>
      %neg3A_1898 = arith.constant 0.000000e+00 : f32
      %neg3A_1899 = vector.broadcast %neg3A_1898 : f32 to vector<16xf32>
      %neg3A_1900 = arith.subf %neg3A_1899, %mul3A_1897 : vector<16xf32>
      %mul3A_1901 = vector.broadcast %squeeze3A_1838 : f32 to vector<16xf32>
      %mul3A_1902 = arith.mulf %neg3A_1900, %mul3A_1901 : vector<16xf32>
      %exp3A_1903 = math.exp %mul3A_1902 : vector<16xf32>
      %mul3A_1904 = vector.broadcast %squeeze3A_1840 : f32 to vector<16xf32>
      %mul3A_1905 = arith.mulf %exp3A_1903, %mul3A_1904 : vector<16xf32>
      %add3A_1906 = arith.constant 16 : i32
      %add3A_1907 = arith.addi %add3A_1842, %add3A_1906 : i32
      %swap3A_1908 = arith.index_cast %add3A_1907 : i32 to index
      %swap3A_1909 = tpu.vector_load %arg6[%swap3A_1908] {strides = array<i32>} : memref<10768xf32, #tpu.memory_space<vmem>>, vector<16xf32>,
      tpu.vector_store %arg6[%swap3A_1908], %mul3A_1905 {strides = array<i32>} : memref<10768xf32, #tpu.memory_space<vmem>>, vector<16xf32>,
      %mul3A_1910 = arith.mulf %sub3A_1885, %sub3A_1885 : vector<16xf32>
      %neg3A_1911 = arith.constant 0.000000e+00 : f32
      %neg3A_1912 = vector.broadcast %neg3A_1911 : f32 to vector<16xf32>
      %neg3A_1913 = arith.subf %neg3A_1912, %mul3A_1910 : vector<16xf32>
      %mul3A_1914 = vector.broadcast %squeeze3A_1838 : f32 to vector<16xf32>
      %mul3A_1915 = arith.mulf %neg3A_1913, %mul3A_1914 : vector<16xf32>
      %exp3A_1916 = math.exp %mul3A_1915 : vector<16xf32>
      %mul3A_1917 = vector.broadcast %squeeze3A_1840 : f32 to vector<16xf32>
      %mul3A_1918 = arith.mulf %exp3A_1916, %mul3A_1917 : vector<16xf32>
      %add3A_1919 = arith.constant 32 : i32
      %add3A_1920 = arith.addi %add3A_1842, %add3A_1919 : i32
      %swap3A_1921 = arith.index_cast %add3A_1920 : i32 to index
      %swap3A_1922 = tpu.vector_load %arg6[%swap3A_1921] {strides = array<i32>} : memref<10768xf32, #tpu.memory_space<vmem>>, vector<16xf32>,
      tpu.vector_store %arg6[%swap3A_1921], %mul3A_1918 {strides = array<i32>} : memref<10768xf32, #tpu.memory_space<vmem>>, vector<16xf32>,
      %slice3A_1923 = vector.extract_strided_slice %get3A_1008 {offsets = [10], sizes = [1], strides = [1]} : vector<16xf32> to vector<1xf32>
      %squeeze3A_1924 = vector.extract %slice3A_1923[0] : f32 from vector<1xf32>
      %slice3A_1925 = vector.extract_strided_slice %get3A_1012 {offsets = [10], sizes = [1], strides = [1]} : vector<16xf32> to vector<1xf32>
      %squeeze3A_1926 = vector.extract %slice3A_1925[0] : f32 from vector<1xf32>
      %slice3A_1927 = vector.extract_strided_slice %get3A_1016 {offsets = [10], sizes = [1], strides = [1]} : vector<16xf32> to vector<1xf32>
      %squeeze3A_1928 = vector.extract %slice3A_1927[0] : f32 from vector<1xf32>
      %slice3A_1929 = vector.extract_strided_slice %get3A_1020 {offsets = [10], sizes = [1], strides = [1]} : vector<16xf32> to vector<1xf32>
      %squeeze3A_1930 = vector.extract %slice3A_1929[0] : f32 from vector<1xf32>
      %add3A_1931 = arith.constant 480 : i32
      %add3A_1932 = arith.addi %mul3A_1024, %add3A_1931 : i32
      %sub3A_1933 = vector.broadcast %squeeze3A_1924 : f32 to vector<16xf32>
      %sub3A_1934 = arith.subf %convert_element_type3A_952, %sub3A_1933 : vector<16xf32>
      %sub3A_1935 = vector.broadcast %squeeze3A_1924 : f32 to vector<16xf32>
      %sub3A_1936 = arith.subf %add3A_955, %sub3A_1935 : vector<16xf32>
      %sub3A_1937 = vector.broadcast %squeeze3A_1924 : f32 to vector<16xf32>
      %sub3A_1938 = arith.subf %add3A_958, %sub3A_1937 : vector<16xf32>
      %mul3A_1939 = arith.mulf %sub3A_1934, %sub3A_1934 : vector<16xf32>
      %neg3A_1940 = arith.constant 0.000000e+00 : f32
      %neg3A_1941 = vector.broadcast %neg3A_1940 : f32 to vector<16xf32>
      %neg3A_1942 = arith.subf %neg3A_1941, %mul3A_1939 : vector<16xf32>
      %mul3A_1943 = vector.broadcast %squeeze3A_1928 : f32 to vector<16xf32>
      %mul3A_1944 = arith.mulf %neg3A_1942, %mul3A_1943 : vector<16xf32>
      %exp3A_1945 = math.exp %mul3A_1944 : vector<16xf32>
      %swap3A_1946 = arith.index_cast %add3A_1932 : i32 to index
      %swap3A_1947 = tpu.vector_load %arg5[%swap3A_1946] {strides = array<i32>} : memref<10752xf32, #tpu.memory_space<vmem>>, vector<16xf32>,
      tpu.vector_store %arg5[%swap3A_1946], %exp3A_1945 {strides = array<i32>} : memref<10752xf32, #tpu.memory_space<vmem>>, vector<16xf32>,
      %mul3A_1948 = arith.mulf %sub3A_1936, %sub3A_1936 : vector<16xf32>
      %neg3A_1949 = arith.constant 0.000000e+00 : f32
      %neg3A_1950 = vector.broadcast %neg3A_1949 : f32 to vector<16xf32>
      %neg3A_1951 = arith.subf %neg3A_1950, %mul3A_1948 : vector<16xf32>
      %mul3A_1952 = vector.broadcast %squeeze3A_1928 : f32 to vector<16xf32>
      %mul3A_1953 = arith.mulf %neg3A_1951, %mul3A_1952 : vector<16xf32>
      %exp3A_1954 = math.exp %mul3A_1953 : vector<16xf32>
      %add3A_1955 = arith.constant 16 : i32
      %add3A_1956 = arith.addi %add3A_1932, %add3A_1955 : i32
      %swap3A_1957 = arith.index_cast %add3A_1956 : i32 to index
      %swap3A_1958 = tpu.vector_load %arg5[%swap3A_1957] {strides = array<i32>} : memref<10752xf32, #tpu.memory_space<vmem>>, vector<16xf32>,
      tpu.vector_store %arg5[%swap3A_1957], %exp3A_1954 {strides = array<i32>} : memref<10752xf32, #tpu.memory_space<vmem>>, vector<16xf32>,
      %mul3A_1959 = arith.mulf %sub3A_1938, %sub3A_1938 : vector<16xf32>
      %neg3A_1960 = arith.constant 0.000000e+00 : f32
      %neg3A_1961 = vector.broadcast %neg3A_1960 : f32 to vector<16xf32>
      %neg3A_1962 = arith.subf %neg3A_1961, %mul3A_1959 : vector<16xf32>
      %mul3A_1963 = vector.broadcast %squeeze3A_1928 : f32 to vector<16xf32>
      %mul3A_1964 = arith.mulf %neg3A_1962, %mul3A_1963 : vector<16xf32>
      %exp3A_1965 = math.exp %mul3A_1964 : vector<16xf32>
      %add3A_1966 = arith.constant 32 : i32
      %add3A_1967 = arith.addi %add3A_1932, %add3A_1966 : i32
      %swap3A_1968 = arith.index_cast %add3A_1967 : i32 to index
      %swap3A_1969 = tpu.vector_load %arg5[%swap3A_1968] {strides = array<i32>} : memref<10752xf32, #tpu.memory_space<vmem>>, vector<16xf32>,
      tpu.vector_store %arg5[%swap3A_1968], %exp3A_1965 {strides = array<i32>} : memref<10752xf32, #tpu.memory_space<vmem>>, vector<16xf32>,
      %sub3A_1970 = vector.broadcast %squeeze3A_1926 : f32 to vector<16xf32>
      %sub3A_1971 = arith.subf %convert_element_type3A_952, %sub3A_1970 : vector<16xf32>
      %sub3A_1972 = vector.broadcast %squeeze3A_1926 : f32 to vector<16xf32>
      %sub3A_1973 = arith.subf %add3A_955, %sub3A_1972 : vector<16xf32>
      %sub3A_1974 = vector.broadcast %squeeze3A_1926 : f32 to vector<16xf32>
      %sub3A_1975 = arith.subf %add3A_958, %sub3A_1974 : vector<16xf32>
      %mul3A_1976 = arith.mulf %sub3A_1971, %sub3A_1971 : vector<16xf32>
      %neg3A_1977 = arith.constant 0.000000e+00 : f32
      %neg3A_1978 = vector.broadcast %neg3A_1977 : f32 to vector<16xf32>
      %neg3A_1979 = arith.subf %neg3A_1978, %mul3A_1976 : vector<16xf32>
      %mul3A_1980 = vector.broadcast %squeeze3A_1928 : f32 to vector<16xf32>
      %mul3A_1981 = arith.mulf %neg3A_1979, %mul3A_1980 : vector<16xf32>
      %exp3A_1982 = math.exp %mul3A_1981 : vector<16xf32>
      %mul3A_1983 = vector.broadcast %squeeze3A_1930 : f32 to vector<16xf32>
      %mul3A_1984 = arith.mulf %exp3A_1982, %mul3A_1983 : vector<16xf32>
      %swap3A_1985 = arith.index_cast %add3A_1932 : i32 to index
      %swap3A_1986 = tpu.vector_load %arg6[%swap3A_1985] {strides = array<i32>} : memref<10768xf32, #tpu.memory_space<vmem>>, vector<16xf32>,
      tpu.vector_store %arg6[%swap3A_1985], %mul3A_1984 {strides = array<i32>} : memref<10768xf32, #tpu.memory_space<vmem>>, vector<16xf32>,
      %mul3A_1987 = arith.mulf %sub3A_1973, %sub3A_1973 : vector<16xf32>
      %neg3A_1988 = arith.constant 0.000000e+00 : f32
      %neg3A_1989 = vector.broadcast %neg3A_1988 : f32 to vector<16xf32>
      %neg3A_1990 = arith.subf %neg3A_1989, %mul3A_1987 : vector<16xf32>
      %mul3A_1991 = vector.broadcast %squeeze3A_1928 : f32 to vector<16xf32>
      %mul3A_1992 = arith.mulf %neg3A_1990, %mul3A_1991 : vector<16xf32>
      %exp3A_1993 = math.exp %mul3A_1992 : vector<16xf32>
      %mul3A_1994 = vector.broadcast %squeeze3A_1930 : f32 to vector<16xf32>
      %mul3A_1995 = arith.mulf %exp3A_1993, %mul3A_1994 : vector<16xf32>
      %add3A_1996 = arith.constant 16 : i32
      %add3A_1997 = arith.addi %add3A_1932, %add3A_1996 : i32
      %swap3A_1998 = arith.index_cast %add3A_1997 : i32 to index
      %swap3A_1999 = tpu.vector_load %arg6[%swap3A_1998] {strides = array<i32>} : memref<10768xf32, #tpu.memory_space<vmem>>, vector<16xf32>,
      tpu.vector_store %arg6[%swap3A_1998], %mul3A_1995 {strides = array<i32>} : memref<10768xf32, #tpu.memory_space<vmem>>, vector<16xf32>,
      %mul3A_2000 = arith.mulf %sub3A_1975, %sub3A_1975 : vector<16xf32>
      %neg3A_2001 = arith.constant 0.000000e+00 : f32
      %neg3A_2002 = vector.broadcast %neg3A_2001 : f32 to vector<16xf32>
      %neg3A_2003 = arith.subf %neg3A_2002, %mul3A_2000 : vector<16xf32>
      %mul3A_2004 = vector.broadcast %squeeze3A_1928 : f32 to vector<16xf32>
      %mul3A_2005 = arith.mulf %neg3A_2003, %mul3A_2004 : vector<16xf32>
      %exp3A_2006 = math.exp %mul3A_2005 : vector<16xf32>
      %mul3A_2007 = vector.broadcast %squeeze3A_1930 : f32 to vector<16xf32>
      %mul3A_2008 = arith.mulf %exp3A_2006, %mul3A_2007 : vector<16xf32>
      %add3A_2009 = arith.constant 32 : i32
      %add3A_2010 = arith.addi %add3A_1932, %add3A_2009 : i32
      %swap3A_2011 = arith.index_cast %add3A_2010 : i32 to index
      %swap3A_2012 = tpu.vector_load %arg6[%swap3A_2011] {strides = array<i32>} : memref<10768xf32, #tpu.memory_space<vmem>>, vector<16xf32>,
      tpu.vector_store %arg6[%swap3A_2011], %mul3A_2008 {strides = array<i32>} : memref<10768xf32, #tpu.memory_space<vmem>>, vector<16xf32>,
      %slice3A_2013 = vector.extract_strided_slice %get3A_1008 {offsets = [11], sizes = [1], strides = [1]} : vector<16xf32> to vector<1xf32>
      %squeeze3A_2014 = vector.extract %slice3A_2013[0] : f32 from vector<1xf32>
      %slice3A_2015 = vector.extract_strided_slice %get3A_1012 {offsets = [11], sizes = [1], strides = [1]} : vector<16xf32> to vector<1xf32>
      %squeeze3A_2016 = vector.extract %slice3A_2015[0] : f32 from vector<1xf32>
      %slice3A_2017 = vector.extract_strided_slice %get3A_1016 {offsets = [11], sizes = [1], strides = [1]} : vector<16xf32> to vector<1xf32>
      %squeeze3A_2018 = vector.extract %slice3A_2017[0] : f32 from vector<1xf32>
      %slice3A_2019 = vector.extract_strided_slice %get3A_1020 {offsets = [11], sizes = [1], strides = [1]} : vector<16xf32> to vector<1xf32>
      %squeeze3A_2020 = vector.extract %slice3A_2019[0] : f32 from vector<1xf32>
      %add3A_2021 = arith.constant 528 : i32
      %add3A_2022 = arith.addi %mul3A_1024, %add3A_2021 : i32
      %sub3A_2023 = vector.broadcast %squeeze3A_2014 : f32 to vector<16xf32>
      %sub3A_2024 = arith.subf %convert_element_type3A_952, %sub3A_2023 : vector<16xf32>
      %sub3A_2025 = vector.broadcast %squeeze3A_2014 : f32 to vector<16xf32>
      %sub3A_2026 = arith.subf %add3A_955, %sub3A_2025 : vector<16xf32>
      %sub3A_2027 = vector.broadcast %squeeze3A_2014 : f32 to vector<16xf32>
      %sub3A_2028 = arith.subf %add3A_958, %sub3A_2027 : vector<16xf32>
      %mul3A_2029 = arith.mulf %sub3A_2024, %sub3A_2024 : vector<16xf32>
      %neg3A_2030 = arith.constant 0.000000e+00 : f32
      %neg3A_2031 = vector.broadcast %neg3A_2030 : f32 to vector<16xf32>
      %neg3A_2032 = arith.subf %neg3A_2031, %mul3A_2029 : vector<16xf32>
      %mul3A_2033 = vector.broadcast %squeeze3A_2018 : f32 to vector<16xf32>
      %mul3A_2034 = arith.mulf %neg3A_2032, %mul3A_2033 : vector<16xf32>
      %exp3A_2035 = math.exp %mul3A_2034 : vector<16xf32>
      %swap3A_2036 = arith.index_cast %add3A_2022 : i32 to index
      %swap3A_2037 = tpu.vector_load %arg5[%swap3A_2036] {strides = array<i32>} : memref<10752xf32, #tpu.memory_space<vmem>>, vector<16xf32>,
      tpu.vector_store %arg5[%swap3A_2036], %exp3A_2035 {strides = array<i32>} : memref<10752xf32, #tpu.memory_space<vmem>>, vector<16xf32>,
      %mul3A_2038 = arith.mulf %sub3A_2026, %sub3A_2026 : vector<16xf32>
      %neg3A_2039 = arith.constant 0.000000e+00 : f32
      %neg3A_2040 = vector.broadcast %neg3A_2039 : f32 to vector<16xf32>
      %neg3A_2041 = arith.subf %neg3A_2040, %mul3A_2038 : vector<16xf32>
      %mul3A_2042 = vector.broadcast %squeeze3A_2018 : f32 to vector<16xf32>
      %mul3A_2043 = arith.mulf %neg3A_2041, %mul3A_2042 : vector<16xf32>
      %exp3A_2044 = math.exp %mul3A_2043 : vector<16xf32>
      %add3A_2045 = arith.constant 16 : i32
      %add3A_2046 = arith.addi %add3A_2022, %add3A_2045 : i32
      %swap3A_2047 = arith.index_cast %add3A_2046 : i32 to index
      %swap3A_2048 = tpu.vector_load %arg5[%swap3A_2047] {strides = array<i32>} : memref<10752xf32, #tpu.memory_space<vmem>>, vector<16xf32>,
      tpu.vector_store %arg5[%swap3A_2047], %exp3A_2044 {strides = array<i32>} : memref<10752xf32, #tpu.memory_space<vmem>>, vector<16xf32>,
      %mul3A_2049 = arith.mulf %sub3A_2028, %sub3A_2028 : vector<16xf32>
      %neg3A_2050 = arith.constant 0.000000e+00 : f32
      %neg3A_2051 = vector.broadcast %neg3A_2050 : f32 to vector<16xf32>
      %neg3A_2052 = arith.subf %neg3A_2051, %mul3A_2049 : vector<16xf32>
      %mul3A_2053 = vector.broadcast %squeeze3A_2018 : f32 to vector<16xf32>
      %mul3A_2054 = arith.mulf %neg3A_2052, %mul3A_2053 : vector<16xf32>
      %exp3A_2055 = math.exp %mul3A_2054 : vector<16xf32>
      %add3A_2056 = arith.constant 32 : i32
      %add3A_2057 = arith.addi %add3A_2022, %add3A_2056 : i32
      %swap3A_2058 = arith.index_cast %add3A_2057 : i32 to index
      %swap3A_2059 = tpu.vector_load %arg5[%swap3A_2058] {strides = array<i32>} : memref<10752xf32, #tpu.memory_space<vmem>>, vector<16xf32>,
      tpu.vector_store %arg5[%swap3A_2058], %exp3A_2055 {strides = array<i32>} : memref<10752xf32, #tpu.memory_space<vmem>>, vector<16xf32>,
      %sub3A_2060 = vector.broadcast %squeeze3A_2016 : f32 to vector<16xf32>
      %sub3A_2061 = arith.subf %convert_element_type3A_952, %sub3A_2060 : vector<16xf32>
      %sub3A_2062 = vector.broadcast %squeeze3A_2016 : f32 to vector<16xf32>
      %sub3A_2063 = arith.subf %add3A_955, %sub3A_2062 : vector<16xf32>
      %sub3A_2064 = vector.broadcast %squeeze3A_2016 : f32 to vector<16xf32>
      %sub3A_2065 = arith.subf %add3A_958, %sub3A_2064 : vector<16xf32>
      %mul3A_2066 = arith.mulf %sub3A_2061, %sub3A_2061 : vector<16xf32>
      %neg3A_2067 = arith.constant 0.000000e+00 : f32
      %neg3A_2068 = vector.broadcast %neg3A_2067 : f32 to vector<16xf32>
      %neg3A_2069 = arith.subf %neg3A_2068, %mul3A_2066 : vector<16xf32>
      %mul3A_2070 = vector.broadcast %squeeze3A_2018 : f32 to vector<16xf32>
      %mul3A_2071 = arith.mulf %neg3A_2069, %mul3A_2070 : vector<16xf32>
      %exp3A_2072 = math.exp %mul3A_2071 : vector<16xf32>
      %mul3A_2073 = vector.broadcast %squeeze3A_2020 : f32 to vector<16xf32>
      %mul3A_2074 = arith.mulf %exp3A_2072, %mul3A_2073 : vector<16xf32>
      %swap3A_2075 = arith.index_cast %add3A_2022 : i32 to index
      %swap3A_2076 = tpu.vector_load %arg6[%swap3A_2075] {strides = array<i32>} : memref<10768xf32, #tpu.memory_space<vmem>>, vector<16xf32>,
      tpu.vector_store %arg6[%swap3A_2075], %mul3A_2074 {strides = array<i32>} : memref<10768xf32, #tpu.memory_space<vmem>>, vector<16xf32>,
      %mul3A_2077 = arith.mulf %sub3A_2063, %sub3A_2063 : vector<16xf32>
      %neg3A_2078 = arith.constant 0.000000e+00 : f32
      %neg3A_2079 = vector.broadcast %neg3A_2078 : f32 to vector<16xf32>
      %neg3A_2080 = arith.subf %neg3A_2079, %mul3A_2077 : vector<16xf32>
      %mul3A_2081 = vector.broadcast %squeeze3A_2018 : f32 to vector<16xf32>
      %mul3A_2082 = arith.mulf %neg3A_2080, %mul3A_2081 : vector<16xf32>
      %exp3A_2083 = math.exp %mul3A_2082 : vector<16xf32>
      %mul3A_2084 = vector.broadcast %squeeze3A_2020 : f32 to vector<16xf32>
      %mul3A_2085 = arith.mulf %exp3A_2083, %mul3A_2084 : vector<16xf32>
      %add3A_2086 = arith.constant 16 : i32
      %add3A_2087 = arith.addi %add3A_2022, %add3A_2086 : i32
      %swap3A_2088 = arith.index_cast %add3A_2087 : i32 to index
      %swap3A_2089 = tpu.vector_load %arg6[%swap3A_2088] {strides = array<i32>} : memref<10768xf32, #tpu.memory_space<vmem>>, vector<16xf32>,
      tpu.vector_store %arg6[%swap3A_2088], %mul3A_2085 {strides = array<i32>} : memref<10768xf32, #tpu.memory_space<vmem>>, vector<16xf32>,
      %mul3A_2090 = arith.mulf %sub3A_2065, %sub3A_2065 : vector<16xf32>
      %neg3A_2091 = arith.constant 0.000000e+00 : f32
      %neg3A_2092 = vector.broadcast %neg3A_2091 : f32 to vector<16xf32>
      %neg3A_2093 = arith.subf %neg3A_2092, %mul3A_2090 : vector<16xf32>
      %mul3A_2094 = vector.broadcast %squeeze3A_2018 : f32 to vector<16xf32>
      %mul3A_2095 = arith.mulf %neg3A_2093, %mul3A_2094 : vector<16xf32>
      %exp3A_2096 = math.exp %mul3A_2095 : vector<16xf32>
      %mul3A_2097 = vector.broadcast %squeeze3A_2020 : f32 to vector<16xf32>
      %mul3A_2098 = arith.mulf %exp3A_2096, %mul3A_2097 : vector<16xf32>
      %add3A_2099 = arith.constant 32 : i32
      %add3A_2100 = arith.addi %add3A_2022, %add3A_2099 : i32
      %swap3A_2101 = arith.index_cast %add3A_2100 : i32 to index
      %swap3A_2102 = tpu.vector_load %arg6[%swap3A_2101] {strides = array<i32>} : memref<10768xf32, #tpu.memory_space<vmem>>, vector<16xf32>,
      tpu.vector_store %arg6[%swap3A_2101], %mul3A_2098 {strides = array<i32>} : memref<10768xf32, #tpu.memory_space<vmem>>, vector<16xf32>,
      %slice3A_2103 = vector.extract_strided_slice %get3A_1008 {offsets = [12], sizes = [1], strides = [1]} : vector<16xf32> to vector<1xf32>
      %squeeze3A_2104 = vector.extract %slice3A_2103[0] : f32 from vector<1xf32>
      %slice3A_2105 = vector.extract_strided_slice %get3A_1012 {offsets = [12], sizes = [1], strides = [1]} : vector<16xf32> to vector<1xf32>
      %squeeze3A_2106 = vector.extract %slice3A_2105[0] : f32 from vector<1xf32>
      %slice3A_2107 = vector.extract_strided_slice %get3A_1016 {offsets = [12], sizes = [1], strides = [1]} : vector<16xf32> to vector<1xf32>
      %squeeze3A_2108 = vector.extract %slice3A_2107[0] : f32 from vector<1xf32>
      %slice3A_2109 = vector.extract_strided_slice %get3A_1020 {offsets = [12], sizes = [1], strides = [1]} : vector<16xf32> to vector<1xf32>
      %squeeze3A_2110 = vector.extract %slice3A_2109[0] : f32 from vector<1xf32>
      %add3A_2111 = arith.constant 576 : i32
      %add3A_2112 = arith.addi %mul3A_1024, %add3A_2111 : i32
      %sub3A_2113 = vector.broadcast %squeeze3A_2104 : f32 to vector<16xf32>
      %sub3A_2114 = arith.subf %convert_element_type3A_952, %sub3A_2113 : vector<16xf32>
      %sub3A_2115 = vector.broadcast %squeeze3A_2104 : f32 to vector<16xf32>
      %sub3A_2116 = arith.subf %add3A_955, %sub3A_2115 : vector<16xf32>
      %sub3A_2117 = vector.broadcast %squeeze3A_2104 : f32 to vector<16xf32>
      %sub3A_2118 = arith.subf %add3A_958, %sub3A_2117 : vector<16xf32>
      %mul3A_2119 = arith.mulf %sub3A_2114, %sub3A_2114 : vector<16xf32>
      %neg3A_2120 = arith.constant 0.000000e+00 : f32
      %neg3A_2121 = vector.broadcast %neg3A_2120 : f32 to vector<16xf32>
      %neg3A_2122 = arith.subf %neg3A_2121, %mul3A_2119 : vector<16xf32>
      %mul3A_2123 = vector.broadcast %squeeze3A_2108 : f32 to vector<16xf32>
      %mul3A_2124 = arith.mulf %neg3A_2122, %mul3A_2123 : vector<16xf32>
      %exp3A_2125 = math.exp %mul3A_2124 : vector<16xf32>
      %swap3A_2126 = arith.index_cast %add3A_2112 : i32 to index
      %swap3A_2127 = tpu.vector_load %arg5[%swap3A_2126] {strides = array<i32>} : memref<10752xf32, #tpu.memory_space<vmem>>, vector<16xf32>,
      tpu.vector_store %arg5[%swap3A_2126], %exp3A_2125 {strides = array<i32>} : memref<10752xf32, #tpu.memory_space<vmem>>, vector<16xf32>,
      %mul3A_2128 = arith.mulf %sub3A_2116, %sub3A_2116 : vector<16xf32>
      %neg3A_2129 = arith.constant 0.000000e+00 : f32
      %neg3A_2130 = vector.broadcast %neg3A_2129 : f32 to vector<16xf32>
      %neg3A_2131 = arith.subf %neg3A_2130, %mul3A_2128 : vector<16xf32>
      %mul3A_2132 = vector.broadcast %squeeze3A_2108 : f32 to vector<16xf32>
      %mul3A_2133 = arith.mulf %neg3A_2131, %mul3A_2132 : vector<16xf32>
      %exp3A_2134 = math.exp %mul3A_2133 : vector<16xf32>
      %add3A_2135 = arith.constant 16 : i32
      %add3A_2136 = arith.addi %add3A_2112, %add3A_2135 : i32
      %swap3A_2137 = arith.index_cast %add3A_2136 : i32 to index
      %swap3A_2138 = tpu.vector_load %arg5[%swap3A_2137] {strides = array<i32>} : memref<10752xf32, #tpu.memory_space<vmem>>, vector<16xf32>,
      tpu.vector_store %arg5[%swap3A_2137], %exp3A_2134 {strides = array<i32>} : memref<10752xf32, #tpu.memory_space<vmem>>, vector<16xf32>,
      %mul3A_2139 = arith.mulf %sub3A_2118, %sub3A_2118 : vector<16xf32>
      %neg3A_2140 = arith.constant 0.000000e+00 : f32
      %neg3A_2141 = vector.broadcast %neg3A_2140 : f32 to vector<16xf32>
      %neg3A_2142 = arith.subf %neg3A_2141, %mul3A_2139 : vector<16xf32>
      %mul3A_2143 = vector.broadcast %squeeze3A_2108 : f32 to vector<16xf32>
      %mul3A_2144 = arith.mulf %neg3A_2142, %mul3A_2143 : vector<16xf32>
      %exp3A_2145 = math.exp %mul3A_2144 : vector<16xf32>
      %add3A_2146 = arith.constant 32 : i32
      %add3A_2147 = arith.addi %add3A_2112, %add3A_2146 : i32
      %swap3A_2148 = arith.index_cast %add3A_2147 : i32 to index
      %swap3A_2149 = tpu.vector_load %arg5[%swap3A_2148] {strides = array<i32>} : memref<10752xf32, #tpu.memory_space<vmem>>, vector<16xf32>,
      tpu.vector_store %arg5[%swap3A_2148], %exp3A_2145 {strides = array<i32>} : memref<10752xf32, #tpu.memory_space<vmem>>, vector<16xf32>,
      %sub3A_2150 = vector.broadcast %squeeze3A_2106 : f32 to vector<16xf32>
      %sub3A_2151 = arith.subf %convert_element_type3A_952, %sub3A_2150 : vector<16xf32>
      %sub3A_2152 = vector.broadcast %squeeze3A_2106 : f32 to vector<16xf32>
      %sub3A_2153 = arith.subf %add3A_955, %sub3A_2152 : vector<16xf32>
      %sub3A_2154 = vector.broadcast %squeeze3A_2106 : f32 to vector<16xf32>
      %sub3A_2155 = arith.subf %add3A_958, %sub3A_2154 : vector<16xf32>
      %mul3A_2156 = arith.mulf %sub3A_2151, %sub3A_2151 : vector<16xf32>
      %neg3A_2157 = arith.constant 0.000000e+00 : f32
      %neg3A_2158 = vector.broadcast %neg3A_2157 : f32 to vector<16xf32>
      %neg3A_2159 = arith.subf %neg3A_2158, %mul3A_2156 : vector<16xf32>
      %mul3A_2160 = vector.broadcast %squeeze3A_2108 : f32 to vector<16xf32>
      %mul3A_2161 = arith.mulf %neg3A_2159, %mul3A_2160 : vector<16xf32>
      %exp3A_2162 = math.exp %mul3A_2161 : vector<16xf32>
      %mul3A_2163 = vector.broadcast %squeeze3A_2110 : f32 to vector<16xf32>
      %mul3A_2164 = arith.mulf %exp3A_2162, %mul3A_2163 : vector<16xf32>
      %swap3A_2165 = arith.index_cast %add3A_2112 : i32 to index
      %swap3A_2166 = tpu.vector_load %arg6[%swap3A_2165] {strides = array<i32>} : memref<10768xf32, #tpu.memory_space<vmem>>, vector<16xf32>,
      tpu.vector_store %arg6[%swap3A_2165], %mul3A_2164 {strides = array<i32>} : memref<10768xf32, #tpu.memory_space<vmem>>, vector<16xf32>,
      %mul3A_2167 = arith.mulf %sub3A_2153, %sub3A_2153 : vector<16xf32>
      %neg3A_2168 = arith.constant 0.000000e+00 : f32
      %neg3A_2169 = vector.broadcast %neg3A_2168 : f32 to vector<16xf32>
      %neg3A_2170 = arith.subf %neg3A_2169, %mul3A_2167 : vector<16xf32>
      %mul3A_2171 = vector.broadcast %squeeze3A_2108 : f32 to vector<16xf32>
      %mul3A_2172 = arith.mulf %neg3A_2170, %mul3A_2171 : vector<16xf32>
      %exp3A_2173 = math.exp %mul3A_2172 : vector<16xf32>
      %mul3A_2174 = vector.broadcast %squeeze3A_2110 : f32 to vector<16xf32>
      %mul3A_2175 = arith.mulf %exp3A_2173, %mul3A_2174 : vector<16xf32>
      %add3A_2176 = arith.constant 16 : i32
      %add3A_2177 = arith.addi %add3A_2112, %add3A_2176 : i32
      %swap3A_2178 = arith.index_cast %add3A_2177 : i32 to index
      %swap3A_2179 = tpu.vector_load %arg6[%swap3A_2178] {strides = array<i32>} : memref<10768xf32, #tpu.memory_space<vmem>>, vector<16xf32>,
      tpu.vector_store %arg6[%swap3A_2178], %mul3A_2175 {strides = array<i32>} : memref<10768xf32, #tpu.memory_space<vmem>>, vector<16xf32>,
      %mul3A_2180 = arith.mulf %sub3A_2155, %sub3A_2155 : vector<16xf32>
      %neg3A_2181 = arith.constant 0.000000e+00 : f32
      %neg3A_2182 = vector.broadcast %neg3A_2181 : f32 to vector<16xf32>
      %neg3A_2183 = arith.subf %neg3A_2182, %mul3A_2180 : vector<16xf32>
      %mul3A_2184 = vector.broadcast %squeeze3A_2108 : f32 to vector<16xf32>
      %mul3A_2185 = arith.mulf %neg3A_2183, %mul3A_2184 : vector<16xf32>
      %exp3A_2186 = math.exp %mul3A_2185 : vector<16xf32>
      %mul3A_2187 = vector.broadcast %squeeze3A_2110 : f32 to vector<16xf32>
      %mul3A_2188 = arith.mulf %exp3A_2186, %mul3A_2187 : vector<16xf32>
      %add3A_2189 = arith.constant 32 : i32
      %add3A_2190 = arith.addi %add3A_2112, %add3A_2189 : i32
      %swap3A_2191 = arith.index_cast %add3A_2190 : i32 to index
      %swap3A_2192 = tpu.vector_load %arg6[%swap3A_2191] {strides = array<i32>} : memref<10768xf32, #tpu.memory_space<vmem>>, vector<16xf32>,
      tpu.vector_store %arg6[%swap3A_2191], %mul3A_2188 {strides = array<i32>} : memref<10768xf32, #tpu.memory_space<vmem>>, vector<16xf32>,
      %slice3A_2193 = vector.extract_strided_slice %get3A_1008 {offsets = [13], sizes = [1], strides = [1]} : vector<16xf32> to vector<1xf32>
      %squeeze3A_2194 = vector.extract %slice3A_2193[0] : f32 from vector<1xf32>
      %slice3A_2195 = vector.extract_strided_slice %get3A_1012 {offsets = [13], sizes = [1], strides = [1]} : vector<16xf32> to vector<1xf32>
      %squeeze3A_2196 = vector.extract %slice3A_2195[0] : f32 from vector<1xf32>
      %slice3A_2197 = vector.extract_strided_slice %get3A_1016 {offsets = [13], sizes = [1], strides = [1]} : vector<16xf32> to vector<1xf32>
      %squeeze3A_2198 = vector.extract %slice3A_2197[0] : f32 from vector<1xf32>
      %slice3A_2199 = vector.extract_strided_slice %get3A_1020 {offsets = [13], sizes = [1], strides = [1]} : vector<16xf32> to vector<1xf32>
      %squeeze3A_2200 = vector.extract %slice3A_2199[0] : f32 from vector<1xf32>
      %add3A_2201 = arith.constant 624 : i32
      %add3A_2202 = arith.addi %mul3A_1024, %add3A_2201 : i32
      %sub3A_2203 = vector.broadcast %squeeze3A_2194 : f32 to vector<16xf32>
      %sub3A_2204 = arith.subf %convert_element_type3A_952, %sub3A_2203 : vector<16xf32>
      %sub3A_2205 = vector.broadcast %squeeze3A_2194 : f32 to vector<16xf32>
      %sub3A_2206 = arith.subf %add3A_955, %sub3A_2205 : vector<16xf32>
      %sub3A_2207 = vector.broadcast %squeeze3A_2194 : f32 to vector<16xf32>
      %sub3A_2208 = arith.subf %add3A_958, %sub3A_2207 : vector<16xf32>
      %mul3A_2209 = arith.mulf %sub3A_2204, %sub3A_2204 : vector<16xf32>
      %neg3A_2210 = arith.constant 0.000000e+00 : f32
      %neg3A_2211 = vector.broadcast %neg3A_2210 : f32 to vector<16xf32>
      %neg3A_2212 = arith.subf %neg3A_2211, %mul3A_2209 : vector<16xf32>
      %mul3A_2213 = vector.broadcast %squeeze3A_2198 : f32 to vector<16xf32>
      %mul3A_2214 = arith.mulf %neg3A_2212, %mul3A_2213 : vector<16xf32>
      %exp3A_2215 = math.exp %mul3A_2214 : vector<16xf32>
      %swap3A_2216 = arith.index_cast %add3A_2202 : i32 to index
      %swap3A_2217 = tpu.vector_load %arg5[%swap3A_2216] {strides = array<i32>} : memref<10752xf32, #tpu.memory_space<vmem>>, vector<16xf32>,
      tpu.vector_store %arg5[%swap3A_2216], %exp3A_2215 {strides = array<i32>} : memref<10752xf32, #tpu.memory_space<vmem>>, vector<16xf32>,
      %mul3A_2218 = arith.mulf %sub3A_2206, %sub3A_2206 : vector<16xf32>
      %neg3A_2219 = arith.constant 0.000000e+00 : f32
      %neg3A_2220 = vector.broadcast %neg3A_2219 : f32 to vector<16xf32>
      %neg3A_2221 = arith.subf %neg3A_2220, %mul3A_2218 : vector<16xf32>
      %mul3A_2222 = vector.broadcast %squeeze3A_2198 : f32 to vector<16xf32>
      %mul3A_2223 = arith.mulf %neg3A_2221, %mul3A_2222 : vector<16xf32>
      %exp3A_2224 = math.exp %mul3A_2223 : vector<16xf32>
      %add3A_2225 = arith.constant 16 : i32
      %add3A_2226 = arith.addi %add3A_2202, %add3A_2225 : i32
      %swap3A_2227 = arith.index_cast %add3A_2226 : i32 to index
      %swap3A_2228 = tpu.vector_load %arg5[%swap3A_2227] {strides = array<i32>} : memref<10752xf32, #tpu.memory_space<vmem>>, vector<16xf32>,
      tpu.vector_store %arg5[%swap3A_2227], %exp3A_2224 {strides = array<i32>} : memref<10752xf32, #tpu.memory_space<vmem>>, vector<16xf32>,
      %mul3A_2229 = arith.mulf %sub3A_2208, %sub3A_2208 : vector<16xf32>
      %neg3A_2230 = arith.constant 0.000000e+00 : f32
      %neg3A_2231 = vector.broadcast %neg3A_2230 : f32 to vector<16xf32>
      %neg3A_2232 = arith.subf %neg3A_2231, %mul3A_2229 : vector<16xf32>
      %mul3A_2233 = vector.broadcast %squeeze3A_2198 : f32 to vector<16xf32>
      %mul3A_2234 = arith.mulf %neg3A_2232, %mul3A_2233 : vector<16xf32>
      %exp3A_2235 = math.exp %mul3A_2234 : vector<16xf32>
      %add3A_2236 = arith.constant 32 : i32
      %add3A_2237 = arith.addi %add3A_2202, %add3A_2236 : i32
      %swap3A_2238 = arith.index_cast %add3A_2237 : i32 to index
      %swap3A_2239 = tpu.vector_load %arg5[%swap3A_2238] {strides = array<i32>} : memref<10752xf32, #tpu.memory_space<vmem>>, vector<16xf32>,
      tpu.vector_store %arg5[%swap3A_2238], %exp3A_2235 {strides = array<i32>} : memref<10752xf32, #tpu.memory_space<vmem>>, vector<16xf32>,
      %sub3A_2240 = vector.broadcast %squeeze3A_2196 : f32 to vector<16xf32>
      %sub3A_2241 = arith.subf %convert_element_type3A_952, %sub3A_2240 : vector<16xf32>
      %sub3A_2242 = vector.broadcast %squeeze3A_2196 : f32 to vector<16xf32>
      %sub3A_2243 = arith.subf %add3A_955, %sub3A_2242 : vector<16xf32>
      %sub3A_2244 = vector.broadcast %squeeze3A_2196 : f32 to vector<16xf32>
      %sub3A_2245 = arith.subf %add3A_958, %sub3A_2244 : vector<16xf32>
      %mul3A_2246 = arith.mulf %sub3A_2241, %sub3A_2241 : vector<16xf32>
      %neg3A_2247 = arith.constant 0.000000e+00 : f32
      %neg3A_2248 = vector.broadcast %neg3A_2247 : f32 to vector<16xf32>
      %neg3A_2249 = arith.subf %neg3A_2248, %mul3A_2246 : vector<16xf32>
      %mul3A_2250 = vector.broadcast %squeeze3A_2198 : f32 to vector<16xf32>
      %mul3A_2251 = arith.mulf %neg3A_2249, %mul3A_2250 : vector<16xf32>
      %exp3A_2252 = math.exp %mul3A_2251 : vector<16xf32>
      %mul3A_2253 = vector.broadcast %squeeze3A_2200 : f32 to vector<16xf32>
      %mul3A_2254 = arith.mulf %exp3A_2252, %mul3A_2253 : vector<16xf32>
      %swap3A_2255 = arith.index_cast %add3A_2202 : i32 to index
      %swap3A_2256 = tpu.vector_load %arg6[%swap3A_2255] {strides = array<i32>} : memref<10768xf32, #tpu.memory_space<vmem>>, vector<16xf32>,
      tpu.vector_store %arg6[%swap3A_2255], %mul3A_2254 {strides = array<i32>} : memref<10768xf32, #tpu.memory_space<vmem>>, vector<16xf32>,
      %mul3A_2257 = arith.mulf %sub3A_2243, %sub3A_2243 : vector<16xf32>
      %neg3A_2258 = arith.constant 0.000000e+00 : f32
      %neg3A_2259 = vector.broadcast %neg3A_2258 : f32 to vector<16xf32>
      %neg3A_2260 = arith.subf %neg3A_2259, %mul3A_2257 : vector<16xf32>
      %mul3A_2261 = vector.broadcast %squeeze3A_2198 : f32 to vector<16xf32>
      %mul3A_2262 = arith.mulf %neg3A_2260, %mul3A_2261 : vector<16xf32>
      %exp3A_2263 = math.exp %mul3A_2262 : vector<16xf32>
      %mul3A_2264 = vector.broadcast %squeeze3A_2200 : f32 to vector<16xf32>
      %mul3A_2265 = arith.mulf %exp3A_2263, %mul3A_2264 : vector<16xf32>
      %add3A_2266 = arith.constant 16 : i32
      %add3A_2267 = arith.addi %add3A_2202, %add3A_2266 : i32
      %swap3A_2268 = arith.index_cast %add3A_2267 : i32 to index
      %swap3A_2269 = tpu.vector_load %arg6[%swap3A_2268] {strides = array<i32>} : memref<10768xf32, #tpu.memory_space<vmem>>, vector<16xf32>,
      tpu.vector_store %arg6[%swap3A_2268], %mul3A_2265 {strides = array<i32>} : memref<10768xf32, #tpu.memory_space<vmem>>, vector<16xf32>,
      %mul3A_2270 = arith.mulf %sub3A_2245, %sub3A_2245 : vector<16xf32>
      %neg3A_2271 = arith.constant 0.000000e+00 : f32
      %neg3A_2272 = vector.broadcast %neg3A_2271 : f32 to vector<16xf32>
      %neg3A_2273 = arith.subf %neg3A_2272, %mul3A_2270 : vector<16xf32>
      %mul3A_2274 = vector.broadcast %squeeze3A_2198 : f32 to vector<16xf32>
      %mul3A_2275 = arith.mulf %neg3A_2273, %mul3A_2274 : vector<16xf32>
      %exp3A_2276 = math.exp %mul3A_2275 : vector<16xf32>
      %mul3A_2277 = vector.broadcast %squeeze3A_2200 : f32 to vector<16xf32>
      %mul3A_2278 = arith.mulf %exp3A_2276, %mul3A_2277 : vector<16xf32>
      %add3A_2279 = arith.constant 32 : i32
      %add3A_2280 = arith.addi %add3A_2202, %add3A_2279 : i32
      %swap3A_2281 = arith.index_cast %add3A_2280 : i32 to index
      %swap3A_2282 = tpu.vector_load %arg6[%swap3A_2281] {strides = array<i32>} : memref<10768xf32, #tpu.memory_space<vmem>>, vector<16xf32>,
      tpu.vector_store %arg6[%swap3A_2281], %mul3A_2278 {strides = array<i32>} : memref<10768xf32, #tpu.memory_space<vmem>>, vector<16xf32>,
      %slice3A_2283 = vector.extract_strided_slice %get3A_1008 {offsets = [14], sizes = [1], strides = [1]} : vector<16xf32> to vector<1xf32>
      %squeeze3A_2284 = vector.extract %slice3A_2283[0] : f32 from vector<1xf32>
      %slice3A_2285 = vector.extract_strided_slice %get3A_1012 {offsets = [14], sizes = [1], strides = [1]} : vector<16xf32> to vector<1xf32>
      %squeeze3A_2286 = vector.extract %slice3A_2285[0] : f32 from vector<1xf32>
      %slice3A_2287 = vector.extract_strided_slice %get3A_1016 {offsets = [14], sizes = [1], strides = [1]} : vector<16xf32> to vector<1xf32>
      %squeeze3A_2288 = vector.extract %slice3A_2287[0] : f32 from vector<1xf32>
      %slice3A_2289 = vector.extract_strided_slice %get3A_1020 {offsets = [14], sizes = [1], strides = [1]} : vector<16xf32> to vector<1xf32>
      %squeeze3A_2290 = vector.extract %slice3A_2289[0] : f32 from vector<1xf32>
      %add3A_2291 = arith.constant 672 : i32
      %add3A_2292 = arith.addi %mul3A_1024, %add3A_2291 : i32
      %sub3A_2293 = vector.broadcast %squeeze3A_2284 : f32 to vector<16xf32>
      %sub3A_2294 = arith.subf %convert_element_type3A_952, %sub3A_2293 : vector<16xf32>
      %sub3A_2295 = vector.broadcast %squeeze3A_2284 : f32 to vector<16xf32>
      %sub3A_2296 = arith.subf %add3A_955, %sub3A_2295 : vector<16xf32>
      %sub3A_2297 = vector.broadcast %squeeze3A_2284 : f32 to vector<16xf32>
      %sub3A_2298 = arith.subf %add3A_958, %sub3A_2297 : vector<16xf32>
      %mul3A_2299 = arith.mulf %sub3A_2294, %sub3A_2294 : vector<16xf32>
      %neg3A_2300 = arith.constant 0.000000e+00 : f32
      %neg3A_2301 = vector.broadcast %neg3A_2300 : f32 to vector<16xf32>
      %neg3A_2302 = arith.subf %neg3A_2301, %mul3A_2299 : vector<16xf32>
      %mul3A_2303 = vector.broadcast %squeeze3A_2288 : f32 to vector<16xf32>
      %mul3A_2304 = arith.mulf %neg3A_2302, %mul3A_2303 : vector<16xf32>
      %exp3A_2305 = math.exp %mul3A_2304 : vector<16xf32>
      %swap3A_2306 = arith.index_cast %add3A_2292 : i32 to index
      %swap3A_2307 = tpu.vector_load %arg5[%swap3A_2306] {strides = array<i32>} : memref<10752xf32, #tpu.memory_space<vmem>>, vector<16xf32>,
      tpu.vector_store %arg5[%swap3A_2306], %exp3A_2305 {strides = array<i32>} : memref<10752xf32, #tpu.memory_space<vmem>>, vector<16xf32>,
      %mul3A_2308 = arith.mulf %sub3A_2296, %sub3A_2296 : vector<16xf32>
      %neg3A_2309 = arith.constant 0.000000e+00 : f32
      %neg3A_2310 = vector.broadcast %neg3A_2309 : f32 to vector<16xf32>
      %neg3A_2311 = arith.subf %neg3A_2310, %mul3A_2308 : vector<16xf32>
      %mul3A_2312 = vector.broadcast %squeeze3A_2288 : f32 to vector<16xf32>
      %mul3A_2313 = arith.mulf %neg3A_2311, %mul3A_2312 : vector<16xf32>
      %exp3A_2314 = math.exp %mul3A_2313 : vector<16xf32>
      %add3A_2315 = arith.constant 16 : i32
      %add3A_2316 = arith.addi %add3A_2292, %add3A_2315 : i32
      %swap3A_2317 = arith.index_cast %add3A_2316 : i32 to index
      %swap3A_2318 = tpu.vector_load %arg5[%swap3A_2317] {strides = array<i32>} : memref<10752xf32, #tpu.memory_space<vmem>>, vector<16xf32>,
      tpu.vector_store %arg5[%swap3A_2317], %exp3A_2314 {strides = array<i32>} : memref<10752xf32, #tpu.memory_space<vmem>>, vector<16xf32>,
      %mul3A_2319 = arith.mulf %sub3A_2298, %sub3A_2298 : vector<16xf32>
      %neg3A_2320 = arith.constant 0.000000e+00 : f32
      %neg3A_2321 = vector.broadcast %neg3A_2320 : f32 to vector<16xf32>
      %neg3A_2322 = arith.subf %neg3A_2321, %mul3A_2319 : vector<16xf32>
      %mul3A_2323 = vector.broadcast %squeeze3A_2288 : f32 to vector<16xf32>
      %mul3A_2324 = arith.mulf %neg3A_2322, %mul3A_2323 : vector<16xf32>
      %exp3A_2325 = math.exp %mul3A_2324 : vector<16xf32>
      %add3A_2326 = arith.constant 32 : i32
      %add3A_2327 = arith.addi %add3A_2292, %add3A_2326 : i32
      %swap3A_2328 = arith.index_cast %add3A_2327 : i32 to index
      %swap3A_2329 = tpu.vector_load %arg5[%swap3A_2328] {strides = array<i32>} : memref<10752xf32, #tpu.memory_space<vmem>>, vector<16xf32>,
      tpu.vector_store %arg5[%swap3A_2328], %exp3A_2325 {strides = array<i32>} : memref<10752xf32, #tpu.memory_space<vmem>>, vector<16xf32>,
      %sub3A_2330 = vector.broadcast %squeeze3A_2286 : f32 to vector<16xf32>
      %sub3A_2331 = arith.subf %convert_element_type3A_952, %sub3A_2330 : vector<16xf32>
      %sub3A_2332 = vector.broadcast %squeeze3A_2286 : f32 to vector<16xf32>
      %sub3A_2333 = arith.subf %add3A_955, %sub3A_2332 : vector<16xf32>
      %sub3A_2334 = vector.broadcast %squeeze3A_2286 : f32 to vector<16xf32>
      %sub3A_2335 = arith.subf %add3A_958, %sub3A_2334 : vector<16xf32>
      %mul3A_2336 = arith.mulf %sub3A_2331, %sub3A_2331 : vector<16xf32>
      %neg3A_2337 = arith.constant 0.000000e+00 : f32
      %neg3A_2338 = vector.broadcast %neg3A_2337 : f32 to vector<16xf32>
      %neg3A_2339 = arith.subf %neg3A_2338, %mul3A_2336 : vector<16xf32>
      %mul3A_2340 = vector.broadcast %squeeze3A_2288 : f32 to vector<16xf32>
      %mul3A_2341 = arith.mulf %neg3A_2339, %mul3A_2340 : vector<16xf32>
      %exp3A_2342 = math.exp %mul3A_2341 : vector<16xf32>
      %mul3A_2343 = vector.broadcast %squeeze3A_2290 : f32 to vector<16xf32>
      %mul3A_2344 = arith.mulf %exp3A_2342, %mul3A_2343 : vector<16xf32>
      %swap3A_2345 = arith.index_cast %add3A_2292 : i32 to index
      %swap3A_2346 = tpu.vector_load %arg6[%swap3A_2345] {strides = array<i32>} : memref<10768xf32, #tpu.memory_space<vmem>>, vector<16xf32>,
      tpu.vector_store %arg6[%swap3A_2345], %mul3A_2344 {strides = array<i32>} : memref<10768xf32, #tpu.memory_space<vmem>>, vector<16xf32>,
      %mul3A_2347 = arith.mulf %sub3A_2333, %sub3A_2333 : vector<16xf32>
      %neg3A_2348 = arith.constant 0.000000e+00 : f32
      %neg3A_2349 = vector.broadcast %neg3A_2348 : f32 to vector<16xf32>
      %neg3A_2350 = arith.subf %neg3A_2349, %mul3A_2347 : vector<16xf32>
      %mul3A_2351 = vector.broadcast %squeeze3A_2288 : f32 to vector<16xf32>
      %mul3A_2352 = arith.mulf %neg3A_2350, %mul3A_2351 : vector<16xf32>
      %exp3A_2353 = math.exp %mul3A_2352 : vector<16xf32>
      %mul3A_2354 = vector.broadcast %squeeze3A_2290 : f32 to vector<16xf32>
      %mul3A_2355 = arith.mulf %exp3A_2353, %mul3A_2354 : vector<16xf32>
      %add3A_2356 = arith.constant 16 : i32
      %add3A_2357 = arith.addi %add3A_2292, %add3A_2356 : i32
      %swap3A_2358 = arith.index_cast %add3A_2357 : i32 to index
      %swap3A_2359 = tpu.vector_load %arg6[%swap3A_2358] {strides = array<i32>} : memref<10768xf32, #tpu.memory_space<vmem>>, vector<16xf32>,
      tpu.vector_store %arg6[%swap3A_2358], %mul3A_2355 {strides = array<i32>} : memref<10768xf32, #tpu.memory_space<vmem>>, vector<16xf32>,
      %mul3A_2360 = arith.mulf %sub3A_2335, %sub3A_2335 : vector<16xf32>
      %neg3A_2361 = arith.constant 0.000000e+00 : f32
      %neg3A_2362 = vector.broadcast %neg3A_2361 : f32 to vector<16xf32>
      %neg3A_2363 = arith.subf %neg3A_2362, %mul3A_2360 : vector<16xf32>
      %mul3A_2364 = vector.broadcast %squeeze3A_2288 : f32 to vector<16xf32>
      %mul3A_2365 = arith.mulf %neg3A_2363, %mul3A_2364 : vector<16xf32>
      %exp3A_2366 = math.exp %mul3A_2365 : vector<16xf32>
      %mul3A_2367 = vector.broadcast %squeeze3A_2290 : f32 to vector<16xf32>
      %mul3A_2368 = arith.mulf %exp3A_2366, %mul3A_2367 : vector<16xf32>
      %add3A_2369 = arith.constant 32 : i32
      %add3A_2370 = arith.addi %add3A_2292, %add3A_2369 : i32
      %swap3A_2371 = arith.index_cast %add3A_2370 : i32 to index
      %swap3A_2372 = tpu.vector_load %arg6[%swap3A_2371] {strides = array<i32>} : memref<10768xf32, #tpu.memory_space<vmem>>, vector<16xf32>,
      tpu.vector_store %arg6[%swap3A_2371], %mul3A_2368 {strides = array<i32>} : memref<10768xf32, #tpu.memory_space<vmem>>, vector<16xf32>,
      %slice3A_2373 = vector.extract_strided_slice %get3A_1008 {offsets = [15], sizes = [1], strides = [1]} : vector<16xf32> to vector<1xf32>
      %squeeze3A_2374 = vector.extract %slice3A_2373[0] : f32 from vector<1xf32>
      %slice3A_2375 = vector.extract_strided_slice %get3A_1012 {offsets = [15], sizes = [1], strides = [1]} : vector<16xf32> to vector<1xf32>
      %squeeze3A_2376 = vector.extract %slice3A_2375[0] : f32 from vector<1xf32>
      %slice3A_2377 = vector.extract_strided_slice %get3A_1016 {offsets = [15], sizes = [1], strides = [1]} : vector<16xf32> to vector<1xf32>
      %squeeze3A_2378 = vector.extract %slice3A_2377[0] : f32 from vector<1xf32>
      %slice3A_2379 = vector.extract_strided_slice %get3A_1020 {offsets = [15], sizes = [1], strides = [1]} : vector<16xf32> to vector<1xf32>
      %squeeze3A_2380 = vector.extract %slice3A_2379[0] : f32 from vector<1xf32>
      %add3A_2381 = arith.constant 720 : i32
      %add3A_2382 = arith.addi %mul3A_1024, %add3A_2381 : i32
      %sub3A_2383 = vector.broadcast %squeeze3A_2374 : f32 to vector<16xf32>
      %sub3A_2384 = arith.subf %convert_element_type3A_952, %sub3A_2383 : vector<16xf32>
      %sub3A_2385 = vector.broadcast %squeeze3A_2374 : f32 to vector<16xf32>
      %sub3A_2386 = arith.subf %add3A_955, %sub3A_2385 : vector<16xf32>
      %sub3A_2387 = vector.broadcast %squeeze3A_2374 : f32 to vector<16xf32>
      %sub3A_2388 = arith.subf %add3A_958, %sub3A_2387 : vector<16xf32>
      %mul3A_2389 = arith.mulf %sub3A_2384, %sub3A_2384 : vector<16xf32>
      %neg3A_2390 = arith.constant 0.000000e+00 : f32
      %neg3A_2391 = vector.broadcast %neg3A_2390 : f32 to vector<16xf32>
      %neg3A_2392 = arith.subf %neg3A_2391, %mul3A_2389 : vector<16xf32>
      %mul3A_2393 = vector.broadcast %squeeze3A_2378 : f32 to vector<16xf32>
      %mul3A_2394 = arith.mulf %neg3A_2392, %mul3A_2393 : vector<16xf32>
      %exp3A_2395 = math.exp %mul3A_2394 : vector<16xf32>
      %swap3A_2396 = arith.index_cast %add3A_2382 : i32 to index
      %swap3A_2397 = tpu.vector_load %arg5[%swap3A_2396] {strides = array<i32>} : memref<10752xf32, #tpu.memory_space<vmem>>, vector<16xf32>,
      tpu.vector_store %arg5[%swap3A_2396], %exp3A_2395 {strides = array<i32>} : memref<10752xf32, #tpu.memory_space<vmem>>, vector<16xf32>,
      %mul3A_2398 = arith.mulf %sub3A_2386, %sub3A_2386 : vector<16xf32>
      %neg3A_2399 = arith.constant 0.000000e+00 : f32
      %neg3A_2400 = vector.broadcast %neg3A_2399 : f32 to vector<16xf32>
      %neg3A_2401 = arith.subf %neg3A_2400, %mul3A_2398 : vector<16xf32>
      %mul3A_2402 = vector.broadcast %squeeze3A_2378 : f32 to vector<16xf32>
      %mul3A_2403 = arith.mulf %neg3A_2401, %mul3A_2402 : vector<16xf32>
      %exp3A_2404 = math.exp %mul3A_2403 : vector<16xf32>
      %add3A_2405 = arith.constant 16 : i32
      %add3A_2406 = arith.addi %add3A_2382, %add3A_2405 : i32
      %swap3A_2407 = arith.index_cast %add3A_2406 : i32 to index
      %swap3A_2408 = tpu.vector_load %arg5[%swap3A_2407] {strides = array<i32>} : memref<10752xf32, #tpu.memory_space<vmem>>, vector<16xf32>,
      tpu.vector_store %arg5[%swap3A_2407], %exp3A_2404 {strides = array<i32>} : memref<10752xf32, #tpu.memory_space<vmem>>, vector<16xf32>,
      %mul3A_2409 = arith.mulf %sub3A_2388, %sub3A_2388 : vector<16xf32>
      %neg3A_2410 = arith.constant 0.000000e+00 : f32
      %neg3A_2411 = vector.broadcast %neg3A_2410 : f32 to vector<16xf32>
      %neg3A_2412 = arith.subf %neg3A_2411, %mul3A_2409 : vector<16xf32>
      %mul3A_2413 = vector.broadcast %squeeze3A_2378 : f32 to vector<16xf32>
      %mul3A_2414 = arith.mulf %neg3A_2412, %mul3A_2413 : vector<16xf32>
      %exp3A_2415 = math.exp %mul3A_2414 : vector<16xf32>
      %add3A_2416 = arith.constant 32 : i32
      %add3A_2417 = arith.addi %add3A_2382, %add3A_2416 : i32
      %swap3A_2418 = arith.index_cast %add3A_2417 : i32 to index
      %swap3A_2419 = tpu.vector_load %arg5[%swap3A_2418] {strides = array<i32>} : memref<10752xf32, #tpu.memory_space<vmem>>, vector<16xf32>,
      tpu.vector_store %arg5[%swap3A_2418], %exp3A_2415 {strides = array<i32>} : memref<10752xf32, #tpu.memory_space<vmem>>, vector<16xf32>,
      %sub3A_2420 = vector.broadcast %squeeze3A_2376 : f32 to vector<16xf32>
      %sub3A_2421 = arith.subf %convert_element_type3A_952, %sub3A_2420 : vector<16xf32>
      %sub3A_2422 = vector.broadcast %squeeze3A_2376 : f32 to vector<16xf32>
      %sub3A_2423 = arith.subf %add3A_955, %sub3A_2422 : vector<16xf32>
      %sub3A_2424 = vector.broadcast %squeeze3A_2376 : f32 to vector<16xf32>
      %sub3A_2425 = arith.subf %add3A_958, %sub3A_2424 : vector<16xf32>
      %mul3A_2426 = arith.mulf %sub3A_2421, %sub3A_2421 : vector<16xf32>
      %neg3A_2427 = arith.constant 0.000000e+00 : f32
      %neg3A_2428 = vector.broadcast %neg3A_2427 : f32 to vector<16xf32>
      %neg3A_2429 = arith.subf %neg3A_2428, %mul3A_2426 : vector<16xf32>
      %mul3A_2430 = vector.broadcast %squeeze3A_2378 : f32 to vector<16xf32>
      %mul3A_2431 = arith.mulf %neg3A_2429, %mul3A_2430 : vector<16xf32>
      %exp3A_2432 = math.exp %mul3A_2431 : vector<16xf32>
      %mul3A_2433 = vector.broadcast %squeeze3A_2380 : f32 to vector<16xf32>
      %mul3A_2434 = arith.mulf %exp3A_2432, %mul3A_2433 : vector<16xf32>
      %swap3A_2435 = arith.index_cast %add3A_2382 : i32 to index
      %swap3A_2436 = tpu.vector_load %arg6[%swap3A_2435] {strides = array<i32>} : memref<10768xf32, #tpu.memory_space<vmem>>, vector<16xf32>,
      tpu.vector_store %arg6[%swap3A_2435], %mul3A_2434 {strides = array<i32>} : memref<10768xf32, #tpu.memory_space<vmem>>, vector<16xf32>,
      %mul3A_2437 = arith.mulf %sub3A_2423, %sub3A_2423 : vector<16xf32>
      %neg3A_2438 = arith.constant 0.000000e+00 : f32
      %neg3A_2439 = vector.broadcast %neg3A_2438 : f32 to vector<16xf32>
      %neg3A_2440 = arith.subf %neg3A_2439, %mul3A_2437 : vector<16xf32>
      %mul3A_2441 = vector.broadcast %squeeze3A_2378 : f32 to vector<16xf32>
      %mul3A_2442 = arith.mulf %neg3A_2440, %mul3A_2441 : vector<16xf32>
      %exp3A_2443 = math.exp %mul3A_2442 : vector<16xf32>
      %mul3A_2444 = vector.broadcast %squeeze3A_2380 : f32 to vector<16xf32>
      %mul3A_2445 = arith.mulf %exp3A_2443, %mul3A_2444 : vector<16xf32>
      %add3A_2446 = arith.constant 16 : i32
      %add3A_2447 = arith.addi %add3A_2382, %add3A_2446 : i32
      %swap3A_2448 = arith.index_cast %add3A_2447 : i32 to index
      %swap3A_2449 = tpu.vector_load %arg6[%swap3A_2448] {strides = array<i32>} : memref<10768xf32, #tpu.memory_space<vmem>>, vector<16xf32>,
      tpu.vector_store %arg6[%swap3A_2448], %mul3A_2445 {strides = array<i32>} : memref<10768xf32, #tpu.memory_space<vmem>>, vector<16xf32>,
      %mul3A_2450 = arith.mulf %sub3A_2425, %sub3A_2425 : vector<16xf32>
      %neg3A_2451 = arith.constant 0.000000e+00 : f32
      %neg3A_2452 = vector.broadcast %neg3A_2451 : f32 to vector<16xf32>
      %neg3A_2453 = arith.subf %neg3A_2452, %mul3A_2450 : vector<16xf32>
      %mul3A_2454 = vector.broadcast %squeeze3A_2378 : f32 to vector<16xf32>
      %mul3A_2455 = arith.mulf %neg3A_2453, %mul3A_2454 : vector<16xf32>
      %exp3A_2456 = math.exp %mul3A_2455 : vector<16xf32>
      %mul3A_2457 = vector.broadcast %squeeze3A_2380 : f32 to vector<16xf32>
      %mul3A_2458 = arith.mulf %exp3A_2456, %mul3A_2457 : vector<16xf32>
      %add3A_2459 = arith.constant 32 : i32
      %add3A_2460 = arith.addi %add3A_2382, %add3A_2459 : i32
      %swap3A_2461 = arith.index_cast %add3A_2460 : i32 to index
      %swap3A_2462 = tpu.vector_load %arg6[%swap3A_2461] {strides = array<i32>} : memref<10768xf32, #tpu.memory_space<vmem>>, vector<16xf32>,
      tpu.vector_store %arg6[%swap3A_2461], %mul3A_2458 {strides = array<i32>} : memref<10768xf32, #tpu.memory_space<vmem>>, vector<16xf32>,
    }
    %while3A_992 = arith.constant 1 : i32
    scf.for %while3A_1004 = %while3A_990 to %while3A_986 step %while3A_992  : i32 {
      %mul3A_1005 = arith.constant 16 : i32
      %mul3A_1006 = arith.muli %while3A_1004, %mul3A_1005 : i32
      %get3A_1007 = arith.index_cast %mul3A_1006 : i32 to index
      %get3A_1008 = tpu.vector_load %arg7[%get3A_1007] {strides = array<i32>} : memref<240xf32, #tpu.memory_space<vmem>>, vector<16xf32>,
      %mul3A_1009 = arith.constant 16 : i32
      %mul3A_1010 = arith.muli %while3A_1004, %mul3A_1009 : i32
      %get3A_1011 = arith.index_cast %mul3A_1010 : i32 to index
      %get3A_1012 = tpu.vector_load %arg8[%get3A_1011] {strides = array<i32>} : memref<240xf32, #tpu.memory_space<vmem>>, vector<16xf32>,
      %mul3A_1013 = arith.constant 16 : i32
      %mul3A_1014 = arith.muli %while3A_1004, %mul3A_1013 : i32
      %get3A_1015 = arith.index_cast %mul3A_1014 : i32 to index
      %get3A_1016 = tpu.vector_load %arg9[%get3A_1015] {strides = array<i32>} : memref<240xf32, #tpu.memory_space<vmem>>, vector<16xf32>,
      %mul3A_1017 = arith.constant 16 : i32
      %mul3A_1018 = arith.muli %while3A_1004, %mul3A_1017 : i32
      %get3A_1019 = arith.index_cast %mul3A_1018 : i32 to index
      %get3A_1020 = tpu.vector_load %arg10[%get3A_1019] {strides = array<i32>} : memref<240xf32, #tpu.memory_space<vmem>>, vector<16xf32>,
      %mul3A_1021 = arith.constant 16 : i32
      %mul3A_1022 = arith.muli %while3A_1004, %mul3A_1021 : i32
      %mul3A_1023 = arith.constant 48 : i32
      %mul3A_1024 = arith.muli %mul3A_1022, %mul3A_1023 : i32
      %slice3A_1025 = vector.extract_strided_slice %get3A_1008 {offsets = [0], sizes = [1], strides = [1]} : vector<16xf32> to vector<1xf32>
      %squeeze3A_1026 = vector.extract %slice3A_1025[0] : f32 from vector<1xf32>
      %slice3A_1027 = vector.extract_strided_slice %get3A_1012 {offsets = [0], sizes = [1], strides = [1]} : vector<16xf32> to vector<1xf32>
      %squeeze3A_1028 = vector.extract %slice3A_1027[0] : f32 from vector<1xf32>
      %slice3A_1029 = vector.extract_strided_slice %get3A_1016 {offsets = [0], sizes = [1], strides = [1]} : vector<16xf32> to vector<1xf32>
      %squeeze3A_1030 = vector.extract %slice3A_1029[0] : f32 from vector<1xf32>
      %slice3A_1031 = vector.extract_strided_slice %get3A_1020 {offsets = [0], sizes = [1], strides = [1]} : vector<16xf32> to vector<1xf32>
      %squeeze3A_1032 = vector.extract %slice3A_1031[0] : f32 from vector<1xf32>
      %add3A_1033 = arith.constant 0 : i32
      %add3A_1034 = arith.addi %mul3A_1024, %add3A_1033 : i32
      %sub3A_1035 = vector.broadcast %squeeze3A_1026 : f32 to vector<16xf32>
      %sub3A_1036 = arith.subf %convert_element_type3A_952, %sub3A_1035 : vector<16xf32>
      %sub3A_1037 = vector.broadcast %squeeze3A_1026 : f32 to vector<16xf32>
      %sub3A_1038 = arith.subf %add3A_955, %sub3A_1037 : vector<16xf32>
      %sub3A_1039 = vector.broadcast %squeeze3A_1026 : f32 to vector<16xf32>
      %sub3A_1040 = arith.subf %add3A_958, %sub3A_1039 : vector<16xf32>
      %mul3A_1041 = arith.mulf %sub3A_1036, %sub3A_1036 : vector<16xf32>
      %neg3A = arith.constant 0.000000e+00 : f32
      %neg3A_1042 = vector.broadcast %neg3A : f32 to vector<16xf32>
      %neg3A_1043 = arith.subf %neg3A_1042, %mul3A_1041 : vector<16xf32>
      %mul3A_1044 = vector.broadcast %squeeze3A_1030 : f32 to vector<16xf32>
      %mul3A_1045 = arith.mulf %neg3A_1043, %mul3A_1044 : vector<16xf32>
      %exp3A = math.exp %mul3A_1045 : vector<16xf32>
      %swap3A_1046 = arith.index_cast %add3A_1034 : i32 to index
      %swap3A_1047 = tpu.vector_load %arg5[%swap3A_1046] {strides = array<i32>} : memref<10752xf32, #tpu.memory_space<vmem>>, vector<16xf32>,
      tpu.vector_store %arg5[%swap3A_1046], %exp3A {strides = array<i32>} : memref<10752xf32, #tpu.memory_space<vmem>>, vector<16xf32>,
      %mul3A_1048 = arith.mulf %sub3A_1038, %sub3A_1038 : vector<16xf32>
      %neg3A_1049 = arith.constant 0.000000e+00 : f32
      %neg3A_1050 = vector.broadcast %neg3A_1049 : f32 to vector<16xf32>
      %neg3A_1051 = arith.subf %neg3A_1050, %mul3A_1048 : vector<16xf32>
      %mul3A_1052 = vector.broadcast %squeeze3A_1030 : f32 to vector<16xf32>
      %mul3A_1053 = arith.mulf %neg3A_1051, %mul3A_1052 : vector<16xf32>
      %exp3A_1054 = math.exp %mul3A_1053 : vector<16xf32>
      %add3A_1055 = arith.constant 16 : i32
      %add3A_1056 = arith.addi %add3A_1034, %add3A_1055 : i32
      %swap3A_1057 = arith.index_cast %add3A_1056 : i32 to index
      %swap3A_1058 = tpu.vector_load %arg5[%swap3A_1057] {strides = array<i32>} : memref<10752xf32, #tpu.memory_space<vmem>>, vector<16xf32>,
      tpu.vector_store %arg5[%swap3A_1057], %exp3A_1054 {strides = array<i32>} : memref<10752xf32, #tpu.memory_space<vmem>>, vector<16xf32>,
      %mul3A_1059 = arith.mulf %sub3A_1040, %sub3A_1040 : vector<16xf32>
      %neg3A_1060 = arith.constant 0.000000e+00 : f32
      %neg3A_1061 = vector.broadcast %neg3A_1060 : f32 to vector<16xf32>
      %neg3A_1062 = arith.subf %neg3A_1061, %mul3A_1059 : vector<16xf32>
      %mul3A_1063 = vector.broadcast %squeeze3A_1030 : f32 to vector<16xf32>
      %mul3A_1064 = arith.mulf %neg3A_1062, %mul3A_1063 : vector<16xf32>
      %exp3A_1065 = math.exp %mul3A_1064 : vector<16xf32>
      %add3A_1066 = arith.constant 32 : i32
      %add3A_1067 = arith.addi %add3A_1034, %add3A_1066 : i32
      %swap3A_1068 = arith.index_cast %add3A_1067 : i32 to index
      %swap3A_1069 = tpu.vector_load %arg5[%swap3A_1068] {strides = array<i32>} : memref<10752xf32, #tpu.memory_space<vmem>>, vector<16xf32>,
      tpu.vector_store %arg5[%swap3A_1068], %exp3A_1065 {strides = array<i32>} : memref<10752xf32, #tpu.memory_space<vmem>>, vector<16xf32>,
      %sub3A_1070 = vector.broadcast %squeeze3A_1028 : f32 to vector<16xf32>
      %sub3A_1071 = arith.subf %convert_element_type3A_952, %sub3A_1070 : vector<16xf32>
      %sub3A_1072 = vector.broadcast %squeeze3A_1028 : f32 to vector<16xf32>
      %sub3A_1073 = arith.subf %add3A_955, %sub3A_1072 : vector<16xf32>
      %sub3A_1074 = vector.broadcast %squeeze3A_1028 : f32 to vector<16xf32>
      %sub3A_1075 = arith.subf %add3A_958, %sub3A_1074 : vector<16xf32>
      %mul3A_1076 = arith.mulf %sub3A_1071, %sub3A_1071 : vector<16xf32>
      %neg3A_1077 = arith.constant 0.000000e+00 : f32
      %neg3A_1078 = vector.broadcast %neg3A_1077 : f32 to vector<16xf32>
      %neg3A_1079 = arith.subf %neg3A_1078, %mul3A_1076 : vector<16xf32>
      %mul3A_1080 = vector.broadcast %squeeze3A_1030 : f32 to vector<16xf32>
      %mul3A_1081 = arith.mulf %neg3A_1079, %mul3A_1080 : vector<16xf32>
      %exp3A_1082 = math.exp %mul3A_1081 : vector<16xf32>
      %mul3A_1083 = vector.broadcast %squeeze3A_1032 : f32 to vector<16xf32>
      %mul3A_1084 = arith.mulf %exp3A_1082, %mul3A_1083 : vector<16xf32>
      %swap3A_1085 = arith.index_cast %add3A_1034 : i32 to index
      %swap3A_1086 = tpu.vector_load %arg6[%swap3A_1085] {strides = array<i32>} : memref<10768xf32, #tpu.memory_space<vmem>>, vector<16xf32>,
      tpu.vector_store %arg6[%swap3A_1085], %mul3A_1084 {strides = array<i32>} : memref<10768xf32, #tpu.memory_space<vmem>>, vector<16xf32>,
      %mul3A_1087 = arith.mulf %sub3A_1073, %sub3A_1073 : vector<16xf32>
      %neg3A_1088 = arith.constant 0.000000e+00 : f32
      %neg3A_1089 = vector.broadcast %neg3A_1088 : f32 to vector<16xf32>
      %neg3A_1090 = arith.subf %neg3A_1089, %mul3A_1087 : vector<16xf32>
      %mul3A_1091 = vector.broadcast %squeeze3A_1030 : f32 to vector<16xf32>
      %mul3A_1092 = arith.mulf %neg3A_1090, %mul3A_1091 : vector<16xf32>
      %exp3A_1093 = math.exp %mul3A_1092 : vector<16xf32>
      %mul3A_1094 = vector.broadcast %squeeze3A_1032 : f32 to vector<16xf32>
      %mul3A_1095 = arith.mulf %exp3A_1093, %mul3A_1094 : vector<16xf32>
      %add3A_1096 = arith.constant 16 : i32
      %add3A_1097 = arith.addi %add3A_1034, %add3A_1096 : i32
      %swap3A_1098 = arith.index_cast %add3A_1097 : i32 to index
      %swap3A_1099 = tpu.vector_load %arg6[%swap3A_1098] {strides = array<i32>} : memref<10768xf32, #tpu.memory_space<vmem>>, vector<16xf32>,
      tpu.vector_store %arg6[%swap3A_1098], %mul3A_1095 {strides = array<i32>} : memref<10768xf32, #tpu.memory_space<vmem>>, vector<16xf32>,
      %mul3A_1100 = arith.mulf %sub3A_1075, %sub3A_1075 : vector<16xf32>
      %neg3A_1101 = arith.constant 0.000000e+00 : f32
      %neg3A_1102 = vector.broadcast %neg3A_1101 : f32 to vector<16xf32>
      %neg3A_1103 = arith.subf %neg3A_1102, %mul3A_1100 : vector<16xf32>
      %mul3A_1104 = vector.broadcast %squeeze3A_1030 : f32 to vector<16xf32>
      %mul3A_1105 = arith.mulf %neg3A_1103, %mul3A_1104 : vector<16xf32>
      %exp3A_1106 = math.exp %mul3A_1105 : vector<16xf32>
      %mul3A_1107 = vector.broadcast %squeeze3A_1032 : f32 to vector<16xf32>
      %mul3A_1108 = arith.mulf %exp3A_1106, %mul3A_1107 : vector<16xf32>
      %add3A_1109 = arith.constant 32 : i32
      %add3A_1110 = arith.addi %add3A_1034, %add3A_1109 : i32
      %swap3A_1111 = arith.index_cast %add3A_1110 : i32 to index
      %swap3A_1112 = tpu.vector_load %arg6[%swap3A_1111] {strides = array<i32>} : memref<10768xf32, #tpu.memory_space<vmem>>, vector<16xf32>,
      tpu.vector_store %arg6[%swap3A_1111], %mul3A_1108 {strides = array<i32>} : memref<10768xf32, #tpu.memory_space<vmem>>, vector<16xf32>,
      %slice3A_1113 = vector.extract_strided_slice %get3A_1008 {offsets = [1], sizes = [1], strides = [1]} : vector<16xf32> to vector<1xf32>
      %squeeze3A_1114 = vector.extract %slice3A_1113[0] : f32 from vector<1xf32>
      %slice3A_1115 = vector.extract_strided_slice %get3A_1012 {offsets = [1], sizes = [1], strides = [1]} : vector<16xf32> to vector<1xf32>
      %squeeze3A_1116 = vector.extract %slice3A_1115[0] : f32 from vector<1xf32>
      %slice3A_1117 = vector.extract_strided_slice %get3A_1016 {offsets = [1], sizes = [1], strides = [1]} : vector<16xf32> to vector<1xf32>
      %squeeze3A_1118 = vector.extract %slice3A_1117[0] : f32 from vector<1xf32>
      %slice3A_1119 = vector.extract_strided_slice %get3A_1020 {offsets = [1], sizes = [1], strides = [1]} : vector<16xf32> to vector<1xf32>
      %squeeze3A_1120 = vector.extract %slice3A_1119[0] : f32 from vector<1xf32>
      %add3A_1121 = arith.constant 48 : i32
      %add3A_1122 = arith.addi %mul3A_1024, %add3A_1121 : i32
      %sub3A_1123 = vector.broadcast %squeeze3A_1114 : f32 to vector<16xf32>
      %sub3A_1124 = arith.subf %convert_element_type3A_952, %sub3A_1123 : vector<16xf32>
      %sub3A_1125 = vector.broadcast %squeeze3A_1114 : f32 to vector<16xf32>
      %sub3A_1126 = arith.subf %add3A_955, %sub3A_1125 : vector<16xf32>
      %sub3A_1127 = vector.broadcast %squeeze3A_1114 : f32 to vector<16xf32>
      %sub3A_1128 = arith.subf %add3A_958, %sub3A_1127 : vector<16xf32>
      %mul3A_1129 = arith.mulf %sub3A_1124, %sub3A_1124 : vector<16xf32>
      %neg3A_1130 = arith.constant 0.000000e+00 : f32
      %neg3A_1131 = vector.broadcast %neg3A_1130 : f32 to vector<16xf32>
      %neg3A_1132 = arith.subf %neg3A_1131, %mul3A_1129 : vector<16xf32>
      %mul3A_1133 = vector.broadcast %squeeze3A_1118 : f32 to vector<16xf32>
      %mul3A_1134 = arith.mulf %neg3A_1132, %mul3A_1133 : vector<16xf32>
      %exp3A_1135 = math.exp %mul3A_1134 : vector<16xf32>
      %swap3A_1136 = arith.index_cast %add3A_1122 : i32 to index
      %swap3A_1137 = tpu.vector_load %arg5[%swap3A_1136] {strides = array<i32>} : memref<10752xf32, #tpu.memory_space<vmem>>, vector<16xf32>,
      tpu.vector_store %arg5[%swap3A_1136], %exp3A_1135 {strides = array<i32>} : memref<10752xf32, #tpu.memory_space<vmem>>, vector<16xf32>,
      %mul3A_1138 = arith.mulf %sub3A_1126, %sub3A_1126 : vector<16xf32>
      %neg3A_1139 = arith.constant 0.000000e+00 : f32
      %neg3A_1140 = vector.broadcast %neg3A_1139 : f32 to vector<16xf32>
      %neg3A_1141 = arith.subf %neg3A_1140, %mul3A_1138 : vector<16xf32>
      %mul3A_1142 = vector.broadcast %squeeze3A_1118 : f32 to vector<16xf32>
      %mul3A_1143 = arith.mulf %neg3A_1141, %mul3A_1142 : vector<16xf32>
      %exp3A_1144 = math.exp %mul3A_1143 : vector<16xf32>
      %add3A_1145 = arith.constant 16 : i32
      %add3A_1146 = arith.addi %add3A_1122, %add3A_1145 : i32
      %swap3A_1147 = arith.index_cast %add3A_1146 : i32 to index
      %swap3A_1148 = tpu.vector_load %arg5[%swap3A_1147] {strides = array<i32>} : memref<10752xf32, #tpu.memory_space<vmem>>, vector<16xf32>,
      tpu.vector_store %arg5[%swap3A_1147], %exp3A_1144 {strides = array<i32>} : memref<10752xf32, #tpu.memory_space<vmem>>, vector<16xf32>,
      %mul3A_1149 = arith.mulf %sub3A_1128, %sub3A_1128 : vector<16xf32>
      %neg3A_1150 = arith.constant 0.000000e+00 : f32
      %neg3A_1151 = vector.broadcast %neg3A_1150 : f32 to vector<16xf32>
      %neg3A_1152 = arith.subf %neg3A_1151, %mul3A_1149 : vector<16xf32>
      %mul3A_1153 = vector.broadcast %squeeze3A_1118 : f32 to vector<16xf32>
      %mul3A_1154 = arith.mulf %neg3A_1152, %mul3A_1153 : vector<16xf32>
      %exp3A_1155 = math.exp %mul3A_1154 : vector<16xf32>
      %add3A_1156 = arith.constant 32 : i32
      %add3A_1157 = arith.addi %add3A_1122, %add3A_1156 : i32
      %swap3A_1158 = arith.index_cast %add3A_1157 : i32 to index
      %swap3A_1159 = tpu.vector_load %arg5[%swap3A_1158] {strides = array<i32>} : memref<10752xf32, #tpu.memory_space<vmem>>, vector<16xf32>,
      tpu.vector_store %arg5[%swap3A_1158], %exp3A_1155 {strides = array<i32>} : memref<10752xf32, #tpu.memory_space<vmem>>, vector<16xf32>,
      %sub3A_1160 = vector.broadcast %squeeze3A_1116 : f32 to vector<16xf32>
      %sub3A_1161 = arith.subf %convert_element_type3A_952, %sub3A_1160 : vector<16xf32>
      %sub3A_1162 = vector.broadcast %squeeze3A_1116 : f32 to vector<16xf32>
      %sub3A_1163 = arith.subf %add3A_955, %sub3A_1162 : vector<16xf32>
      %sub3A_1164 = vector.broadcast %squeeze3A_1116 : f32 to vector<16xf32>
      %sub3A_1165 = arith.subf %add3A_958, %sub3A_1164 : vector<16xf32>
      %mul3A_1166 = arith.mulf %sub3A_1161, %sub3A_1161 : vector<16xf32>
      %neg3A_1167 = arith.constant 0.000000e+00 : f32
      %neg3A_1168 = vector.broadcast %neg3A_1167 : f32 to vector<16xf32>
      %neg3A_1169 = arith.subf %neg3A_1168, %mul3A_1166 : vector<16xf32>
      %mul3A_1170 = vector.broadcast %squeeze3A_1118 : f32 to vector<16xf32>
      %mul3A_1171 = arith.mulf %neg3A_1169, %mul3A_1170 : vector<16xf32>
      %exp3A_1172 = math.exp %mul3A_1171 : vector<16xf32>
      %mul3A_1173 = vector.broadcast %squeeze3A_1120 : f32 to vector<16xf32>
      %mul3A_1174 = arith.mulf %exp3A_1172, %mul3A_1173 : vector<16xf32>
      %swap3A_1175 = arith.index_cast %add3A_1122 : i32 to index
      %swap3A_1176 = tpu.vector_load %arg6[%swap3A_1175] {strides = array<i32>} : memref<10768xf32, #tpu.memory_space<vmem>>, vector<16xf32>,
      tpu.vector_store %arg6[%swap3A_1175], %mul3A_1174 {strides = array<i32>} : memref<10768xf32, #tpu.memory_space<vmem>>, vector<16xf32>,
      %mul3A_1177 = arith.mulf %sub3A_1163, %sub3A_1163 : vector<16xf32>
      %neg3A_1178 = arith.constant 0.000000e+00 : f32
      %neg3A_1179 = vector.broadcast %neg3A_1178 : f32 to vector<16xf32>
      %neg3A_1180 = arith.subf %neg3A_1179, %mul3A_1177 : vector<16xf32>
      %mul3A_1181 = vector.broadcast %squeeze3A_1118 : f32 to vector<16xf32>
      %mul3A_1182 = arith.mulf %neg3A_1180, %mul3A_1181 : vector<16xf32>
      %exp3A_1183 = math.exp %mul3A_1182 : vector<16xf32>
      %mul3A_1184 = vector.broadcast %squeeze3A_1120 : f32 to vector<16xf32>
      %mul3A_1185 = arith.mulf %exp3A_1183, %mul3A_1184 : vector<16xf32>
      %add3A_1186 = arith.constant 16 : i32
      %add3A_1187 = arith.addi %add3A_1122, %add3A_1186 : i32
      %swap3A_1188 = arith.index_cast %add3A_1187 : i32 to index
      %swap3A_1189 = tpu.vector_load %arg6[%swap3A_1188] {strides = array<i32>} : memref<10768xf32, #tpu.memory_space<vmem>>, vector<16xf32>,
      tpu.vector_store %arg6[%swap3A_1188], %mul3A_1185 {strides = array<i32>} : memref<10768xf32, #tpu.memory_space<vmem>>, vector<16xf32>,
      %mul3A_1190 = arith.mulf %sub3A_1165, %sub3A_1165 : vector<16xf32>
      %neg3A_1191 = arith.constant 0.000000e+00 : f32
      %neg3A_1192 = vector.broadcast %neg3A_1191 : f32 to vector<16xf32>
      %neg3A_1193 = arith.subf %neg3A_1192, %mul3A_1190 : vector<16xf32>
      %mul3A_1194 = vector.broadcast %squeeze3A_1118 : f32 to vector<16xf32>
      %mul3A_1195 = arith.mulf %neg3A_1193, %mul3A_1194 : vector<16xf32>
      %exp3A_1196 = math.exp %mul3A_1195 : vector<16xf32>
      %mul3A_1197 = vector.broadcast %squeeze3A_1120 : f32 to vector<16xf32>
      %mul3A_1198 = arith.mulf %exp3A_1196, %mul3A_1197 : vector<16xf32>
      %add3A_1199 = arith.constant 32 : i32
      %add3A_1200 = arith.addi %add3A_1122, %add3A_1199 : i32
      %swap3A_1201 = arith.index_cast %add3A_1200 : i32 to index
      %swap3A_1202 = tpu.vector_load %arg6[%swap3A_1201] {strides = array<i32>} : memref<10768xf32, #tpu.memory_space<vmem>>, vector<16xf32>,
      tpu.vector_store %arg6[%swap3A_1201], %mul3A_1198 {strides = array<i32>} : memref<10768xf32, #tpu.memory_space<vmem>>, vector<16xf32>,
      %slice3A_1203 = vector.extract_strided_slice %get3A_1008 {offsets = [2], sizes = [1], strides = [1]} : vector<16xf32> to vector<1xf32>
      %squeeze3A_1204 = vector.extract %slice3A_1203[0] : f32 from vector<1xf32>
      %slice3A_1205 = vector.extract_strided_slice %get3A_1012 {offsets = [2], sizes = [1], strides = [1]} : vector<16xf32> to vector<1xf32>
      %squeeze3A_1206 = vector.extract %slice3A_1205[0] : f32 from vector<1xf32>
      %slice3A_1207 = vector.extract_strided_slice %get3A_1016 {offsets = [2], sizes = [1], strides = [1]} : vector<16xf32> to vector<1xf32>
      %squeeze3A_1208 = vector.extract %slice3A_1207[0] : f32 from vector<1xf32>
      %slice3A_1209 = vector.extract_strided_slice %get3A_1020 {offsets = [2], sizes = [1], strides = [1]} : vector<16xf32> to vector<1xf32>
      %squeeze3A_1210 = vector.extract %slice3A_1209[0] : f32 from vector<1xf32>
      %add3A_1211 = arith.constant 96 : i32
      %add3A_1212 = arith.addi %mul3A_1024, %add3A_1211 : i32
      %sub3A_1213 = vector.broadcast %squeeze3A_1204 : f32 to vector<16xf32>
      %sub3A_1214 = arith.subf %convert_element_type3A_952, %sub3A_1213 : vector<16xf32>
      %sub3A_1215 = vector.broadcast %squeeze3A_1204 : f32 to vector<16xf32>
      %sub3A_1216 = arith.subf %add3A_955, %sub3A_1215 : vector<16xf32>
      %sub3A_1217 = vector.broadcast %squeeze3A_1204 : f32 to vector<16xf32>
      %sub3A_1218 = arith.subf %add3A_958, %sub3A_1217 : vector<16xf32>
      %mul3A_1219 = arith.mulf %sub3A_1214, %sub3A_1214 : vector<16xf32>
      %neg3A_1220 = arith.constant 0.000000e+00 : f32
      %neg3A_1221 = vector.broadcast %neg3A_1220 : f32 to vector<16xf32>
      %neg3A_1222 = arith.subf %neg3A_1221, %mul3A_1219 : vector<16xf32>
      %mul3A_1223 = vector.broadcast %squeeze3A_1208 : f32 to vector<16xf32>
      %mul3A_1224 = arith.mulf %neg3A_1222, %mul3A_1223 : vector<16xf32>
      %exp3A_1225 = math.exp %mul3A_1224 : vector<16xf32>
      %swap3A_1226 = arith.index_cast %add3A_1212 : i32 to index
      %swap3A_1227 = tpu.vector_load %arg5[%swap3A_1226] {strides = array<i32>} : memref<10752xf32, #tpu.memory_space<vmem>>, vector<16xf32>,
      tpu.vector_store %arg5[%swap3A_1226], %exp3A_1225 {strides = array<i32>} : memref<10752xf32, #tpu.memory_space<vmem>>, vector<16xf32>,
      %mul3A_1228 = arith.mulf %sub3A_1216, %sub3A_1216 : vector<16xf32>
      %neg3A_1229 = arith.constant 0.000000e+00 : f32
      %neg3A_1230 = vector.broadcast %neg3A_1229 : f32 to vector<16xf32>
      %neg3A_1231 = arith.subf %neg3A_1230, %mul3A_1228 : vector<16xf32>
      %mul3A_1232 = vector.broadcast %squeeze3A_1208 : f32 to vector<16xf32>
      %mul3A_1233 = arith.mulf %neg3A_1231, %mul3A_1232 : vector<16xf32>
      %exp3A_1234 = math.exp %mul3A_1233 : vector<16xf32>
      %add3A_1235 = arith.constant 16 : i32
      %add3A_1236 = arith.addi %add3A_1212, %add3A_1235 : i32
      %swap3A_1237 = arith.index_cast %add3A_1236 : i32 to index
      %swap3A_1238 = tpu.vector_load %arg5[%swap3A_1237] {strides = array<i32>} : memref<10752xf32, #tpu.memory_space<vmem>>, vector<16xf32>,
      tpu.vector_store %arg5[%swap3A_1237], %exp3A_1234 {strides = array<i32>} : memref<10752xf32, #tpu.memory_space<vmem>>, vector<16xf32>,
      %mul3A_1239 = arith.mulf %sub3A_1218, %sub3A_1218 : vector<16xf32>
      %neg3A_1240 = arith.constant 0.000000e+00 : f32
      %neg3A_1241 = vector.broadcast %neg3A_1240 : f32 to vector<16xf32>
      %neg3A_1242 = arith.subf %neg3A_1241, %mul3A_1239 : vector<16xf32>
      %mul3A_1243 = vector.broadcast %squeeze3A_1208 : f32 to vector<16xf32>
      %mul3A_1244 = arith.mulf %neg3A_1242, %mul3A_1243 : vector<16xf32>
      %exp3A_1245 = math.exp %mul3A_1244 : vector<16xf32>
      %add3A_1246 = arith.constant 32 : i32
      %add3A_1247 = arith.addi %add3A_1212, %add3A_1246 : i32
      %swap3A_1248 = arith.index_cast %add3A_1247 : i32 to index
      %swap3A_1249 = tpu.vector_load %arg5[%swap3A_1248] {strides = array<i32>} : memref<10752xf32, #tpu.memory_space<vmem>>, vector<16xf32>,
      tpu.vector_store %arg5[%swap3A_1248], %exp3A_1245 {strides = array<i32>} : memref<10752xf32, #tpu.memory_space<vmem>>, vector<16xf32>,
      %sub3A_1250 = vector.broadcast %squeeze3A_1206 : f32 to vector<16xf32>
      %sub3A_1251 = arith.subf %convert_element_type3A_952, %sub3A_1250 : vector<16xf32>
      %sub3A_1252 = vector.broadcast %squeeze3A_1206 : f32 to vector<16xf32>
      %sub3A_1253 = arith.subf %add3A_955, %sub3A_1252 : vector<16xf32>
      %sub3A_1254 = vector.broadcast %squeeze3A_1206 : f32 to vector<16xf32>
      %sub3A_1255 = arith.subf %add3A_958, %sub3A_1254 : vector<16xf32>
      %mul3A_1256 = arith.mulf %sub3A_1251, %sub3A_1251 : vector<16xf32>
      %neg3A_1257 = arith.constant 0.000000e+00 : f32
      %neg3A_1258 = vector.broadcast %neg3A_1257 : f32 to vector<16xf32>
      %neg3A_1259 = arith.subf %neg3A_1258, %mul3A_1256 : vector<16xf32>
      %mul3A_1260 = vector.broadcast %squeeze3A_1208 : f32 to vector<16xf32>
      %mul3A_1261 = arith.mulf %neg3A_1259, %mul3A_1260 : vector<16xf32>
      %exp3A_1262 = math.exp %mul3A_1261 : vector<16xf32>
      %mul3A_1263 = vector.broadcast %squeeze3A_1210 : f32 to vector<16xf32>
      %mul3A_1264 = arith.mulf %exp3A_1262, %mul3A_1263 : vector<16xf32>
      %swap3A_1265 = arith.index_cast %add3A_1212 : i32 to index
      %swap3A_1266 = tpu.vector_load %arg6[%swap3A_1265] {strides = array<i32>} : memref<10768xf32, #tpu.memory_space<vmem>>, vector<16xf32>,
      tpu.vector_store %arg6[%swap3A_1265], %mul3A_1264 {strides = array<i32>} : memref<10768xf32, #tpu.memory_space<vmem>>, vector<16xf32>,
      %mul3A_1267 = arith.mulf %sub3A_1253, %sub3A_1253 : vector<16xf32>
      %neg3A_1268 = arith.constant 0.000000e+00 : f32
      %neg3A_1269 = vector.broadcast %neg3A_1268 : f32 to vector<16xf32>
      %neg3A_1270 = arith.subf %neg3A_1269, %mul3A_1267 : vector<16xf32>
      %mul3A_1271 = vector.broadcast %squeeze3A_1208 : f32 to vector<16xf32>
      %mul3A_1272 = arith.mulf %neg3A_1270, %mul3A_1271 : vector<16xf32>
      %exp3A_1273 = math.exp %mul3A_1272 : vector<16xf32>
      %mul3A_1274 = vector.broadcast %squeeze3A_1210 : f32 to vector<16xf32>
      %mul3A_1275 = arith.mulf %exp3A_1273, %mul3A_1274 : vector<16xf32>
      %add3A_1276 = arith.constant 16 : i32
      %add3A_1277 = arith.addi %add3A_1212, %add3A_1276 : i32
      %swap3A_1278 = arith.index_cast %add3A_1277 : i32 to index
      %swap3A_1279 = tpu.vector_load %arg6[%swap3A_1278] {strides = array<i32>} : memref<10768xf32, #tpu.memory_space<vmem>>, vector<16xf32>,
      tpu.vector_store %arg6[%swap3A_1278], %mul3A_1275 {strides = array<i32>} : memref<10768xf32, #tpu.memory_space<vmem>>, vector<16xf32>,
      %mul3A_1280 = arith.mulf %sub3A_1255, %sub3A_1255 : vector<16xf32>
      %neg3A_1281 = arith.constant 0.000000e+00 : f32
      %neg3A_1282 = vector.broadcast %neg3A_1281 : f32 to vector<16xf32>
      %neg3A_1283 = arith.subf %neg3A_1282, %mul3A_1280 : vector<16xf32>
      %mul3A_1284 = vector.broadcast %squeeze3A_1208 : f32 to vector<16xf32>
      %mul3A_1285 = arith.mulf %neg3A_1283, %mul3A_1284 : vector<16xf32>
      %exp3A_1286 = math.exp %mul3A_1285 : vector<16xf32>
      %mul3A_1287 = vector.broadcast %squeeze3A_1210 : f32 to vector<16xf32>
      %mul3A_1288 = arith.mulf %exp3A_1286, %mul3A_1287 : vector<16xf32>
      %add3A_1289 = arith.constant 32 : i32
      %add3A_1290 = arith.addi %add3A_1212, %add3A_1289 : i32
      %swap3A_1291 = arith.index_cast %add3A_1290 : i32 to index
      %swap3A_1292 = tpu.vector_load %arg6[%swap3A_1291] {strides = array<i32>} : memref<10768xf32, #tpu.memory_space<vmem>>, vector<16xf32>,
      tpu.vector_store %arg6[%swap3A_1291], %mul3A_1288 {strides = array<i32>} : memref<10768xf32, #tpu.memory_space<vmem>>, vector<16xf32>,
      %slice3A_1293 = vector.extract_strided_slice %get3A_1008 {offsets = [3], sizes = [1], strides = [1]} : vector<16xf32> to vector<1xf32>
      %squeeze3A_1294 = vector.extract %slice3A_1293[0] : f32 from vector<1xf32>
      %slice3A_1295 = vector.extract_strided_slice %get3A_1012 {offsets = [3], sizes = [1], strides = [1]} : vector<16xf32> to vector<1xf32>
      %squeeze3A_1296 = vector.extract %slice3A_1295[0] : f32 from vector<1xf32>
      %slice3A_1297 = vector.extract_strided_slice %get3A_1016 {offsets = [3], sizes = [1], strides = [1]} : vector<16xf32> to vector<1xf32>
      %squeeze3A_1298 = vector.extract %slice3A_1297[0] : f32 from vector<1xf32>
      %slice3A_1299 = vector.extract_strided_slice %get3A_1020 {offsets = [3], sizes = [1], strides = [1]} : vector<16xf32> to vector<1xf32>
      %squeeze3A_1300 = vector.extract %slice3A_1299[0] : f32 from vector<1xf32>
      %add3A_1301 = arith.constant 144 : i32
      %add3A_1302 = arith.addi %mul3A_1024, %add3A_1301 : i32
      %sub3A_1303 = vector.broadcast %squeeze3A_1294 : f32 to vector<16xf32>
      %sub3A_1304 = arith.subf %convert_element_type3A_952, %sub3A_1303 : vector<16xf32>
      %sub3A_1305 = vector.broadcast %squeeze3A_1294 : f32 to vector<16xf32>
      %sub3A_1306 = arith.subf %add3A_955, %sub3A_1305 : vector<16xf32>
      %sub3A_1307 = vector.broadcast %squeeze3A_1294 : f32 to vector<16xf32>
      %sub3A_1308 = arith.subf %add3A_958, %sub3A_1307 : vector<16xf32>
      %mul3A_1309 = arith.mulf %sub3A_1304, %sub3A_1304 : vector<16xf32>
      %neg3A_1310 = arith.constant 0.000000e+00 : f32
      %neg3A_1311 = vector.broadcast %neg3A_1310 : f32 to vector<16xf32>
      %neg3A_1312 = arith.subf %neg3A_1311, %mul3A_1309 : vector<16xf32>
      %mul3A_1313 = vector.broadcast %squeeze3A_1298 : f32 to vector<16xf32>
      %mul3A_1314 = arith.mulf %neg3A_1312, %mul3A_1313 : vector<16xf32>
      %exp3A_1315 = math.exp %mul3A_1314 : vector<16xf32>
      %swap3A_1316 = arith.index_cast %add3A_1302 : i32 to index
      %swap3A_1317 = tpu.vector_load %arg5[%swap3A_1316] {strides = array<i32>} : memref<10752xf32, #tpu.memory_space<vmem>>, vector<16xf32>,
      tpu.vector_store %arg5[%swap3A_1316], %exp3A_1315 {strides = array<i32>} : memref<10752xf32, #tpu.memory_space<vmem>>, vector<16xf32>,
      %mul3A_1318 = arith.mulf %sub3A_1306, %sub3A_1306 : vector<16xf32>
      %neg3A_1319 = arith.constant 0.000000e+00 : f32
      %neg3A_1320 = vector.broadcast %neg3A_1319 : f32 to vector<16xf32>
      %neg3A_1321 = arith.subf %neg3A_1320, %mul3A_1318 : vector<16xf32>
      %mul3A_1322 = vector.broadcast %squeeze3A_1298 : f32 to vector<16xf32>
      %mul3A_1323 = arith.mulf %neg3A_1321, %mul3A_1322 : vector<16xf32>
      %exp3A_1324 = math.exp %mul3A_1323 : vector<16xf32>
      %add3A_1325 = arith.constant 16 : i32
      %add3A_1326 = arith.addi %add3A_1302, %add3A_1325 : i32
      %swap3A_1327 = arith.index_cast %add3A_1326 : i32 to index
      %swap3A_1328 = tpu.vector_load %arg5[%swap3A_1327] {strides = array<i32>} : memref<10752xf32, #tpu.memory_space<vmem>>, vector<16xf32>,
      tpu.vector_store %arg5[%swap3A_1327], %exp3A_1324 {strides = array<i32>} : memref<10752xf32, #tpu.memory_space<vmem>>, vector<16xf32>,
      %mul3A_1329 = arith.mulf %sub3A_1308, %sub3A_1308 : vector<16xf32>
      %neg3A_1330 = arith.constant 0.000000e+00 : f32
      %neg3A_1331 = vector.broadcast %neg3A_1330 : f32 to vector<16xf32>
      %neg3A_1332 = arith.subf %neg3A_1331, %mul3A_1329 : vector<16xf32>
      %mul3A_1333 = vector.broadcast %squeeze3A_1298 : f32 to vector<16xf32>
      %mul3A_1334 = arith.mulf %neg3A_1332, %mul3A_1333 : vector<16xf32>
      %exp3A_1335 = math.exp %mul3A_1334 : vector<16xf32>
      %add3A_1336 = arith.constant 32 : i32
      %add3A_1337 = arith.addi %add3A_1302, %add3A_1336 : i32
      %swap3A_1338 = arith.index_cast %add3A_1337 : i32 to index
      %swap3A_1339 = tpu.vector_load %arg5[%swap3A_1338] {strides = array<i32>} : memref<10752xf32, #tpu.memory_space<vmem>>, vector<16xf32>,
      tpu.vector_store %arg5[%swap3A_1338], %exp3A_1335 {strides = array<i32>} : memref<10752xf32, #tpu.memory_space<vmem>>, vector<16xf32>,
      %sub3A_1340 = vector.broadcast %squeeze3A_1296 : f32 to vector<16xf32>
      %sub3A_1341 = arith.subf %convert_element_type3A_952, %sub3A_1340 : vector<16xf32>
      %sub3A_1342 = vector.broadcast %squeeze3A_1296 : f32 to vector<16xf32>
      %sub3A_1343 = arith.subf %add3A_955, %sub3A_1342 : vector<16xf32>
      %sub3A_1344 = vector.broadcast %squeeze3A_1296 : f32 to vector<16xf32>
      %sub3A_1345 = arith.subf %add3A_958, %sub3A_1344 : vector<16xf32>
      %mul3A_1346 = arith.mulf %sub3A_1341, %sub3A_1341 : vector<16xf32>
      %neg3A_1347 = arith.constant 0.000000e+00 : f32
      %neg3A_1348 = vector.broadcast %neg3A_1347 : f32 to vector<16xf32>
      %neg3A_1349 = arith.subf %neg3A_1348, %mul3A_1346 : vector<16xf32>
      %mul3A_1350 = vector.broadcast %squeeze3A_1298 : f32 to vector<16xf32>
      %mul3A_1351 = arith.mulf %neg3A_1349, %mul3A_1350 : vector<16xf32>
      %exp3A_1352 = math.exp %mul3A_1351 : vector<16xf32>
      %mul3A_1353 = vector.broadcast %squeeze3A_1300 : f32 to vector<16xf32>
      %mul3A_1354 = arith.mulf %exp3A_1352, %mul3A_1353 : vector<16xf32>
      %swap3A_1355 = arith.index_cast %add3A_1302 : i32 to index
      %swap3A_1356 = tpu.vector_load %arg6[%swap3A_1355] {strides = array<i32>} : memref<10768xf32, #tpu.memory_space<vmem>>, vector<16xf32>,
      tpu.vector_store %arg6[%swap3A_1355], %mul3A_1354 {strides = array<i32>} : memref<10768xf32, #tpu.memory_space<vmem>>, vector<16xf32>,
      %mul3A_1357 = arith.mulf %sub3A_1343, %sub3A_1343 : vector<16xf32>
      %neg3A_1358 = arith.constant 0.000000e+00 : f32
      %neg3A_1359 = vector.broadcast %neg3A_1358 : f32 to vector<16xf32>
      %neg3A_1360 = arith.subf %neg3A_1359, %mul3A_1357 : vector<16xf32>
      %mul3A_1361 = vector.broadcast %squeeze3A_1298 : f32 to vector<16xf32>
      %mul3A_1362 = arith.mulf %neg3A_1360, %mul3A_1361 : vector<16xf32>
      %exp3A_1363 = math.exp %mul3A_1362 : vector<16xf32>
      %mul3A_1364 = vector.broadcast %squeeze3A_1300 : f32 to vector<16xf32>
      %mul3A_1365 = arith.mulf %exp3A_1363, %mul3A_1364 : vector<16xf32>
      %add3A_1366 = arith.constant 16 : i32
      %add3A_1367 = arith.addi %add3A_1302, %add3A_1366 : i32
      %swap3A_1368 = arith.index_cast %add3A_1367 : i32 to index
      %swap3A_1369 = tpu.vector_load %arg6[%swap3A_1368] {strides = array<i32>} : memref<10768xf32, #tpu.memory_space<vmem>>, vector<16xf32>,
      tpu.vector_store %arg6[%swap3A_1368], %mul3A_1365 {strides = array<i32>} : memref<10768xf32, #tpu.memory_space<vmem>>, vector<16xf32>,
      %mul3A_1370 = arith.mulf %sub3A_1345, %sub3A_1345 : vector<16xf32>
      %neg3A_1371 = arith.constant 0.000000e+00 : f32
      %neg3A_1372 = vector.broadcast %neg3A_1371 : f32 to vector<16xf32>
      %neg3A_1373 = arith.subf %neg3A_1372, %mul3A_1370 : vector<16xf32>
      %mul3A_1374 = vector.broadcast %squeeze3A_1298 : f32 to vector<16xf32>
      %mul3A_1375 = arith.mulf %neg3A_1373, %mul3A_1374 : vector<16xf32>
      %exp3A_1376 = math.exp %mul3A_1375 : vector<16xf32>
      %mul3A_1377 = vector.broadcast %squeeze3A_1300 : f32 to vector<16xf32>
      %mul3A_1378 = arith.mulf %exp3A_1376, %mul3A_1377 : vector<16xf32>
      %add3A_1379 = arith.constant 32 : i32
      %add3A_1380 = arith.addi %add3A_1302, %add3A_1379 : i32
      %swap3A_1381 = arith.index_cast %add3A_1380 : i32 to index
      %swap3A_1382 = tpu.vector_load %arg6[%swap3A_1381] {strides = array<i32>} : memref<10768xf32, #tpu.memory_space<vmem>>, vector<16xf32>,
      tpu.vector_store %arg6[%swap3A_1381], %mul3A_1378 {strides = array<i32>} : memref<10768xf32, #tpu.memory_space<vmem>>, vector<16xf32>,
      %slice3A_1383 = vector.extract_strided_slice %get3A_1008 {offsets = [4], sizes = [1], strides = [1]} : vector<16xf32> to vector<1xf32>
      %squeeze3A_1384 = vector.extract %slice3A_1383[0] : f32 from vector<1xf32>
      %slice3A_1385 = vector.extract_strided_slice %get3A_1012 {offsets = [4], sizes = [1], strides = [1]} : vector<16xf32> to vector<1xf32>
      %squeeze3A_1386 = vector.extract %slice3A_1385[0] : f32 from vector<1xf32>
      %slice3A_1387 = vector.extract_strided_slice %get3A_1016 {offsets = [4], sizes = [1], strides = [1]} : vector<16xf32> to vector<1xf32>
      %squeeze3A_1388 = vector.extract %slice3A_1387[0] : f32 from vector<1xf32>
      %slice3A_1389 = vector.extract_strided_slice %get3A_1020 {offsets = [4], sizes = [1], strides = [1]} : vector<16xf32> to vector<1xf32>
      %squeeze3A_1390 = vector.extract %slice3A_1389[0] : f32 from vector<1xf32>
      %add3A_1391 = arith.constant 192 : i32
      %add3A_1392 = arith.addi %mul3A_1024, %add3A_1391 : i32
      %sub3A_1393 = vector.broadcast %squeeze3A_1384 : f32 to vector<16xf32>
      %sub3A_1394 = arith.subf %convert_element_type3A_952, %sub3A_1393 : vector<16xf32>
      %sub3A_1395 = vector.broadcast %squeeze3A_1384 : f32 to vector<16xf32>
      %sub3A_1396 = arith.subf %add3A_955, %sub3A_1395 : vector<16xf32>
      %sub3A_1397 = vector.broadcast %squeeze3A_1384 : f32 to vector<16xf32>
      %sub3A_1398 = arith.subf %add3A_958, %sub3A_1397 : vector<16xf32>
      %mul3A_1399 = arith.mulf %sub3A_1394, %sub3A_1394 : vector<16xf32>
      %neg3A_1400 = arith.constant 0.000000e+00 : f32
      %neg3A_1401 = vector.broadcast %neg3A_1400 : f32 to vector<16xf32>
      %neg3A_1402 = arith.subf %neg3A_1401, %mul3A_1399 : vector<16xf32>
      %mul3A_1403 = vector.broadcast %squeeze3A_1388 : f32 to vector<16xf32>
      %mul3A_1404 = arith.mulf %neg3A_1402, %mul3A_1403 : vector<16xf32>
      %exp3A_1405 = math.exp %mul3A_1404 : vector<16xf32>
      %swap3A_1406 = arith.index_cast %add3A_1392 : i32 to index
      %swap3A_1407 = tpu.vector_load %arg5[%swap3A_1406] {strides = array<i32>} : memref<10752xf32, #tpu.memory_space<vmem>>, vector<16xf32>,
      tpu.vector_store %arg5[%swap3A_1406], %exp3A_1405 {strides = array<i32>} : memref<10752xf32, #tpu.memory_space<vmem>>, vector<16xf32>,
      %mul3A_1408 = arith.mulf %sub3A_1396, %sub3A_1396 : vector<16xf32>
      %neg3A_1409 = arith.constant 0.000000e+00 : f32
      %neg3A_1410 = vector.broadcast %neg3A_1409 : f32 to vector<16xf32>
      %neg3A_1411 = arith.subf %neg3A_1410, %mul3A_1408 : vector<16xf32>
      %mul3A_1412 = vector.broadcast %squeeze3A_1388 : f32 to vector<16xf32>
      %mul3A_1413 = arith.mulf %neg3A_1411, %mul3A_1412 : vector<16xf32>
      %exp3A_1414 = math.exp %mul3A_1413 : vector<16xf32>
      %add3A_1415 = arith.constant 16 : i32
      %add3A_1416 = arith.addi %add3A_1392, %add3A_1415 : i32
      %swap3A_1417 = arith.index_cast %add3A_1416 : i32 to index
      %swap3A_1418 = tpu.vector_load %arg5[%swap3A_1417] {strides = array<i32>} : memref<10752xf32, #tpu.memory_space<vmem>>, vector<16xf32>,
      tpu.vector_store %arg5[%swap3A_1417], %exp3A_1414 {strides = array<i32>} : memref<10752xf32, #tpu.memory_space<vmem>>, vector<16xf32>,
      %mul3A_1419 = arith.mulf %sub3A_1398, %sub3A_1398 : vector<16xf32>
      %neg3A_1420 = arith.constant 0.000000e+00 : f32
      %neg3A_1421 = vector.broadcast %neg3A_1420 : f32 to vector<16xf32>
      %neg3A_1422 = arith.subf %neg3A_1421, %mul3A_1419 : vector<16xf32>
      %mul3A_1423 = vector.broadcast %squeeze3A_1388 : f32 to vector<16xf32>
      %mul3A_1424 = arith.mulf %neg3A_1422, %mul3A_1423 : vector<16xf32>
      %exp3A_1425 = math.exp %mul3A_1424 : vector<16xf32>
      %add3A_1426 = arith.constant 32 : i32
      %add3A_1427 = arith.addi %add3A_1392, %add3A_1426 : i32
      %swap3A_1428 = arith.index_cast %add3A_1427 : i32 to index
      %swap3A_1429 = tpu.vector_load %arg5[%swap3A_1428] {strides = array<i32>} : memref<10752xf32, #tpu.memory_space<vmem>>, vector<16xf32>,
      tpu.vector_store %arg5[%swap3A_1428], %exp3A_1425 {strides = array<i32>} : memref<10752xf32, #tpu.memory_space<vmem>>, vector<16xf32>,
      %sub3A_1430 = vector.broadcast %squeeze3A_1386 : f32 to vector<16xf32>
      %sub3A_1431 = arith.subf %convert_element_type3A_952, %sub3A_1430 : vector<16xf32>
      %sub3A_1432 = vector.broadcast %squeeze3A_1386 : f32 to vector<16xf32>
      %sub3A_1433 = arith.subf %add3A_955, %sub3A_1432 : vector<16xf32>
      %sub3A_1434 = vector.broadcast %squeeze3A_1386 : f32 to vector<16xf32>
      %sub3A_1435 = arith.subf %add3A_958, %sub3A_1434 : vector<16xf32>
      %mul3A_1436 = arith.mulf %sub3A_1431, %sub3A_1431 : vector<16xf32>
      %neg3A_1437 = arith.constant 0.000000e+00 : f32
      %neg3A_1438 = vector.broadcast %neg3A_1437 : f32 to vector<16xf32>
      %neg3A_1439 = arith.subf %neg3A_1438, %mul3A_1436 : vector<16xf32>
      %mul3A_1440 = vector.broadcast %squeeze3A_1388 : f32 to vector<16xf32>
      %mul3A_1441 = arith.mulf %neg3A_1439, %mul3A_1440 : vector<16xf32>
      %exp3A_1442 = math.exp %mul3A_1441 : vector<16xf32>
      %mul3A_1443 = vector.broadcast %squeeze3A_1390 : f32 to vector<16xf32>
      %mul3A_1444 = arith.mulf %exp3A_1442, %mul3A_1443 : vector<16xf32>
      %swap3A_1445 = arith.index_cast %add3A_1392 : i32 to index
      %swap3A_1446 = tpu.vector_load %arg6[%swap3A_1445] {strides = array<i32>} : memref<10768xf32, #tpu.memory_space<vmem>>, vector<16xf32>,
      tpu.vector_store %arg6[%swap3A_1445], %mul3A_1444 {strides = array<i32>} : memref<10768xf32, #tpu.memory_space<vmem>>, vector<16xf32>,
      %mul3A_1447 = arith.mulf %sub3A_1433, %sub3A_1433 : vector<16xf32>
      %neg3A_1448 = arith.constant 0.000000e+00 : f32
      %neg3A_1449 = vector.broadcast %neg3A_1448 : f32 to vector<16xf32>
      %neg3A_1450 = arith.subf %neg3A_1449, %mul3A_1447 : vector<16xf32>
      %mul3A_1451 = vector.broadcast %squeeze3A_1388 : f32 to vector<16xf32>
      %mul3A_1452 = arith.mulf %neg3A_1450, %mul3A_1451 : vector<16xf32>
      %exp3A_1453 = math.exp %mul3A_1452 : vector<16xf32>
      %mul3A_1454 = vector.broadcast %squeeze3A_1390 : f32 to vector<16xf32>
      %mul3A_1455 = arith.mulf %exp3A_1453, %mul3A_1454 : vector<16xf32>
      %add3A_1456 = arith.constant 16 : i32
      %add3A_1457 = arith.addi %add3A_1392, %add3A_1456 : i32
      %swap3A_1458 = arith.index_cast %add3A_1457 : i32 to index
      %swap3A_1459 = tpu.vector_load %arg6[%swap3A_1458] {strides = array<i32>} : memref<10768xf32, #tpu.memory_space<vmem>>, vector<16xf32>,
      tpu.vector_store %arg6[%swap3A_1458], %mul3A_1455 {strides = array<i32>} : memref<10768xf32, #tpu.memory_space<vmem>>, vector<16xf32>,
      %mul3A_1460 = arith.mulf %sub3A_1435, %sub3A_1435 : vector<16xf32>
      %neg3A_1461 = arith.constant 0.000000e+00 : f32
      %neg3A_1462 = vector.broadcast %neg3A_1461 : f32 to vector<16xf32>
      %neg3A_1463 = arith.subf %neg3A_1462, %mul3A_1460 : vector<16xf32>
      %mul3A_1464 = vector.broadcast %squeeze3A_1388 : f32 to vector<16xf32>
      %mul3A_1465 = arith.mulf %neg3A_1463, %mul3A_1464 : vector<16xf32>
      %exp3A_1466 = math.exp %mul3A_1465 : vector<16xf32>
      %mul3A_1467 = vector.broadcast %squeeze3A_1390 : f32 to vector<16xf32>
      %mul3A_1468 = arith.mulf %exp3A_1466, %mul3A_1467 : vector<16xf32>
      %add3A_1469 = arith.constant 32 : i32
      %add3A_1470 = arith.addi %add3A_1392, %add3A_1469 : i32
      %swap3A_1471 = arith.index_cast %add3A_1470 : i32 to index
      %swap3A_1472 = tpu.vector_load %arg6[%swap3A_1471] {strides = array<i32>} : memref<10768xf32, #tpu.memory_space<vmem>>, vector<16xf32>,
      tpu.vector_store %arg6[%swap3A_1471], %mul3A_1468 {strides = array<i32>} : memref<10768xf32, #tpu.memory_space<vmem>>, vector<16xf32>,
      %slice3A_1473 = vector.extract_strided_slice %get3A_1008 {offsets = [5], sizes = [1], strides = [1]} : vector<16xf32> to vector<1xf32>
      %squeeze3A_1474 = vector.extract %slice3A_1473[0] : f32 from vector<1xf32>
      %slice3A_1475 = vector.extract_strided_slice %get3A_1012 {offsets = [5], sizes = [1], strides = [1]} : vector<16xf32> to vector<1xf32>
      %squeeze3A_1476 = vector.extract %slice3A_1475[0] : f32 from vector<1xf32>
      %slice3A_1477 = vector.extract_strided_slice %get3A_1016 {offsets = [5], sizes = [1], strides = [1]} : vector<16xf32> to vector<1xf32>
      %squeeze3A_1478 = vector.extract %slice3A_1477[0] : f32 from vector<1xf32>
      %slice3A_1479 = vector.extract_strided_slice %get3A_1020 {offsets = [5], sizes = [1], strides = [1]} : vector<16xf32> to vector<1xf32>
      %squeeze3A_1480 = vector.extract %slice3A_1479[0] : f32 from vector<1xf32>
      %add3A_1481 = arith.constant 240 : i32
      %add3A_1482 = arith.addi %mul3A_1024, %add3A_1481 : i32
      %sub3A_1483 = vector.broadcast %squeeze3A_1474 : f32 to vector<16xf32>
      %sub3A_1484 = arith.subf %convert_element_type3A_952, %sub3A_1483 : vector<16xf32>
      %sub3A_1485 = vector.broadcast %squeeze3A_1474 : f32 to vector<16xf32>
      %sub3A_1486 = arith.subf %add3A_955, %sub3A_1485 : vector<16xf32>
      %sub3A_1487 = vector.broadcast %squeeze3A_1474 : f32 to vector<16xf32>
      %sub3A_1488 = arith.subf %add3A_958, %sub3A_1487 : vector<16xf32>
      %mul3A_1489 = arith.mulf %sub3A_1484, %sub3A_1484 : vector<16xf32>
      %neg3A_1490 = arith.constant 0.000000e+00 : f32
      %neg3A_1491 = vector.broadcast %neg3A_1490 : f32 to vector<16xf32>
      %neg3A_1492 = arith.subf %neg3A_1491, %mul3A_1489 : vector<16xf32>
      %mul3A_1493 = vector.broadcast %squeeze3A_1478 : f32 to vector<16xf32>
      %mul3A_1494 = arith.mulf %neg3A_1492, %mul3A_1493 : vector<16xf32>
      %exp3A_1495 = math.exp %mul3A_1494 : vector<16xf32>
      %swap3A_1496 = arith.index_cast %add3A_1482 : i32 to index
      %swap3A_1497 = tpu.vector_load %arg5[%swap3A_1496] {strides = array<i32>} : memref<10752xf32, #tpu.memory_space<vmem>>, vector<16xf32>,
      tpu.vector_store %arg5[%swap3A_1496], %exp3A_1495 {strides = array<i32>} : memref<10752xf32, #tpu.memory_space<vmem>>, vector<16xf32>,
      %mul3A_1498 = arith.mulf %sub3A_1486, %sub3A_1486 : vector<16xf32>
      %neg3A_1499 = arith.constant 0.000000e+00 : f32
      %neg3A_1500 = vector.broadcast %neg3A_1499 : f32 to vector<16xf32>
      %neg3A_1501 = arith.subf %neg3A_1500, %mul3A_1498 : vector<16xf32>
      %mul3A_1502 = vector.broadcast %squeeze3A_1478 : f32 to vector<16xf32>
      %mul3A_1503 = arith.mulf %neg3A_1501, %mul3A_1502 : vector<16xf32>
      %exp3A_1504 = math.exp %mul3A_1503 : vector<16xf32>
      %add3A_1505 = arith.constant 16 : i32
      %add3A_1506 = arith.addi %add3A_1482, %add3A_1505 : i32
      %swap3A_1507 = arith.index_cast %add3A_1506 : i32 to index
      %swap3A_1508 = tpu.vector_load %arg5[%swap3A_1507] {strides = array<i32>} : memref<10752xf32, #tpu.memory_space<vmem>>, vector<16xf32>,
      tpu.vector_store %arg5[%swap3A_1507], %exp3A_1504 {strides = array<i32>} : memref<10752xf32, #tpu.memory_space<vmem>>, vector<16xf32>,
      %mul3A_1509 = arith.mulf %sub3A_1488, %sub3A_1488 : vector<16xf32>
      %neg3A_1510 = arith.constant 0.000000e+00 : f32
      %neg3A_1511 = vector.broadcast %neg3A_1510 : f32 to vector<16xf32>
      %neg3A_1512 = arith.subf %neg3A_1511, %mul3A_1509 : vector<16xf32>
      %mul3A_1513 = vector.broadcast %squeeze3A_1478 : f32 to vector<16xf32>
      %mul3A_1514 = arith.mulf %neg3A_1512, %mul3A_1513 : vector<16xf32>
      %exp3A_1515 = math.exp %mul3A_1514 : vector<16xf32>
      %add3A_1516 = arith.constant 32 : i32
      %add3A_1517 = arith.addi %add3A_1482, %add3A_1516 : i32
      %swap3A_1518 = arith.index_cast %add3A_1517 : i32 to index
      %swap3A_1519 = tpu.vector_load %arg5[%swap3A_1518] {strides = array<i32>} : memref<10752xf32, #tpu.memory_space<vmem>>, vector<16xf32>,
      tpu.vector_store %arg5[%swap3A_1518], %exp3A_1515 {strides = array<i32>} : memref<10752xf32, #tpu.memory_space<vmem>>, vector<16xf32>,
      %sub3A_1520 = vector.broadcast %squeeze3A_1476 : f32 to vector<16xf32>
      %sub3A_1521 = arith.subf %convert_element_type3A_952, %sub3A_1520 : vector<16xf32>
      %sub3A_1522 = vector.broadcast %squeeze3A_1476 : f32 to vector<16xf32>
      %sub3A_1523 = arith.subf %add3A_955, %sub3A_1522 : vector<16xf32>
      %sub3A_1524 = vector.broadcast %squeeze3A_1476 : f32 to vector<16xf32>
      %sub3A_1525 = arith.subf %add3A_958, %sub3A_1524 : vector<16xf32>
      %mul3A_1526 = arith.mulf %sub3A_1521, %sub3A_1521 : vector<16xf32>
      %neg3A_1527 = arith.constant 0.000000e+00 : f32
      %neg3A_1528 = vector.broadcast %neg3A_1527 : f32 to vector<16xf32>
      %neg3A_1529 = arith.subf %neg3A_1528, %mul3A_1526 : vector<16xf32>
      %mul3A_1530 = vector.broadcast %squeeze3A_1478 : f32 to vector<16xf32>
      %mul3A_1531 = arith.mulf %neg3A_1529, %mul3A_1530 : vector<16xf32>
      %exp3A_1532 = math.exp %mul3A_1531 : vector<16xf32>
      %mul3A_1533 = vector.broadcast %squeeze3A_1480 : f32 to vector<16xf32>
      %mul3A_1534 = arith.mulf %exp3A_1532, %mul3A_1533 : vector<16xf32>
      %swap3A_1535 = arith.index_cast %add3A_1482 : i32 to index
      %swap3A_1536 = tpu.vector_load %arg6[%swap3A_1535] {strides = array<i32>} : memref<10768xf32, #tpu.memory_space<vmem>>, vector<16xf32>,
      tpu.vector_store %arg6[%swap3A_1535], %mul3A_1534 {strides = array<i32>} : memref<10768xf32, #tpu.memory_space<vmem>>, vector<16xf32>,
      %mul3A_1537 = arith.mulf %sub3A_1523, %sub3A_1523 : vector<16xf32>
      %neg3A_1538 = arith.constant 0.000000e+00 : f32
      %neg3A_1539 = vector.broadcast %neg3A_1538 : f32 to vector<16xf32>
      %neg3A_1540 = arith.subf %neg3A_1539, %mul3A_1537 : vector<16xf32>
      %mul3A_1541 = vector.broadcast %squeeze3A_1478 : f32 to vector<16xf32>
      %mul3A_1542 = arith.mulf %neg3A_1540, %mul3A_1541 : vector<16xf32>
      %exp3A_1543 = math.exp %mul3A_1542 : vector<16xf32>
      %mul3A_1544 = vector.broadcast %squeeze3A_1480 : f32 to vector<16xf32>
      %mul3A_1545 = arith.mulf %exp3A_1543, %mul3A_1544 : vector<16xf32>
      %add3A_1546 = arith.constant 16 : i32
      %add3A_1547 = arith.addi %add3A_1482, %add3A_1546 : i32
      %swap3A_1548 = arith.index_cast %add3A_1547 : i32 to index
      %swap3A_1549 = tpu.vector_load %arg6[%swap3A_1548] {strides = array<i32>} : memref<10768xf32, #tpu.memory_space<vmem>>, vector<16xf32>,
      tpu.vector_store %arg6[%swap3A_1548], %mul3A_1545 {strides = array<i32>} : memref<10768xf32, #tpu.memory_space<vmem>>, vector<16xf32>,
      %mul3A_1550 = arith.mulf %sub3A_1525, %sub3A_1525 : vector<16xf32>
      %neg3A_1551 = arith.constant 0.000000e+00 : f32
      %neg3A_1552 = vector.broadcast %neg3A_1551 : f32 to vector<16xf32>
      %neg3A_1553 = arith.subf %neg3A_1552, %mul3A_1550 : vector<16xf32>
      %mul3A_1554 = vector.broadcast %squeeze3A_1478 : f32 to vector<16xf32>
      %mul3A_1555 = arith.mulf %neg3A_1553, %mul3A_1554 : vector<16xf32>
      %exp3A_1556 = math.exp %mul3A_1555 : vector<16xf32>
      %mul3A_1557 = vector.broadcast %squeeze3A_1480 : f32 to vector<16xf32>
      %mul3A_1558 = arith.mulf %exp3A_1556, %mul3A_1557 : vector<16xf32>
      %add3A_1559 = arith.constant 32 : i32
      %add3A_1560 = arith.addi %add3A_1482, %add3A_1559 : i32
      %swap3A_1561 = arith.index_cast %add3A_1560 : i32 to index
      %swap3A_1562 = tpu.vector_load %arg6[%swap3A_1561] {strides = array<i32>} : memref<10768xf32, #tpu.memory_space<vmem>>, vector<16xf32>,
      tpu.vector_store %arg6[%swap3A_1561], %mul3A_1558 {strides = array<i32>} : memref<10768xf32, #tpu.memory_space<vmem>>, vector<16xf32>,
      %slice3A_1563 = vector.extract_strided_slice %get3A_1008 {offsets = [6], sizes = [1], strides = [1]} : vector<16xf32> to vector<1xf32>
      %squeeze3A_1564 = vector.extract %slice3A_1563[0] : f32 from vector<1xf32>
      %slice3A_1565 = vector.extract_strided_slice %get3A_1012 {offsets = [6], sizes = [1], strides = [1]} : vector<16xf32> to vector<1xf32>
      %squeeze3A_1566 = vector.extract %slice3A_1565[0] : f32 from vector<1xf32>
      %slice3A_1567 = vector.extract_strided_slice %get3A_1016 {offsets = [6], sizes = [1], strides = [1]} : vector<16xf32> to vector<1xf32>
      %squeeze3A_1568 = vector.extract %slice3A_1567[0] : f32 from vector<1xf32>
      %slice3A_1569 = vector.extract_strided_slice %get3A_1020 {offsets = [6], sizes = [1], strides = [1]} : vector<16xf32> to vector<1xf32>
      %squeeze3A_1570 = vector.extract %slice3A_1569[0] : f32 from vector<1xf32>
      %add3A_1571 = arith.constant 288 : i32
      %add3A_1572 = arith.addi %mul3A_1024, %add3A_1571 : i32
      %sub3A_1573 = vector.broadcast %squeeze3A_1564 : f32 to vector<16xf32>
      %sub3A_1574 = arith.subf %convert_element_type3A_952, %sub3A_1573 : vector<16xf32>
      %sub3A_1575 = vector.broadcast %squeeze3A_1564 : f32 to vector<16xf32>
      %sub3A_1576 = arith.subf %add3A_955, %sub3A_1575 : vector<16xf32>
      %sub3A_1577 = vector.broadcast %squeeze3A_1564 : f32 to vector<16xf32>
      %sub3A_1578 = arith.subf %add3A_958, %sub3A_1577 : vector<16xf32>
      %mul3A_1579 = arith.mulf %sub3A_1574, %sub3A_1574 : vector<16xf32>
      %neg3A_1580 = arith.constant 0.000000e+00 : f32
      %neg3A_1581 = vector.broadcast %neg3A_1580 : f32 to vector<16xf32>
      %neg3A_1582 = arith.subf %neg3A_1581, %mul3A_1579 : vector<16xf32>
      %mul3A_1583 = vector.broadcast %squeeze3A_1568 : f32 to vector<16xf32>
      %mul3A_1584 = arith.mulf %neg3A_1582, %mul3A_1583 : vector<16xf32>
      %exp3A_1585 = math.exp %mul3A_1584 : vector<16xf32>
      %swap3A_1586 = arith.index_cast %add3A_1572 : i32 to index
      %swap3A_1587 = tpu.vector_load %arg5[%swap3A_1586] {strides = array<i32>} : memref<10752xf32, #tpu.memory_space<vmem>>, vector<16xf32>,
      tpu.vector_store %arg5[%swap3A_1586], %exp3A_1585 {strides = array<i32>} : memref<10752xf32, #tpu.memory_space<vmem>>, vector<16xf32>,
      %mul3A_1588 = arith.mulf %sub3A_1576, %sub3A_1576 : vector<16xf32>
      %neg3A_1589 = arith.constant 0.000000e+00 : f32
      %neg3A_1590 = vector.broadcast %neg3A_1589 : f32 to vector<16xf32>
      %neg3A_1591 = arith.subf %neg3A_1590, %mul3A_1588 : vector<16xf32>
      %mul3A_1592 = vector.broadcast %squeeze3A_1568 : f32 to vector<16xf32>
      %mul3A_1593 = arith.mulf %neg3A_1591, %mul3A_1592 : vector<16xf32>
      %exp3A_1594 = math.exp %mul3A_1593 : vector<16xf32>
      %add3A_1595 = arith.constant 16 : i32
      %add3A_1596 = arith.addi %add3A_1572, %add3A_1595 : i32
      %swap3A_1597 = arith.index_cast %add3A_1596 : i32 to index
      %swap3A_1598 = tpu.vector_load %arg5[%swap3A_1597] {strides = array<i32>} : memref<10752xf32, #tpu.memory_space<vmem>>, vector<16xf32>,
      tpu.vector_store %arg5[%swap3A_1597], %exp3A_1594 {strides = array<i32>} : memref<10752xf32, #tpu.memory_space<vmem>>, vector<16xf32>,
      %mul3A_1599 = arith.mulf %sub3A_1578, %sub3A_1578 : vector<16xf32>
      %neg3A_1600 = arith.constant 0.000000e+00 : f32
      %neg3A_1601 = vector.broadcast %neg3A_1600 : f32 to vector<16xf32>
      %neg3A_1602 = arith.subf %neg3A_1601, %mul3A_1599 : vector<16xf32>
      %mul3A_1603 = vector.broadcast %squeeze3A_1568 : f32 to vector<16xf32>
      %mul3A_1604 = arith.mulf %neg3A_1602, %mul3A_1603 : vector<16xf32>
      %exp3A_1605 = math.exp %mul3A_1604 : vector<16xf32>
      %add3A_1606 = arith.constant 32 : i32
      %add3A_1607 = arith.addi %add3A_1572, %add3A_1606 : i32
      %swap3A_1608 = arith.index_cast %add3A_1607 : i32 to index
      %swap3A_1609 = tpu.vector_load %arg5[%swap3A_1608] {strides = array<i32>} : memref<10752xf32, #tpu.memory_space<vmem>>, vector<16xf32>,
      tpu.vector_store %arg5[%swap3A_1608], %exp3A_1605 {strides = array<i32>} : memref<10752xf32, #tpu.memory_space<vmem>>, vector<16xf32>,
      %sub3A_1610 = vector.broadcast %squeeze3A_1566 : f32 to vector<16xf32>
      %sub3A_1611 = arith.subf %convert_element_type3A_952, %sub3A_1610 : vector<16xf32>
      %sub3A_1612 = vector.broadcast %squeeze3A_1566 : f32 to vector<16xf32>
      %sub3A_1613 = arith.subf %add3A_955, %sub3A_1612 : vector<16xf32>
      %sub3A_1614 = vector.broadcast %squeeze3A_1566 : f32 to vector<16xf32>
      %sub3A_1615 = arith.subf %add3A_958, %sub3A_1614 : vector<16xf32>
      %mul3A_1616 = arith.mulf %sub3A_1611, %sub3A_1611 : vector<16xf32>
      %neg3A_1617 = arith.constant 0.000000e+00 : f32
      %neg3A_1618 = vector.broadcast %neg3A_1617 : f32 to vector<16xf32>
      %neg3A_1619 = arith.subf %neg3A_1618, %mul3A_1616 : vector<16xf32>
      %mul3A_1620 = vector.broadcast %squeeze3A_1568 : f32 to vector<16xf32>
      %mul3A_1621 = arith.mulf %neg3A_1619, %mul3A_1620 : vector<16xf32>
      %exp3A_1622 = math.exp %mul3A_1621 : vector<16xf32>
      %mul3A_1623 = vector.broadcast %squeeze3A_1570 : f32 to vector<16xf32>
      %mul3A_1624 = arith.mulf %exp3A_1622, %mul3A_1623 : vector<16xf32>
      %swap3A_1625 = arith.index_cast %add3A_1572 : i32 to index
      %swap3A_1626 = tpu.vector_load %arg6[%swap3A_1625] {strides = array<i32>} : memref<10768xf32, #tpu.memory_space<vmem>>, vector<16xf32>,
      tpu.vector_store %arg6[%swap3A_1625], %mul3A_1624 {strides = array<i32>} : memref<10768xf32, #tpu.memory_space<vmem>>, vector<16xf32>,
      %mul3A_1627 = arith.mulf %sub3A_1613, %sub3A_1613 : vector<16xf32>
      %neg3A_1628 = arith.constant 0.000000e+00 : f32
      %neg3A_1629 = vector.broadcast %neg3A_1628 : f32 to vector<16xf32>
      %neg3A_1630 = arith.subf %neg3A_1629, %mul3A_1627 : vector<16xf32>
      %mul3A_1631 = vector.broadcast %squeeze3A_1568 : f32 to vector<16xf32>
      %mul3A_1632 = arith.mulf %neg3A_1630, %mul3A_1631 : vector<16xf32>
      %exp3A_1633 = math.exp %mul3A_1632 : vector<16xf32>
      %mul3A_1634 = vector.broadcast %squeeze3A_1570 : f32 to vector<16xf32>
      %mul3A_1635 = arith.mulf %exp3A_1633, %mul3A_1634 : vector<16xf32>
      %add3A_1636 = arith.constant 16 : i32
      %add3A_1637 = arith.addi %add3A_1572, %add3A_1636 : i32
      %swap3A_1638 = arith.index_cast %add3A_1637 : i32 to index
      %swap3A_1639 = tpu.vector_load %arg6[%swap3A_1638] {strides = array<i32>} : memref<10768xf32, #tpu.memory_space<vmem>>, vector<16xf32>,
      tpu.vector_store %arg6[%swap3A_1638], %mul3A_1635 {strides = array<i32>} : memref<10768xf32, #tpu.memory_space<vmem>>, vector<16xf32>,
      %mul3A_1640 = arith.mulf %sub3A_1615, %sub3A_1615 : vector<16xf32>
      %neg3A_1641 = arith.constant 0.000000e+00 : f32
      %neg3A_1642 = vector.broadcast %neg3A_1641 : f32 to vector<16xf32>
      %neg3A_1643 = arith.subf %neg3A_1642, %mul3A_1640 : vector<16xf32>
      %mul3A_1644 = vector.broadcast %squeeze3A_1568 : f32 to vector<16xf32>
      %mul3A_1645 = arith.mulf %neg3A_1643, %mul3A_1644 : vector<16xf32>
      %exp3A_1646 = math.exp %mul3A_1645 : vector<16xf32>
      %mul3A_1647 = vector.broadcast %squeeze3A_1570 : f32 to vector<16xf32>
      %mul3A_1648 = arith.mulf %exp3A_1646, %mul3A_1647 : vector<16xf32>
      %add3A_1649 = arith.constant 32 : i32
      %add3A_1650 = arith.addi %add3A_1572, %add3A_1649 : i32
      %swap3A_1651 = arith.index_cast %add3A_1650 : i32 to index
      %swap3A_1652 = tpu.vector_load %arg6[%swap3A_1651] {strides = array<i32>} : memref<10768xf32, #tpu.memory_space<vmem>>, vector<16xf32>,
      tpu.vector_store %arg6[%swap3A_1651], %mul3A_1648 {strides = array<i32>} : memref<10768xf32, #tpu.memory_space<vmem>>, vector<16xf32>,
      %slice3A_1653 = vector.extract_strided_slice %get3A_1008 {offsets = [7], sizes = [1], strides = [1]} : vector<16xf32> to vector<1xf32>
      %squeeze3A_1654 = vector.extract %slice3A_1653[0] : f32 from vector<1xf32>
      %slice3A_1655 = vector.extract_strided_slice %get3A_1012 {offsets = [7], sizes = [1], strides = [1]} : vector<16xf32> to vector<1xf32>
      %squeeze3A_1656 = vector.extract %slice3A_1655[0] : f32 from vector<1xf32>
      %slice3A_1657 = vector.extract_strided_slice %get3A_1016 {offsets = [7], sizes = [1], strides = [1]} : vector<16xf32> to vector<1xf32>
      %squeeze3A_1658 = vector.extract %slice3A_1657[0] : f32 from vector<1xf32>
      %slice3A_1659 = vector.extract_strided_slice %get3A_1020 {offsets = [7], sizes = [1], strides = [1]} : vector<16xf32> to vector<1xf32>
      %squeeze3A_1660 = vector.extract %slice3A_1659[0] : f32 from vector<1xf32>
      %add3A_1661 = arith.constant 336 : i32
      %add3A_1662 = arith.addi %mul3A_1024, %add3A_1661 : i32
      %sub3A_1663 = vector.broadcast %squeeze3A_1654 : f32 to vector<16xf32>
      %sub3A_1664 = arith.subf %convert_element_type3A_952, %sub3A_1663 : vector<16xf32>
      %sub3A_1665 = vector.broadcast %squeeze3A_1654 : f32 to vector<16xf32>
      %sub3A_1666 = arith.subf %add3A_955, %sub3A_1665 : vector<16xf32>
      %sub3A_1667 = vector.broadcast %squeeze3A_1654 : f32 to vector<16xf32>
      %sub3A_1668 = arith.subf %add3A_958, %sub3A_1667 : vector<16xf32>
      %mul3A_1669 = arith.mulf %sub3A_1664, %sub3A_1664 : vector<16xf32>
      %neg3A_1670 = arith.constant 0.000000e+00 : f32
      %neg3A_1671 = vector.broadcast %neg3A_1670 : f32 to vector<16xf32>
      %neg3A_1672 = arith.subf %neg3A_1671, %mul3A_1669 : vector<16xf32>
      %mul3A_1673 = vector.broadcast %squeeze3A_1658 : f32 to vector<16xf32>
      %mul3A_1674 = arith.mulf %neg3A_1672, %mul3A_1673 : vector<16xf32>
      %exp3A_1675 = math.exp %mul3A_1674 : vector<16xf32>
      %swap3A_1676 = arith.index_cast %add3A_1662 : i32 to index
      %swap3A_1677 = tpu.vector_load %arg5[%swap3A_1676] {strides = array<i32>} : memref<10752xf32, #tpu.memory_space<vmem>>, vector<16xf32>,
      tpu.vector_store %arg5[%swap3A_1676], %exp3A_1675 {strides = array<i32>} : memref<10752xf32, #tpu.memory_space<vmem>>, vector<16xf32>,
      %mul3A_1678 = arith.mulf %sub3A_1666, %sub3A_1666 : vector<16xf32>
      %neg3A_1679 = arith.constant 0.000000e+00 : f32
      %neg3A_1680 = vector.broadcast %neg3A_1679 : f32 to vector<16xf32>
      %neg3A_1681 = arith.subf %neg3A_1680, %mul3A_1678 : vector<16xf32>
      %mul3A_1682 = vector.broadcast %squeeze3A_1658 : f32 to vector<16xf32>
      %mul3A_1683 = arith.mulf %neg3A_1681, %mul3A_1682 : vector<16xf32>
      %exp3A_1684 = math.exp %mul3A_1683 : vector<16xf32>
      %add3A_1685 = arith.constant 16 : i32
      %add3A_1686 = arith.addi %add3A_1662, %add3A_1685 : i32
      %swap3A_1687 = arith.index_cast %add3A_1686 : i32 to index
      %swap3A_1688 = tpu.vector_load %arg5[%swap3A_1687] {strides = array<i32>} : memref<10752xf32, #tpu.memory_space<vmem>>, vector<16xf32>,
      tpu.vector_store %arg5[%swap3A_1687], %exp3A_1684 {strides = array<i32>} : memref<10752xf32, #tpu.memory_space<vmem>>, vector<16xf32>,
      %mul3A_1689 = arith.mulf %sub3A_1668, %sub3A_1668 : vector<16xf32>
      %neg3A_1690 = arith.constant 0.000000e+00 : f32
      %neg3A_1691 = vector.broadcast %neg3A_1690 : f32 to vector<16xf32>
      %neg3A_1692 = arith.subf %neg3A_1691, %mul3A_1689 : vector<16xf32>
      %mul3A_1693 = vector.broadcast %squeeze3A_1658 : f32 to vector<16xf32>
      %mul3A_1694 = arith.mulf %neg3A_1692, %mul3A_1693 : vector<16xf32>
      %exp3A_1695 = math.exp %mul3A_1694 : vector<16xf32>
      %add3A_1696 = arith.constant 32 : i32
      %add3A_1697 = arith.addi %add3A_1662, %add3A_1696 : i32
      %swap3A_1698 = arith.index_cast %add3A_1697 : i32 to index
      %swap3A_1699 = tpu.vector_load %arg5[%swap3A_1698] {strides = array<i32>} : memref<10752xf32, #tpu.memory_space<vmem>>, vector<16xf32>,
      tpu.vector_store %arg5[%swap3A_1698], %exp3A_1695 {strides = array<i32>} : memref<10752xf32, #tpu.memory_space<vmem>>, vector<16xf32>,
      %sub3A_1700 = vector.broadcast %squeeze3A_1656 : f32 to vector<16xf32>
      %sub3A_1701 = arith.subf %convert_element_type3A_952, %sub3A_1700 : vector<16xf32>
      %sub3A_1702 = vector.broadcast %squeeze3A_1656 : f32 to vector<16xf32>
      %sub3A_1703 = arith.subf %add3A_955, %sub3A_1702 : vector<16xf32>
      %sub3A_1704 = vector.broadcast %squeeze3A_1656 : f32 to vector<16xf32>
      %sub3A_1705 = arith.subf %add3A_958, %sub3A_1704 : vector<16xf32>
      %mul3A_1706 = arith.mulf %sub3A_1701, %sub3A_1701 : vector<16xf32>
      %neg3A_1707 = arith.constant 0.000000e+00 : f32
      %neg3A_1708 = vector.broadcast %neg3A_1707 : f32 to vector<16xf32>
      %neg3A_1709 = arith.subf %neg3A_1708, %mul3A_1706 : vector<16xf32>
      %mul3A_1710 = vector.broadcast %squeeze3A_1658 : f32 to vector<16xf32>
      %mul3A_1711 = arith.mulf %neg3A_1709, %mul3A_1710 : vector<16xf32>
      %exp3A_1712 = math.exp %mul3A_1711 : vector<16xf32>
      %mul3A_1713 = vector.broadcast %squeeze3A_1660 : f32 to vector<16xf32>
      %mul3A_1714 = arith.mulf %exp3A_1712, %mul3A_1713 : vector<16xf32>
      %swap3A_1715 = arith.index_cast %add3A_1662 : i32 to index
      %swap3A_1716 = tpu.vector_load %arg6[%swap3A_1715] {strides = array<i32>} : memref<10768xf32, #tpu.memory_space<vmem>>, vector<16xf32>,
      tpu.vector_store %arg6[%swap3A_1715], %mul3A_1714 {strides = array<i32>} : memref<10768xf32, #tpu.memory_space<vmem>>, vector<16xf32>,
      %mul3A_1717 = arith.mulf %sub3A_1703, %sub3A_1703 : vector<16xf32>
      %neg3A_1718 = arith.constant 0.000000e+00 : f32
      %neg3A_1719 = vector.broadcast %neg3A_1718 : f32 to vector<16xf32>
      %neg3A_1720 = arith.subf %neg3A_1719, %mul3A_1717 : vector<16xf32>
      %mul3A_1721 = vector.broadcast %squeeze3A_1658 : f32 to vector<16xf32>
      %mul3A_1722 = arith.mulf %neg3A_1720, %mul3A_1721 : vector<16xf32>
      %exp3A_1723 = math.exp %mul3A_1722 : vector<16xf32>
      %mul3A_1724 = vector.broadcast %squeeze3A_1660 : f32 to vector<16xf32>
      %mul3A_1725 = arith.mulf %exp3A_1723, %mul3A_1724 : vector<16xf32>
      %add3A_1726 = arith.constant 16 : i32
      %add3A_1727 = arith.addi %add3A_1662, %add3A_1726 : i32
      %swap3A_1728 = arith.index_cast %add3A_1727 : i32 to index
      %swap3A_1729 = tpu.vector_load %arg6[%swap3A_1728] {strides = array<i32>} : memref<10768xf32, #tpu.memory_space<vmem>>, vector<16xf32>,
      tpu.vector_store %arg6[%swap3A_1728], %mul3A_1725 {strides = array<i32>} : memref<10768xf32, #tpu.memory_space<vmem>>, vector<16xf32>,
      %mul3A_1730 = arith.mulf %sub3A_1705, %sub3A_1705 : vector<16xf32>
      %neg3A_1731 = arith.constant 0.000000e+00 : f32
      %neg3A_1732 = vector.broadcast %neg3A_1731 : f32 to vector<16xf32>
      %neg3A_1733 = arith.subf %neg3A_1732, %mul3A_1730 : vector<16xf32>
      %mul3A_1734 = vector.broadcast %squeeze3A_1658 : f32 to vector<16xf32>
      %mul3A_1735 = arith.mulf %neg3A_1733, %mul3A_1734 : vector<16xf32>
      %exp3A_1736 = math.exp %mul3A_1735 : vector<16xf32>
      %mul3A_1737 = vector.broadcast %squeeze3A_1660 : f32 to vector<16xf32>
      %mul3A_1738 = arith.mulf %exp3A_1736, %mul3A_1737 : vector<16xf32>
      %add3A_1739 = arith.constant 32 : i32
      %add3A_1740 = arith.addi %add3A_1662, %add3A_1739 : i32
      %swap3A_1741 = arith.index_cast %add3A_1740 : i32 to index
      %swap3A_1742 = tpu.vector_load %arg6[%swap3A_1741] {strides = array<i32>} : memref<10768xf32, #tpu.memory_space<vmem>>, vector<16xf32>,
      tpu.vector_store %arg6[%swap3A_1741], %mul3A_1738 {strides = array<i32>} : memref<10768xf32, #tpu.memory_space<vmem>>, vector<16xf32>,
      %slice3A_1743 = vector.extract_strided_slice %get3A_1008 {offsets = [8], sizes = [1], strides = [1]} : vector<16xf32> to vector<1xf32>
      %squeeze3A_1744 = vector.extract %slice3A_1743[0] : f32 from vector<1xf32>
      %slice3A_1745 = vector.extract_strided_slice %get3A_1012 {offsets = [8], sizes = [1], strides = [1]} : vector<16xf32> to vector<1xf32>
      %squeeze3A_1746 = vector.extract %slice3A_1745[0] : f32 from vector<1xf32>
      %slice3A_1747 = vector.extract_strided_slice %get3A_1016 {offsets = [8], sizes = [1], strides = [1]} : vector<16xf32> to vector<1xf32>
      %squeeze3A_1748 = vector.extract %slice3A_1747[0] : f32 from vector<1xf32>
      %slice3A_1749 = vector.extract_strided_slice %get3A_1020 {offsets = [8], sizes = [1], strides = [1]} : vector<16xf32> to vector<1xf32>
      %squeeze3A_1750 = vector.extract %slice3A_1749[0] : f32 from vector<1xf32>
      %add3A_1751 = arith.constant 384 : i32
      %add3A_1752 = arith.addi %mul3A_1024, %add3A_1751 : i32
      %sub3A_1753 = vector.broadcast %squeeze3A_1744 : f32 to vector<16xf32>
      %sub3A_1754 = arith.subf %convert_element_type3A_952, %sub3A_1753 : vector<16xf32>
      %sub3A_1755 = vector.broadcast %squeeze3A_1744 : f32 to vector<16xf32>
      %sub3A_1756 = arith.subf %add3A_955, %sub3A_1755 : vector<16xf32>
      %sub3A_1757 = vector.broadcast %squeeze3A_1744 : f32 to vector<16xf32>
      %sub3A_1758 = arith.subf %add3A_958, %sub3A_1757 : vector<16xf32>
      %mul3A_1759 = arith.mulf %sub3A_1754, %sub3A_1754 : vector<16xf32>
      %neg3A_1760 = arith.constant 0.000000e+00 : f32
      %neg3A_1761 = vector.broadcast %neg3A_1760 : f32 to vector<16xf32>
      %neg3A_1762 = arith.subf %neg3A_1761, %mul3A_1759 : vector<16xf32>
      %mul3A_1763 = vector.broadcast %squeeze3A_1748 : f32 to vector<16xf32>
      %mul3A_1764 = arith.mulf %neg3A_1762, %mul3A_1763 : vector<16xf32>
      %exp3A_1765 = math.exp %mul3A_1764 : vector<16xf32>
      %swap3A_1766 = arith.index_cast %add3A_1752 : i32 to index
      %swap3A_1767 = tpu.vector_load %arg5[%swap3A_1766] {strides = array<i32>} : memref<10752xf32, #tpu.memory_space<vmem>>, vector<16xf32>,
      tpu.vector_store %arg5[%swap3A_1766], %exp3A_1765 {strides = array<i32>} : memref<10752xf32, #tpu.memory_space<vmem>>, vector<16xf32>,
      %mul3A_1768 = arith.mulf %sub3A_1756, %sub3A_1756 : vector<16xf32>
      %neg3A_1769 = arith.constant 0.000000e+00 : f32
      %neg3A_1770 = vector.broadcast %neg3A_1769 : f32 to vector<16xf32>
      %neg3A_1771 = arith.subf %neg3A_1770, %mul3A_1768 : vector<16xf32>
      %mul3A_1772 = vector.broadcast %squeeze3A_1748 : f32 to vector<16xf32>
      %mul3A_1773 = arith.mulf %neg3A_1771, %mul3A_1772 : vector<16xf32>
      %exp3A_1774 = math.exp %mul3A_1773 : vector<16xf32>
      %add3A_1775 = arith.constant 16 : i32
      %add3A_1776 = arith.addi %add3A_1752, %add3A_1775 : i32
      %swap3A_1777 = arith.index_cast %add3A_1776 : i32 to index
      %swap3A_1778 = tpu.vector_load %arg5[%swap3A_1777] {strides = array<i32>} : memref<10752xf32, #tpu.memory_space<vmem>>, vector<16xf32>,
      tpu.vector_store %arg5[%swap3A_1777], %exp3A_1774 {strides = array<i32>} : memref<10752xf32, #tpu.memory_space<vmem>>, vector<16xf32>,
      %mul3A_1779 = arith.mulf %sub3A_1758, %sub3A_1758 : vector<16xf32>
      %neg3A_1780 = arith.constant 0.000000e+00 : f32
      %neg3A_1781 = vector.broadcast %neg3A_1780 : f32 to vector<16xf32>
      %neg3A_1782 = arith.subf %neg3A_1781, %mul3A_1779 : vector<16xf32>
      %mul3A_1783 = vector.broadcast %squeeze3A_1748 : f32 to vector<16xf32>
      %mul3A_1784 = arith.mulf %neg3A_1782, %mul3A_1783 : vector<16xf32>
      %exp3A_1785 = math.exp %mul3A_1784 : vector<16xf32>
      %add3A_1786 = arith.constant 32 : i32
      %add3A_1787 = arith.addi %add3A_1752, %add3A_1786 : i32
      %swap3A_1788 = arith.index_cast %add3A_1787 : i32 to index
      %swap3A_1789 = tpu.vector_load %arg5[%swap3A_1788] {strides = array<i32>} : memref<10752xf32, #tpu.memory_space<vmem>>, vector<16xf32>,
      tpu.vector_store %arg5[%swap3A_1788], %exp3A_1785 {strides = array<i32>} : memref<10752xf32, #tpu.memory_space<vmem>>, vector<16xf32>,
      %sub3A_1790 = vector.broadcast %squeeze3A_1746 : f32 to vector<16xf32>
      %sub3A_1791 = arith.subf %convert_element_type3A_952, %sub3A_1790 : vector<16xf32>
      %sub3A_1792 = vector.broadcast %squeeze3A_1746 : f32 to vector<16xf32>
      %sub3A_1793 = arith.subf %add3A_955, %sub3A_1792 : vector<16xf32>
      %sub3A_1794 = vector.broadcast %squeeze3A_1746 : f32 to vector<16xf32>
      %sub3A_1795 = arith.subf %add3A_958, %sub3A_1794 : vector<16xf32>
      %mul3A_1796 = arith.mulf %sub3A_1791, %sub3A_1791 : vector<16xf32>
      %neg3A_1797 = arith.constant 0.000000e+00 : f32
      %neg3A_1798 = vector.broadcast %neg3A_1797 : f32 to vector<16xf32>
      %neg3A_1799 = arith.subf %neg3A_1798, %mul3A_1796 : vector<16xf32>
      %mul3A_1800 = vector.broadcast %squeeze3A_1748 : f32 to vector<16xf32>
      %mul3A_1801 = arith.mulf %neg3A_1799, %mul3A_1800 : vector<16xf32>
      %exp3A_1802 = math.exp %mul3A_1801 : vector<16xf32>
      %mul3A_1803 = vector.broadcast %squeeze3A_1750 : f32 to vector<16xf32>
      %mul3A_1804 = arith.mulf %exp3A_1802, %mul3A_1803 : vector<16xf32>
      %swap3A_1805 = arith.index_cast %add3A_1752 : i32 to index
      %swap3A_1806 = tpu.vector_load %arg6[%swap3A_1805] {strides = array<i32>} : memref<10768xf32, #tpu.memory_space<vmem>>, vector<16xf32>,
      tpu.vector_store %arg6[%swap3A_1805], %mul3A_1804 {strides = array<i32>} : memref<10768xf32, #tpu.memory_space<vmem>>, vector<16xf32>,
      %mul3A_1807 = arith.mulf %sub3A_1793, %sub3A_1793 : vector<16xf32>
      %neg3A_1808 = arith.constant 0.000000e+00 : f32
      %neg3A_1809 = vector.broadcast %neg3A_1808 : f32 to vector<16xf32>
      %neg3A_1810 = arith.subf %neg3A_1809, %mul3A_1807 : vector<16xf32>
      %mul3A_1811 = vector.broadcast %squeeze3A_1748 : f32 to vector<16xf32>
      %mul3A_1812 = arith.mulf %neg3A_1810, %mul3A_1811 : vector<16xf32>
      %exp3A_1813 = math.exp %mul3A_1812 : vector<16xf32>
      %mul3A_1814 = vector.broadcast %squeeze3A_1750 : f32 to vector<16xf32>
      %mul3A_1815 = arith.mulf %exp3A_1813, %mul3A_1814 : vector<16xf32>
      %add3A_1816 = arith.constant 16 : i32
      %add3A_1817 = arith.addi %add3A_1752, %add3A_1816 : i32
      %swap3A_1818 = arith.index_cast %add3A_1817 : i32 to index
      %swap3A_1819 = tpu.vector_load %arg6[%swap3A_1818] {strides = array<i32>} : memref<10768xf32, #tpu.memory_space<vmem>>, vector<16xf32>,
      tpu.vector_store %arg6[%swap3A_1818], %mul3A_1815 {strides = array<i32>} : memref<10768xf32, #tpu.memory_space<vmem>>, vector<16xf32>,
      %mul3A_1820 = arith.mulf %sub3A_1795, %sub3A_1795 : vector<16xf32>
      %neg3A_1821 = arith.constant 0.000000e+00 : f32
      %neg3A_1822 = vector.broadcast %neg3A_1821 : f32 to vector<16xf32>
      %neg3A_1823 = arith.subf %neg3A_1822, %mul3A_1820 : vector<16xf32>
      %mul3A_1824 = vector.broadcast %squeeze3A_1748 : f32 to vector<16xf32>
      %mul3A_1825 = arith.mulf %neg3A_1823, %mul3A_1824 : vector<16xf32>
      %exp3A_1826 = math.exp %mul3A_1825 : vector<16xf32>
      %mul3A_1827 = vector.broadcast %squeeze3A_1750 : f32 to vector<16xf32>
      %mul3A_1828 = arith.mulf %exp3A_1826, %mul3A_1827 : vector<16xf32>
      %add3A_1829 = arith.constant 32 : i32
      %add3A_1830 = arith.addi %add3A_1752, %add3A_1829 : i32
      %swap3A_1831 = arith.index_cast %add3A_1830 : i32 to index
      %swap3A_1832 = tpu.vector_load %arg6[%swap3A_1831] {strides = array<i32>} : memref<10768xf32, #tpu.memory_space<vmem>>, vector<16xf32>,
      tpu.vector_store %arg6[%swap3A_1831], %mul3A_1828 {strides = array<i32>} : memref<10768xf32, #tpu.memory_space<vmem>>, vector<16xf32>,
      %slice3A_1833 = vector.extract_strided_slice %get3A_1008 {offsets = [9], sizes = [1], strides = [1]} : vector<16xf32> to vector<1xf32>
      %squeeze3A_1834 = vector.extract %slice3A_1833[0] : f32 from vector<1xf32>
      %slice3A_1835 = vector.extract_strided_slice %get3A_1012 {offsets = [9], sizes = [1], strides = [1]} : vector<16xf32> to vector<1xf32>
      %squeeze3A_1836 = vector.extract %slice3A_1835[0] : f32 from vector<1xf32>
      %slice3A_1837 = vector.extract_strided_slice %get3A_1016 {offsets = [9], sizes = [1], strides = [1]} : vector<16xf32> to vector<1xf32>
      %squeeze3A_1838 = vector.extract %slice3A_1837[0] : f32 from vector<1xf32>
      %slice3A_1839 = vector.extract_strided_slice %get3A_1020 {offsets = [9], sizes = [1], strides = [1]} : vector<16xf32> to vector<1xf32>
      %squeeze3A_1840 = vector.extract %slice3A_1839[0] : f32 from vector<1xf32>
      %add3A_1841 = arith.constant 432 : i32
      %add3A_1842 = arith.addi %mul3A_1024, %add3A_1841 : i32
      %sub3A_1843 = vector.broadcast %squeeze3A_1834 : f32 to vector<16xf32>
      %sub3A_1844 = arith.subf %convert_element_type3A_952, %sub3A_1843 : vector<16xf32>
      %sub3A_1845 = vector.broadcast %squeeze3A_1834 : f32 to vector<16xf32>
      %sub3A_1846 = arith.subf %add3A_955, %sub3A_1845 : vector<16xf32>
      %sub3A_1847 = vector.broadcast %squeeze3A_1834 : f32 to vector<16xf32>
      %sub3A_1848 = arith.subf %add3A_958, %sub3A_1847 : vector<16xf32>
      %mul3A_1849 = arith.mulf %sub3A_1844, %sub3A_1844 : vector<16xf32>
      %neg3A_1850 = arith.constant 0.000000e+00 : f32
      %neg3A_1851 = vector.broadcast %neg3A_1850 : f32 to vector<16xf32>
      %neg3A_1852 = arith.subf %neg3A_1851, %mul3A_1849 : vector<16xf32>
      %mul3A_1853 = vector.broadcast %squeeze3A_1838 : f32 to vector<16xf32>
      %mul3A_1854 = arith.mulf %neg3A_1852, %mul3A_1853 : vector<16xf32>
      %exp3A_1855 = math.exp %mul3A_1854 : vector<16xf32>
      %swap3A_1856 = arith.index_cast %add3A_1842 : i32 to index
      %swap3A_1857 = tpu.vector_load %arg5[%swap3A_1856] {strides = array<i32>} : memref<10752xf32, #tpu.memory_space<vmem>>, vector<16xf32>,
      tpu.vector_store %arg5[%swap3A_1856], %exp3A_1855 {strides = array<i32>} : memref<10752xf32, #tpu.memory_space<vmem>>, vector<16xf32>,
      %mul3A_1858 = arith.mulf %sub3A_1846, %sub3A_1846 : vector<16xf32>
      %neg3A_1859 = arith.constant 0.000000e+00 : f32
      %neg3A_1860 = vector.broadcast %neg3A_1859 : f32 to vector<16xf32>
      %neg3A_1861 = arith.subf %neg3A_1860, %mul3A_1858 : vector<16xf32>
      %mul3A_1862 = vector.broadcast %squeeze3A_1838 : f32 to vector<16xf32>
      %mul3A_1863 = arith.mulf %neg3A_1861, %mul3A_1862 : vector<16xf32>
      %exp3A_1864 = math.exp %mul3A_1863 : vector<16xf32>
      %add3A_1865 = arith.constant 16 : i32
      %add3A_1866 = arith.addi %add3A_1842, %add3A_1865 : i32
      %swap3A_1867 = arith.index_cast %add3A_1866 : i32 to index
      %swap3A_1868 = tpu.vector_load %arg5[%swap3A_1867] {strides = array<i32>} : memref<10752xf32, #tpu.memory_space<vmem>>, vector<16xf32>,
      tpu.vector_store %arg5[%swap3A_1867], %exp3A_1864 {strides = array<i32>} : memref<10752xf32, #tpu.memory_space<vmem>>, vector<16xf32>,
      %mul3A_1869 = arith.mulf %sub3A_1848, %sub3A_1848 : vector<16xf32>
      %neg3A_1870 = arith.constant 0.000000e+00 : f32
      %neg3A_1871 = vector.broadcast %neg3A_1870 : f32 to vector<16xf32>
      %neg3A_1872 = arith.subf %neg3A_1871, %mul3A_1869 : vector<16xf32>
      %mul3A_1873 = vector.broadcast %squeeze3A_1838 : f32 to vector<16xf32>
      %mul3A_1874 = arith.mulf %neg3A_1872, %mul3A_1873 : vector<16xf32>
      %exp3A_1875 = math.exp %mul3A_1874 : vector<16xf32>
      %add3A_1876 = arith.constant 32 : i32
      %add3A_1877 = arith.addi %add3A_1842, %add3A_1876 : i32
      %swap3A_1878 = arith.index_cast %add3A_1877 : i32 to index
      %swap3A_1879 = tpu.vector_load %arg5[%swap3A_1878] {strides = array<i32>} : memref<10752xf32, #tpu.memory_space<vmem>>, vector<16xf32>,
      tpu.vector_store %arg5[%swap3A_1878], %exp3A_1875 {strides = array<i32>} : memref<10752xf32, #tpu.memory_space<vmem>>, vector<16xf32>,
      %sub3A_1880 = vector.broadcast %squeeze3A_1836 : f32 to vector<16xf32>
      %sub3A_1881 = arith.subf %convert_element_type3A_952, %sub3A_1880 : vector<16xf32>
      %sub3A_1882 = vector.broadcast %squeeze3A_1836 : f32 to vector<16xf32>
      %sub3A_1883 = arith.subf %add3A_955, %sub3A_1882 : vector<16xf32>
      %sub3A_1884 = vector.broadcast %squeeze3A_1836 : f32 to vector<16xf32>
      %sub3A_1885 = arith.subf %add3A_958, %sub3A_1884 : vector<16xf32>
      %mul3A_1886 = arith.mulf %sub3A_1881, %sub3A_1881 : vector<16xf32>
      %neg3A_1887 = arith.constant 0.000000e+00 : f32
      %neg3A_1888 = vector.broadcast %neg3A_1887 : f32 to vector<16xf32>
      %neg3A_1889 = arith.subf %neg3A_1888, %mul3A_1886 : vector<16xf32>
      %mul3A_1890 = vector.broadcast %squeeze3A_1838 : f32 to vector<16xf32>
      %mul3A_1891 = arith.mulf %neg3A_1889, %mul3A_1890 : vector<16xf32>
      %exp3A_1892 = math.exp %mul3A_1891 : vector<16xf32>
      %mul3A_1893 = vector.broadcast %squeeze3A_1840 : f32 to vector<16xf32>
      %mul3A_1894 = arith.mulf %exp3A_1892, %mul3A_1893 : vector<16xf32>
      %swap3A_1895 = arith.index_cast %add3A_1842 : i32 to index
      %swap3A_1896 = tpu.vector_load %arg6[%swap3A_1895] {strides = array<i32>} : memref<10768xf32, #tpu.memory_space<vmem>>, vector<16xf32>,
      tpu.vector_store %arg6[%swap3A_1895], %mul3A_1894 {strides = array<i32>} : memref<10768xf32, #tpu.memory_space<vmem>>, vector<16xf32>,
      %mul3A_1897 = arith.mulf %sub3A_1883, %sub3A_1883 : vector<16xf32>
      %neg3A_1898 = arith.constant 0.000000e+00 : f32
      %neg3A_1899 = vector.broadcast %neg3A_1898 : f32 to vector<16xf32>
      %neg3A_1900 = arith.subf %neg3A_1899, %mul3A_1897 : vector<16xf32>
      %mul3A_1901 = vector.broadcast %squeeze3A_1838 : f32 to vector<16xf32>
      %mul3A_1902 = arith.mulf %neg3A_1900, %mul3A_1901 : vector<16xf32>
      %exp3A_1903 = math.exp %mul3A_1902 : vector<16xf32>
      %mul3A_1904 = vector.broadcast %squeeze3A_1840 : f32 to vector<16xf32>
      %mul3A_1905 = arith.mulf %exp3A_1903, %mul3A_1904 : vector<16xf32>
      %add3A_1906 = arith.constant 16 : i32
      %add3A_1907 = arith.addi %add3A_1842, %add3A_1906 : i32
      %swap3A_1908 = arith.index_cast %add3A_1907 : i32 to index
      %swap3A_1909 = tpu.vector_load %arg6[%swap3A_1908] {strides = array<i32>} : memref<10768xf32, #tpu.memory_space<vmem>>, vector<16xf32>,
      tpu.vector_store %arg6[%swap3A_1908], %mul3A_1905 {strides = array<i32>} : memref<10768xf32, #tpu.memory_space<vmem>>, vector<16xf32>,
      %mul3A_1910 = arith.mulf %sub3A_1885, %sub3A_1885 : vector<16xf32>
      %neg3A_1911 = arith.constant 0.000000e+00 : f32
      %neg3A_1912 = vector.broadcast %neg3A_1911 : f32 to vector<16xf32>
      %neg3A_1913 = arith.subf %neg3A_1912, %mul3A_1910 : vector<16xf32>
      %mul3A_1914 = vector.broadcast %squeeze3A_1838 : f32 to vector<16xf32>
      %mul3A_1915 = arith.mulf %neg3A_1913, %mul3A_1914 : vector<16xf32>
      %exp3A_1916 = math.exp %mul3A_1915 : vector<16xf32>
      %mul3A_1917 = vector.broadcast %squeeze3A_1840 : f32 to vector<16xf32>
      %mul3A_1918 = arith.mulf %exp3A_1916, %mul3A_1917 : vector<16xf32>
      %add3A_1919 = arith.constant 32 : i32
      %add3A_1920 = arith.addi %add3A_1842, %add3A_1919 : i32
      %swap3A_1921 = arith.index_cast %add3A_1920 : i32 to index
      %swap3A_1922 = tpu.vector_load %arg6[%swap3A_1921] {strides = array<i32>} : memref<10768xf32, #tpu.memory_space<vmem>>, vector<16xf32>,
      tpu.vector_store %arg6[%swap3A_1921], %mul3A_1918 {strides = array<i32>} : memref<10768xf32, #tpu.memory_space<vmem>>, vector<16xf32>,
      %slice3A_1923 = vector.extract_strided_slice %get3A_1008 {offsets = [10], sizes = [1], strides = [1]} : vector<16xf32> to vector<1xf32>
      %squeeze3A_1924 = vector.extract %slice3A_1923[0] : f32 from vector<1xf32>
      %slice3A_1925 = vector.extract_strided_slice %get3A_1012 {offsets = [10], sizes = [1], strides = [1]} : vector<16xf32> to vector<1xf32>
      %squeeze3A_1926 = vector.extract %slice3A_1925[0] : f32 from vector<1xf32>
      %slice3A_1927 = vector.extract_strided_slice %get3A_1016 {offsets = [10], sizes = [1], strides = [1]} : vector<16xf32> to vector<1xf32>
      %squeeze3A_1928 = vector.extract %slice3A_1927[0] : f32 from vector<1xf32>
      %slice3A_1929 = vector.extract_strided_slice %get3A_1020 {offsets = [10], sizes = [1], strides = [1]} : vector<16xf32> to vector<1xf32>
      %squeeze3A_1930 = vector.extract %slice3A_1929[0] : f32 from vector<1xf32>
      %add3A_1931 = arith.constant 480 : i32
      %add3A_1932 = arith.addi %mul3A_1024, %add3A_1931 : i32
      %sub3A_1933 = vector.broadcast %squeeze3A_1924 : f32 to vector<16xf32>
      %sub3A_1934 = arith.subf %convert_element_type3A_952, %sub3A_1933 : vector<16xf32>
      %sub3A_1935 = vector.broadcast %squeeze3A_1924 : f32 to vector<16xf32>
      %sub3A_1936 = arith.subf %add3A_955, %sub3A_1935 : vector<16xf32>
      %sub3A_1937 = vector.broadcast %squeeze3A_1924 : f32 to vector<16xf32>
      %sub3A_1938 = arith.subf %add3A_958, %sub3A_1937 : vector<16xf32>
      %mul3A_1939 = arith.mulf %sub3A_1934, %sub3A_1934 : vector<16xf32>
      %neg3A_1940 = arith.constant 0.000000e+00 : f32
      %neg3A_1941 = vector.broadcast %neg3A_1940 : f32 to vector<16xf32>
      %neg3A_1942 = arith.subf %neg3A_1941, %mul3A_1939 : vector<16xf32>
      %mul3A_1943 = vector.broadcast %squeeze3A_1928 : f32 to vector<16xf32>
      %mul3A_1944 = arith.mulf %neg3A_1942, %mul3A_1943 : vector<16xf32>
      %exp3A_1945 = math.exp %mul3A_1944 : vector<16xf32>
      %swap3A_1946 = arith.index_cast %add3A_1932 : i32 to index
      %swap3A_1947 = tpu.vector_load %arg5[%swap3A_1946] {strides = array<i32>} : memref<10752xf32, #tpu.memory_space<vmem>>, vector<16xf32>,
      tpu.vector_store %arg5[%swap3A_1946], %exp3A_1945 {strides = array<i32>} : memref<10752xf32, #tpu.memory_space<vmem>>, vector<16xf32>,
      %mul3A_1948 = arith.mulf %sub3A_1936, %sub3A_1936 : vector<16xf32>
      %neg3A_1949 = arith.constant 0.000000e+00 : f32
      %neg3A_1950 = vector.broadcast %neg3A_1949 : f32 to vector<16xf32>
      %neg3A_1951 = arith.subf %neg3A_1950, %mul3A_1948 : vector<16xf32>
      %mul3A_1952 = vector.broadcast %squeeze3A_1928 : f32 to vector<16xf32>
      %mul3A_1953 = arith.mulf %neg3A_1951, %mul3A_1952 : vector<16xf32>
      %exp3A_1954 = math.exp %mul3A_1953 : vector<16xf32>
      %add3A_1955 = arith.constant 16 : i32
      %add3A_1956 = arith.addi %add3A_1932, %add3A_1955 : i32
      %swap3A_1957 = arith.index_cast %add3A_1956 : i32 to index
      %swap3A_1958 = tpu.vector_load %arg5[%swap3A_1957] {strides = array<i32>} : memref<10752xf32, #tpu.memory_space<vmem>>, vector<16xf32>,
      tpu.vector_store %arg5[%swap3A_1957], %exp3A_1954 {strides = array<i32>} : memref<10752xf32, #tpu.memory_space<vmem>>, vector<16xf32>,
      %mul3A_1959 = arith.mulf %sub3A_1938, %sub3A_1938 : vector<16xf32>
      %neg3A_1960 = arith.constant 0.000000e+00 : f32
      %neg3A_1961 = vector.broadcast %neg3A_1960 : f32 to vector<16xf32>
      %neg3A_1962 = arith.subf %neg3A_1961, %mul3A_1959 : vector<16xf32>
      %mul3A_1963 = vector.broadcast %squeeze3A_1928 : f32 to vector<16xf32>
      %mul3A_1964 = arith.mulf %neg3A_1962, %mul3A_1963 : vector<16xf32>
      %exp3A_1965 = math.exp %mul3A_1964 : vector<16xf32>
      %add3A_1966 = arith.constant 32 : i32
      %add3A_1967 = arith.addi %add3A_1932, %add3A_1966 : i32
      %swap3A_1968 = arith.index_cast %add3A_1967 : i32 to index
      %swap3A_1969 = tpu.vector_load %arg5[%swap3A_1968] {strides = array<i32>} : memref<10752xf32, #tpu.memory_space<vmem>>, vector<16xf32>,
      tpu.vector_store %arg5[%swap3A_1968], %exp3A_1965 {strides = array<i32>} : memref<10752xf32, #tpu.memory_space<vmem>>, vector<16xf32>,
      %sub3A_1970 = vector.broadcast %squeeze3A_1926 : f32 to vector<16xf32>
      %sub3A_1971 = arith.subf %convert_element_type3A_952, %sub3A_1970 : vector<16xf32>
      %sub3A_1972 = vector.broadcast %squeeze3A_1926 : f32 to vector<16xf32>
      %sub3A_1973 = arith.subf %add3A_955, %sub3A_1972 : vector<16xf32>
      %sub3A_1974 = vector.broadcast %squeeze3A_1926 : f32 to vector<16xf32>
      %sub3A_1975 = arith.subf %add3A_958, %sub3A_1974 : vector<16xf32>
      %mul3A_1976 = arith.mulf %sub3A_1971, %sub3A_1971 : vector<16xf32>
      %neg3A_1977 = arith.constant 0.000000e+00 : f32
      %neg3A_1978 = vector.broadcast %neg3A_1977 : f32 to vector<16xf32>
      %neg3A_1979 = arith.subf %neg3A_1978, %mul3A_1976 : vector<16xf32>
      %mul3A_1980 = vector.broadcast %squeeze3A_1928 : f32 to vector<16xf32>
      %mul3A_1981 = arith.mulf %neg3A_1979, %mul3A_1980 : vector<16xf32>
      %exp3A_1982 = math.exp %mul3A_1981 : vector<16xf32>
      %mul3A_1983 = vector.broadcast %squeeze3A_1930 : f32 to vector<16xf32>
      %mul3A_1984 = arith.mulf %exp3A_1982, %mul3A_1983 : vector<16xf32>
      %swap3A_1985 = arith.index_cast %add3A_1932 : i32 to index
      %swap3A_1986 = tpu.vector_load %arg6[%swap3A_1985] {strides = array<i32>} : memref<10768xf32, #tpu.memory_space<vmem>>, vector<16xf32>,
      tpu.vector_store %arg6[%swap3A_1985], %mul3A_1984 {strides = array<i32>} : memref<10768xf32, #tpu.memory_space<vmem>>, vector<16xf32>,
      %mul3A_1987 = arith.mulf %sub3A_1973, %sub3A_1973 : vector<16xf32>
      %neg3A_1988 = arith.constant 0.000000e+00 : f32
      %neg3A_1989 = vector.broadcast %neg3A_1988 : f32 to vector<16xf32>
      %neg3A_1990 = arith.subf %neg3A_1989, %mul3A_1987 : vector<16xf32>
      %mul3A_1991 = vector.broadcast %squeeze3A_1928 : f32 to vector<16xf32>
      %mul3A_1992 = arith.mulf %neg3A_1990, %mul3A_1991 : vector<16xf32>
      %exp3A_1993 = math.exp %mul3A_1992 : vector<16xf32>
      %mul3A_1994 = vector.broadcast %squeeze3A_1930 : f32 to vector<16xf32>
      %mul3A_1995 = arith.mulf %exp3A_1993, %mul3A_1994 : vector<16xf32>
      %add3A_1996 = arith.constant 16 : i32
      %add3A_1997 = arith.addi %add3A_1932, %add3A_1996 : i32
      %swap3A_1998 = arith.index_cast %add3A_1997 : i32 to index
      %swap3A_1999 = tpu.vector_load %arg6[%swap3A_1998] {strides = array<i32>} : memref<10768xf32, #tpu.memory_space<vmem>>, vector<16xf32>,
      tpu.vector_store %arg6[%swap3A_1998], %mul3A_1995 {strides = array<i32>} : memref<10768xf32, #tpu.memory_space<vmem>>, vector<16xf32>,
      %mul3A_2000 = arith.mulf %sub3A_1975, %sub3A_1975 : vector<16xf32>
      %neg3A_2001 = arith.constant 0.000000e+00 : f32
      %neg3A_2002 = vector.broadcast %neg3A_2001 : f32 to vector<16xf32>
      %neg3A_2003 = arith.subf %neg3A_2002, %mul3A_2000 : vector<16xf32>
      %mul3A_2004 = vector.broadcast %squeeze3A_1928 : f32 to vector<16xf32>
      %mul3A_2005 = arith.mulf %neg3A_2003, %mul3A_2004 : vector<16xf32>
      %exp3A_2006 = math.exp %mul3A_2005 : vector<16xf32>
      %mul3A_2007 = vector.broadcast %squeeze3A_1930 : f32 to vector<16xf32>
      %mul3A_2008 = arith.mulf %exp3A_2006, %mul3A_2007 : vector<16xf32>
      %add3A_2009 = arith.constant 32 : i32
      %add3A_2010 = arith.addi %add3A_1932, %add3A_2009 : i32
      %swap3A_2011 = arith.index_cast %add3A_2010 : i32 to index
      %swap3A_2012 = tpu.vector_load %arg6[%swap3A_2011] {strides = array<i32>} : memref<10768xf32, #tpu.memory_space<vmem>>, vector<16xf32>,
      tpu.vector_store %arg6[%swap3A_2011], %mul3A_2008 {strides = array<i32>} : memref<10768xf32, #tpu.memory_space<vmem>>, vector<16xf32>,
      %slice3A_2013 = vector.extract_strided_slice %get3A_1008 {offsets = [11], sizes = [1], strides = [1]} : vector<16xf32> to vector<1xf32>
      %squeeze3A_2014 = vector.extract %slice3A_2013[0] : f32 from vector<1xf32>
      %slice3A_2015 = vector.extract_strided_slice %get3A_1012 {offsets = [11], sizes = [1], strides = [1]} : vector<16xf32> to vector<1xf32>
      %squeeze3A_2016 = vector.extract %slice3A_2015[0] : f32 from vector<1xf32>
      %slice3A_2017 = vector.extract_strided_slice %get3A_1016 {offsets = [11], sizes = [1], strides = [1]} : vector<16xf32> to vector<1xf32>
      %squeeze3A_2018 = vector.extract %slice3A_2017[0] : f32 from vector<1xf32>
      %slice3A_2019 = vector.extract_strided_slice %get3A_1020 {offsets = [11], sizes = [1], strides = [1]} : vector<16xf32> to vector<1xf32>
      %squeeze3A_2020 = vector.extract %slice3A_2019[0] : f32 from vector<1xf32>
      %add3A_2021 = arith.constant 528 : i32
      %add3A_2022 = arith.addi %mul3A_1024, %add3A_2021 : i32
      %sub3A_2023 = vector.broadcast %squeeze3A_2014 : f32 to vector<16xf32>
      %sub3A_2024 = arith.subf %convert_element_type3A_952, %sub3A_2023 : vector<16xf32>
      %sub3A_2025 = vector.broadcast %squeeze3A_2014 : f32 to vector<16xf32>
      %sub3A_2026 = arith.subf %add3A_955, %sub3A_2025 : vector<16xf32>
      %sub3A_2027 = vector.broadcast %squeeze3A_2014 : f32 to vector<16xf32>
      %sub3A_2028 = arith.subf %add3A_958, %sub3A_2027 : vector<16xf32>
      %mul3A_2029 = arith.mulf %sub3A_2024, %sub3A_2024 : vector<16xf32>
      %neg3A_2030 = arith.constant 0.000000e+00 : f32
      %neg3A_2031 = vector.broadcast %neg3A_2030 : f32 to vector<16xf32>
      %neg3A_2032 = arith.subf %neg3A_2031, %mul3A_2029 : vector<16xf32>
      %mul3A_2033 = vector.broadcast %squeeze3A_2018 : f32 to vector<16xf32>
      %mul3A_2034 = arith.mulf %neg3A_2032, %mul3A_2033 : vector<16xf32>
      %exp3A_2035 = math.exp %mul3A_2034 : vector<16xf32>
      %swap3A_2036 = arith.index_cast %add3A_2022 : i32 to index
      %swap3A_2037 = tpu.vector_load %arg5[%swap3A_2036] {strides = array<i32>} : memref<10752xf32, #tpu.memory_space<vmem>>, vector<16xf32>,
      tpu.vector_store %arg5[%swap3A_2036], %exp3A_2035 {strides = array<i32>} : memref<10752xf32, #tpu.memory_space<vmem>>, vector<16xf32>,
      %mul3A_2038 = arith.mulf %sub3A_2026, %sub3A_2026 : vector<16xf32>
      %neg3A_2039 = arith.constant 0.000000e+00 : f32
      %neg3A_2040 = vector.broadcast %neg3A_2039 : f32 to vector<16xf32>
      %neg3A_2041 = arith.subf %neg3A_2040, %mul3A_2038 : vector<16xf32>
      %mul3A_2042 = vector.broadcast %squeeze3A_2018 : f32 to vector<16xf32>
      %mul3A_2043 = arith.mulf %neg3A_2041, %mul3A_2042 : vector<16xf32>
      %exp3A_2044 = math.exp %mul3A_2043 : vector<16xf32>
      %add3A_2045 = arith.constant 16 : i32
      %add3A_2046 = arith.addi %add3A_2022, %add3A_2045 : i32
      %swap3A_2047 = arith.index_cast %add3A_2046 : i32 to index
      %swap3A_2048 = tpu.vector_load %arg5[%swap3A_2047] {strides = array<i32>} : memref<10752xf32, #tpu.memory_space<vmem>>, vector<16xf32>,
      tpu.vector_store %arg5[%swap3A_2047], %exp3A_2044 {strides = array<i32>} : memref<10752xf32, #tpu.memory_space<vmem>>, vector<16xf32>,
      %mul3A_2049 = arith.mulf %sub3A_2028, %sub3A_2028 : vector<16xf32>
      %neg3A_2050 = arith.constant 0.000000e+00 : f32
      %neg3A_2051 = vector.broadcast %neg3A_2050 : f32 to vector<16xf32>
      %neg3A_2052 = arith.subf %neg3A_2051, %mul3A_2049 : vector<16xf32>
      %mul3A_2053 = vector.broadcast %squeeze3A_2018 : f32 to vector<16xf32>
      %mul3A_2054 = arith.mulf %neg3A_2052, %mul3A_2053 : vector<16xf32>
      %exp3A_2055 = math.exp %mul3A_2054 : vector<16xf32>
      %add3A_2056 = arith.constant 32 : i32
      %add3A_2057 = arith.addi %add3A_2022, %add3A_2056 : i32
      %swap3A_2058 = arith.index_cast %add3A_2057 : i32 to index
      %swap3A_2059 = tpu.vector_load %arg5[%swap3A_2058] {strides = array<i32>} : memref<10752xf32, #tpu.memory_space<vmem>>, vector<16xf32>,
      tpu.vector_store %arg5[%swap3A_2058], %exp3A_2055 {strides = array<i32>} : memref<10752xf32, #tpu.memory_space<vmem>>, vector<16xf32>,
      %sub3A_2060 = vector.broadcast %squeeze3A_2016 : f32 to vector<16xf32>
      %sub3A_2061 = arith.subf %convert_element_type3A_952, %sub3A_2060 : vector<16xf32>
      %sub3A_2062 = vector.broadcast %squeeze3A_2016 : f32 to vector<16xf32>
      %sub3A_2063 = arith.subf %add3A_955, %sub3A_2062 : vector<16xf32>
      %sub3A_2064 = vector.broadcast %squeeze3A_2016 : f32 to vector<16xf32>
      %sub3A_2065 = arith.subf %add3A_958, %sub3A_2064 : vector<16xf32>
      %mul3A_2066 = arith.mulf %sub3A_2061, %sub3A_2061 : vector<16xf32>
      %neg3A_2067 = arith.constant 0.000000e+00 : f32
      %neg3A_2068 = vector.broadcast %neg3A_2067 : f32 to vector<16xf32>
      %neg3A_2069 = arith.subf %neg3A_2068, %mul3A_2066 : vector<16xf32>
      %mul3A_2070 = vector.broadcast %squeeze3A_2018 : f32 to vector<16xf32>
      %mul3A_2071 = arith.mulf %neg3A_2069, %mul3A_2070 : vector<16xf32>
      %exp3A_2072 = math.exp %mul3A_2071 : vector<16xf32>
      %mul3A_2073 = vector.broadcast %squeeze3A_2020 : f32 to vector<16xf32>
      %mul3A_2074 = arith.mulf %exp3A_2072, %mul3A_2073 : vector<16xf32>
      %swap3A_2075 = arith.index_cast %add3A_2022 : i32 to index
      %swap3A_2076 = tpu.vector_load %arg6[%swap3A_2075] {strides = array<i32>} : memref<10768xf32, #tpu.memory_space<vmem>>, vector<16xf32>,
      tpu.vector_store %arg6[%swap3A_2075], %mul3A_2074 {strides = array<i32>} : memref<10768xf32, #tpu.memory_space<vmem>>, vector<16xf32>,
      %mul3A_2077 = arith.mulf %sub3A_2063, %sub3A_2063 : vector<16xf32>
      %neg3A_2078 = arith.constant 0.000000e+00 : f32
      %neg3A_2079 = vector.broadcast %neg3A_2078 : f32 to vector<16xf32>
      %neg3A_2080 = arith.subf %neg3A_2079, %mul3A_2077 : vector<16xf32>
      %mul3A_2081 = vector.broadcast %squeeze3A_2018 : f32 to vector<16xf32>
      %mul3A_2082 = arith.mulf %neg3A_2080, %mul3A_2081 : vector<16xf32>
      %exp3A_2083 = math.exp %mul3A_2082 : vector<16xf32>
      %mul3A_2084 = vector.broadcast %squeeze3A_2020 : f32 to vector<16xf32>
      %mul3A_2085 = arith.mulf %exp3A_2083, %mul3A_2084 : vector<16xf32>
      %add3A_2086 = arith.constant 16 : i32
      %add3A_2087 = arith.addi %add3A_2022, %add3A_2086 : i32
      %swap3A_2088 = arith.index_cast %add3A_2087 : i32 to index
      %swap3A_2089 = tpu.vector_load %arg6[%swap3A_2088] {strides = array<i32>} : memref<10768xf32, #tpu.memory_space<vmem>>, vector<16xf32>,
      tpu.vector_store %arg6[%swap3A_2088], %mul3A_2085 {strides = array<i32>} : memref<10768xf32, #tpu.memory_space<vmem>>, vector<16xf32>,
      %mul3A_2090 = arith.mulf %sub3A_2065, %sub3A_2065 : vector<16xf32>
      %neg3A_2091 = arith.constant 0.000000e+00 : f32
      %neg3A_2092 = vector.broadcast %neg3A_2091 : f32 to vector<16xf32>
      %neg3A_2093 = arith.subf %neg3A_2092, %mul3A_2090 : vector<16xf32>
      %mul3A_2094 = vector.broadcast %squeeze3A_2018 : f32 to vector<16xf32>
      %mul3A_2095 = arith.mulf %neg3A_2093, %mul3A_2094 : vector<16xf32>
      %exp3A_2096 = math.exp %mul3A_2095 : vector<16xf32>
      %mul3A_2097 = vector.broadcast %squeeze3A_2020 : f32 to vector<16xf32>
      %mul3A_2098 = arith.mulf %exp3A_2096, %mul3A_2097 : vector<16xf32>
      %add3A_2099 = arith.constant 32 : i32
      %add3A_2100 = arith.addi %add3A_2022, %add3A_2099 : i32
      %swap3A_2101 = arith.index_cast %add3A_2100 : i32 to index
      %swap3A_2102 = tpu.vector_load %arg6[%swap3A_2101] {strides = array<i32>} : memref<10768xf32, #tpu.memory_space<vmem>>, vector<16xf32>,
      tpu.vector_store %arg6[%swap3A_2101], %mul3A_2098 {strides = array<i32>} : memref<10768xf32, #tpu.memory_space<vmem>>, vector<16xf32>,
      %slice3A_2103 = vector.extract_strided_slice %get3A_1008 {offsets = [12], sizes = [1], strides = [1]} : vector<16xf32> to vector<1xf32>
      %squeeze3A_2104 = vector.extract %slice3A_2103[0] : f32 from vector<1xf32>
      %slice3A_2105 = vector.extract_strided_slice %get3A_1012 {offsets = [12], sizes = [1], strides = [1]} : vector<16xf32> to vector<1xf32>
      %squeeze3A_2106 = vector.extract %slice3A_2105[0] : f32 from vector<1xf32>
      %slice3A_2107 = vector.extract_strided_slice %get3A_1016 {offsets = [12], sizes = [1], strides = [1]} : vector<16xf32> to vector<1xf32>
      %squeeze3A_2108 = vector.extract %slice3A_2107[0] : f32 from vector<1xf32>
      %slice3A_2109 = vector.extract_strided_slice %get3A_1020 {offsets = [12], sizes = [1], strides = [1]} : vector<16xf32> to vector<1xf32>
      %squeeze3A_2110 = vector.extract %slice3A_2109[0] : f32 from vector<1xf32>
      %add3A_2111 = arith.constant 576 : i32
      %add3A_2112 = arith.addi %mul3A_1024, %add3A_2111 : i32
      %sub3A_2113 = vector.broadcast %squeeze3A_2104 : f32 to vector<16xf32>
      %sub3A_2114 = arith.subf %convert_element_type3A_952, %sub3A_2113 : vector<16xf32>
      %sub3A_2115 = vector.broadcast %squeeze3A_2104 : f32 to vector<16xf32>
      %sub3A_2116 = arith.subf %add3A_955, %sub3A_2115 : vector<16xf32>
      %sub3A_2117 = vector.broadcast %squeeze3A_2104 : f32 to vector<16xf32>
      %sub3A_2118 = arith.subf %add3A_958, %sub3A_2117 : vector<16xf32>
      %mul3A_2119 = arith.mulf %sub3A_2114, %sub3A_2114 : vector<16xf32>
      %neg3A_2120 = arith.constant 0.000000e+00 : f32
      %neg3A_2121 = vector.broadcast %neg3A_2120 : f32 to vector<16xf32>
      %neg3A_2122 = arith.subf %neg3A_2121, %mul3A_2119 : vector<16xf32>
      %mul3A_2123 = vector.broadcast %squeeze3A_2108 : f32 to vector<16xf32>
      %mul3A_2124 = arith.mulf %neg3A_2122, %mul3A_2123 : vector<16xf32>
      %exp3A_2125 = math.exp %mul3A_2124 : vector<16xf32>
      %swap3A_2126 = arith.index_cast %add3A_2112 : i32 to index
      %swap3A_2127 = tpu.vector_load %arg5[%swap3A_2126] {strides = array<i32>} : memref<10752xf32, #tpu.memory_space<vmem>>, vector<16xf32>,
      tpu.vector_store %arg5[%swap3A_2126], %exp3A_2125 {strides = array<i32>} : memref<10752xf32, #tpu.memory_space<vmem>>, vector<16xf32>,
      %mul3A_2128 = arith.mulf %sub3A_2116, %sub3A_2116 : vector<16xf32>
      %neg3A_2129 = arith.constant 0.000000e+00 : f32
      %neg3A_2130 = vector.broadcast %neg3A_2129 : f32 to vector<16xf32>
      %neg3A_2131 = arith.subf %neg3A_2130, %mul3A_2128 : vector<16xf32>
      %mul3A_2132 = vector.broadcast %squeeze3A_2108 : f32 to vector<16xf32>
      %mul3A_2133 = arith.mulf %neg3A_2131, %mul3A_2132 : vector<16xf32>
      %exp3A_2134 = math.exp %mul3A_2133 : vector<16xf32>
      %add3A_2135 = arith.constant 16 : i32
      %add3A_2136 = arith.addi %add3A_2112, %add3A_2135 : i32
      %swap3A_2137 = arith.index_cast %add3A_2136 : i32 to index
      %swap3A_2138 = tpu.vector_load %arg5[%swap3A_2137] {strides = array<i32>} : memref<10752xf32, #tpu.memory_space<vmem>>, vector<16xf32>,
      tpu.vector_store %arg5[%swap3A_2137], %exp3A_2134 {strides = array<i32>} : memref<10752xf32, #tpu.memory_space<vmem>>, vector<16xf32>,
      %mul3A_2139 = arith.mulf %sub3A_2118, %sub3A_2118 : vector<16xf32>
      %neg3A_2140 = arith.constant 0.000000e+00 : f32
      %neg3A_2141 = vector.broadcast %neg3A_2140 : f32 to vector<16xf32>
      %neg3A_2142 = arith.subf %neg3A_2141, %mul3A_2139 : vector<16xf32>
      %mul3A_2143 = vector.broadcast %squeeze3A_2108 : f32 to vector<16xf32>
      %mul3A_2144 = arith.mulf %neg3A_2142, %mul3A_2143 : vector<16xf32>
      %exp3A_2145 = math.exp %mul3A_2144 : vector<16xf32>
      %add3A_2146 = arith.constant 32 : i32
      %add3A_2147 = arith.addi %add3A_2112, %add3A_2146 : i32
      %swap3A_2148 = arith.index_cast %add3A_2147 : i32 to index
      %swap3A_2149 = tpu.vector_load %arg5[%swap3A_2148] {strides = array<i32>} : memref<10752xf32, #tpu.memory_space<vmem>>, vector<16xf32>,
      tpu.vector_store %arg5[%swap3A_2148], %exp3A_2145 {strides = array<i32>} : memref<10752xf32, #tpu.memory_space<vmem>>, vector<16xf32>,
      %sub3A_2150 = vector.broadcast %squeeze3A_2106 : f32 to vector<16xf32>
      %sub3A_2151 = arith.subf %convert_element_type3A_952, %sub3A_2150 : vector<16xf32>
      %sub3A_2152 = vector.broadcast %squeeze3A_2106 : f32 to vector<16xf32>
      %sub3A_2153 = arith.subf %add3A_955, %sub3A_2152 : vector<16xf32>
      %sub3A_2154 = vector.broadcast %squeeze3A_2106 : f32 to vector<16xf32>
      %sub3A_2155 = arith.subf %add3A_958, %sub3A_2154 : vector<16xf32>
      %mul3A_2156 = arith.mulf %sub3A_2151, %sub3A_2151 : vector<16xf32>
      %neg3A_2157 = arith.constant 0.000000e+00 : f32
      %neg3A_2158 = vector.broadcast %neg3A_2157 : f32 to vector<16xf32>
      %neg3A_2159 = arith.subf %neg3A_2158, %mul3A_2156 : vector<16xf32>
      %mul3A_2160 = vector.broadcast %squeeze3A_2108 : f32 to vector<16xf32>
      %mul3A_2161 = arith.mulf %neg3A_2159, %mul3A_2160 : vector<16xf32>
      %exp3A_2162 = math.exp %mul3A_2161 : vector<16xf32>
      %mul3A_2163 = vector.broadcast %squeeze3A_2110 : f32 to vector<16xf32>
      %mul3A_2164 = arith.mulf %exp3A_2162, %mul3A_2163 : vector<16xf32>
      %swap3A_2165 = arith.index_cast %add3A_2112 : i32 to index
      %swap3A_2166 = tpu.vector_load %arg6[%swap3A_2165] {strides = array<i32>} : memref<10768xf32, #tpu.memory_space<vmem>>, vector<16xf32>,
      tpu.vector_store %arg6[%swap3A_2165], %mul3A_2164 {strides = array<i32>} : memref<10768xf32, #tpu.memory_space<vmem>>, vector<16xf32>,
      %mul3A_2167 = arith.mulf %sub3A_2153, %sub3A_2153 : vector<16xf32>
      %neg3A_2168 = arith.constant 0.000000e+00 : f32
      %neg3A_2169 = vector.broadcast %neg3A_2168 : f32 to vector<16xf32>
      %neg3A_2170 = arith.subf %neg3A_2169, %mul3A_2167 : vector<16xf32>
      %mul3A_2171 = vector.broadcast %squeeze3A_2108 : f32 to vector<16xf32>
      %mul3A_2172 = arith.mulf %neg3A_2170, %mul3A_2171 : vector<16xf32>
      %exp3A_2173 = math.exp %mul3A_2172 : vector<16xf32>
      %mul3A_2174 = vector.broadcast %squeeze3A_2110 : f32 to vector<16xf32>
      %mul3A_2175 = arith.mulf %exp3A_2173, %mul3A_2174 : vector<16xf32>
      %add3A_2176 = arith.constant 16 : i32
      %add3A_2177 = arith.addi %add3A_2112, %add3A_2176 : i32
      %swap3A_2178 = arith.index_cast %add3A_2177 : i32 to index
      %swap3A_2179 = tpu.vector_load %arg6[%swap3A_2178] {strides = array<i32>} : memref<10768xf32, #tpu.memory_space<vmem>>, vector<16xf32>,
      tpu.vector_store %arg6[%swap3A_2178], %mul3A_2175 {strides = array<i32>} : memref<10768xf32, #tpu.memory_space<vmem>>, vector<16xf32>,
      %mul3A_2180 = arith.mulf %sub3A_2155, %sub3A_2155 : vector<16xf32>
      %neg3A_2181 = arith.constant 0.000000e+00 : f32
      %neg3A_2182 = vector.broadcast %neg3A_2181 : f32 to vector<16xf32>
      %neg3A_2183 = arith.subf %neg3A_2182, %mul3A_2180 : vector<16xf32>
      %mul3A_2184 = vector.broadcast %squeeze3A_2108 : f32 to vector<16xf32>
      %mul3A_2185 = arith.mulf %neg3A_2183, %mul3A_2184 : vector<16xf32>
      %exp3A_2186 = math.exp %mul3A_2185 : vector<16xf32>
      %mul3A_2187 = vector.broadcast %squeeze3A_2110 : f32 to vector<16xf32>
      %mul3A_2188 = arith.mulf %exp3A_2186, %mul3A_2187 : vector<16xf32>
      %add3A_2189 = arith.constant 32 : i32
      %add3A_2190 = arith.addi %add3A_2112, %add3A_2189 : i32
      %swap3A_2191 = arith.index_cast %add3A_2190 : i32 to index
      %swap3A_2192 = tpu.vector_load %arg6[%swap3A_2191] {strides = array<i32>} : memref<10768xf32, #tpu.memory_space<vmem>>, vector<16xf32>,
      tpu.vector_store %arg6[%swap3A_2191], %mul3A_2188 {strides = array<i32>} : memref<10768xf32, #tpu.memory_space<vmem>>, vector<16xf32>,
      %slice3A_2193 = vector.extract_strided_slice %get3A_1008 {offsets = [13], sizes = [1], strides = [1]} : vector<16xf32> to vector<1xf32>
      %squeeze3A_2194 = vector.extract %slice3A_2193[0] : f32 from vector<1xf32>
      %slice3A_2195 = vector.extract_strided_slice %get3A_1012 {offsets = [13], sizes = [1], strides = [1]} : vector<16xf32> to vector<1xf32>
      %squeeze3A_2196 = vector.extract %slice3A_2195[0] : f32 from vector<1xf32>
      %slice3A_2197 = vector.extract_strided_slice %get3A_1016 {offsets = [13], sizes = [1], strides = [1]} : vector<16xf32> to vector<1xf32>
      %squeeze3A_2198 = vector.extract %slice3A_2197[0] : f32 from vector<1xf32>
      %slice3A_2199 = vector.extract_strided_slice %get3A_1020 {offsets = [13], sizes = [1], strides = [1]} : vector<16xf32> to vector<1xf32>
      %squeeze3A_2200 = vector.extract %slice3A_2199[0] : f32 from vector<1xf32>
      %add3A_2201 = arith.constant 624 : i32
      %add3A_2202 = arith.addi %mul3A_1024, %add3A_2201 : i32
      %sub3A_2203 = vector.broadcast %squeeze3A_2194 : f32 to vector<16xf32>
      %sub3A_2204 = arith.subf %convert_element_type3A_952, %sub3A_2203 : vector<16xf32>
      %sub3A_2205 = vector.broadcast %squeeze3A_2194 : f32 to vector<16xf32>
      %sub3A_2206 = arith.subf %add3A_955, %sub3A_2205 : vector<16xf32>
      %sub3A_2207 = vector.broadcast %squeeze3A_2194 : f32 to vector<16xf32>
      %sub3A_2208 = arith.subf %add3A_958, %sub3A_2207 : vector<16xf32>
      %mul3A_2209 = arith.mulf %sub3A_2204, %sub3A_2204 : vector<16xf32>
      %neg3A_2210 = arith.constant 0.000000e+00 : f32
      %neg3A_2211 = vector.broadcast %neg3A_2210 : f32 to vector<16xf32>
      %neg3A_2212 = arith.subf %neg3A_2211, %mul3A_2209 : vector<16xf32>
      %mul3A_2213 = vector.broadcast %squeeze3A_2198 : f32 to vector<16xf32>
      %mul3A_2214 = arith.mulf %neg3A_2212, %mul3A_2213 : vector<16xf32>
      %exp3A_2215 = math.exp %mul3A_2214 : vector<16xf32>
      %swap3A_2216 = arith.index_cast %add3A_2202 : i32 to index
      %swap3A_2217 = tpu.vector_load %arg5[%swap3A_2216] {strides = array<i32>} : memref<10752xf32, #tpu.memory_space<vmem>>, vector<16xf32>,
      tpu.vector_store %arg5[%swap3A_2216], %exp3A_2215 {strides = array<i32>} : memref<10752xf32, #tpu.memory_space<vmem>>, vector<16xf32>,
      %mul3A_2218 = arith.mulf %sub3A_2206, %sub3A_2206 : vector<16xf32>
      %neg3A_2219 = arith.constant 0.000000e+00 : f32
      %neg3A_2220 = vector.broadcast %neg3A_2219 : f32 to vector<16xf32>
      %neg3A_2221 = arith.subf %neg3A_2220, %mul3A_2218 : vector<16xf32>
      %mul3A_2222 = vector.broadcast %squeeze3A_2198 : f32 to vector<16xf32>
      %mul3A_2223 = arith.mulf %neg3A_2221, %mul3A_2222 : vector<16xf32>
      %exp3A_2224 = math.exp %mul3A_2223 : vector<16xf32>
      %add3A_2225 = arith.constant 16 : i32
      %add3A_2226 = arith.addi %add3A_2202, %add3A_2225 : i32
      %swap3A_2227 = arith.index_cast %add3A_2226 : i32 to index
      %swap3A_2228 = tpu.vector_load %arg5[%swap3A_2227] {strides = array<i32>} : memref<10752xf32, #tpu.memory_space<vmem>>, vector<16xf32>,
      tpu.vector_store %arg5[%swap3A_2227], %exp3A_2224 {strides = array<i32>} : memref<10752xf32, #tpu.memory_space<vmem>>, vector<16xf32>,
      %mul3A_2229 = arith.mulf %sub3A_2208, %sub3A_2208 : vector<16xf32>
      %neg3A_2230 = arith.constant 0.000000e+00 : f32
      %neg3A_2231 = vector.broadcast %neg3A_2230 : f32 to vector<16xf32>
      %neg3A_2232 = arith.subf %neg3A_2231, %mul3A_2229 : vector<16xf32>
      %mul3A_2233 = vector.broadcast %squeeze3A_2198 : f32 to vector<16xf32>
      %mul3A_2234 = arith.mulf %neg3A_2232, %mul3A_2233 : vector<16xf32>
      %exp3A_2235 = math.exp %mul3A_2234 : vector<16xf32>
      %add3A_2236 = arith.constant 32 : i32
      %add3A_2237 = arith.addi %add3A_2202, %add3A_2236 : i32
      %swap3A_2238 = arith.index_cast %add3A_2237 : i32 to index
      %swap3A_2239 = tpu.vector_load %arg5[%swap3A_2238] {strides = array<i32>} : memref<10752xf32, #tpu.memory_space<vmem>>, vector<16xf32>,
      tpu.vector_store %arg5[%swap3A_2238], %exp3A_2235 {strides = array<i32>} : memref<10752xf32, #tpu.memory_space<vmem>>, vector<16xf32>,
      %sub3A_2240 = vector.broadcast %squeeze3A_2196 : f32 to vector<16xf32>
      %sub3A_2241 = arith.subf %convert_element_type3A_952, %sub3A_2240 : vector<16xf32>
      %sub3A_2242 = vector.broadcast %squeeze3A_2196 : f32 to vector<16xf32>
      %sub3A_2243 = arith.subf %add3A_955, %sub3A_2242 : vector<16xf32>
      %sub3A_2244 = vector.broadcast %squeeze3A_2196 : f32 to vector<16xf32>
      %sub3A_2245 = arith.subf %add3A_958, %sub3A_2244 : vector<16xf32>
      %mul3A_2246 = arith.mulf %sub3A_2241, %sub3A_2241 : vector<16xf32>
      %neg3A_2247 = arith.constant 0.000000e+00 : f32
      %neg3A_2248 = vector.broadcast %neg3A_2247 : f32 to vector<16xf32>
      %neg3A_2249 = arith.subf %neg3A_2248, %mul3A_2246 : vector<16xf32>
      %mul3A_2250 = vector.broadcast %squeeze3A_2198 : f32 to vector<16xf32>
      %mul3A_2251 = arith.mulf %neg3A_2249, %mul3A_2250 : vector<16xf32>
      %exp3A_2252 = math.exp %mul3A_2251 : vector<16xf32>
      %mul3A_2253 = vector.broadcast %squeeze3A_2200 : f32 to vector<16xf32>
      %mul3A_2254 = arith.mulf %exp3A_2252, %mul3A_2253 : vector<16xf32>
      %swap3A_2255 = arith.index_cast %add3A_2202 : i32 to index
      %swap3A_2256 = tpu.vector_load %arg6[%swap3A_2255] {strides = array<i32>} : memref<10768xf32, #tpu.memory_space<vmem>>, vector<16xf32>,
      tpu.vector_store %arg6[%swap3A_2255], %mul3A_2254 {strides = array<i32>} : memref<10768xf32, #tpu.memory_space<vmem>>, vector<16xf32>,
      %mul3A_2257 = arith.mulf %sub3A_2243, %sub3A_2243 : vector<16xf32>
      %neg3A_2258 = arith.constant 0.000000e+00 : f32
      %neg3A_2259 = vector.broadcast %neg3A_2258 : f32 to vector<16xf32>
      %neg3A_2260 = arith.subf %neg3A_2259, %mul3A_2257 : vector<16xf32>
      %mul3A_2261 = vector.broadcast %squeeze3A_2198 : f32 to vector<16xf32>
      %mul3A_2262 = arith.mulf %neg3A_2260, %mul3A_2261 : vector<16xf32>
      %exp3A_2263 = math.exp %mul3A_2262 : vector<16xf32>
      %mul3A_2264 = vector.broadcast %squeeze3A_2200 : f32 to vector<16xf32>
      %mul3A_2265 = arith.mulf %exp3A_2263, %mul3A_2264 : vector<16xf32>
      %add3A_2266 = arith.constant 16 : i32
      %add3A_2267 = arith.addi %add3A_2202, %add3A_2266 : i32
      %swap3A_2268 = arith.index_cast %add3A_2267 : i32 to index
      %swap3A_2269 = tpu.vector_load %arg6[%swap3A_2268] {strides = array<i32>} : memref<10768xf32, #tpu.memory_space<vmem>>, vector<16xf32>,
      tpu.vector_store %arg6[%swap3A_2268], %mul3A_2265 {strides = array<i32>} : memref<10768xf32, #tpu.memory_space<vmem>>, vector<16xf32>,
      %mul3A_2270 = arith.mulf %sub3A_2245, %sub3A_2245 : vector<16xf32>
      %neg3A_2271 = arith.constant 0.000000e+00 : f32
      %neg3A_2272 = vector.broadcast %neg3A_2271 : f32 to vector<16xf32>
      %neg3A_2273 = arith.subf %neg3A_2272, %mul3A_2270 : vector<16xf32>
      %mul3A_2274 = vector.broadcast %squeeze3A_2198 : f32 to vector<16xf32>
      %mul3A_2275 = arith.mulf %neg3A_2273, %mul3A_2274 : vector<16xf32>
      %exp3A_2276 = math.exp %mul3A_2275 : vector<16xf32>
      %mul3A_2277 = vector.broadcast %squeeze3A_2200 : f32 to vector<16xf32>
      %mul3A_2278 = arith.mulf %exp3A_2276, %mul3A_2277 : vector<16xf32>
      %add3A_2279 = arith.constant 32 : i32
      %add3A_2280 = arith.addi %add3A_2202, %add3A_2279 : i32
      %swap3A_2281 = arith.index_cast %add3A_2280 : i32 to index
      %swap3A_2282 = tpu.vector_load %arg6[%swap3A_2281] {strides = array<i32>} : memref<10768xf32, #tpu.memory_space<vmem>>, vector<16xf32>,
      tpu.vector_store %arg6[%swap3A_2281], %mul3A_2278 {strides = array<i32>} : memref<10768xf32, #tpu.memory_space<vmem>>, vector<16xf32>,
      %slice3A_2283 = vector.extract_strided_slice %get3A_1008 {offsets = [14], sizes = [1], strides = [1]} : vector<16xf32> to vector<1xf32>
      %squeeze3A_2284 = vector.extract %slice3A_2283[0] : f32 from vector<1xf32>
      %slice3A_2285 = vector.extract_strided_slice %get3A_1012 {offsets = [14], sizes = [1], strides = [1]} : vector<16xf32> to vector<1xf32>
      %squeeze3A_2286 = vector.extract %slice3A_2285[0] : f32 from vector<1xf32>
      %slice3A_2287 = vector.extract_strided_slice %get3A_1016 {offsets = [14], sizes = [1], strides = [1]} : vector<16xf32> to vector<1xf32>
      %squeeze3A_2288 = vector.extract %slice3A_2287[0] : f32 from vector<1xf32>
      %slice3A_2289 = vector.extract_strided_slice %get3A_1020 {offsets = [14], sizes = [1], strides = [1]} : vector<16xf32> to vector<1xf32>
      %squeeze3A_2290 = vector.extract %slice3A_2289[0] : f32 from vector<1xf32>
      %add3A_2291 = arith.constant 672 : i32
      %add3A_2292 = arith.addi %mul3A_1024, %add3A_2291 : i32
      %sub3A_2293 = vector.broadcast %squeeze3A_2284 : f32 to vector<16xf32>
      %sub3A_2294 = arith.subf %convert_element_type3A_952, %sub3A_2293 : vector<16xf32>
      %sub3A_2295 = vector.broadcast %squeeze3A_2284 : f32 to vector<16xf32>
      %sub3A_2296 = arith.subf %add3A_955, %sub3A_2295 : vector<16xf32>
      %sub3A_2297 = vector.broadcast %squeeze3A_2284 : f32 to vector<16xf32>
      %sub3A_2298 = arith.subf %add3A_958, %sub3A_2297 : vector<16xf32>
      %mul3A_2299 = arith.mulf %sub3A_2294, %sub3A_2294 : vector<16xf32>
      %neg3A_2300 = arith.constant 0.000000e+00 : f32
      %neg3A_2301 = vector.broadcast %neg3A_2300 : f32 to vector<16xf32>
      %neg3A_2302 = arith.subf %neg3A_2301, %mul3A_2299 : vector<16xf32>
      %mul3A_2303 = vector.broadcast %squeeze3A_2288 : f32 to vector<16xf32>
      %mul3A_2304 = arith.mulf %neg3A_2302, %mul3A_2303 : vector<16xf32>
      %exp3A_2305 = math.exp %mul3A_2304 : vector<16xf32>
      %swap3A_2306 = arith.index_cast %add3A_2292 : i32 to index
      %swap3A_2307 = tpu.vector_load %arg5[%swap3A_2306] {strides = array<i32>} : memref<10752xf32, #tpu.memory_space<vmem>>, vector<16xf32>,
      tpu.vector_store %arg5[%swap3A_2306], %exp3A_2305 {strides = array<i32>} : memref<10752xf32, #tpu.memory_space<vmem>>, vector<16xf32>,
      %mul3A_2308 = arith.mulf %sub3A_2296, %sub3A_2296 : vector<16xf32>
      %neg3A_2309 = arith.constant 0.000000e+00 : f32
      %neg3A_2310 = vector.broadcast %neg3A_2309 : f32 to vector<16xf32>
      %neg3A_2311 = arith.subf %neg3A_2310, %mul3A_2308 : vector<16xf32>
      %mul3A_2312 = vector.broadcast %squeeze3A_2288 : f32 to vector<16xf32>
      %mul3A_2313 = arith.mulf %neg3A_2311, %mul3A_2312 : vector<16xf32>
      %exp3A_2314 = math.exp %mul3A_2313 : vector<16xf32>
      %add3A_2315 = arith.constant 16 : i32
      %add3A_2316 = arith.addi %add3A_2292, %add3A_2315 : i32
      %swap3A_2317 = arith.index_cast %add3A_2316 : i32 to index
      %swap3A_2318 = tpu.vector_load %arg5[%swap3A_2317] {strides = array<i32>} : memref<10752xf32, #tpu.memory_space<vmem>>, vector<16xf32>,
      tpu.vector_store %arg5[%swap3A_2317], %exp3A_2314 {strides = array<i32>} : memref<10752xf32, #tpu.memory_space<vmem>>, vector<16xf32>,
      %mul3A_2319 = arith.mulf %sub3A_2298, %sub3A_2298 : vector<16xf32>
      %neg3A_2320 = arith.constant 0.000000e+00 : f32
      %neg3A_2321 = vector.broadcast %neg3A_2320 : f32 to vector<16xf32>
      %neg3A_2322 = arith.subf %neg3A_2321, %mul3A_2319 : vector<16xf32>
      %mul3A_2323 = vector.broadcast %squeeze3A_2288 : f32 to vector<16xf32>
      %mul3A_2324 = arith.mulf %neg3A_2322, %mul3A_2323 : vector<16xf32>
      %exp3A_2325 = math.exp %mul3A_2324 : vector<16xf32>
      %add3A_2326 = arith.constant 32 : i32
      %add3A_2327 = arith.addi %add3A_2292, %add3A_2326 : i32
      %swap3A_2328 = arith.index_cast %add3A_2327 : i32 to index
      %swap3A_2329 = tpu.vector_load %arg5[%swap3A_2328] {strides = array<i32>} : memref<10752xf32, #tpu.memory_space<vmem>>, vector<16xf32>,
      tpu.vector_store %arg5[%swap3A_2328], %exp3A_2325 {strides = array<i32>} : memref<10752xf32, #tpu.memory_space<vmem>>, vector<16xf32>,
      %sub3A_2330 = vector.broadcast %squeeze3A_2286 : f32 to vector<16xf32>
      %sub3A_2331 = arith.subf %convert_element_type3A_952, %sub3A_2330 : vector<16xf32>
      %sub3A_2332 = vector.broadcast %squeeze3A_2286 : f32 to vector<16xf32>
      %sub3A_2333 = arith.subf %add3A_955, %sub3A_2332 : vector<16xf32>
      %sub3A_2334 = vector.broadcast %squeeze3A_2286 : f32 to vector<16xf32>
      %sub3A_2335 = arith.subf %add3A_958, %sub3A_2334 : vector<16xf32>
      %mul3A_2336 = arith.mulf %sub3A_2331, %sub3A_2331 : vector<16xf32>
      %neg3A_2337 = arith.constant 0.000000e+00 : f32
      %neg3A_2338 = vector.broadcast %neg3A_2337 : f32 to vector<16xf32>
      %neg3A_2339 = arith.subf %neg3A_2338, %mul3A_2336 : vector<16xf32>
      %mul3A_2340 = vector.broadcast %squeeze3A_2288 : f32 to vector<16xf32>
      %mul3A_2341 = arith.mulf %neg3A_2339, %mul3A_2340 : vector<16xf32>
      %exp3A_2342 = math.exp %mul3A_2341 : vector<16xf32>
      %mul3A_2343 = vector.broadcast %squeeze3A_2290 : f32 to vector<16xf32>
      %mul3A_2344 = arith.mulf %exp3A_2342, %mul3A_2343 : vector<16xf32>
      %swap3A_2345 = arith.index_cast %add3A_2292 : i32 to index
      %swap3A_2346 = tpu.vector_load %arg6[%swap3A_2345] {strides = array<i32>} : memref<10768xf32, #tpu.memory_space<vmem>>, vector<16xf32>,
      tpu.vector_store %arg6[%swap3A_2345], %mul3A_2344 {strides = array<i32>} : memref<10768xf32, #tpu.memory_space<vmem>>, vector<16xf32>,
      %mul3A_2347 = arith.mulf %sub3A_2333, %sub3A_2333 : vector<16xf32>
      %neg3A_2348 = arith.constant 0.000000e+00 : f32
      %neg3A_2349 = vector.broadcast %neg3A_2348 : f32 to vector<16xf32>
      %neg3A_2350 = arith.subf %neg3A_2349, %mul3A_2347 : vector<16xf32>
      %mul3A_2351 = vector.broadcast %squeeze3A_2288 : f32 to vector<16xf32>
      %mul3A_2352 = arith.mulf %neg3A_2350, %mul3A_2351 : vector<16xf32>
      %exp3A_2353 = math.exp %mul3A_2352 : vector<16xf32>
      %mul3A_2354 = vector.broadcast %squeeze3A_2290 : f32 to vector<16xf32>
      %mul3A_2355 = arith.mulf %exp3A_2353, %mul3A_2354 : vector<16xf32>
      %add3A_2356 = arith.constant 16 : i32
      %add3A_2357 = arith.addi %add3A_2292, %add3A_2356 : i32
      %swap3A_2358 = arith.index_cast %add3A_2357 : i32 to index
      %swap3A_2359 = tpu.vector_load %arg6[%swap3A_2358] {strides = array<i32>} : memref<10768xf32, #tpu.memory_space<vmem>>, vector<16xf32>,
      tpu.vector_store %arg6[%swap3A_2358], %mul3A_2355 {strides = array<i32>} : memref<10768xf32, #tpu.memory_space<vmem>>, vector<16xf32>,
      %mul3A_2360 = arith.mulf %sub3A_2335, %sub3A_2335 : vector<16xf32>
      %neg3A_2361 = arith.constant 0.000000e+00 : f32
      %neg3A_2362 = vector.broadcast %neg3A_2361 : f32 to vector<16xf32>
      %neg3A_2363 = arith.subf %neg3A_2362, %mul3A_2360 : vector<16xf32>
      %mul3A_2364 = vector.broadcast %squeeze3A_2288 : f32 to vector<16xf32>
      %mul3A_2365 = arith.mulf %neg3A_2363, %mul3A_2364 : vector<16xf32>
      %exp3A_2366 = math.exp %mul3A_2365 : vector<16xf32>
      %mul3A_2367 = vector.broadcast %squeeze3A_2290 : f32 to vector<16xf32>
      %mul3A_2368 = arith.mulf %exp3A_2366, %mul3A_2367 : vector<16xf32>
      %add3A_2369 = arith.constant 32 : i32
      %add3A_2370 = arith.addi %add3A_2292, %add3A_2369 : i32
      %swap3A_2371 = arith.index_cast %add3A_2370 : i32 to index
      %swap3A_2372 = tpu.vector_load %arg6[%swap3A_2371] {strides = array<i32>} : memref<10768xf32, #tpu.memory_space<vmem>>, vector<16xf32>,
      tpu.vector_store %arg6[%swap3A_2371], %mul3A_2368 {strides = array<i32>} : memref<10768xf32, #tpu.memory_space<vmem>>, vector<16xf32>,
      %slice3A_2373 = vector.extract_strided_slice %get3A_1008 {offsets = [15], sizes = [1], strides = [1]} : vector<16xf32> to vector<1xf32>
      %squeeze3A_2374 = vector.extract %slice3A_2373[0] : f32 from vector<1xf32>
      %slice3A_2375 = vector.extract_strided_slice %get3A_1012 {offsets = [15], sizes = [1], strides = [1]} : vector<16xf32> to vector<1xf32>
      %squeeze3A_2376 = vector.extract %slice3A_2375[0] : f32 from vector<1xf32>
      %slice3A_2377 = vector.extract_strided_slice %get3A_1016 {offsets = [15], sizes = [1], strides = [1]} : vector<16xf32> to vector<1xf32>
      %squeeze3A_2378 = vector.extract %slice3A_2377[0] : f32 from vector<1xf32>
      %slice3A_2379 = vector.extract_strided_slice %get3A_1020 {offsets = [15], sizes = [1], strides = [1]} : vector<16xf32> to vector<1xf32>
      %squeeze3A_2380 = vector.extract %slice3A_2379[0] : f32 from vector<1xf32>
      %add3A_2381 = arith.constant 720 : i32
      %add3A_2382 = arith.addi %mul3A_1024, %add3A_2381 : i32
      %sub3A_2383 = vector.broadcast %squeeze3A_2374 : f32 to vector<16xf32>
      %sub3A_2384 = arith.subf %convert_element_type3A_952, %sub3A_2383 : vector<16xf32>
      %sub3A_2385 = vector.broadcast %squeeze3A_2374 : f32 to vector<16xf32>
      %sub3A_2386 = arith.subf %add3A_955, %sub3A_2385 : vector<16xf32>
      %sub3A_2387 = vector.broadcast %squeeze3A_2374 : f32 to vector<16xf32>
      %sub3A_2388 = arith.subf %add3A_958, %sub3A_2387 : vector<16xf32>
      %mul3A_2389 = arith.mulf %sub3A_2384, %sub3A_2384 : vector<16xf32>
      %neg3A_2390 = arith.constant 0.000000e+00 : f32
      %neg3A_2391 = vector.broadcast %neg3A_2390 : f32 to vector<16xf32>
      %neg3A_2392 = arith.subf %neg3A_2391, %mul3A_2389 : vector<16xf32>
      %mul3A_2393 = vector.broadcast %squeeze3A_2378 : f32 to vector<16xf32>
      %mul3A_2394 = arith.mulf %neg3A_2392, %mul3A_2393 : vector<16xf32>
      %exp3A_2395 = math.exp %mul3A_2394 : vector<16xf32>
      %swap3A_2396 = arith.index_cast %add3A_2382 : i32 to index
      %swap3A_2397 = tpu.vector_load %arg5[%swap3A_2396] {strides = array<i32>} : memref<10752xf32, #tpu.memory_space<vmem>>, vector<16xf32>,
      tpu.vector_store %arg5[%swap3A_2396], %exp3A_2395 {strides = array<i32>} : memref<10752xf32, #tpu.memory_space<vmem>>, vector<16xf32>,
      %mul3A_2398 = arith.mulf %sub3A_2386, %sub3A_2386 : vector<16xf32>
      %neg3A_2399 = arith.constant 0.000000e+00 : f32
      %neg3A_2400 = vector.broadcast %neg3A_2399 : f32 to vector<16xf32>
      %neg3A_2401 = arith.subf %neg3A_2400, %mul3A_2398 : vector<16xf32>
      %mul3A_2402 = vector.broadcast %squeeze3A_2378 : f32 to vector<16xf32>
      %mul3A_2403 = arith.mulf %neg3A_2401, %mul3A_2402 : vector<16xf32>
      %exp3A_2404 = math.exp %mul3A_2403 : vector<16xf32>
      %add3A_2405 = arith.constant 16 : i32
      %add3A_2406 = arith.addi %add3A_2382, %add3A_2405 : i32
      %swap3A_2407 = arith.index_cast %add3A_2406 : i32 to index
      %swap3A_2408 = tpu.vector_load %arg5[%swap3A_2407] {strides = array<i32>} : memref<10752xf32, #tpu.memory_space<vmem>>, vector<16xf32>,
      tpu.vector_store %arg5[%swap3A_2407], %exp3A_2404 {strides = array<i32>} : memref<10752xf32, #tpu.memory_space<vmem>>, vector<16xf32>,
      %mul3A_2409 = arith.mulf %sub3A_2388, %sub3A_2388 : vector<16xf32>
      %neg3A_2410 = arith.constant 0.000000e+00 : f32
      %neg3A_2411 = vector.broadcast %neg3A_2410 : f32 to vector<16xf32>
      %neg3A_2412 = arith.subf %neg3A_2411, %mul3A_2409 : vector<16xf32>
      %mul3A_2413 = vector.broadcast %squeeze3A_2378 : f32 to vector<16xf32>
      %mul3A_2414 = arith.mulf %neg3A_2412, %mul3A_2413 : vector<16xf32>
      %exp3A_2415 = math.exp %mul3A_2414 : vector<16xf32>
      %add3A_2416 = arith.constant 32 : i32
      %add3A_2417 = arith.addi %add3A_2382, %add3A_2416 : i32
      %swap3A_2418 = arith.index_cast %add3A_2417 : i32 to index
      %swap3A_2419 = tpu.vector_load %arg5[%swap3A_2418] {strides = array<i32>} : memref<10752xf32, #tpu.memory_space<vmem>>, vector<16xf32>,
      tpu.vector_store %arg5[%swap3A_2418], %exp3A_2415 {strides = array<i32>} : memref<10752xf32, #tpu.memory_space<vmem>>, vector<16xf32>,
      %sub3A_2420 = vector.broadcast %squeeze3A_2376 : f32 to vector<16xf32>
      %sub3A_2421 = arith.subf %convert_element_type3A_952, %sub3A_2420 : vector<16xf32>
      %sub3A_2422 = vector.broadcast %squeeze3A_2376 : f32 to vector<16xf32>
      %sub3A_2423 = arith.subf %add3A_955, %sub3A_2422 : vector<16xf32>
      %sub3A_2424 = vector.broadcast %squeeze3A_2376 : f32 to vector<16xf32>
      %sub3A_2425 = arith.subf %add3A_958, %sub3A_2424 : vector<16xf32>
      %mul3A_2426 = arith.mulf %sub3A_2421, %sub3A_2421 : vector<16xf32>
      %neg3A_2427 = arith.constant 0.000000e+00 : f32
      %neg3A_2428 = vector.broadcast %neg3A_2427 : f32 to vector<16xf32>
      %neg3A_2429 = arith.subf %neg3A_2428, %mul3A_2426 : vector<16xf32>
      %mul3A_2430 = vector.broadcast %squeeze3A_2378 : f32 to vector<16xf32>
      %mul3A_2431 = arith.mulf %neg3A_2429, %mul3A_2430 : vector<16xf32>
      %exp3A_2432 = math.exp %mul3A_2431 : vector<16xf32>
      %mul3A_2433 = vector.broadcast %squeeze3A_2380 : f32 to vector<16xf32>
      %mul3A_2434 = arith.mulf %exp3A_2432, %mul3A_2433 : vector<16xf32>
      %swap3A_2435 = arith.index_cast %add3A_2382 : i32 to index
      %swap3A_2436 = tpu.vector_load %arg6[%swap3A_2435] {strides = array<i32>} : memref<10768xf32, #tpu.memory_space<vmem>>, vector<16xf32>,
      tpu.vector_store %arg6[%swap3A_2435], %mul3A_2434 {strides = array<i32>} : memref<10768xf32, #tpu.memory_space<vmem>>, vector<16xf32>,
      %mul3A_2437 = arith.mulf %sub3A_2423, %sub3A_2423 : vector<16xf32>
      %neg3A_2438 = arith.constant 0.000000e+00 : f32
      %neg3A_2439 = vector.broadcast %neg3A_2438 : f32 to vector<16xf32>
      %neg3A_2440 = arith.subf %neg3A_2439, %mul3A_2437 : vector<16xf32>
      %mul3A_2441 = vector.broadcast %squeeze3A_2378 : f32 to vector<16xf32>
      %mul3A_2442 = arith.mulf %neg3A_2440, %mul3A_2441 : vector<16xf32>
      %exp3A_2443 = math.exp %mul3A_2442 : vector<16xf32>
      %mul3A_2444 = vector.broadcast %squeeze3A_2380 : f32 to vector<16xf32>
      %mul3A_2445 = arith.mulf %exp3A_2443, %mul3A_2444 : vector<16xf32>
      %add3A_2446 = arith.constant 16 : i32
      %add3A_2447 = arith.addi %add3A_2382, %add3A_2446 : i32
      %swap3A_2448 = arith.index_cast %add3A_2447 : i32 to index
      %swap3A_2449 = tpu.vector_load %arg6[%swap3A_2448] {strides = array<i32>} : memref<10768xf32, #tpu.memory_space<vmem>>, vector<16xf32>,
      tpu.vector_store %arg6[%swap3A_2448], %mul3A_2445 {strides = array<i32>} : memref<10768xf32, #tpu.memory_space<vmem>>, vector<16xf32>,
      %mul3A_2450 = arith.mulf %sub3A_2425, %sub3A_2425 : vector<16xf32>
      %neg3A_2451 = arith.constant 0.000000e+00 : f32
      %neg3A_2452 = vector.broadcast %neg3A_2451 : f32 to vector<16xf32>
      %neg3A_2453 = arith.subf %neg3A_2452, %mul3A_2450 : vector<16xf32>
      %mul3A_2454 = vector.broadcast %squeeze3A_2378 : f32 to vector<16xf32>
      %mul3A_2455 = arith.mulf %neg3A_2453, %mul3A_2454 : vector<16xf32>
      %exp3A_2456 = math.exp %mul3A_2455 : vector<16xf32>
      %mul3A_2457 = vector.broadcast %squeeze3A_2380 : f32 to vector<16xf32>
      %mul3A_2458 = arith.mulf %exp3A_2456, %mul3A_2457 : vector<16xf32>
      %add3A_2459 = arith.constant 32 : i32
      %add3A_2460 = arith.addi %add3A_2382, %add3A_2459 : i32
      %swap3A_2461 = arith.index_cast %add3A_2460 : i32 to index
      %swap3A_2462 = tpu.vector_load %arg6[%swap3A_2461] {strides = array<i32>} : memref<10768xf32, #tpu.memory_space<vmem>>, vector<16xf32>,
      tpu.vector_store %arg6[%swap3A_2461], %mul3A_2458 {strides = array<i32>} : memref<10768xf32, #tpu.memory_space<vmem>>, vector<16xf32>,
    }
    %while3A_993 = arith.constant 0 : i32
    %while3A_994 = arith.subi %add3A_951, %while3A_993 : i32
    %while3A_995 = arith.addi %while3A_993, %while3A_994 : i32
    %while3A_996 = arith.constant 1 : i32
    %while3A_997 = arith.divsi %while3A_994, %while3A_996 : i32
    %while3A_998 = arith.muli %while3A_997, %while3A_996 : i32
    %while3A_999 = arith.addi %while3A_993, %while3A_998 : i32
    %while3A_1000 = arith.constant 1 : i32
    scf.for %while3A_1004 = %while3A_993 to %while3A_999 step %while3A_1000  : i32 {
      %get3A_1005 = arith.index_cast %while3A_1004 : i32 to index
      %get3A_1006 = tpu.vector_load %arg11[%get3A_1005] {strides = array<i32>} : memref<240xi32, #tpu.memory_space<vmem>>, vector<16xi32>,
      %slice3A_1007 = vector.extract_strided_slice %get3A_1006 {offsets = [0], sizes = [1], strides = [1]} : vector<16xi32> to vector<1xi32>
      %squeeze3A_1008 = vector.extract %slice3A_1007[0] : i32 from vector<1xi32>
      %get3A_1009 = arith.index_cast %while3A_1004 : i32 to index
      %get3A_1010 = tpu.vector_load %arg12[%get3A_1009] {strides = array<i32>} : memref<240xi32, #tpu.memory_space<vmem>>, vector<16xi32>,
      %slice3A_1011 = vector.extract_strided_slice %get3A_1010 {offsets = [0], sizes = [1], strides = [1]} : vector<16xi32> to vector<1xi32>
      %squeeze3A_1012 = vector.extract %slice3A_1011[0] : i32 from vector<1xi32>
      %get3A_1013 = arith.index_cast %while3A_1004 : i32 to index
      %get3A_1014 = tpu.vector_load %arg13[%get3A_1013] {strides = array<i32>} : memref<240xi32, #tpu.memory_space<vmem>>, vector<16xi32>,
      %slice3A_1015 = vector.extract_strided_slice %get3A_1014 {offsets = [0], sizes = [1], strides = [1]} : vector<16xi32> to vector<1xi32>
      %squeeze3A_1016 = vector.extract %slice3A_1015[0] : i32 from vector<1xi32>
      %sub3A_1017 = arith.subi %mul3A_32, %squeeze3A_1012 : i32
      %max3A = arith.maxsi %squeeze3A_1016, %sub3A_1017 : i32
      %get3A_1018 = arith.index_cast %while3A_1004 : i32 to index
      %get3A_1019 = tpu.vector_load %arg14[%get3A_1018] {strides = array<i32>} : memref<240xi32, #tpu.memory_space<vmem>>, vector<16xi32>,
      %slice3A_1020 = vector.extract_strided_slice %get3A_1019 {offsets = [0], sizes = [1], strides = [1]} : vector<16xi32> to vector<1xi32>
      %squeeze3A_1021 = vector.extract %slice3A_1020[0] : i32 from vector<1xi32>
      %add3A_1022 = arith.constant 14 : i32
      %add3A_1023 = arith.addi %mul3A_32, %add3A_1022 : i32
      %sub3A_1024 = arith.subi %add3A_1023, %squeeze3A_1012 : i32
      %min3A = arith.minsi %squeeze3A_1021, %sub3A_1024 : i32
      %mul3A_1025 = arith.constant 48 : i32
      %mul3A_1026 = arith.muli %while3A_1004, %mul3A_1025 : i32
      %add3A_1027 = vector.broadcast %mul3A_1026 : i32 to vector<16xi32>
      %add3A_1028 = arith.addi %add3A_1027, %iota3A : vector<16xi32>
      %gather3A = tpu.vector_load_idx %arg5[%add3A_1028] : memref<10752xf32, #tpu.memory_space<vmem>>[vector<16xi32>], vector<16xf32>,
      %add3A_1029 = arith.constant 16 : i32
      %add3A_1030 = arith.addi %mul3A_1026, %add3A_1029 : i32
      %add3A_1031 = vector.broadcast %add3A_1030 : i32 to vector<16xi32>
      %add3A_1032 = arith.addi %add3A_1031, %iota3A : vector<16xi32>
      %gather3A_1033 = tpu.vector_load_idx %arg5[%add3A_1032] : memref<10752xf32, #tpu.memory_space<vmem>>[vector<16xi32>], vector<16xf32>,
      %add3A_1034 = arith.constant 32 : i32
      %add3A_1035 = arith.addi %mul3A_1026, %add3A_1034 : i32
      %add3A_1036 = vector.broadcast %add3A_1035 : i32 to vector<16xi32>
      %add3A_1037 = arith.addi %add3A_1036, %iota3A : vector<16xi32>
      %gather3A_1038 = tpu.vector_load_idx %arg5[%add3A_1037] : memref<10752xf32, #tpu.memory_space<vmem>>[vector<16xi32>], vector<16xf32>,
      %add3A_1039 = arith.addi %squeeze3A_1012, %max3A : i32
      %sub3A_1040 = arith.subi %add3A_1039, %mul3A_32 : i32
      %mul3A_1041 = arith.constant 288 : i32
      %mul3A_1042 = arith.muli %sub3A_1040, %mul3A_1041 : i32
      %add3A_1043 = arith.addi %mul3A_1042, %squeeze3A_1008 : i32
      %add3A_1044 = vector.broadcast %add3A_1043 : i32 to vector<16xi32>
      %add3A_1045 = arith.addi %add3A_1044, %iota3A : vector<16xi32>
      %add3A_1046 = arith.addi %mul3A_1026, %max3A : i32
      %sub3A_1047 = arith.subi %min3A, %max3A : i32
      %max3A_1048 = arith.constant 0 : i32
      %max3A_1049 = arith.maxsi %max3A_1048, %sub3A_1047 : i32
      %jit3A_1050 = arith.constant 2 : i32
      %div3A_1051 = arith.divsi %max3A_1049, %jit3A_1050 : i32
      %sign3A_1052 = arith.constant 0 : i32
      %sign3A_1053 = arith.cmpi sgt, %max3A_1049, %sign3A_1052 : i32
      %sign3A_1054 = arith.extui %sign3A_1053 : i1 to i32
      %sign3A_1055 = arith.constant 0 : i32
      %sign3A_1056 = arith.cmpi slt, %max3A_1049, %sign3A_1055 : i32
      %sign3A_1057 = arith.extui %sign3A_1056 : i1 to i32
      %sign3A_1058 = arith.subi %sign3A_1054, %sign3A_1057 : i32
      %sign3A_1059 = arith.constant 0 : i32
      %sign3A_1060 = arith.cmpi sgt, %jit3A_1050, %sign3A_1059 : i32
      %sign3A_1061 = arith.extui %sign3A_1060 : i1 to i32
      %sign3A_1062 = arith.constant 0 : i32
      %sign3A_1063 = arith.cmpi slt, %jit3A_1050, %sign3A_1062 : i32
      %sign3A_1064 = arith.extui %sign3A_1063 : i1 to i32
      %sign3A_1065 = arith.subi %sign3A_1061, %sign3A_1064 : i32
      %ne3A_1066 = arith.cmpi ne, %sign3A_1058, %sign3A_1065 : i32
      %rem3A_1067 = arith.remsi %max3A_1049, %jit3A_1050 : i32
      %ne3A_1068 = arith.constant 0 : i32
      %ne3A_1069 = arith.cmpi ne, %rem3A_1067, %ne3A_1068 : i32
      %and3A_1070 = arith.andi %ne3A_1066, %ne3A_1069 : i1
      %sub3A_1071 = arith.constant 1 : i32
      %sub3A_1072 = arith.subi %div3A_1051, %sub3A_1071 : i32
      %select_n3A_1073 = arith.select %and3A_1070, %sub3A_1072, %div3A_1051 : i32
      %while3A_1074 = arith.constant 0 : i32
      %while3A_1075 = arith.subi %select_n3A_1073, %while3A_1074 : i32
      %while3A_1076 = arith.addi %while3A_1074, %while3A_1075 : i32
      %while3A_1077 = arith.constant 1 : i32
      %while3A_1078 = arith.divsi %while3A_1075, %while3A_1077 : i32
      %while3A_1079 = arith.muli %while3A_1078, %while3A_1077 : i32
      %while3A_1080 = arith.addi %while3A_1074, %while3A_1079 : i32
      %while3A_1081 = arith.constant 1 : i32
      %while3A_1082 = scf.for %while3A_1105 = %while3A_1074 to %while3A_1080 step %while3A_1081 iter_args(%while3A_1106 = %add3A_1045) -> (vector<16xi32>)  : i32 {
        %mul3A_1107 = arith.constant 2 : i32
        %mul3A_1108 = arith.muli %mul3A_1107, %while3A_1105 : i32
        %add3A_1109 = arith.addi %add3A_1046, %mul3A_1108 : i32
        %get3A_1110 = arith.index_cast %add3A_1109 : i32 to index
        %get3A_1111 = tpu.vector_load %arg6[%get3A_1110] {strides = array<i32>} : memref<10768xf32, #tpu.memory_space<vmem>>, vector<16xf32>,
        %slice3A_1112 = vector.extract_strided_slice %get3A_1111 {offsets = [0], sizes = [1], strides = [1]} : vector<16xf32> to vector<1xf32>
        %squeeze3A_1113 = vector.extract %slice3A_1112[0] : f32 from vector<1xf32>
        %slice3A_1114 = vector.extract_strided_slice %get3A_1111 {offsets = [1], sizes = [1], strides = [1]} : vector<16xf32> to vector<1xf32>
        %squeeze3A_1115 = vector.extract %slice3A_1114[0] : f32 from vector<1xf32>
        %mul3A_1116 = vector.broadcast %squeeze3A_1113 : f32 to vector<16xf32>
        %mul3A_1117 = arith.mulf %gather3A, %mul3A_1116 : vector<16xf32>
        tpu.vector_store_idx %arg15[%while3A_1106], %mul3A_1117 {add = true} : memref<4032xf32, #tpu.memory_space<vmem>>[vector<16xi32>], vector<16xf32>,
        %add3A_1118 = arith.constant 16 : i32
        %add3A_1119 = vector.broadcast %add3A_1118 : i32 to vector<16xi32>
        %add3A_1120 = arith.addi %while3A_1106, %add3A_1119 : vector<16xi32>
        %mul3A_1121 = vector.broadcast %squeeze3A_1113 : f32 to vector<16xf32>
        %mul3A_1122 = arith.mulf %gather3A_1033, %mul3A_1121 : vector<16xf32>
        tpu.vector_store_idx %arg15[%add3A_1120], %mul3A_1122 {add = true} : memref<4032xf32, #tpu.memory_space<vmem>>[vector<16xi32>], vector<16xf32>,
        %add3A_1123 = arith.constant 32 : i32
        %add3A_1124 = vector.broadcast %add3A_1123 : i32 to vector<16xi32>
        %add3A_1125 = arith.addi %while3A_1106, %add3A_1124 : vector<16xi32>
        %mul3A_1126 = vector.broadcast %squeeze3A_1113 : f32 to vector<16xf32>
        %mul3A_1127 = arith.mulf %gather3A_1038, %mul3A_1126 : vector<16xf32>
        tpu.vector_store_idx %arg15[%add3A_1125], %mul3A_1127 {add = true} : memref<4032xf32, #tpu.memory_space<vmem>>[vector<16xi32>], vector<16xf32>,
        %add3A_1128 = arith.constant 288 : i32
        %add3A_1129 = vector.broadcast %add3A_1128 : i32 to vector<16xi32>
        %add3A_1130 = arith.addi %while3A_1106, %add3A_1129 : vector<16xi32>
        %mul3A_1131 = vector.broadcast %squeeze3A_1115 : f32 to vector<16xf32>
        %mul3A_1132 = arith.mulf %gather3A, %mul3A_1131 : vector<16xf32>
        tpu.vector_store_idx %arg15[%add3A_1130], %mul3A_1132 {add = true} : memref<4032xf32, #tpu.memory_space<vmem>>[vector<16xi32>], vector<16xf32>,
        %add3A_1133 = arith.constant 16 : i32
        %add3A_1134 = vector.broadcast %add3A_1133 : i32 to vector<16xi32>
        %add3A_1135 = arith.addi %add3A_1130, %add3A_1134 : vector<16xi32>
        %mul3A_1136 = vector.broadcast %squeeze3A_1115 : f32 to vector<16xf32>
        %mul3A_1137 = arith.mulf %gather3A_1033, %mul3A_1136 : vector<16xf32>
        tpu.vector_store_idx %arg15[%add3A_1135], %mul3A_1137 {add = true} : memref<4032xf32, #tpu.memory_space<vmem>>[vector<16xi32>], vector<16xf32>,
        %add3A_1138 = arith.constant 32 : i32
        %add3A_1139 = vector.broadcast %add3A_1138 : i32 to vector<16xi32>
        %add3A_1140 = arith.addi %add3A_1130, %add3A_1139 : vector<16xi32>
        %mul3A_1141 = vector.broadcast %squeeze3A_1115 : f32 to vector<16xf32>
        %mul3A_1142 = arith.mulf %gather3A_1038, %mul3A_1141 : vector<16xf32>
        tpu.vector_store_idx %arg15[%add3A_1140], %mul3A_1142 {add = true} : memref<4032xf32, #tpu.memory_space<vmem>>[vector<16xi32>], vector<16xf32>,
        %add3A_1143 = arith.constant 288 : i32
        %add3A_1144 = vector.broadcast %add3A_1143 : i32 to vector<16xi32>
        %add3A_1145 = arith.addi %add3A_1130, %add3A_1144 : vector<16xi32>
        scf.yield %add3A_1145 : vector<16xi32>
      }
      %while3A_1083 = arith.constant 1 : i32
      %while3A_1084 = scf.for %while3A_1105 = %while3A_1080 to %while3A_1076 step %while3A_1083 iter_args(%while3A_1106 = %while3A_1082) -> (vector<16xi32>)  : i32 {
        %mul3A_1107 = arith.constant 2 : i32
        %mul3A_1108 = arith.muli %mul3A_1107, %while3A_1105 : i32
        %add3A_1109 = arith.addi %add3A_1046, %mul3A_1108 : i32
        %get3A_1110 = arith.index_cast %add3A_1109 : i32 to index
        %get3A_1111 = tpu.vector_load %arg6[%get3A_1110] {strides = array<i32>} : memref<10768xf32, #tpu.memory_space<vmem>>, vector<16xf32>,
        %slice3A_1112 = vector.extract_strided_slice %get3A_1111 {offsets = [0], sizes = [1], strides = [1]} : vector<16xf32> to vector<1xf32>
        %squeeze3A_1113 = vector.extract %slice3A_1112[0] : f32 from vector<1xf32>
        %slice3A_1114 = vector.extract_strided_slice %get3A_1111 {offsets = [1], sizes = [1], strides = [1]} : vector<16xf32> to vector<1xf32>
        %squeeze3A_1115 = vector.extract %slice3A_1114[0] : f32 from vector<1xf32>
        %mul3A_1116 = vector.broadcast %squeeze3A_1113 : f32 to vector<16xf32>
        %mul3A_1117 = arith.mulf %gather3A, %mul3A_1116 : vector<16xf32>
        tpu.vector_store_idx %arg15[%while3A_1106], %mul3A_1117 {add = true} : memref<4032xf32, #tpu.memory_space<vmem>>[vector<16xi32>], vector<16xf32>,
        %add3A_1118 = arith.constant 16 : i32
        %add3A_1119 = vector.broadcast %add3A_1118 : i32 to vector<16xi32>
        %add3A_1120 = arith.addi %while3A_1106, %add3A_1119 : vector<16xi32>
        %mul3A_1121 = vector.broadcast %squeeze3A_1113 : f32 to vector<16xf32>
        %mul3A_1122 = arith.mulf %gather3A_1033, %mul3A_1121 : vector<16xf32>
        tpu.vector_store_idx %arg15[%add3A_1120], %mul3A_1122 {add = true} : memref<4032xf32, #tpu.memory_space<vmem>>[vector<16xi32>], vector<16xf32>,
        %add3A_1123 = arith.constant 32 : i32
        %add3A_1124 = vector.broadcast %add3A_1123 : i32 to vector<16xi32>
        %add3A_1125 = arith.addi %while3A_1106, %add3A_1124 : vector<16xi32>
        %mul3A_1126 = vector.broadcast %squeeze3A_1113 : f32 to vector<16xf32>
        %mul3A_1127 = arith.mulf %gather3A_1038, %mul3A_1126 : vector<16xf32>
        tpu.vector_store_idx %arg15[%add3A_1125], %mul3A_1127 {add = true} : memref<4032xf32, #tpu.memory_space<vmem>>[vector<16xi32>], vector<16xf32>,
        %add3A_1128 = arith.constant 288 : i32
        %add3A_1129 = vector.broadcast %add3A_1128 : i32 to vector<16xi32>
        %add3A_1130 = arith.addi %while3A_1106, %add3A_1129 : vector<16xi32>
        %mul3A_1131 = vector.broadcast %squeeze3A_1115 : f32 to vector<16xf32>
        %mul3A_1132 = arith.mulf %gather3A, %mul3A_1131 : vector<16xf32>
        tpu.vector_store_idx %arg15[%add3A_1130], %mul3A_1132 {add = true} : memref<4032xf32, #tpu.memory_space<vmem>>[vector<16xi32>], vector<16xf32>,
        %add3A_1133 = arith.constant 16 : i32
        %add3A_1134 = vector.broadcast %add3A_1133 : i32 to vector<16xi32>
        %add3A_1135 = arith.addi %add3A_1130, %add3A_1134 : vector<16xi32>
        %mul3A_1136 = vector.broadcast %squeeze3A_1115 : f32 to vector<16xf32>
        %mul3A_1137 = arith.mulf %gather3A_1033, %mul3A_1136 : vector<16xf32>
        tpu.vector_store_idx %arg15[%add3A_1135], %mul3A_1137 {add = true} : memref<4032xf32, #tpu.memory_space<vmem>>[vector<16xi32>], vector<16xf32>,
        %add3A_1138 = arith.constant 32 : i32
        %add3A_1139 = vector.broadcast %add3A_1138 : i32 to vector<16xi32>
        %add3A_1140 = arith.addi %add3A_1130, %add3A_1139 : vector<16xi32>
        %mul3A_1141 = vector.broadcast %squeeze3A_1115 : f32 to vector<16xf32>
        %mul3A_1142 = arith.mulf %gather3A_1038, %mul3A_1141 : vector<16xf32>
        tpu.vector_store_idx %arg15[%add3A_1140], %mul3A_1142 {add = true} : memref<4032xf32, #tpu.memory_space<vmem>>[vector<16xi32>], vector<16xf32>,
        %add3A_1143 = arith.constant 288 : i32
        %add3A_1144 = vector.broadcast %add3A_1143 : i32 to vector<16xi32>
        %add3A_1145 = arith.addi %add3A_1130, %add3A_1144 : vector<16xi32>
        scf.yield %add3A_1145 : vector<16xi32>
      }
      %jit3A_1085 = arith.constant 2 : i32
      %eq3A_1086 = arith.constant 0 : i32
      %eq3A_1087 = arith.cmpi eq, %jit3A_1085, %eq3A_1086 : i32
      %jit3A_1088 = arith.constant 1 : i32
      %select_n3A_1089 = arith.select %eq3A_1087, %jit3A_1088, %jit3A_1085 : i32
      %rem3A_1090 = arith.remsi %max3A_1049, %select_n3A_1089 : i32
      %ne3A_1091 = arith.constant 0 : i32
      %ne3A_1092 = arith.cmpi ne, %rem3A_1090, %ne3A_1091 : i32
      %lt3A_1093 = arith.constant 0 : i32
      %lt3A_1094 = arith.cmpi slt, %rem3A_1090, %lt3A_1093 : i32
      %lt3A_1095 = arith.constant 0 : i32
      %lt3A_1096 = arith.cmpi slt, %select_n3A_1089, %lt3A_1095 : i32
      %ne3A_1097 = arith.xori %lt3A_1094, %lt3A_1096 : i1
      %and3A_1098 = arith.andi %ne3A_1097, %ne3A_1092 : i1
      %add3A_1099 = arith.addi %rem3A_1090, %select_n3A_1089 : i32
      %select_n3A_1100 = arith.select %and3A_1098, %add3A_1099, %rem3A_1090 : i32
      %eq3A_1101 = arith.constant 1 : i32
      %eq3A_1102 = arith.cmpi eq, %select_n3A_1100, %eq3A_1101 : i32
      %convert_element_type3A_1103 = arith.extui %eq3A_1102 : i1 to i32
      %cond3A = arith.constant 0 : i32
      %cond3A_1104 = arith.cmpi ne, %convert_element_type3A_1103, %cond3A : i32
      scf.if %cond3A_1104 {
        %mul3A_1105 = arith.constant 2 : i32
        %mul3A_1106 = arith.muli %mul3A_1105, %select_n3A_1073 : i32
        %add3A_1107 = arith.addi %add3A_1046, %mul3A_1106 : i32
        %get3A_1108 = arith.index_cast %add3A_1107 : i32 to index
        %get3A_1109 = tpu.vector_load %arg6[%get3A_1108] {strides = array<i32>} : memref<10768xf32, #tpu.memory_space<vmem>>, vector<16xf32>,
        %slice3A_1110 = vector.extract_strided_slice %get3A_1109 {offsets = [0], sizes = [1], strides = [1]} : vector<16xf32> to vector<1xf32>
        %squeeze3A_1111 = vector.extract %slice3A_1110[0] : f32 from vector<1xf32>
        %mul3A_1112 = vector.broadcast %squeeze3A_1111 : f32 to vector<16xf32>
        %mul3A_1113 = arith.mulf %gather3A, %mul3A_1112 : vector<16xf32>
        tpu.vector_store_idx %arg15[%while3A_1084], %mul3A_1113 {add = true} : memref<4032xf32, #tpu.memory_space<vmem>>[vector<16xi32>], vector<16xf32>,
        %add3A_1114 = arith.constant 16 : i32
        %add3A_1115 = vector.broadcast %add3A_1114 : i32 to vector<16xi32>
        %add3A_1116 = arith.addi %while3A_1084, %add3A_1115 : vector<16xi32>
        %mul3A_1117 = vector.broadcast %squeeze3A_1111 : f32 to vector<16xf32>
        %mul3A_1118 = arith.mulf %gather3A_1033, %mul3A_1117 : vector<16xf32>
        tpu.vector_store_idx %arg15[%add3A_1116], %mul3A_1118 {add = true} : memref<4032xf32, #tpu.memory_space<vmem>>[vector<16xi32>], vector<16xf32>,
        %add3A_1119 = arith.constant 32 : i32
        %add3A_1120 = vector.broadcast %add3A_1119 : i32 to vector<16xi32>
        %add3A_1121 = arith.addi %while3A_1084, %add3A_1120 : vector<16xi32>
        %mul3A_1122 = vector.broadcast %squeeze3A_1111 : f32 to vector<16xf32>
        %mul3A_1123 = arith.mulf %gather3A_1038, %mul3A_1122 : vector<16xf32>
        tpu.vector_store_idx %arg15[%add3A_1121], %mul3A_1123 {add = true} : memref<4032xf32, #tpu.memory_space<vmem>>[vector<16xi32>], vector<16xf32>,
      } else {
      }
    }
    %while3A_1001 = arith.constant 1 : i32
    scf.for %while3A_1004 = %while3A_999 to %while3A_995 step %while3A_1001  : i32 {
      %get3A_1005 = arith.index_cast %while3A_1004 : i32 to index
      %get3A_1006 = tpu.vector_load %arg11[%get3A_1005] {strides = array<i32>} : memref<240xi32, #tpu.memory_space<vmem>>, vector<16xi32>,
      %slice3A_1007 = vector.extract_strided_slice %get3A_1006 {offsets = [0], sizes = [1], strides = [1]} : vector<16xi32> to vector<1xi32>
      %squeeze3A_1008 = vector.extract %slice3A_1007[0] : i32 from vector<1xi32>
      %get3A_1009 = arith.index_cast %while3A_1004 : i32 to index
      %get3A_1010 = tpu.vector_load %arg12[%get3A_1009] {strides = array<i32>} : memref<240xi32, #tpu.memory_space<vmem>>, vector<16xi32>,
      %slice3A_1011 = vector.extract_strided_slice %get3A_1010 {offsets = [0], sizes = [1], strides = [1]} : vector<16xi32> to vector<1xi32>
      %squeeze3A_1012 = vector.extract %slice3A_1011[0] : i32 from vector<1xi32>
      %get3A_1013 = arith.index_cast %while3A_1004 : i32 to index
      %get3A_1014 = tpu.vector_load %arg13[%get3A_1013] {strides = array<i32>} : memref<240xi32, #tpu.memory_space<vmem>>, vector<16xi32>,
      %slice3A_1015 = vector.extract_strided_slice %get3A_1014 {offsets = [0], sizes = [1], strides = [1]} : vector<16xi32> to vector<1xi32>
      %squeeze3A_1016 = vector.extract %slice3A_1015[0] : i32 from vector<1xi32>
      %sub3A_1017 = arith.subi %mul3A_32, %squeeze3A_1012 : i32
      %max3A = arith.maxsi %squeeze3A_1016, %sub3A_1017 : i32
      %get3A_1018 = arith.index_cast %while3A_1004 : i32 to index
      %get3A_1019 = tpu.vector_load %arg14[%get3A_1018] {strides = array<i32>} : memref<240xi32, #tpu.memory_space<vmem>>, vector<16xi32>,
      %slice3A_1020 = vector.extract_strided_slice %get3A_1019 {offsets = [0], sizes = [1], strides = [1]} : vector<16xi32> to vector<1xi32>
      %squeeze3A_1021 = vector.extract %slice3A_1020[0] : i32 from vector<1xi32>
      %add3A_1022 = arith.constant 14 : i32
      %add3A_1023 = arith.addi %mul3A_32, %add3A_1022 : i32
      %sub3A_1024 = arith.subi %add3A_1023, %squeeze3A_1012 : i32
      %min3A = arith.minsi %squeeze3A_1021, %sub3A_1024 : i32
      %mul3A_1025 = arith.constant 48 : i32
      %mul3A_1026 = arith.muli %while3A_1004, %mul3A_1025 : i32
      %add3A_1027 = vector.broadcast %mul3A_1026 : i32 to vector<16xi32>
      %add3A_1028 = arith.addi %add3A_1027, %iota3A : vector<16xi32>
      %gather3A = tpu.vector_load_idx %arg5[%add3A_1028] : memref<10752xf32, #tpu.memory_space<vmem>>[vector<16xi32>], vector<16xf32>,
      %add3A_1029 = arith.constant 16 : i32
      %add3A_1030 = arith.addi %mul3A_1026, %add3A_1029 : i32
      %add3A_1031 = vector.broadcast %add3A_1030 : i32 to vector<16xi32>
      %add3A_1032 = arith.addi %add3A_1031, %iota3A : vector<16xi32>
      %gather3A_1033 = tpu.vector_load_idx %arg5[%add3A_1032] : memref<10752xf32, #tpu.memory_space<vmem>>[vector<16xi32>], vector<16xf32>,
      %add3A_1034 = arith.constant 32 : i32
      %add3A_1035 = arith.addi %mul3A_1026, %add3A_1034 : i32
      %add3A_1036 = vector.broadcast %add3A_1035 : i32 to vector<16xi32>
      %add3A_1037 = arith.addi %add3A_1036, %iota3A : vector<16xi32>
      %gather3A_1038 = tpu.vector_load_idx %arg5[%add3A_1037] : memref<10752xf32, #tpu.memory_space<vmem>>[vector<16xi32>], vector<16xf32>,
      %add3A_1039 = arith.addi %squeeze3A_1012, %max3A : i32
      %sub3A_1040 = arith.subi %add3A_1039, %mul3A_32 : i32
      %mul3A_1041 = arith.constant 288 : i32
      %mul3A_1042 = arith.muli %sub3A_1040, %mul3A_1041 : i32
      %add3A_1043 = arith.addi %mul3A_1042, %squeeze3A_1008 : i32
      %add3A_1044 = vector.broadcast %add3A_1043 : i32 to vector<16xi32>
      %add3A_1045 = arith.addi %add3A_1044, %iota3A : vector<16xi32>
      %add3A_1046 = arith.addi %mul3A_1026, %max3A : i32
      %sub3A_1047 = arith.subi %min3A, %max3A : i32
      %max3A_1048 = arith.constant 0 : i32
      %max3A_1049 = arith.maxsi %max3A_1048, %sub3A_1047 : i32
      %jit3A_1050 = arith.constant 2 : i32
      %div3A_1051 = arith.divsi %max3A_1049, %jit3A_1050 : i32
      %sign3A_1052 = arith.constant 0 : i32
      %sign3A_1053 = arith.cmpi sgt, %max3A_1049, %sign3A_1052 : i32
      %sign3A_1054 = arith.extui %sign3A_1053 : i1 to i32
      %sign3A_1055 = arith.constant 0 : i32
      %sign3A_1056 = arith.cmpi slt, %max3A_1049, %sign3A_1055 : i32
      %sign3A_1057 = arith.extui %sign3A_1056 : i1 to i32
      %sign3A_1058 = arith.subi %sign3A_1054, %sign3A_1057 : i32
      %sign3A_1059 = arith.constant 0 : i32
      %sign3A_1060 = arith.cmpi sgt, %jit3A_1050, %sign3A_1059 : i32
      %sign3A_1061 = arith.extui %sign3A_1060 : i1 to i32
      %sign3A_1062 = arith.constant 0 : i32
      %sign3A_1063 = arith.cmpi slt, %jit3A_1050, %sign3A_1062 : i32
      %sign3A_1064 = arith.extui %sign3A_1063 : i1 to i32
      %sign3A_1065 = arith.subi %sign3A_1061, %sign3A_1064 : i32
      %ne3A_1066 = arith.cmpi ne, %sign3A_1058, %sign3A_1065 : i32
      %rem3A_1067 = arith.remsi %max3A_1049, %jit3A_1050 : i32
      %ne3A_1068 = arith.constant 0 : i32
      %ne3A_1069 = arith.cmpi ne, %rem3A_1067, %ne3A_1068 : i32
      %and3A_1070 = arith.andi %ne3A_1066, %ne3A_1069 : i1
      %sub3A_1071 = arith.constant 1 : i32
      %sub3A_1072 = arith.subi %div3A_1051, %sub3A_1071 : i32
      %select_n3A_1073 = arith.select %and3A_1070, %sub3A_1072, %div3A_1051 : i32
      %while3A_1074 = arith.constant 0 : i32
      %while3A_1075 = arith.subi %select_n3A_1073, %while3A_1074 : i32
      %while3A_1076 = arith.addi %while3A_1074, %while3A_1075 : i32
      %while3A_1077 = arith.constant 1 : i32
      %while3A_1078 = arith.divsi %while3A_1075, %while3A_1077 : i32
      %while3A_1079 = arith.muli %while3A_1078, %while3A_1077 : i32
      %while3A_1080 = arith.addi %while3A_1074, %while3A_1079 : i32
      %while3A_1081 = arith.constant 1 : i32
      %while3A_1082 = scf.for %while3A_1105 = %while3A_1074 to %while3A_1080 step %while3A_1081 iter_args(%while3A_1106 = %add3A_1045) -> (vector<16xi32>)  : i32 {
        %mul3A_1107 = arith.constant 2 : i32
        %mul3A_1108 = arith.muli %mul3A_1107, %while3A_1105 : i32
        %add3A_1109 = arith.addi %add3A_1046, %mul3A_1108 : i32
        %get3A_1110 = arith.index_cast %add3A_1109 : i32 to index
        %get3A_1111 = tpu.vector_load %arg6[%get3A_1110] {strides = array<i32>} : memref<10768xf32, #tpu.memory_space<vmem>>, vector<16xf32>,
        %slice3A_1112 = vector.extract_strided_slice %get3A_1111 {offsets = [0], sizes = [1], strides = [1]} : vector<16xf32> to vector<1xf32>
        %squeeze3A_1113 = vector.extract %slice3A_1112[0] : f32 from vector<1xf32>
        %slice3A_1114 = vector.extract_strided_slice %get3A_1111 {offsets = [1], sizes = [1], strides = [1]} : vector<16xf32> to vector<1xf32>
        %squeeze3A_1115 = vector.extract %slice3A_1114[0] : f32 from vector<1xf32>
        %mul3A_1116 = vector.broadcast %squeeze3A_1113 : f32 to vector<16xf32>
        %mul3A_1117 = arith.mulf %gather3A, %mul3A_1116 : vector<16xf32>
        tpu.vector_store_idx %arg15[%while3A_1106], %mul3A_1117 {add = true} : memref<4032xf32, #tpu.memory_space<vmem>>[vector<16xi32>], vector<16xf32>,
        %add3A_1118 = arith.constant 16 : i32
        %add3A_1119 = vector.broadcast %add3A_1118 : i32 to vector<16xi32>
        %add3A_1120 = arith.addi %while3A_1106, %add3A_1119 : vector<16xi32>
        %mul3A_1121 = vector.broadcast %squeeze3A_1113 : f32 to vector<16xf32>
        %mul3A_1122 = arith.mulf %gather3A_1033, %mul3A_1121 : vector<16xf32>
        tpu.vector_store_idx %arg15[%add3A_1120], %mul3A_1122 {add = true} : memref<4032xf32, #tpu.memory_space<vmem>>[vector<16xi32>], vector<16xf32>,
        %add3A_1123 = arith.constant 32 : i32
        %add3A_1124 = vector.broadcast %add3A_1123 : i32 to vector<16xi32>
        %add3A_1125 = arith.addi %while3A_1106, %add3A_1124 : vector<16xi32>
        %mul3A_1126 = vector.broadcast %squeeze3A_1113 : f32 to vector<16xf32>
        %mul3A_1127 = arith.mulf %gather3A_1038, %mul3A_1126 : vector<16xf32>
        tpu.vector_store_idx %arg15[%add3A_1125], %mul3A_1127 {add = true} : memref<4032xf32, #tpu.memory_space<vmem>>[vector<16xi32>], vector<16xf32>,
        %add3A_1128 = arith.constant 288 : i32
        %add3A_1129 = vector.broadcast %add3A_1128 : i32 to vector<16xi32>
        %add3A_1130 = arith.addi %while3A_1106, %add3A_1129 : vector<16xi32>
        %mul3A_1131 = vector.broadcast %squeeze3A_1115 : f32 to vector<16xf32>
        %mul3A_1132 = arith.mulf %gather3A, %mul3A_1131 : vector<16xf32>
        tpu.vector_store_idx %arg15[%add3A_1130], %mul3A_1132 {add = true} : memref<4032xf32, #tpu.memory_space<vmem>>[vector<16xi32>], vector<16xf32>,
        %add3A_1133 = arith.constant 16 : i32
        %add3A_1134 = vector.broadcast %add3A_1133 : i32 to vector<16xi32>
        %add3A_1135 = arith.addi %add3A_1130, %add3A_1134 : vector<16xi32>
        %mul3A_1136 = vector.broadcast %squeeze3A_1115 : f32 to vector<16xf32>
        %mul3A_1137 = arith.mulf %gather3A_1033, %mul3A_1136 : vector<16xf32>
        tpu.vector_store_idx %arg15[%add3A_1135], %mul3A_1137 {add = true} : memref<4032xf32, #tpu.memory_space<vmem>>[vector<16xi32>], vector<16xf32>,
        %add3A_1138 = arith.constant 32 : i32
        %add3A_1139 = vector.broadcast %add3A_1138 : i32 to vector<16xi32>
        %add3A_1140 = arith.addi %add3A_1130, %add3A_1139 : vector<16xi32>
        %mul3A_1141 = vector.broadcast %squeeze3A_1115 : f32 to vector<16xf32>
        %mul3A_1142 = arith.mulf %gather3A_1038, %mul3A_1141 : vector<16xf32>
        tpu.vector_store_idx %arg15[%add3A_1140], %mul3A_1142 {add = true} : memref<4032xf32, #tpu.memory_space<vmem>>[vector<16xi32>], vector<16xf32>,
        %add3A_1143 = arith.constant 288 : i32
        %add3A_1144 = vector.broadcast %add3A_1143 : i32 to vector<16xi32>
        %add3A_1145 = arith.addi %add3A_1130, %add3A_1144 : vector<16xi32>
        scf.yield %add3A_1145 : vector<16xi32>
      }
      %while3A_1083 = arith.constant 1 : i32
      %while3A_1084 = scf.for %while3A_1105 = %while3A_1080 to %while3A_1076 step %while3A_1083 iter_args(%while3A_1106 = %while3A_1082) -> (vector<16xi32>)  : i32 {
        %mul3A_1107 = arith.constant 2 : i32
        %mul3A_1108 = arith.muli %mul3A_1107, %while3A_1105 : i32
        %add3A_1109 = arith.addi %add3A_1046, %mul3A_1108 : i32
        %get3A_1110 = arith.index_cast %add3A_1109 : i32 to index
        %get3A_1111 = tpu.vector_load %arg6[%get3A_1110] {strides = array<i32>} : memref<10768xf32, #tpu.memory_space<vmem>>, vector<16xf32>,
        %slice3A_1112 = vector.extract_strided_slice %get3A_1111 {offsets = [0], sizes = [1], strides = [1]} : vector<16xf32> to vector<1xf32>
        %squeeze3A_1113 = vector.extract %slice3A_1112[0] : f32 from vector<1xf32>
        %slice3A_1114 = vector.extract_strided_slice %get3A_1111 {offsets = [1], sizes = [1], strides = [1]} : vector<16xf32> to vector<1xf32>
        %squeeze3A_1115 = vector.extract %slice3A_1114[0] : f32 from vector<1xf32>
        %mul3A_1116 = vector.broadcast %squeeze3A_1113 : f32 to vector<16xf32>
        %mul3A_1117 = arith.mulf %gather3A, %mul3A_1116 : vector<16xf32>
        tpu.vector_store_idx %arg15[%while3A_1106], %mul3A_1117 {add = true} : memref<4032xf32, #tpu.memory_space<vmem>>[vector<16xi32>], vector<16xf32>,
        %add3A_1118 = arith.constant 16 : i32
        %add3A_1119 = vector.broadcast %add3A_1118 : i32 to vector<16xi32>
        %add3A_1120 = arith.addi %while3A_1106, %add3A_1119 : vector<16xi32>
        %mul3A_1121 = vector.broadcast %squeeze3A_1113 : f32 to vector<16xf32>
        %mul3A_1122 = arith.mulf %gather3A_1033, %mul3A_1121 : vector<16xf32>
        tpu.vector_store_idx %arg15[%add3A_1120], %mul3A_1122 {add = true} : memref<4032xf32, #tpu.memory_space<vmem>>[vector<16xi32>], vector<16xf32>,
        %add3A_1123 = arith.constant 32 : i32
        %add3A_1124 = vector.broadcast %add3A_1123 : i32 to vector<16xi32>
        %add3A_1125 = arith.addi %while3A_1106, %add3A_1124 : vector<16xi32>
        %mul3A_1126 = vector.broadcast %squeeze3A_1113 : f32 to vector<16xf32>
        %mul3A_1127 = arith.mulf %gather3A_1038, %mul3A_1126 : vector<16xf32>
        tpu.vector_store_idx %arg15[%add3A_1125], %mul3A_1127 {add = true} : memref<4032xf32, #tpu.memory_space<vmem>>[vector<16xi32>], vector<16xf32>,
        %add3A_1128 = arith.constant 288 : i32
        %add3A_1129 = vector.broadcast %add3A_1128 : i32 to vector<16xi32>
        %add3A_1130 = arith.addi %while3A_1106, %add3A_1129 : vector<16xi32>
        %mul3A_1131 = vector.broadcast %squeeze3A_1115 : f32 to vector<16xf32>
        %mul3A_1132 = arith.mulf %gather3A, %mul3A_1131 : vector<16xf32>
        tpu.vector_store_idx %arg15[%add3A_1130], %mul3A_1132 {add = true} : memref<4032xf32, #tpu.memory_space<vmem>>[vector<16xi32>], vector<16xf32>,
        %add3A_1133 = arith.constant 16 : i32
        %add3A_1134 = vector.broadcast %add3A_1133 : i32 to vector<16xi32>
        %add3A_1135 = arith.addi %add3A_1130, %add3A_1134 : vector<16xi32>
        %mul3A_1136 = vector.broadcast %squeeze3A_1115 : f32 to vector<16xf32>
        %mul3A_1137 = arith.mulf %gather3A_1033, %mul3A_1136 : vector<16xf32>
        tpu.vector_store_idx %arg15[%add3A_1135], %mul3A_1137 {add = true} : memref<4032xf32, #tpu.memory_space<vmem>>[vector<16xi32>], vector<16xf32>,
        %add3A_1138 = arith.constant 32 : i32
        %add3A_1139 = vector.broadcast %add3A_1138 : i32 to vector<16xi32>
        %add3A_1140 = arith.addi %add3A_1130, %add3A_1139 : vector<16xi32>
        %mul3A_1141 = vector.broadcast %squeeze3A_1115 : f32 to vector<16xf32>
        %mul3A_1142 = arith.mulf %gather3A_1038, %mul3A_1141 : vector<16xf32>
        tpu.vector_store_idx %arg15[%add3A_1140], %mul3A_1142 {add = true} : memref<4032xf32, #tpu.memory_space<vmem>>[vector<16xi32>], vector<16xf32>,
        %add3A_1143 = arith.constant 288 : i32
        %add3A_1144 = vector.broadcast %add3A_1143 : i32 to vector<16xi32>
        %add3A_1145 = arith.addi %add3A_1130, %add3A_1144 : vector<16xi32>
        scf.yield %add3A_1145 : vector<16xi32>
      }
      %jit3A_1085 = arith.constant 2 : i32
      %eq3A_1086 = arith.constant 0 : i32
      %eq3A_1087 = arith.cmpi eq, %jit3A_1085, %eq3A_1086 : i32
      %jit3A_1088 = arith.constant 1 : i32
      %select_n3A_1089 = arith.select %eq3A_1087, %jit3A_1088, %jit3A_1085 : i32
      %rem3A_1090 = arith.remsi %max3A_1049, %select_n3A_1089 : i32
      %ne3A_1091 = arith.constant 0 : i32
      %ne3A_1092 = arith.cmpi ne, %rem3A_1090, %ne3A_1091 : i32
      %lt3A_1093 = arith.constant 0 : i32
      %lt3A_1094 = arith.cmpi slt, %rem3A_1090, %lt3A_1093 : i32
      %lt3A_1095 = arith.constant 0 : i32
      %lt3A_1096 = arith.cmpi slt, %select_n3A_1089, %lt3A_1095 : i32
      %ne3A_1097 = arith.xori %lt3A_1094, %lt3A_1096 : i1
      %and3A_1098 = arith.andi %ne3A_1097, %ne3A_1092 : i1
      %add3A_1099 = arith.addi %rem3A_1090, %select_n3A_1089 : i32
      %select_n3A_1100 = arith.select %and3A_1098, %add3A_1099, %rem3A_1090 : i32
      %eq3A_1101 = arith.constant 1 : i32
      %eq3A_1102 = arith.cmpi eq, %select_n3A_1100, %eq3A_1101 : i32
      %convert_element_type3A_1103 = arith.extui %eq3A_1102 : i1 to i32
      %cond3A = arith.constant 0 : i32
      %cond3A_1104 = arith.cmpi ne, %convert_element_type3A_1103, %cond3A : i32
      scf.if %cond3A_1104 {
        %mul3A_1105 = arith.constant 2 : i32
        %mul3A_1106 = arith.muli %mul3A_1105, %select_n3A_1073 : i32
        %add3A_1107 = arith.addi %add3A_1046, %mul3A_1106 : i32
        %get3A_1108 = arith.index_cast %add3A_1107 : i32 to index
        %get3A_1109 = tpu.vector_load %arg6[%get3A_1108] {strides = array<i32>} : memref<10768xf32, #tpu.memory_space<vmem>>, vector<16xf32>,
        %slice3A_1110 = vector.extract_strided_slice %get3A_1109 {offsets = [0], sizes = [1], strides = [1]} : vector<16xf32> to vector<1xf32>
        %squeeze3A_1111 = vector.extract %slice3A_1110[0] : f32 from vector<1xf32>
        %mul3A_1112 = vector.broadcast %squeeze3A_1111 : f32 to vector<16xf32>
        %mul3A_1113 = arith.mulf %gather3A, %mul3A_1112 : vector<16xf32>
        tpu.vector_store_idx %arg15[%while3A_1084], %mul3A_1113 {add = true} : memref<4032xf32, #tpu.memory_space<vmem>>[vector<16xi32>], vector<16xf32>,
        %add3A_1114 = arith.constant 16 : i32
        %add3A_1115 = vector.broadcast %add3A_1114 : i32 to vector<16xi32>
        %add3A_1116 = arith.addi %while3A_1084, %add3A_1115 : vector<16xi32>
        %mul3A_1117 = vector.broadcast %squeeze3A_1111 : f32 to vector<16xf32>
        %mul3A_1118 = arith.mulf %gather3A_1033, %mul3A_1117 : vector<16xf32>
        tpu.vector_store_idx %arg15[%add3A_1116], %mul3A_1118 {add = true} : memref<4032xf32, #tpu.memory_space<vmem>>[vector<16xi32>], vector<16xf32>,
        %add3A_1119 = arith.constant 32 : i32
        %add3A_1120 = vector.broadcast %add3A_1119 : i32 to vector<16xi32>
        %add3A_1121 = arith.addi %while3A_1084, %add3A_1120 : vector<16xi32>
        %mul3A_1122 = vector.broadcast %squeeze3A_1111 : f32 to vector<16xf32>
        %mul3A_1123 = arith.mulf %gather3A_1038, %mul3A_1122 : vector<16xf32>
        tpu.vector_store_idx %arg15[%add3A_1121], %mul3A_1123 {add = true} : memref<4032xf32, #tpu.memory_space<vmem>>[vector<16xi32>], vector<16xf32>,
      } else {
      }
    }
    %mul3A_1002 = arith.constant 4032 : i32
    %mul3A_1003 = arith.muli %add3A, %mul3A_1002 : i32
    "tpu.region"() ({
      %run_scoped3A = tpu.sem_alloc : memref<!tpu.dma_semaphore, #tpu.memory_space<semaphore_mem>>
      %dma_start3A = tpu.memref_slice %arg3[%mul3A_1003] : memref<129024xf32, #tpu.memory_space<hbm>> -> memref<4032xf32, #tpu.memory_space<hbm>>
      %dma_start3A_1004 = tpu.memref_slice %arg3[%mul3A_1003] : memref<129024xf32, #tpu.memory_space<hbm>> -> memref<4032xf32, #tpu.memory_space<hbm>>
      tpu.enqueue_dma source(%arg15 : memref<4032xf32, #tpu.memory_space<vmem>>) target(%dma_start3A_1004 : memref<4032xf32, #tpu.memory_space<hbm>>) target_semaphore(%run_scoped3A : memref<!tpu.dma_semaphore, #tpu.memory_space<semaphore_mem>>)
      %dma_wait3A = tpu.memref_slice %arg3[%mul3A_1003] : memref<129024xf32, #tpu.memory_space<hbm>> -> memref<4032xf32, #tpu.memory_space<hbm>>
      %dma_wait3A_1005 = tpu.memref_slice %arg3[%mul3A_1003] : memref<129024xf32, #tpu.memory_space<hbm>> -> memref<4032xf32, #tpu.memory_space<hbm>>
      tpu.wait_dma2 semaphore(%run_scoped3A : memref<!tpu.dma_semaphore, #tpu.memory_space<semaphore_mem>>) src(%arg15 : memref<4032xf32, #tpu.memory_space<vmem>>) dst(%dma_wait3A_1005 : memref<4032xf32, #tpu.memory_space<hbm>>)
      tpu.yield
    }) : () -> ()
    return
  }
}

module attributes {stable_mosaic.version = 14 : i64} {
  func.func @_tc_body(%arg0: i32, %arg1: memref<1x1x224xf32, #tpu.memory_space<vmem>>, %arg2: memref<1x1x224xf32, #tpu.memory_space<vmem>>, %arg3: memref<1x224x1xf32, #tpu.memory_space<vmem>>, %arg4: memref<1x224x1xf32, #tpu.memory_space<vmem>>, %arg5: memref<1x224x1xf32, #tpu.memory_space<vmem>>, %arg6: memref<1x224x224xf32, #tpu.memory_space<vmem>>) attributes {dimension_semantics = [#tpu.dimension_semantics<arbitrary>], iteration_bounds = array<i64: 6>, scalar_prefetch = 0 : i64, scratch_operands = 0 : i64, tpu.core_type = #tpu.core_type<tc>, window_params = [{transform_indices = @transform_0, window_bounds = array<i64: 1, 1, 224>}, {transform_indices = @transform_1, window_bounds = array<i64: 1, 1, 224>}, {transform_indices = @transform_2, window_bounds = array<i64: 1, 224, 1>}, {transform_indices = @transform_3, window_bounds = array<i64: 1, 224, 1>}, {transform_indices = @transform_4, window_bounds = array<i64: 1, 224, 1>}, {transform_indices = @transform_5, window_bounds = array<i64: 1, 224, 224>}]} {
    %get3A = arith.constant 0 : index
    %get3A_0 = arith.constant 0 : index
    %get3A_1 = arith.constant 0 : index
    %get3A_2 = vector.load %arg1[%get3A, %get3A_0, %get3A_1] : memref<1x1x224xf32, #tpu.memory_space<vmem>>, vector<1x1x224xf32>
    %get3A_3 = vector.shape_cast %get3A_2 : vector<1x1x224xf32> to vector<1x224xf32>
    %get3A_4 = arith.constant 0 : index
    %get3A_5 = arith.constant 0 : index
    %get3A_6 = arith.constant 0 : index
    %get3A_7 = vector.load %arg2[%get3A_4, %get3A_5, %get3A_6] : memref<1x1x224xf32, #tpu.memory_space<vmem>>, vector<1x1x224xf32>
    %get3A_8 = vector.shape_cast %get3A_7 : vector<1x1x224xf32> to vector<1x224xf32>
    %div3A = arith.constant 5.000000e-01 : f32
    %div3A_9 = vector.broadcast %div3A : f32 to vector<1x224xf32>
    %div3A_10 = arith.divf %div3A_9, %get3A_8 : vector<1x224xf32>
    %get3A_11 = arith.constant 0 : index
    %get3A_12 = arith.constant 0 : index
    %get3A_13 = arith.constant 0 : index
    %get3A_14 = vector.load %arg3[%get3A_11, %get3A_12, %get3A_13] : memref<1x224x1xf32, #tpu.memory_space<vmem>>, vector<1x224x1xf32>
    %get3A_15 = vector.shape_cast %get3A_14 : vector<1x224x1xf32> to vector<224x1xf32>
    %get3A_16 = arith.constant 0 : index
    %get3A_17 = arith.constant 0 : index
    %get3A_18 = arith.constant 0 : index
    %get3A_19 = vector.load %arg4[%get3A_16, %get3A_17, %get3A_18] : memref<1x224x1xf32, #tpu.memory_space<vmem>>, vector<1x224x1xf32>
    %get3A_20 = vector.shape_cast %get3A_19 : vector<1x224x1xf32> to vector<224x1xf32>
    %div3A_21 = arith.constant 5.000000e-01 : f32
    %div3A_22 = vector.broadcast %div3A_21 : f32 to vector<224x1xf32>
    %div3A_23 = arith.divf %div3A_22, %get3A_20 : vector<224x1xf32>
    %get3A_24 = arith.constant 0 : index
    %get3A_25 = arith.constant 0 : index
    %get3A_26 = arith.constant 0 : index
    %get3A_27 = vector.load %arg5[%get3A_24, %get3A_25, %get3A_26] : memref<1x224x1xf32, #tpu.memory_space<vmem>>, vector<1x224x1xf32>
    %get3A_28 = vector.shape_cast %get3A_27 : vector<1x224x1xf32> to vector<224x1xf32>
    %gt3A = arith.constant 1.000000e-01 : f32
    %gt3A_29 = vector.broadcast %gt3A : f32 to vector<224x1xf32>
    %gt3A_30 = arith.cmpf ogt, %get3A_28, %gt3A_29 : vector<224x1xf32>
    %jit3A = arith.constant 0.000000e+00 : f32
    %broadcast_in_dim3A = vector.broadcast %jit3A : f32 to vector<224x1xf32>
    %select_n3A = arith.select %gt3A_30, %get3A_28, %broadcast_in_dim3A : vector<224x1xi1>, vector<224x1xf32>
    %iota3A = tpu.iota {dimensions = array<i32: 0>} : vector<224x224xi32>
    %convert_element_type3A = arith.sitofp %iota3A : vector<224x224xi32> to vector<224x224xf32>
    %sub3A = vector.broadcast %get3A_3 : vector<1x224xf32> to vector<224x224xf32>
    %sub3A_31 = arith.subf %convert_element_type3A, %sub3A : vector<224x224xf32>
    %mul3A = arith.mulf %sub3A_31, %sub3A_31 : vector<224x224xf32>
    %neg3A = arith.constant 0.000000e+00 : f32
    %neg3A_32 = vector.broadcast %neg3A : f32 to vector<224x224xf32>
    %neg3A_33 = arith.subf %neg3A_32, %mul3A : vector<224x224xf32>
    %mul3A_34 = vector.broadcast %div3A_10 : vector<1x224xf32> to vector<224x224xf32>
    %mul3A_35 = arith.mulf %neg3A_33, %mul3A_34 : vector<224x224xf32>
    %exp3A = math.exp %mul3A_35 : vector<224x224xf32>
    %iota3A_36 = tpu.iota {dimensions = array<i32: 1>} : vector<224x224xi32>
    %convert_element_type3A_37 = arith.sitofp %iota3A_36 : vector<224x224xi32> to vector<224x224xf32>
    %sub3A_38 = vector.broadcast %get3A_15 : vector<224x1xf32> to vector<224x224xf32>
    %sub3A_39 = arith.subf %convert_element_type3A_37, %sub3A_38 : vector<224x224xf32>
    %mul3A_40 = arith.mulf %sub3A_39, %sub3A_39 : vector<224x224xf32>
    %neg3A_41 = arith.constant 0.000000e+00 : f32
    %neg3A_42 = vector.broadcast %neg3A_41 : f32 to vector<224x224xf32>
    %neg3A_43 = arith.subf %neg3A_42, %mul3A_40 : vector<224x224xf32>
    %mul3A_44 = vector.broadcast %div3A_23 : vector<224x1xf32> to vector<224x224xf32>
    %mul3A_45 = arith.mulf %neg3A_43, %mul3A_44 : vector<224x224xf32>
    %exp3A_46 = math.exp %mul3A_45 : vector<224x224xf32>
    %mul3A_47 = vector.broadcast %select_n3A : vector<224x1xf32> to vector<224x224xf32>
    %mul3A_48 = arith.mulf %mul3A_47, %exp3A_46 : vector<224x224xf32>
    %dot_general3A = arith.constant dense<0.000000e+00> : vector<224x224xf32>
    %dot_general3A_49 = tpu.matmul %exp3A, %mul3A_48, %dot_general3A {dimension_numbers = #tpu.dot_dimension_numbers<[1], [0], [0], [1], [0, 0, 1, 1], [], []>, transpose_lhs_hint = false} : vector<224x224xf32>, vector<224x224xf32>, vector<224x224xf32> -> vector<224x224xf32>
    %swap3A = arith.constant 0 : index
    %swap3A_50 = arith.constant 0 : index
    %swap3A_51 = arith.constant 0 : index
    %swap3A_52 = vector.load %arg6[%swap3A, %swap3A_50, %swap3A_51] : memref<1x224x224xf32, #tpu.memory_space<vmem>>, vector<1x224x224xf32>
    %swap3A_53 = vector.shape_cast %swap3A_52 : vector<1x224x224xf32> to vector<224x224xf32>
    %swap3A_54 = vector.shape_cast %dot_general3A_49 : vector<224x224xf32> to vector<1x224x224xf32>
    tpu.vector_store %arg6[%swap3A, %swap3A_50, %swap3A_51], %swap3A_54 {strides = array<i32>} : memref<1x224x224xf32, #tpu.memory_space<vmem>>, vector<1x224x224xf32>,
    return
  }
  func.func @transform_0(%arg0: i32) -> (i32, i32, i32) {
    %c0_i32 = arith.constant 0 : i32
    %c0_i32_0 = arith.constant 0 : i32
    %c0_i32_1 = arith.constant 0 : i32
    return %arg0, %c0_i32, %c0_i32_0 : i32, i32, i32
  }
  func.func @transform_1(%arg0: i32) -> (i32, i32, i32) {
    %c0_i32 = arith.constant 0 : i32
    %c0_i32_0 = arith.constant 0 : i32
    %c0_i32_1 = arith.constant 0 : i32
    return %arg0, %c0_i32, %c0_i32_0 : i32, i32, i32
  }
  func.func @transform_2(%arg0: i32) -> (i32, i32, i32) {
    %c0_i32 = arith.constant 0 : i32
    %c0_i32_0 = arith.constant 0 : i32
    %c0_i32_1 = arith.constant 0 : i32
    return %arg0, %c0_i32, %c0_i32_0 : i32, i32, i32
  }
  func.func @transform_3(%arg0: i32) -> (i32, i32, i32) {
    %c0_i32 = arith.constant 0 : i32
    %c0_i32_0 = arith.constant 0 : i32
    %c0_i32_1 = arith.constant 0 : i32
    return %arg0, %c0_i32, %c0_i32_0 : i32, i32, i32
  }
  func.func @transform_4(%arg0: i32) -> (i32, i32, i32) {
    %c0_i32 = arith.constant 0 : i32
    %c0_i32_0 = arith.constant 0 : i32
    %c0_i32_1 = arith.constant 0 : i32
    return %arg0, %c0_i32, %c0_i32_0 : i32, i32, i32
  }
  func.func @transform_5(%arg0: i32) -> (i32, i32, i32) {
    %c0_i32 = arith.constant 0 : i32
    %c0_i32_0 = arith.constant 0 : i32
    %c0_i32_1 = arith.constant 0 : i32
    return %arg0, %c0_i32, %c0_i32_0 : i32, i32, i32
  }
}

</mosaic_0001>

<sc_bundles>
// kernel: kernel.4.cloned.1.call-start
scs
__scs_entry_jumppad:
0x0: {  	(pc) =	sbr.rel $0x88, $3  }
0x1: {  	(tag) =	ssettag $0x0;
	lr =	simm.s32 $0x1  }
0x2: {  	[smem:$0x3F9E] =	sst lr;
	_ =	strace $0xD0000000  }
0x3: {  	_ = 	snop  }
0x4: {  	_ = 	snop  }
0x5: {  	_ = 	snop  }
0x6: {  	_ = 	snop  }
0x7: {  	_ = 	snop  }
__scs_overlays_trampoline_lowered:
0x8: {  	[smem:$0x3FAD] =	sst s0  }
0x9: {  	[smem:$0x3FAE] =	sst s1  }
0xa: {  	[smem:$0x3FAF] =	sst s2  }
0xb: {  	[smem:$0x3FB0] =	sst s3  }
0xc: {  	[smem:$0x3FB1] =	sst s4  }
0xd: {  	[smem:$0x3FB2] =	sst s5  }
0xe: {  	[smem:$0x3FB3] =	sst s6  }
0xf: {  	[smem:$0x3FB4] =	sst s7  }
0x10: {  	[smem:$0x3FB5] =	sst s8  }
0x11: {  	[smem:$0x3FB6] =	sst s9;
	s0 =	simm.s32 @!p0 $0x0  }
0x12: {  	s1 =	sld [smem:$0x3F9C];
	s0 =	simm.s32 @p0 $0x1  }
0x13: {  	[smem:$0x3FB7] =	sst s0;
	s0 =	simm.s32 @!p1 $0x0  }
0x14: {  	s2 =	sld [smem:$0x3F9B];
	s0 =	simm.s32 @p1 $0x1  }
0x15: {  	[smem:$0x3FB8] =	sst s0;
	s0 =	simm.s32 @!p2 $0x0  }
0x16: {  	s3 =	sld [smem:$0x3FDB];
	s0 =	simm.s32 @p2 $0x1  }
0x17: {  	s4 =	simm.s32 $0x1BF5;
	[smem:$0x3FBA] =	sst s0  }
0x18: {  	s0 =	sld [smem:$0x3F9D];
	_ =	swait.ge [sflag:s4], $0x0  }
0x19: {  	s7 =	sld [smem:$0x3F9E]  }
0x1a: {  	s8 =	sadd.s32 $0xFFFFE003, lr  }
0x1b: {  	s9 =	sadd.s32 $0xFFFFFEF7, lr;
	s5 =	simm.s32 $0xFFFFFFFF;
	p2 =	slt.u32 s8, $0xFFFFF086  }
0x1c: {  	p1 =	slt.u32 s9, $0xF7A;
	s5 =	simm.s32 @!p2 $0x0  }
0x1d: {  	s5 =	simm.s32 @p1 $0x1;
	p0 =	seq.s32 s7, s2  }
0x1e: {  	s7 =	smul.u32 @!p0 $0xF7A, s2;
	p2 =	seq.s32 @!p0 s5, $0x0  }
0x1f: {  	s9 =	smul.u32 $0xF7A, s1;
	s8 =	simm.s32 @!p0 $0x1BF5;
	p2 =	por !p2, p0  }
0x20: {  	[sflag:s8] =	ssyncset.s32 @!p0 $0xFFFFF086;
	s6 =	sadd.s32 @!p0 s3, s7;
	s7 =	simm.s32 @!p0 $0x108  }
0x21: {  	s3 =	sadd.s32 s3, s9;
	s6 =	sadd.s32 @!p0 $0x88, s6;
	s7 =	simm.s32 @p2 $0x1082  }
0x22: {  	[simem:s7], [sflag:s8] =	dma.local @!p0 [hbm:s6], $0xF7A  }
0x23: {  	s9 =	sor.u32 $0xD0000000, s2;
	s6 =	simm.s32 $0x108;
	_ =	swait.ge @!p0 [sflag:s8], $0x0  }
0x24: {  	s3 =	sadd.s32 $0x88, s3;
	s6 =	simm.s32 @!p1 $0x1082;
	[sflag:s4] =	ssyncset.s32 $0xFFFFF086  }
0x25: {  	[simem:s6], [sflag:s4] =	dma.local [hbm:s3], $0xF7A  }
0x26: {  	[smem:$0x3F9E] =	sst s1;
	(tag) =	ssettag s2;
	_ =	strace s9  }
0x27: {  	s1 =	sld [smem:$0x3FAE]  }
0x28: {  	s2 =	sld [smem:$0x3FAF]  }
0x29: {  	s4 =	sld [smem:$0x3FB1]  }
0x2a: {  	p0 =	seq.s32 s5, $0x0;
	s5 =	sld [smem:$0x3FB2]  }
0x2b: {  	s6 =	sld [smem:$0x3FB3]  }
0x2c: {  	s7 =	sld [smem:$0x3FB4]  }
0x2d: {  	s3 =	simm.s32 $0x108;
	s8 =	sld [smem:$0x3FB5]  }
0x2e: {  	s3 =	simm.s32 @!p0 $0x1082;
	s9 =	sld [smem:$0x3FB6]  }
0x2f: {  	lr =	sadd.s32 s0, s3;
	s0 =	sld [smem:$0x3FAD]  }
0x30: {  	s3 =	sld [smem:$0x3FB0]  }
0x31: {  	[smem:$0x3FB9] =	sst s10  }
0x32: {  	s10 =	sld [smem:$0x3FB7];
	_ =	sdelay $0x3  }
0x33: {  	p0 =	seq.s32 s10, $0x1;
	s10 =	sld [smem:$0x3FB9];
	_ =	sdelay $0x3  }
0x34: {  	[smem:$0x3FB9] =	sst s10  }
0x35: {  	s10 =	sld [smem:$0x3FB8];
	_ =	sdelay $0x3  }
0x36: {  	p1 =	seq.s32 s10, $0x1;
	s10 =	sld [smem:$0x3FB9];
	_ =	sdelay $0x3  }
0x37: {  	[smem:$0x3FB9] =	sst s10  }
0x38: {  	s10 =	sld [smem:$0x3FBA]  }
0x39: {  	_ = 	snop;
	(pc) =	sbr.ind lr, $3  }
0x3a: {  	_ = 	snop  }
0x3b: {  	_ = 	snop  }
0x3c: {  	p2 =	seq.s32 s10, $0x1;
	s10 =	sld [smem:$0x3FB9]  }
0x3d: {  	_ =	shalt  }
0x3e: {  	_ =	shalt  }
0x3f: {  	_ =	shalt  }
0x40: {  	_ =	shalt  }
0x41: {  	_ =	shalt  }
0x42: {  	_ =	shalt  }
0x43: {  	_ =	shalt  }
0x44: {  	_ =	shalt  }
0x45: {  	_ =	shalt  }
0x46: {  	_ =	shalt  }
0x47: {  	_ =	shalt  }
0x48: {  	_ =	shalt  }
0x49: {  	_ =	shalt  }
0x4a: {  	_ =	shalt  }
0x4b: {  	_ =	shalt  }
0x4c: {  	_ =	shalt  }
0x4d: {  	_ =	shalt  }
0x4e: {  	_ =	shalt  }
0x4f: {  	_ =	shalt  }
0x50: {  	_ =	shalt  }
0x51: {  	_ =	shalt  }
0x52: {  	_ =	shalt  }
0x53: {  	_ =	shalt  }
0x54: {  	_ =	shalt  }
0x55: {  	_ =	shalt  }
0x56: {  	_ =	shalt  }
0x57: {  	_ =	shalt  }
0x58: {  	_ =	shalt  }
0x59: {  	_ =	shalt  }
0x5a: {  	_ =	shalt  }
0x5b: {  	_ =	shalt  }
0x5c: {  	_ =	shalt  }
0x5d: {  	_ =	shalt  }
0x5e: {  	_ =	shalt  }
0x5f: {  	_ =	shalt  }
0x60: {  	_ =	shalt  }
0x61: {  	_ =	shalt  }
0x62: {  	_ =	shalt  }
0x63: {  	_ =	shalt  }
0x64: {  	_ =	shalt  }
0x65: {  	_ =	shalt  }
0x66: {  	_ =	shalt  }
0x67: {  	_ =	shalt  }
0x68: {  	_ =	shalt  }
0x69: {  	_ =	shalt  }
0x6a: {  	_ =	shalt  }
0x6b: {  	_ =	shalt  }
0x6c: {  	_ =	shalt  }
0x6d: {  	_ =	shalt  }
0x6e: {  	_ =	shalt  }
0x6f: {  	_ =	shalt  }
0x70: {  	_ =	shalt  }
0x71: {  	_ =	shalt  }
0x72: {  	_ =	shalt  }
0x73: {  	_ =	shalt  }
0x74: {  	_ =	shalt  }
0x75: {  	_ =	shalt  }
0x76: {  	_ =	shalt  }
0x77: {  	_ =	shalt  }
0x78: {  	_ =	shalt  }
0x79: {  	_ =	shalt  }
0x7a: {  	_ =	shalt  }
0x7b: {  	_ =	shalt  }
0x7c: {  	_ =	shalt  }
0x7d: {  	_ =	shalt  }
0x7e: {  	_ =	shalt  }
0x7f: {  	_ =	shalt  }
0x80: {  	_ =	shalt  }
0x81: {  	_ =	shalt  }
0x82: {  	_ =	shalt  }
0x83: {  	_ =	shalt  }
0x84: {  	_ =	shalt  }
0x85: {  	_ =	shalt  }
0x86: {  	_ =	shalt  }
0x87: {  	_ =	shalt  }
.Lfunc_end0:
.L_simem_size_0:
called_computation_lowered:
.L_overlay_start_0:
0x88: {  	s2 =	sld [smem:$0x3FD9]  }
0x89: {  	s3 =	sld [smem:$0x3FFE];
	_ =	sdelay $0x1  }
0x8a: {  	s1 =	srdreg.scid  }
0x8b: {  	s0 =	sand.u32 $0x1, s1  }
0x8c: {  	s17 =	sshll.u32 s0, $0xA;
	s2 =	sadd.s32 s3, s2  }
0x8d: {  	s2 =	sadd.s32 s2, s17  }
0x8e: {  	[smem:$0x3FC5] =	sst s2  }
0x8f: {  	_ = 	snop  }
0x90: {  	s2 =	sld [smem:$0x3FD0];
	(tm) =	ssettm $0x1  }
0x91: {  	s18 =	sld [smem:$0x3FFB];
	_ =	sdelay $0x3  }
0x92: {  	_ =	strace s18  }
0x93: {  	s3 =	sld [smem:$0x3FFC];
	_ =	sdelay $0x3  }
0x94: {  	_ =	strace s3  }
0x95: {  	s3 =	sld [smem:$0x3FFD];
	_ =	sdelay $0x3  }
0x96: {  	_ =	strace s3  }
0x97: {  	_ =	strace $0x8FFFFFFF  }
0x98: {  	s19 =	sld [smem:$0x3FDB];
	_ =	sdelay $0x1  }
0x99: {  	s4 =	simm.s32 $_scs_section_size  }
0x9a: {  	s5 =	simm.s32 $_size__tile_overlayer_lowered;
	s6 =	simm.s32 $_tile_overlayer_lowered  }
0x9b: {  	s22 =	simm.s32 $0x1BFF;
	s21 =	sshll.u32 s6, $0x1;
	s3 =	sadd.s32 s4, s19  }
0x9c: {  	s7 =	simm.s32 $0x0;
	s20 =	sshll.u32 s5, $0x1;
	s5 =	sadd.s32 s21, s3  }
0x9d: {  	[timem:s7], [sflag:s22] =	dma.local [hbm:s5], s20  }
0x9e: {  	_ =	swait.ge [sflag:s22], s20  }
0x9f: {  	s4 =	ssub.s32 $0x0, s20;
	[sflag:s22] =	ssyncset.done $0x0  }
0xa0: {  	[sflag:s22] =	ssyncadd.s32 s4;
	_ =	sdelay $0x1  }
0xa1: {  	s23 =	simm.s32 $0x1B8B  }
0xa2: {  	_ =	swait.ge [sflag:s23], $0x1  }
0xa3: {  	[sflag:s23] =	ssyncset.done $0x0  }
0xa4: {  	s25 =	simm.s32 $0x1B8E;
	s24 =	sld [smem:$0x3FFE];
	[sflag:s23] =	ssyncadd.s32 $0xFFFFFFFF  }
0xa5: {  	s26 =	simm.s32 $execute0_lowered;
	[smem:$0x3FD2] =	sst s25  }
0xa6: {  	s5 =	sshll.u32 s26, $0x1;
	_ =	strace $0x80000046;
	[dreg:$0x1] =	wrdreg $0xFFFFFFFF  }
0xa7: {  	s28 =	simm.s32 $_size_execute0_lowered;
	s3 =	sadd.s32 s3, s5;
	[dreg:$0x0] =	wrdreg $0x0  }
0xa8: {  	s5 =	sshll.u32 s28, $0x1;
	[dreg:$0x2] =	wrdreg s3  }
0xa9: {  	[dreg:$0x3] =	wrdreg s5  }
0xaa: {  	[dreg:$0x4] =	wrdreg $0xC0  }
0xab: {  	_ =	task [dreg:s7], $0x5FFFF  }
0xac: {  	[dreg:$0x1] =	wrdreg $0xFFFFFFFF  }
0xad: {  	[dreg:$0x0] =	wrdreg $0x60  }
0xae: {  	[dreg:$0x2] =	wrdreg s24  }
0xaf: {  	[dreg:$0x3] =	wrdreg s2  }
0xb0: {  	[dreg:$0x4] =	wrdreg $0x9  }
0xb1: {  	_ =	task.clear_ibuf [dreg:s7], $0x5FFFF;
	_ =	strace $0x90000046  }
0xb2: {  	s29 =	simm.s32 $0x9;
	_ =	strace $0x80000048  }
0xb3: {  	_ =	swait.ge [sflag:s29], $0x1  }
0xb4: {  	[sflag:s29] =	ssyncadd.s32 $0xFFFFFFFF  }
0xb5: {  	_ =	strace $0x90000048  }
0xb6: {  	_ =	sfence  }
0xb7: {  	s30 =	sld [smem:$0x0];
	_ =	sdelay $0x2  }
0xb8: {  	s31 =	sshll.u32 s1, $0xD;
	s1 =	sshrl.u32 s1, $0x2  }
0xb9: {  	s3 =	sand.u32 $0x4000, s31;
	s1 =	sadd.s32 s1, s30  }
0xba: {  	s0 =	sor.u32 s3, s0;
	s1 =	sshll.u32 s1, $0x11  }
0xbb: {  	s0 =	sor.u32 s1, s0  }
0xbc: {  	s0 =	sadd.s32 $0x8F2B, s0  }
0xbd: {  	[sflag:s0] =	ssyncadd.remote.s32 $0x1  }
0xbe: {  	_ =	sfence.sel $0xFFFF  }
0xbf: {  	[dreg:$0x0] =	wrdreg $0xFFFFFFFF;
	(pc) =	sbr.abs _section_cstart, $3  }
0xc0: {  	[dreg:$0x1] =	wrdreg $0xFFFFFFFF  }
0xc1: {  	_ =	task.clear_ibuf [dreg:s7], $0x2FFFF;
	_ =	strace $0x9FFFFFFF  }
0xc2: {  	(tm) =	ssettm $0x7FFFFFFF  }
0xc3: {  	_ =	shalt  }
tec
execute0_lowered:
.L_overlay_start_1:
0x0: {  	(tag) =	ssettag $0x1  }
0x1: {  	s0 =	stileid.u32;
	s1 =	srdreg.scid  }
0x2: {  	s6 =	sshll.u32 s0, $0x1;
	s7 =	sand.u32 $0x1, s1  }
0x3: {  	s5 =	sor.u32 s7, s6  }
0x4: {  	v0 =	vimm.f32 $1.500000000e+01;
	vm1 =	vcmask $0x300;
	vm2 =	vcmask $0x704;
	s30 =	sand.u32 $0xF, s5  }
0x5: {  	vm3 =	vcmask $0xB08;
	vm4 =	vcmask $0xF0C;
	vm5 =	vcmask $0x1310;
	s1 =	smul.u32 $0xE, s30  }
0x6: {  	vm6 =	vcmask $0x1714;
	vm7 =	vcmask $0x1B18;
	vm8 =	vcmask $0x1F1C  }
0x7: {  	v3 =	vimm.f32 $4.700000000e+01;
	vm0 =	vcmask $0x2320;
	vm10 =	vcmask $0x2724;
	s2 =	sadd.s32 $0xE, s1  }
0x8: {  	vm11 =	vcmask $0x2B28;
	vm12 =	vcmask $0x2F2C;
	v1 =	vmov s2  }
0x9: {  	vm13 =	vcmask $0x3330;
	vm14 =	vcmask $0x3734;
	[tilespmem:$0x1FFE0] =	vst v1;
	v1 =	vmov s1  }
0xa: {  	vm15 =	vcmask $0x3B38;
	v0 =	vsel vm1, $0x0, v0;
	[tilespmem:$0x1FFF0] =	vst v1;
	v1 =	vimm.f32 $3.100000000e+01  }
0xb: {  	v3 =	vsel vm1, $0x42000000, v3;
	v0 =	vsel vm2, $0x3F800000, v0;
	v1 =	vsel vm1, $0x41800000, v1  }
0xc: {  	v3 =	vsel vm2, $0x42040000, v3;
	v0 =	vsel vm3, $0x40000000, v0;
	v1 =	vsel vm2, $0x41880000, v1  }
0xd: {  	v3 =	vsel vm3, $0x42080000, v3;
	v0 =	vsel vm4, $0x40400000, v0;
	v1 =	vsel vm3, $0x41900000, v1  }
0xe: {  	v3 =	vsel vm4, $0x420C0000, v3;
	v0 =	vsel vm5, $0x40800000, v0;
	v1 =	vsel vm4, $0x41980000, v1  }
0xf: {  	v3 =	vsel vm5, $0x42100000, v3;
	v0 =	vsel vm6, $0x40A00000, v0;
	v1 =	vsel vm5, $0x41A00000, v1  }
0x10: {  	s8 =	rddreg [dreg:$0x0];
	v3 =	vsel vm6, $0x42140000, v3;
	v0 =	vsel vm7, $0x40C00000, v0;
	v1 =	vsel vm6, $0x41A80000, v1  }
0x11: {  	s9 =	rddreg [dreg:$0x1];
	v3 =	vsel vm7, $0x42180000, v3;
	v0 =	vsel vm8, $0x40E00000, v0;
	v1 =	vsel vm7, $0x41B00000, v1  }
0x12: {  	s3 =	rddreg [dreg:$0x2];
	s4 =	simm.s32 $0x0;
	s11 =	simm.s32 $0x5F00;
	v3 =	vsel vm8, $0x421C0000, v3;
	v0 =	vsel vm0, $0x41000000, v0;
	v1 =	vsel vm8, $0x41B80000, v1  }
0x13: {  	s12 =	simm.s32 $0x6000;
	s13 =	simm.s32 $0x6100;
	s14 =	simm.s32 $0x6200;
	v3 =	vsel vm0, $0x42200000, v3;
	v0 =	vsel vm10, $0x41100000, v0;
	v1 =	vsel vm0, $0x41C00000, v1  }
0x14: {  	s15 =	simm.s32 $0x680;
	s16 =	simm.s32 $0x6300;
	s17 =	simm.s32 $0x0;
	v3 =	vsel vm10, $0x42240000, v3;
	v0 =	vsel vm11, $0x41200000, v0;
	v1 =	vsel vm10, $0x41C80000, v1  }
.Ltmp0:
0x15: {  	[smem:$0x7FF] =	sst s4;
	s7 =	ssub.s32 $0x2, s7;
	v3 =	vsel vm11, $0x42280000, v3;
	v0 =	vsel vm12, $0x41300000, v0;
	v1 =	vsel vm11, $0x41D00000, v1;
	(pc) =	sbr.rel .LBB2_1-.Ltmp0, $4  }
0x16: {  	s6 =	sand.u32 $0x10, s6;
	s31 =	sshrl.u32 s7, $0x1;
	s10 =	smul.u32 $0x1F8, s5;
	v3 =	vsel vm12, $0x422C0000, v3;
	v0 =	vsel vm13, $0x41400000, v0;
	v1 =	vsel vm12, $0x41D80000, v1  }
0x17: {  	s6 =	sadd.s32 s6, s8;
	s8 =	simm.s32 $0x80;
	s7 =	ssub.s32 s7, s31;
	v3 =	vsel vm13, $0x42300000, v3;
	v0 =	vsel vm14, $0x41500000, v0;
	v1 =	vsel vm13, $0x41E00000, v1  }
0x18: {  	s5 =	sadd.s32 $0x1600, s6;
	s6 =	sadd.s32 s9, s10;
	s7 =	smax.u32 s7, $0x1;
	v35 =	vsel vm15, $0x41600000, v0;
	v0 =	vsel vm14, $0x41E80000, v1;
	v1 =	vsel vm14, $0x42340000, v3  }
0x19: {  	v2 =	vimm.f32 $0.0e+00;
	s9 =	simm.s32 $0x100;
	s10 =	simm.s32 $0x1;
	_ =	strace $0x80000047;
	v5 =	vsel vm15, $0x41F00000, v0;
	v6 =	vsel vm15, $0x42380000, v1  }
.LBB2_12:
0x1a: {  	s17 =	sadd.s32 $0x1, s17  }
0x1b: {  	p0 =	sne.s32 s17, s7  }
.Ltmp1:
0x1c: {  	_ = 	snop;
	(pc) =	sbr.rel @!p0 .LBB2_13-.Ltmp1, $4  }
0x1d: {  	[hbm4b:s6+s4] =	stream.linear.scatter [tilespmem:s16], [sflag:$0x1], $0xFC0, $0x38;
	[tilespmem:$0x7300] =	vst v63  }
0x1e: {  	_ =	swait.ge [sflag:s10], $0xFC0  }
0x1f: {  	[sflag:s10] =	ssyncset.done $0x0  }
0x20: {  	[sflag:s10] =	ssyncadd.s32 $0xFFFFF040  }
.LBB2_1:
0x21: {  	[tilespmem:s4], [sflag:$0x1] =	stream.strided.gather [hbm4b:s5+s8], $0x680, s9, s8, $0x38;
	[tilespmem:$0x7300] =	vst v63  }
0x22: {  	_ =	swait.ge [sflag:s10], $0x680  }
0x23: {  	[sflag:s10] =	ssyncset.done $0x0  }
0x24: {  	s18 =	simm.s32 $0x6340;
	[sflag:s10] =	ssyncadd.s32 $0xFFFFF980  }
0x25: {  	[tilespmem:s18+$0xFFFFFFC0] =	vst v2  }
0x26: {  	[tilespmem:s18+$0x30] =	vst v2  }
0x27: {  	[tilespmem:s18+$0x20] =	vst v2  }
0x28: {  	[tilespmem:s18+$0x10] =	vst v2  }
0x29: {  	[tilespmem:s18+$0x0] =	vst v2  }
0x2a: {  	[tilespmem:s18+$0xFFFFFFF0] =	vst v2  }
0x2b: {  	s19 =	simm.s32 $0x0;
	[tilespmem:s18+$0xFFFFFFE0] =	vst v2  }
.LBB2_2:
0x2c: {  	s19 =	sadd.s32 $0x8, s19;
	[tilespmem:s18+$0xFFFFFFD0] =	vst v2;
	s18 =	sadd.s32 $0x80, s18  }
0x2d: {  	[tilespmem:s18+$0xFFFFFFC0] =	vst v2;
	p0 =	slt.u32 s19, $0xF0  }
0x2e: {  	[tilespmem:s18+$0x30] =	vst v2  }
.Ltmp2:
0x2f: {  	[tilespmem:s18+$0x20] =	vst v2;
	(pc) =	sbr.rel @p0 .LBB2_2-.Ltmp2, $4  }
0x30: {  	[tilespmem:s18+$0x10] =	vst v2  }
0x31: {  	[tilespmem:s18+$0x0] =	vst v2  }
0x32: {  	[tilespmem:s18+$0xFFFFFFF0] =	vst v2  }
0x33: {  	[tilespmem:s18+$0xFFFFFFE0] =	vst v2  }
0x34: {  	[tilespmem:s18+$0xFFFFFFD0] =	vst v2  }
0x35: {  	v0 =	vld [tilespmem:$0xE0]  }
0x36: {  	v1 =	vld [tilespmem:$0x380]  }
0x37: {  	v3 =	vld [tilespmem:$0x460];
	_ =	sdelay $0x1  }
0x38: {  	v4 =	vld [tilespmem:$0x1FFE0]  }
0x39: {  	v7 =	vld [tilespmem:$0x2A0];
	v8 =	vtrunc.f32 v0  }
0x3a: {  	v16 =	vld [tilespmem:$0x1FFF0];
	v1 =	vtrunc.f32 v1;
	v8 =	vcvt.f32.s32 v8  }
0x3b: {  	v3 =	vtrunc.f32 v3;
	v1 =	vcvt.f32.s32 v1  }
0x3c: {  	v3 =	vcvt.f32.s32 v3;
	v9 =	vadd.s32 $0xFFFFFFE8, v8  }
0x3d: {  	v10 =	vadd.s32 v1, v9  }
0x3e: {  	vm0 =	vgt.f32 v7, $1.000000010e-01;
	v52 =	vadd.s32 v3, v9;
	vm1 =	vlt.s32 v10, v4  }
0x3f: {  	v11 =	vld [tilespmem:$0x1C0];
	vm13 =	vgt.s32 v52, v16;
	vm0 =	vmand vm0, vm1  }
0x40: {  	v17 =	vimm.s32 $0x0;
	v53 =	vld [tilespmem:$0x0];
	vm0 =	vmand vm0, vm13  }
0x41: {  	v12 =	vsel vm0, $0x1, v17  }
0x42: {  	(xrf0) =	vadd.scan.msk.s32 $0xffff, v12;
	_ =	sdelay $0x1  }
0x43: {  	(erf) = vrcp.f32 v11  }
0x44: {  	v54 =	vtrunc.f32 v53  }
0x45: {  	v11 =	vcvt.f32.s32 v54;
	_ =	sdelay $0x1  }
0x46: {  	v55 =	vcvt.s32.f32 v11;
	v13, _, _ =	vpop (xrf0)  }
0x47: {  	v8 =	vcvt.s32.f32 v8;
	v13 =	vadd.s32 $0xFFFFFFFF, v13  }
0x48: {  	[tilespmem:$0x7280] =	vst v2;
	v10 =	vsub.f32 v53, v55  }
0x49: {  	[tilespmem:$0x7290] =	vst v2;
	v0 =	vsub.f32 v0, v8  }
0x4a: {  	[tilespmem:$0x72A0] =	vst v2;
	v8 =	vadd.f32 $2.400000000e+01, v10  }
0x4b: {  	s18 =	simm.s32 $0x5B00;
	[tilespmem:$0x72B0] =	vst v2;
	v0 =	vadd.f32 $2.400000000e+01, v0;
	v56 =	vpop (erf)  }
0x4c: {  	s19 =	simm.s32 $0x5C00;
	v10 =	vmul.f32 $5.000000000e-01, v56;
	[tilespmem:v13+s18+$0x0] =	vst.idx.msk vm0, v8  }
0x4d: {  	s20 =	simm.s32 $0x5D00;
	[tilespmem:v13+s19+$0x0] =	vst.idx.msk vm0, v0  }
0x4e: {  	s21 =	simm.s32 $0x5E00;
	[tilespmem:v13+s20+$0x0] =	vst.idx.msk vm0, v10  }
0x4f: {  	v0 =	vadd.s32 $0x8, v11;
	[tilespmem:v13+s21+$0x0] =	vst.idx.msk vm0, v7  }
0x50: {  	[tilespmem:v13+s11+$0x0] =	vst.idx.msk vm0, v0  }
0x51: {  	[tilespmem:v13+s12+$0x0] =	vst.idx.msk vm0, v9  }
0x52: {  	[tilespmem:v13+s13+$0x0] =	vst.idx.msk vm0, v1  }
0x53: {  	[tilespmem:v13+s14+$0x0] =	vst.idx.msk vm0, v3  }
0x54: {  	v0 =	vld [tilespmem:$0xF0]  }
0x55: {  	v1 =	vld [tilespmem:$0x390]  }
0x56: {  	v3 =	vld [tilespmem:$0x470];
	_ =	sdelay $0x2  }
0x57: {  	v7 =	vld [tilespmem:$0x2B0];
	v8 =	vtrunc.f32 v0  }
0x58: {  	v1 =	vtrunc.f32 v1;
	v8 =	vcvt.f32.s32 v8  }
0x59: {  	v3 =	vtrunc.f32 v3;
	v1 =	vcvt.f32.s32 v1  }
0x5a: {  	v3 =	vcvt.f32.s32 v3;
	v57 =	vadd.s32 $0xFFFFFFE8, v8  }
0x5b: {  	v58 =	vadd.s32 v1, v57  }
0x5c: {  	vm14 =	vgt.f32 v7, $1.000000010e-01;
	v59 =	vadd.s32 v3, v57;
	vm2 =	vlt.s32 v58, v4  }
0x5d: {  	v60 =	vld [tilespmem:$0x1D0];
	vm15 =	vgt.s32 v59, v16;
	vm1 =	vmand vm14, vm2  }
0x5e: {  	v61 =	vld [tilespmem:$0x10];
	vm1 =	vmand vm1, vm15  }
0x5f: {  	v62 =	vsel vm1, $0x1, v17  }
0x60: {  	(xrf0) =	vadd.scan.msk.s32 $0xffff, v62;
	_ =	sdelay $0x1  }
0x61: {  	v63 =	vmpcnt.ones.xlane vm0;
	(erf) = vrcp.f32 v60  }
0x62: {  	v15 =	vtrunc.f32 v61  }
0x63: {  	v18 =	vadd.s32 $0xFFFFFFFF, v63;
	v11 =	vcvt.f32.s32 v15  }
0x64: {  	v13 =	vbroadcast v18, $0x0  }
0x65: {  	v14 =	vcvt.s32.f32 v11;
	v15, _, _ =	vpop (xrf0)  }
0x66: {  	v8 =	vcvt.s32.f32 v8;
	v13 =	vadd.s32 v15, v13  }
0x67: {  	v10 =	vsub.f32 v61, v14  }
0x68: {  	v0 =	vsub.f32 v0, v8  }
0x69: {  	v8 =	vadd.f32 $2.400000000e+01, v10  }
0x6a: {  	v0 =	vadd.f32 $2.400000000e+01, v0;
	v19 =	vpop (erf)  }
0x6b: {  	v10 =	vmul.f32 $5.000000000e-01, v19;
	[tilespmem:v13+s18+$0x0] =	vst.idx.msk vm1, v8  }
0x6c: {  	[tilespmem:v13+s19+$0x0] =	vst.idx.msk vm1, v0  }
0x6d: {  	[tilespmem:v13+s20+$0x0] =	vst.idx.msk vm1, v10  }
0x6e: {  	v0 =	vadd.s32 $0x8, v11;
	[tilespmem:v13+s21+$0x0] =	vst.idx.msk vm1, v7  }
0x6f: {  	[tilespmem:v13+s11+$0x0] =	vst.idx.msk vm1, v0  }
0x70: {  	[tilespmem:v13+s12+$0x0] =	vst.idx.msk vm1, v57  }
0x71: {  	v0 =	vmpcnt.ones.xlane vm1;
	[tilespmem:v13+s13+$0x0] =	vst.idx.msk vm1, v1  }
0x72: {  	(v2sf) =	vpush v63, $0x0;
	[tilespmem:v13+s14+$0x0] =	vst.idx.msk vm1, v3  }
0x73: {  	(v2sf) =	vpush v0, $0x0;
	v0 =	vld [tilespmem:$0x100]  }
0x74: {  	v1 =	vld [tilespmem:$0x3A0]  }
0x75: {  	v3 =	vld [tilespmem:$0x480];
	_ =	sdelay $0x2  }
0x76: {  	v7 =	vld [tilespmem:$0x2C0];
	v8 =	vtrunc.f32 v0  }
0x77: {  	v1 =	vtrunc.f32 v1;
	v8 =	vcvt.f32.s32 v8  }
0x78: {  	v3 =	vtrunc.f32 v3;
	v1 =	vcvt.f32.s32 v1  }
0x79: {  	v3 =	vcvt.f32.s32 v3;
	v20 =	vadd.s32 $0xFFFFFFE8, v8  }
0x7a: {  	v21 =	vadd.s32 v1, v20  }
0x7b: {  	vm4 =	vgt.f32 v7, $1.000000010e-01;
	v22 =	vadd.s32 v3, v20;
	vm5 =	vlt.s32 v21, v4  }
0x7c: {  	v23 =	vld [tilespmem:$0x1E0];
	vm6 =	vgt.s32 v22, v16;
	vm0 =	vmand vm4, vm5  }
0x7d: {  	v24 =	vld [tilespmem:$0x20];
	vm0 =	vmand vm0, vm6  }
0x7e: {  	v25 =	vsel vm0, $0x1, v17  }
0x7f: {  	s22 =	spop (v2sf);
	(xrf0) =	vadd.scan.msk.s32 $0xffff, v25  }
0x80: {  	s23 =	spop (v2sf)  }
0x81: {  	(erf) = vrcp.f32 v23;
	s22 =	sadd.s32 s22, s23  }
0x82: {  	v26 =	vtrunc.f32 v24;
	v27 =	vmov s22  }
0x83: {  	v11 =	vcvt.f32.s32 v26;
	v12 =	vadd.s32 $0xFFFFFFFF, v27  }
0x84: {  	v12 =	vbroadcast v12, $0x0  }
0x85: {  	v28 =	vcvt.s32.f32 v11;
	v29, _, _ =	vpop (xrf0)  }
0x86: {  	v8 =	vcvt.s32.f32 v8;
	v12 =	vadd.s32 v29, v12  }
0x87: {  	v10 =	vsub.f32 v24, v28  }
0x88: {  	v0 =	vsub.f32 v0, v8  }
0x89: {  	v8 =	vadd.f32 $2.400000000e+01, v10  }
0x8a: {  	v0 =	vadd.f32 $2.400000000e+01, v0;
	v30 =	vpop (erf)  }
0x8b: {  	v10 =	vmul.f32 $5.000000000e-01, v30;
	[tilespmem:v12+s18+$0x0] =	vst.idx.msk vm0, v8  }
0x8c: {  	[tilespmem:v12+s19+$0x0] =	vst.idx.msk vm0, v0  }
0x8d: {  	[tilespmem:v12+s20+$0x0] =	vst.idx.msk vm0, v10  }
0x8e: {  	v0 =	vadd.s32 $0x8, v11;
	[tilespmem:v12+s21+$0x0] =	vst.idx.msk vm0, v7  }
0x8f: {  	[tilespmem:v12+s11+$0x0] =	vst.idx.msk vm0, v0  }
0x90: {  	[tilespmem:v12+s12+$0x0] =	vst.idx.msk vm0, v20  }
0x91: {  	v0 =	vmpcnt.ones.xlane vm0;
	[tilespmem:v12+s13+$0x0] =	vst.idx.msk vm0, v1  }
0x92: {  	[tilespmem:v12+s14+$0x0] =	vst.idx.msk vm0, v3  }
0x93: {  	(v2sf) =	vpush v0, $0x0;
	v0 =	vld [tilespmem:$0x110]  }
0x94: {  	v1 =	vld [tilespmem:$0x3B0]  }
0x95: {  	v3 =	vld [tilespmem:$0x490];
	_ =	sdelay $0x2  }
0x96: {  	v7 =	vld [tilespmem:$0x2D0];
	v8 =	vtrunc.f32 v0  }
0x97: {  	v1 =	vtrunc.f32 v1;
	v8 =	vcvt.f32.s32 v8  }
0x98: {  	v3 =	vtrunc.f32 v3;
	v1 =	vcvt.f32.s32 v1  }
0x99: {  	v3 =	vcvt.f32.s32 v3;
	v31 =	vadd.s32 $0xFFFFFFE8, v8  }
0x9a: {  	v32 =	vadd.s32 v1, v31  }
0x9b: {  	vm7 =	vgt.f32 v7, $1.000000010e-01;
	v33 =	vadd.s32 v3, v31;
	vm8 =	vlt.s32 v32, v4  }
0x9c: {  	v34 =	vld [tilespmem:$0x1F0];
	vm9 =	vgt.s32 v33, v16;
	vm0 =	vmand vm7, vm8  }
0x9d: {  	v36 =	vld [tilespmem:$0x30];
	vm0 =	vmand vm0, vm9  }
0x9e: {  	v37 =	vsel vm0, $0x1, v17  }
0x9f: {  	(xrf0) =	vadd.scan.msk.s32 $0xffff, v37  }
0xa0: {  	s25 =	spop (v2sf)  }
0xa1: {  	(erf) = vrcp.f32 v34;
	s22 =	sadd.s32 s22, s25  }
0xa2: {  	v38 =	vtrunc.f32 v36;
	v39 =	vmov s22  }
0xa3: {  	v11 =	vcvt.f32.s32 v38;
	v12 =	vadd.s32 $0xFFFFFFFF, v39  }
0xa4: {  	v12 =	vbroadcast v12, $0x0  }
0xa5: {  	v40 =	vcvt.s32.f32 v11;
	v41, _, _ =	vpop (xrf0)  }
0xa6: {  	v8 =	vcvt.s32.f32 v8;
	v12 =	vadd.s32 v41, v12  }
0xa7: {  	v10 =	vsub.f32 v36, v40  }
0xa8: {  	v0 =	vsub.f32 v0, v8  }
0xa9: {  	v8 =	vadd.f32 $2.400000000e+01, v10  }
0xaa: {  	v0 =	vadd.f32 $2.400000000e+01, v0;
	v42 =	vpop (erf)  }
0xab: {  	v10 =	vmul.f32 $5.000000000e-01, v42;
	[tilespmem:v12+s18+$0x0] =	vst.idx.msk vm0, v8  }
0xac: {  	[tilespmem:v12+s19+$0x0] =	vst.idx.msk vm0, v0  }
0xad: {  	[tilespmem:v12+s20+$0x0] =	vst.idx.msk vm0, v10  }
0xae: {  	v0 =	vadd.s32 $0x8, v11;
	[tilespmem:v12+s21+$0x0] =	vst.idx.msk vm0, v7  }
0xaf: {  	[tilespmem:v12+s11+$0x0] =	vst.idx.msk vm0, v0  }
0xb0: {  	[tilespmem:v12+s12+$0x0] =	vst.idx.msk vm0, v31  }
0xb1: {  	v0 =	vmpcnt.ones.xlane vm0;
	[tilespmem:v12+s13+$0x0] =	vst.idx.msk vm0, v1  }
0xb2: {  	[tilespmem:v12+s14+$0x0] =	vst.idx.msk vm0, v3  }
0xb3: {  	(v2sf) =	vpush v0, $0x0;
	v0 =	vld [tilespmem:$0x120]  }
0xb4: {  	v1 =	vld [tilespmem:$0x3C0]  }
0xb5: {  	v3 =	vld [tilespmem:$0x4A0];
	_ =	sdelay $0x2  }
0xb6: {  	v7 =	vld [tilespmem:$0x2E0];
	v8 =	vtrunc.f32 v0  }
0xb7: {  	v1 =	vtrunc.f32 v1;
	v8 =	vcvt.f32.s32 v8  }
0xb8: {  	v3 =	vtrunc.f32 v3;
	v1 =	vcvt.f32.s32 v1  }
0xb9: {  	v3 =	vcvt.f32.s32 v3;
	v43 =	vadd.s32 $0xFFFFFFE8, v8  }
0xba: {  	v44 =	vadd.s32 v1, v43  }
0xbb: {  	vm10 =	vgt.f32 v7, $1.000000010e-01;
	v45 =	vadd.s32 v3, v43;
	vm11 =	vlt.s32 v44, v4  }
0xbc: {  	v46 =	vld [tilespmem:$0x200];
	vm12 =	vgt.s32 v45, v16;
	vm0 =	vmand vm10, vm11  }
0xbd: {  	v47 =	vld [tilespmem:$0x40];
	vm0 =	vmand vm0, vm12  }
0xbe: {  	v48 =	vsel vm0, $0x1, v17  }
0xbf: {  	(xrf0) =	vadd.scan.msk.s32 $0xffff, v48  }
0xc0: {  	s26 =	spop (v2sf)  }
0xc1: {  	(erf) = vrcp.f32 v46;
	s22 =	sadd.s32 s22, s26  }
0xc2: {  	v49 =	vtrunc.f32 v47;
	v50 =	vmov s22  }
0xc3: {  	v11 =	vcvt.f32.s32 v49;
	v12 =	vadd.s32 $0xFFFFFFFF, v50  }
0xc4: {  	v12 =	vbroadcast v12, $0x0  }
0xc5: {  	v51 =	vcvt.s32.f32 v11;
	v52, _, _ =	vpop (xrf0)  }
0xc6: {  	v8 =	vcvt.s32.f32 v8;
	v12 =	vadd.s32 v52, v12  }
0xc7: {  	v10 =	vsub.f32 v47, v51  }
0xc8: {  	v0 =	vsub.f32 v0, v8  }
0xc9: {  	v8 =	vadd.f32 $2.400000000e+01, v10  }
0xca: {  	v0 =	vadd.f32 $2.400000000e+01, v0;
	v53 =	vpop (erf)  }
0xcb: {  	v10 =	vmul.f32 $5.000000000e-01, v53;
	[tilespmem:v12+s18+$0x0] =	vst.idx.msk vm0, v8  }
0xcc: {  	[tilespmem:v12+s19+$0x0] =	vst.idx.msk vm0, v0  }
0xcd: {  	[tilespmem:v12+s20+$0x0] =	vst.idx.msk vm0, v10  }
0xce: {  	v0 =	vadd.s32 $0x8, v11;
	[tilespmem:v12+s21+$0x0] =	vst.idx.msk vm0, v7  }
0xcf: {  	[tilespmem:v12+s11+$0x0] =	vst.idx.msk vm0, v0  }
0xd0: {  	[tilespmem:v12+s12+$0x0] =	vst.idx.msk vm0, v43  }
0xd1: {  	v0 =	vmpcnt.ones.xlane vm0;
	[tilespmem:v12+s13+$0x0] =	vst.idx.msk vm0, v1  }
0xd2: {  	[tilespmem:v12+s14+$0x0] =	vst.idx.msk vm0, v3  }
0xd3: {  	(v2sf) =	vpush v0, $0x0;
	v0 =	vld [tilespmem:$0x130]  }
0xd4: {  	v1 =	vld [tilespmem:$0x3D0]  }
0xd5: {  	v3 =	vld [tilespmem:$0x4B0];
	_ =	sdelay $0x2  }
0xd6: {  	v7 =	vld [tilespmem:$0x2F0];
	v8 =	vtrunc.f32 v0  }
0xd7: {  	v1 =	vtrunc.f32 v1;
	v8 =	vcvt.f32.s32 v8  }
0xd8: {  	v3 =	vtrunc.f32 v3;
	v1 =	vcvt.f32.s32 v1  }
0xd9: {  	v3 =	vcvt.f32.s32 v3;
	v54 =	vadd.s32 $0xFFFFFFE8, v8  }
0xda: {  	v55 =	vadd.s32 v1, v54  }
0xdb: {  	vm13 =	vgt.f32 v7, $1.000000010e-01;
	v56 =	vadd.s32 v3, v54;
	vm14 =	vlt.s32 v55, v4  }
0xdc: {  	v57 =	vld [tilespmem:$0x210];
	vm15 =	vgt.s32 v56, v16;
	vm0 =	vmand vm13, vm14  }
0xdd: {  	v58 =	vld [tilespmem:$0x50];
	vm0 =	vmand vm0, vm15  }
0xde: {  	v59 =	vsel vm0, $0x1, v17  }
0xdf: {  	(xrf0) =	vadd.scan.msk.s32 $0xffff, v59  }
0xe0: {  	s28 =	spop (v2sf)  }
0xe1: {  	(erf) = vrcp.f32 v57;
	s22 =	sadd.s32 s22, s28  }
0xe2: {  	v60 =	vtrunc.f32 v58;
	v61 =	vmov s22  }
0xe3: {  	v11 =	vcvt.f32.s32 v60;
	v12 =	vadd.s32 $0xFFFFFFFF, v61  }
0xe4: {  	v12 =	vbroadcast v12, $0x0  }
0xe5: {  	v62 =	vcvt.s32.f32 v11;
	v63, _, _ =	vpop (xrf0)  }
0xe6: {  	v8 =	vcvt.s32.f32 v8;
	v12 =	vadd.s32 v63, v12  }
0xe7: {  	v10 =	vsub.f32 v58, v62  }
0xe8: {  	v0 =	vsub.f32 v0, v8  }
0xe9: {  	v8 =	vadd.f32 $2.400000000e+01, v10  }
0xea: {  	v0 =	vadd.f32 $2.400000000e+01, v0;
	v15 =	vpop (erf)  }
0xeb: {  	v10 =	vmul.f32 $5.000000000e-01, v15;
	[tilespmem:v12+s18+$0x0] =	vst.idx.msk vm0, v8  }
0xec: {  	[tilespmem:v12+s19+$0x0] =	vst.idx.msk vm0, v0  }
0xed: {  	[tilespmem:v12+s20+$0x0] =	vst.idx.msk vm0, v10  }
0xee: {  	v0 =	vadd.s32 $0x8, v11;
	[tilespmem:v12+s21+$0x0] =	vst.idx.msk vm0, v7  }
0xef: {  	[tilespmem:v12+s11+$0x0] =	vst.idx.msk vm0, v0  }
0xf0: {  	[tilespmem:v12+s12+$0x0] =	vst.idx.msk vm0, v54  }
0xf1: {  	v0 =	vmpcnt.ones.xlane vm0;
	[tilespmem:v12+s13+$0x0] =	vst.idx.msk vm0, v1  }
0xf2: {  	[tilespmem:v12+s14+$0x0] =	vst.idx.msk vm0, v3  }
0xf3: {  	(v2sf) =	vpush v0, $0x0;
	v0 =	vld [tilespmem:$0x140]  }
0xf4: {  	v1 =	vld [tilespmem:$0x3E0]  }
0xf5: {  	v3 =	vld [tilespmem:$0x4C0];
	_ =	sdelay $0x2  }
0xf6: {  	v7 =	vld [tilespmem:$0x300];
	v8 =	vtrunc.f32 v0  }
0xf7: {  	v1 =	vtrunc.f32 v1;
	v8 =	vcvt.f32.s32 v8  }
0xf8: {  	v3 =	vtrunc.f32 v3;
	v1 =	vcvt.f32.s32 v1  }
0xf9: {  	v3 =	vcvt.f32.s32 v3;
	v18 =	vadd.s32 $0xFFFFFFE8, v8  }
0xfa: {  	v19 =	vadd.s32 v1, v18  }
0xfb: {  	vm4 =	vgt.f32 v7, $1.000000010e-01;
	v20 =	vadd.s32 v3, v18;
	vm5 =	vlt.s32 v19, v4  }
0xfc: {  	v21 =	vld [tilespmem:$0x220];
	vm6 =	vgt.s32 v20, v16;
	vm0 =	vmand vm4, vm5  }
0xfd: {  	v22 =	vld [tilespmem:$0x60];
	vm0 =	vmand vm0, vm6  }
0xfe: {  	v23 =	vsel vm0, $0x1, v17  }
0xff: {  	(xrf0) =	vadd.scan.msk.s32 $0xffff, v23  }
0x100: {  	s29 =	spop (v2sf)  }
0x101: {  	(erf) = vrcp.f32 v21;
	s22 =	sadd.s32 s22, s29  }
0x102: {  	v24 =	vtrunc.f32 v22;
	v25 =	vmov s22  }
0x103: {  	v11 =	vcvt.f32.s32 v24;
	v12 =	vadd.s32 $0xFFFFFFFF, v25  }
0x104: {  	v12 =	vbroadcast v12, $0x0  }
0x105: {  	v26 =	vcvt.s32.f32 v11;
	v27, _, _ =	vpop (xrf0)  }
0x106: {  	v8 =	vcvt.s32.f32 v8;
	v12 =	vadd.s32 v27, v12  }
0x107: {  	v10 =	vsub.f32 v22, v26  }
0x108: {  	v0 =	vsub.f32 v0, v8  }
0x109: {  	v8 =	vadd.f32 $2.400000000e+01, v10  }
0x10a: {  	v0 =	vadd.f32 $2.400000000e+01, v0;
	v28 =	vpop (erf)  }
0x10b: {  	v10 =	vmul.f32 $5.000000000e-01, v28;
	[tilespmem:v12+s18+$0x0] =	vst.idx.msk vm0, v8  }
0x10c: {  	[tilespmem:v12+s19+$0x0] =	vst.idx.msk vm0, v0  }
0x10d: {  	[tilespmem:v12+s20+$0x0] =	vst.idx.msk vm0, v10  }
0x10e: {  	v0 =	vadd.s32 $0x8, v11;
	[tilespmem:v12+s21+$0x0] =	vst.idx.msk vm0, v7  }
0x10f: {  	[tilespmem:v12+s11+$0x0] =	vst.idx.msk vm0, v0  }
0x110: {  	[tilespmem:v12+s12+$0x0] =	vst.idx.msk vm0, v18  }
0x111: {  	v0 =	vmpcnt.ones.xlane vm0;
	[tilespmem:v12+s13+$0x0] =	vst.idx.msk vm0, v1  }
0x112: {  	[tilespmem:v12+s14+$0x0] =	vst.idx.msk vm0, v3  }
0x113: {  	(v2sf) =	vpush v0, $0x0;
	v0 =	vld [tilespmem:$0x150]  }
0x114: {  	v1 =	vld [tilespmem:$0x3F0]  }
0x115: {  	v3 =	vld [tilespmem:$0x4D0];
	_ =	sdelay $0x2  }
0x116: {  	v7 =	vld [tilespmem:$0x310];
	v8 =	vtrunc.f32 v0  }
0x117: {  	v1 =	vtrunc.f32 v1;
	v8 =	vcvt.f32.s32 v8  }
0x118: {  	v3 =	vtrunc.f32 v3;
	v1 =	vcvt.f32.s32 v1  }
0x119: {  	v3 =	vcvt.f32.s32 v3;
	v29 =	vadd.s32 $0xFFFFFFE8, v8  }
0x11a: {  	v30 =	vadd.s32 v1, v29  }
0x11b: {  	vm7 =	vgt.f32 v7, $1.000000010e-01;
	v31 =	vadd.s32 v3, v29;
	vm8 =	vlt.s32 v30, v4  }
0x11c: {  	v32 =	vld [tilespmem:$0x230];
	vm9 =	vgt.s32 v31, v16;
	vm0 =	vmand vm7, vm8  }
0x11d: {  	v33 =	vld [tilespmem:$0x70];
	vm0 =	vmand vm0, vm9  }
0x11e: {  	v34 =	vsel vm0, $0x1, v17  }
0x11f: {  	(xrf0) =	vadd.scan.msk.s32 $0xffff, v34  }
0x120: {  	s30 =	spop (v2sf)  }
0x121: {  	(erf) = vrcp.f32 v32;
	s22 =	sadd.s32 s22, s30  }
0x122: {  	v36 =	vtrunc.f32 v33;
	v37 =	vmov s22  }
0x123: {  	v11 =	vcvt.f32.s32 v36;
	v12 =	vadd.s32 $0xFFFFFFFF, v37  }
0x124: {  	v12 =	vbroadcast v12, $0x0  }
0x125: {  	v38 =	vcvt.s32.f32 v11;
	v39, _, _ =	vpop (xrf0)  }
0x126: {  	v8 =	vcvt.s32.f32 v8;
	v12 =	vadd.s32 v39, v12  }
0x127: {  	v10 =	vsub.f32 v33, v38  }
0x128: {  	v0 =	vsub.f32 v0, v8  }
0x129: {  	v8 =	vadd.f32 $2.400000000e+01, v10  }
0x12a: {  	v0 =	vadd.f32 $2.400000000e+01, v0;
	v40 =	vpop (erf)  }
0x12b: {  	v10 =	vmul.f32 $5.000000000e-01, v40;
	[tilespmem:v12+s18+$0x0] =	vst.idx.msk vm0, v8  }
0x12c: {  	[tilespmem:v12+s19+$0x0] =	vst.idx.msk vm0, v0  }
0x12d: {  	[tilespmem:v12+s20+$0x0] =	vst.idx.msk vm0, v10  }
0x12e: {  	v0 =	vadd.s32 $0x8, v11;
	[tilespmem:v12+s21+$0x0] =	vst.idx.msk vm0, v7  }
0x12f: {  	[tilespmem:v12+s11+$0x0] =	vst.idx.msk vm0, v0  }
0x130: {  	[tilespmem:v12+s12+$0x0] =	vst.idx.msk vm0, v29  }
0x131: {  	v0 =	vmpcnt.ones.xlane vm0;
	[tilespmem:v12+s13+$0x0] =	vst.idx.msk vm0, v1  }
0x132: {  	[tilespmem:v12+s14+$0x0] =	vst.idx.msk vm0, v3  }
0x133: {  	(v2sf) =	vpush v0, $0x0;
	v0 =	vld [tilespmem:$0x160]  }
0x134: {  	v1 =	vld [tilespmem:$0x400]  }
0x135: {  	v3 =	vld [tilespmem:$0x4E0];
	_ =	sdelay $0x2  }
0x136: {  	v7 =	vld [tilespmem:$0x320];
	v8 =	vtrunc.f32 v0  }
0x137: {  	v1 =	vtrunc.f32 v1;
	v8 =	vcvt.f32.s32 v8  }
0x138: {  	v3 =	vtrunc.f32 v3;
	v1 =	vcvt.f32.s32 v1  }
0x139: {  	v3 =	vcvt.f32.s32 v3;
	v41 =	vadd.s32 $0xFFFFFFE8, v8  }
0x13a: {  	v42 =	vadd.s32 v1, v41  }
0x13b: {  	vm10 =	vgt.f32 v7, $1.000000010e-01;
	v43 =	vadd.s32 v3, v41;
	vm11 =	vlt.s32 v42, v4  }
0x13c: {  	v44 =	vld [tilespmem:$0x240];
	vm12 =	vgt.s32 v43, v16;
	vm0 =	vmand vm10, vm11  }
0x13d: {  	v45 =	vld [tilespmem:$0x80];
	vm0 =	vmand vm0, vm12  }
0x13e: {  	v46 =	vsel vm0, $0x1, v17  }
0x13f: {  	(xrf0) =	vadd.scan.msk.s32 $0xffff, v46  }
0x140: {  	s31 =	spop (v2sf)  }
0x141: {  	(erf) = vrcp.f32 v44;
	s22 =	sadd.s32 s22, s31  }
0x142: {  	v47 =	vtrunc.f32 v45;
	v48 =	vmov s22  }
0x143: {  	v11 =	vcvt.f32.s32 v47;
	v12 =	vadd.s32 $0xFFFFFFFF, v48  }
0x144: {  	v12 =	vbroadcast v12, $0x0  }
0x145: {  	v49 =	vcvt.s32.f32 v11;
	v50, _, _ =	vpop (xrf0)  }
0x146: {  	v8 =	vcvt.s32.f32 v8;
	v12 =	vadd.s32 v50, v12  }
0x147: {  	v10 =	vsub.f32 v45, v49  }
0x148: {  	v0 =	vsub.f32 v0, v8  }
0x149: {  	v8 =	vadd.f32 $2.400000000e+01, v10  }
0x14a: {  	v0 =	vadd.f32 $2.400000000e+01, v0;
	v51 =	vpop (erf)  }
0x14b: {  	v10 =	vmul.f32 $5.000000000e-01, v51;
	[tilespmem:v12+s18+$0x0] =	vst.idx.msk vm0, v8  }
0x14c: {  	[tilespmem:v12+s19+$0x0] =	vst.idx.msk vm0, v0  }
0x14d: {  	[tilespmem:v12+s20+$0x0] =	vst.idx.msk vm0, v10  }
0x14e: {  	v0 =	vadd.s32 $0x8, v11;
	[tilespmem:v12+s21+$0x0] =	vst.idx.msk vm0, v7  }
0x14f: {  	[tilespmem:v12+s11+$0x0] =	vst.idx.msk vm0, v0  }
0x150: {  	[tilespmem:v12+s12+$0x0] =	vst.idx.msk vm0, v41  }
0x151: {  	v0 =	vmpcnt.ones.xlane vm0;
	[tilespmem:v12+s13+$0x0] =	vst.idx.msk vm0, v1  }
0x152: {  	[tilespmem:v12+s14+$0x0] =	vst.idx.msk vm0, v3  }
0x153: {  	(v2sf) =	vpush v0, $0x0;
	v0 =	vld [tilespmem:$0x170]  }
0x154: {  	v1 =	vld [tilespmem:$0x410]  }
0x155: {  	v3 =	vld [tilespmem:$0x4F0];
	_ =	sdelay $0x2  }
0x156: {  	v7 =	vld [tilespmem:$0x330];
	v8 =	vtrunc.f32 v0  }
0x157: {  	v1 =	vtrunc.f32 v1;
	v8 =	vcvt.f32.s32 v8  }
0x158: {  	v3 =	vtrunc.f32 v3;
	v1 =	vcvt.f32.s32 v1  }
0x159: {  	v3 =	vcvt.f32.s32 v3;
	v52 =	vadd.s32 $0xFFFFFFE8, v8  }
0x15a: {  	v53 =	vadd.s32 v1, v52  }
0x15b: {  	vm13 =	vgt.f32 v7, $1.000000010e-01;
	v54 =	vadd.s32 v3, v52;
	vm14 =	vlt.s32 v53, v4  }
0x15c: {  	v55 =	vld [tilespmem:$0x250];
	vm15 =	vgt.s32 v54, v16;
	vm0 =	vmand vm13, vm14  }
0x15d: {  	v56 =	vld [tilespmem:$0x90];
	vm0 =	vmand vm0, vm15  }
0x15e: {  	v57 =	vsel vm0, $0x1, v17  }
0x15f: {  	(xrf0) =	vadd.scan.msk.s32 $0xffff, v57  }
0x160: {  	s24 =	spop (v2sf)  }
0x161: {  	(erf) = vrcp.f32 v55;
	s22 =	sadd.s32 s22, s24  }
0x162: {  	v58 =	vtrunc.f32 v56;
	v59 =	vmov s22  }
0x163: {  	v11 =	vcvt.f32.s32 v58;
	v12 =	vadd.s32 $0xFFFFFFFF, v59  }
0x164: {  	v12 =	vbroadcast v12, $0x0  }
0x165: {  	v60 =	vcvt.s32.f32 v11;
	v61, _, _ =	vpop (xrf0)  }
0x166: {  	v8 =	vcvt.s32.f32 v8;
	v12 =	vadd.s32 v61, v12  }
0x167: {  	v10 =	vsub.f32 v56, v60  }
0x168: {  	v0 =	vsub.f32 v0, v8  }
0x169: {  	v8 =	vadd.f32 $2.400000000e+01, v10  }
0x16a: {  	v0 =	vadd.f32 $2.400000000e+01, v0;
	v62 =	vpop (erf)  }
0x16b: {  	v10 =	vmul.f32 $5.000000000e-01, v62;
	[tilespmem:v12+s18+$0x0] =	vst.idx.msk vm0, v8  }
0x16c: {  	[tilespmem:v12+s19+$0x0] =	vst.idx.msk vm0, v0  }
0x16d: {  	[tilespmem:v12+s20+$0x0] =	vst.idx.msk vm0, v10  }
0x16e: {  	v0 =	vadd.s32 $0x8, v11;
	[tilespmem:v12+s21+$0x0] =	vst.idx.msk vm0, v7  }
0x16f: {  	[tilespmem:v12+s11+$0x0] =	vst.idx.msk vm0, v0  }
0x170: {  	[tilespmem:v12+s12+$0x0] =	vst.idx.msk vm0, v52  }
0x171: {  	v0 =	vmpcnt.ones.xlane vm0;
	[tilespmem:v12+s13+$0x0] =	vst.idx.msk vm0, v1  }
0x172: {  	[tilespmem:v12+s14+$0x0] =	vst.idx.msk vm0, v3  }
0x173: {  	(v2sf) =	vpush v0, $0x0;
	v0 =	vld [tilespmem:$0x180]  }
0x174: {  	v1 =	vld [tilespmem:$0x420]  }
0x175: {  	v3 =	vld [tilespmem:$0x500];
	_ =	sdelay $0x2  }
0x176: {  	v7 =	vld [tilespmem:$0x340];
	v8 =	vtrunc.f32 v0  }
0x177: {  	v1 =	vtrunc.f32 v1;
	v8 =	vcvt.f32.s32 v8  }
0x178: {  	v3 =	vtrunc.f32 v3;
	v1 =	vcvt.f32.s32 v1  }
0x179: {  	v3 =	vcvt.f32.s32 v3;
	v63 =	vadd.s32 $0xFFFFFFE8, v8  }
0x17a: {  	v18 =	vadd.s32 v1, v63  }
0x17b: {  	vm4 =	vgt.f32 v7, $1.000000010e-01;
	v19 =	vadd.s32 v3, v63;
	vm5 =	vlt.s32 v18, v4  }
0x17c: {  	v20 =	vld [tilespmem:$0x260];
	vm6 =	vgt.s32 v19, v16;
	vm0 =	vmand vm4, vm5  }
0x17d: {  	v21 =	vld [tilespmem:$0xA0];
	vm0 =	vmand vm0, vm6  }
0x17e: {  	v22 =	vsel vm0, $0x1, v17  }
0x17f: {  	(xrf0) =	vadd.scan.msk.s32 $0xffff, v22  }
0x180: {  	s25 =	spop (v2sf)  }
0x181: {  	(erf) = vrcp.f32 v20;
	s22 =	sadd.s32 s22, s25  }
0x182: {  	v23 =	vtrunc.f32 v21;
	v24 =	vmov s22  }
0x183: {  	v11 =	vcvt.f32.s32 v23;
	v12 =	vadd.s32 $0xFFFFFFFF, v24  }
0x184: {  	v12 =	vbroadcast v12, $0x0  }
0x185: {  	v25 =	vcvt.s32.f32 v11;
	v26, _, _ =	vpop (xrf0)  }
0x186: {  	v8 =	vcvt.s32.f32 v8;
	v12 =	vadd.s32 v26, v12  }
0x187: {  	v10 =	vsub.f32 v21, v25  }
0x188: {  	v0 =	vsub.f32 v0, v8  }
0x189: {  	v8 =	vadd.f32 $2.400000000e+01, v10  }
0x18a: {  	v0 =	vadd.f32 $2.400000000e+01, v0;
	v27 =	vpop (erf)  }
0x18b: {  	v10 =	vmul.f32 $5.000000000e-01, v27;
	[tilespmem:v12+s18+$0x0] =	vst.idx.msk vm0, v8  }
0x18c: {  	[tilespmem:v12+s19+$0x0] =	vst.idx.msk vm0, v0  }
0x18d: {  	[tilespmem:v12+s20+$0x0] =	vst.idx.msk vm0, v10  }
0x18e: {  	v0 =	vadd.s32 $0x8, v11;
	[tilespmem:v12+s21+$0x0] =	vst.idx.msk vm0, v7  }
0x18f: {  	[tilespmem:v12+s11+$0x0] =	vst.idx.msk vm0, v0  }
0x190: {  	[tilespmem:v12+s12+$0x0] =	vst.idx.msk vm0, v63  }
0x191: {  	v0 =	vmpcnt.ones.xlane vm0;
	[tilespmem:v12+s13+$0x0] =	vst.idx.msk vm0, v1  }
0x192: {  	[tilespmem:v12+s14+$0x0] =	vst.idx.msk vm0, v3  }
0x193: {  	(v2sf) =	vpush v0, $0x0;
	v0 =	vld [tilespmem:$0x190]  }
0x194: {  	v1 =	vld [tilespmem:$0x430]  }
0x195: {  	v3 =	vld [tilespmem:$0x510];
	_ =	sdelay $0x2  }
0x196: {  	v7 =	vld [tilespmem:$0x350];
	v8 =	vtrunc.f32 v0  }
0x197: {  	v1 =	vtrunc.f32 v1;
	v8 =	vcvt.f32.s32 v8  }
0x198: {  	v3 =	vtrunc.f32 v3;
	v1 =	vcvt.f32.s32 v1  }
0x199: {  	v3 =	vcvt.f32.s32 v3;
	v28 =	vadd.s32 $0xFFFFFFE8, v8  }
0x19a: {  	v29 =	vadd.s32 v1, v28  }
0x19b: {  	vm7 =	vgt.f32 v7, $1.000000010e-01;
	v30 =	vadd.s32 v3, v28;
	vm8 =	vlt.s32 v29, v4  }
0x19c: {  	v31 =	vld [tilespmem:$0x270];
	vm9 =	vgt.s32 v30, v16;
	vm0 =	vmand vm7, vm8  }
0x19d: {  	v32 =	vld [tilespmem:$0xB0];
	vm0 =	vmand vm0, vm9  }
0x19e: {  	v33 =	vsel vm0, $0x1, v17  }
0x19f: {  	(xrf0) =	vadd.scan.msk.s32 $0xffff, v33  }
0x1a0: {  	s26 =	spop (v2sf)  }
0x1a1: {  	(erf) = vrcp.f32 v31;
	s22 =	sadd.s32 s22, s26  }
0x1a2: {  	v34 =	vtrunc.f32 v32;
	v36 =	vmov s22  }
0x1a3: {  	v11 =	vcvt.f32.s32 v34;
	v12 =	vadd.s32 $0xFFFFFFFF, v36  }
0x1a4: {  	v12 =	vbroadcast v12, $0x0  }
0x1a5: {  	v37 =	vcvt.s32.f32 v11;
	v38, _, _ =	vpop (xrf0)  }
0x1a6: {  	v8 =	vcvt.s32.f32 v8;
	v12 =	vadd.s32 v38, v12  }
0x1a7: {  	v10 =	vsub.f32 v32, v37  }
0x1a8: {  	v0 =	vsub.f32 v0, v8  }
0x1a9: {  	v8 =	vadd.f32 $2.400000000e+01, v10  }
0x1aa: {  	v0 =	vadd.f32 $2.400000000e+01, v0;
	v39 =	vpop (erf)  }
0x1ab: {  	v10 =	vmul.f32 $5.000000000e-01, v39;
	[tilespmem:v12+s18+$0x0] =	vst.idx.msk vm0, v8  }
0x1ac: {  	[tilespmem:v12+s19+$0x0] =	vst.idx.msk vm0, v0  }
0x1ad: {  	[tilespmem:v12+s20+$0x0] =	vst.idx.msk vm0, v10  }
0x1ae: {  	v0 =	vadd.s32 $0x8, v11;
	[tilespmem:v12+s21+$0x0] =	vst.idx.msk vm0, v7  }
0x1af: {  	[tilespmem:v12+s11+$0x0] =	vst.idx.msk vm0, v0  }
0x1b0: {  	[tilespmem:v12+s12+$0x0] =	vst.idx.msk vm0, v28  }
0x1b1: {  	v0 =	vmpcnt.ones.xlane vm0;
	[tilespmem:v12+s13+$0x0] =	vst.idx.msk vm0, v1  }
0x1b2: {  	[tilespmem:v12+s14+$0x0] =	vst.idx.msk vm0, v3  }
0x1b3: {  	(v2sf) =	vpush v0, $0x0;
	v0 =	vld [tilespmem:$0x1A0]  }
0x1b4: {  	v1 =	vld [tilespmem:$0x440]  }
0x1b5: {  	v3 =	vld [tilespmem:$0x520];
	_ =	sdelay $0x2  }
0x1b6: {  	v7 =	vld [tilespmem:$0x360];
	v8 =	vtrunc.f32 v0  }
0x1b7: {  	v1 =	vtrunc.f32 v1;
	v8 =	vcvt.f32.s32 v8  }
0x1b8: {  	v3 =	vtrunc.f32 v3;
	v1 =	vcvt.f32.s32 v1  }
0x1b9: {  	v3 =	vcvt.f32.s32 v3;
	v40 =	vadd.s32 $0xFFFFFFE8, v8  }
0x1ba: {  	v41 =	vadd.s32 v1, v40  }
0x1bb: {  	vm10 =	vgt.f32 v7, $1.000000010e-01;
	v42 =	vadd.s32 v3, v40;
	vm11 =	vlt.s32 v41, v4  }
0x1bc: {  	v43 =	vld [tilespmem:$0x280];
	vm12 =	vgt.s32 v42, v16;
	vm0 =	vmand vm10, vm11  }
0x1bd: {  	v44 =	vld [tilespmem:$0xC0];
	vm0 =	vmand vm0, vm12  }
0x1be: {  	v45 =	vsel vm0, $0x1, v17  }
0x1bf: {  	(xrf0) =	vadd.scan.msk.s32 $0xffff, v45  }
0x1c0: {  	s28 =	spop (v2sf)  }
0x1c1: {  	(erf) = vrcp.f32 v43;
	s22 =	sadd.s32 s22, s28  }
0x1c2: {  	v46 =	vtrunc.f32 v44;
	v47 =	vmov s22  }
0x1c3: {  	v11 =	vcvt.f32.s32 v46;
	v12 =	vadd.s32 $0xFFFFFFFF, v47  }
0x1c4: {  	v12 =	vbroadcast v12, $0x0  }
0x1c5: {  	v48 =	vcvt.s32.f32 v11;
	v49, _, _ =	vpop (xrf0)  }
0x1c6: {  	v8 =	vcvt.s32.f32 v8;
	v12 =	vadd.s32 v49, v12  }
0x1c7: {  	v10 =	vsub.f32 v44, v48  }
0x1c8: {  	v0 =	vsub.f32 v0, v8  }
0x1c9: {  	v8 =	vadd.f32 $2.400000000e+01, v10  }
0x1ca: {  	v0 =	vadd.f32 $2.400000000e+01, v0;
	v50 =	vpop (erf)  }
0x1cb: {  	v10 =	vmul.f32 $5.000000000e-01, v50;
	[tilespmem:v12+s18+$0x0] =	vst.idx.msk vm0, v8  }
0x1cc: {  	[tilespmem:v12+s19+$0x0] =	vst.idx.msk vm0, v0  }
0x1cd: {  	[tilespmem:v12+s20+$0x0] =	vst.idx.msk vm0, v10  }
0x1ce: {  	v0 =	vadd.s32 $0x8, v11;
	[tilespmem:v12+s21+$0x0] =	vst.idx.msk vm0, v7  }
0x1cf: {  	[tilespmem:v12+s11+$0x0] =	vst.idx.msk vm0, v0  }
0x1d0: {  	[tilespmem:v12+s12+$0x0] =	vst.idx.msk vm0, v40  }
0x1d1: {  	[tilespmem:v12+s13+$0x0] =	vst.idx.msk vm0, v1  }
0x1d2: {  	[tilespmem:v12+s14+$0x0] =	vst.idx.msk vm0, v3  }
0x1d3: {  	v0 =	vld [tilespmem:$0x1B0]  }
0x1d4: {  	v1 =	vld [tilespmem:$0x450]  }
0x1d5: {  	v3 =	vld [tilespmem:$0x530];
	_ =	sdelay $0x2  }
0x1d6: {  	v7 =	vmpcnt.ones.xlane vm0;
	v8 =	vld [tilespmem:$0x370];
	v51 =	vtrunc.f32 v0  }
0x1d7: {  	v1 =	vtrunc.f32 v1;
	v9 =	vcvt.f32.s32 v51  }
0x1d8: {  	v3 =	vtrunc.f32 v3;
	v1 =	vcvt.f32.s32 v1  }
0x1d9: {  	(v2sf) =	vpush v7, $0x0;
	v3 =	vcvt.f32.s32 v3;
	v7 =	vadd.s32 $0xFFFFFFE8, v9  }
0x1da: {  	v52 =	vadd.s32 v1, v7  }
0x1db: {  	vm13 =	vgt.f32 v8, $1.000000010e-01;
	v53 =	vadd.s32 v3, v7;
	vm14 =	vlt.s32 v52, v4  }
0x1dc: {  	vm15 =	vgt.s32 v53, v16;
	vm0 =	vmand vm13, vm14  }
0x1dd: {  	vm0 =	vmand vm0, vm15  }
0x1de: {  	v54 =	vmpcnt.ones.xlane vm0;
	_ =	sdelay $0x1  }
0x1df: {  	(v2sf) =	vpush v54, $0x0;
	_ =	sdelay $0x6  }
0x1e0: {  	v55 =	vld [tilespmem:$0x290]  }
0x1e1: {  	v56 =	vld [tilespmem:$0xD0]  }
0x1e2: {  	v57 =	vsel vm0, $0x1, v17  }
0x1e3: {  	(xrf0) =	vadd.scan.msk.s32 $0xffff, v57  }
0x1e4: {  	s29 =	spop (v2sf)  }
0x1e5: {  	(erf) = vrcp.f32 v55;
	s22 =	sadd.s32 s22, s29  }
0x1e6: {  	v58 =	vtrunc.f32 v56;
	v59 =	vmov s22  }
0x1e7: {  	v10 =	vcvt.f32.s32 v58;
	v12 =	vadd.s32 $0xFFFFFFFF, v59  }
0x1e8: {  	v12 =	vbroadcast v12, $0x0;
	s30 =	spop (v2sf)  }
0x1e9: {  	v60 =	vcvt.s32.f32 v10;
	v61, _, _ =	vpop (xrf0);
	s22 =	sadd.s32 s22, s30  }
0x1ea: {  	v9 =	vcvt.s32.f32 v9;
	v12 =	vadd.s32 v61, v12;
	s23 =	sadd.s32 $0xF, s22  }
0x1eb: {  	v11 =	vsub.f32 v56, v60;
	s24 =	sand.u32 $0xF, s23  }
0x1ec: {  	v0 =	vsub.f32 v0, v9;
	s31 =	sshra.s32 s23, $0x1F;
	p1 =	slt.s32 s23, $0x1;
	p0 =	sne.s32 s24, $0x0  }
0x1ed: {  	v62 =	vadd.f32 $2.400000000e+01, v11;
	s24 =	sshrl.u32 s31, $0x1C;
	p0 =	por !p1, !p0  }
0x1ee: {  	v0 =	vadd.f32 $2.400000000e+01, v0;
	v63 =	vpop (erf);
	s23 =	sadd.s32 s24, s23;
	s24 =	simm.s32 $0x1;
	p0 =	por !p0, !p0  }
0x1ef: {  	v11 =	vmul.f32 $5.000000000e-01, v63;
	[tilespmem:v12+s18+$0x0] =	vst.idx.msk vm0, v62;
	s23 =	sshra.s32 s23, $0x4;
	s24 =	simm.s32 @!p0 $0x0  }
0x1f0: {  	[tilespmem:v12+s19+$0x0] =	vst.idx.msk vm0, v0;
	s23 =	ssub.s32 s23, s24  }
0x1f1: {  	[tilespmem:v12+s20+$0x0] =	vst.idx.msk vm0, v11;
	p0 =	sgt.s32 s23, $0x0  }
.Ltmp3:
0x1f2: {  	v0 =	vadd.s32 $0x8, v10;
	[tilespmem:v12+s21+$0x0] =	vst.idx.msk vm0, v8;
	(pc) =	sbr.rel @!p0 .LBB2_6-.Ltmp3, $4  }
0x1f3: {  	[tilespmem:v12+s11+$0x0] =	vst.idx.msk vm0, v0  }
0x1f4: {  	[tilespmem:v12+s12+$0x0] =	vst.idx.msk vm0, v7  }
0x1f5: {  	[tilespmem:v12+s13+$0x0] =	vst.idx.msk vm0, v1  }
0x1f6: {  	[tilespmem:v12+s14+$0x0] =	vst.idx.msk vm0, v3  }
0x1f7: {  	s24 =	simm.s32 $0x3200;
	s25 =	simm.s32 $0x800  }
.LBB2_5:
0x1f8: {  	v11 =	vld [tilespmem:s18+$0x0];
	_ =	sdelay $0x4  }
0x1f9: {  	v9 =	vld [tilespmem:s19+$0x0];
	v0 =	vbroadcast v11, $0x0  }
0x1fa: {  	v8 =	vld [tilespmem:s20+$0x0]  }
0x1fb: {  	v1 =	vsub.f32 v35, v0  }
0x1fc: {  	v3 =	vsub.f32 v5, v0  }
0x1fd: {  	v1 =	vmul.f32 v1, v1  }
0x1fe: {  	v3 =	vmul.f32 v3, v3  }
0x1ff: {  	v7 =	vbroadcast v8, $0x0;
	v10 =	vbroadcast v9, $0x0;
	v1 =	vsub.f32 $0.0e+00, v1  }
0x200: {  	v0 =	vsub.f32 v6, v0;
	v3 =	vsub.f32 $0.0e+00, v3  }
0x201: {  	v12 =	vsub.f32 v35, v10;
	v1 =	vmul.f32 v1, v7  }
0x202: {  	v13 =	vsub.f32 v5, v10;
	v0 =	vmul.f32 v0, v0;
	v3 =	vmul.f32 v3, v7  }
0x203: {  	v12 =	vmul.f32 v12, v12;
	v1 =	vmul.f32 $1.442695020e+00, v1  }
0x204: {  	v13 =	vmul.f32 v13, v13;
	v0 =	vsub.f32 $0.0e+00, v0;
	v3 =	vmul.f32 $1.442695020e+00, v3  }
0x205: {  	(erf) = vpow2.f32 v1;
	v1 =	vsub.f32 $0.0e+00, v12  }
0x206: {  	v0 =	vmul.f32 v0, v7;
	(erf) = vpow2.f32 v3;
	v3 =	vsub.f32 $0.0e+00, v13  }
0x207: {  	v28 =	vbroadcast v11, $0x1;
	v10 =	vsub.f32 v6, v10;
	v1 =	vmul.f32 v1, v7  }
0x208: {  	v0 =	vmul.f32 $1.442695020e+00, v0;
	v3 =	vmul.f32 v3, v7  }
0x209: {  	v10 =	vmul.f32 v10, v10;
	v1 =	vmul.f32 $1.442695020e+00, v1  }
0x20a: {  	v29 =	vsub.f32 v35, v28;
	(erf) = vpow2.f32 v0;
	v0 =	vmul.f32 $1.442695020e+00, v3  }
0x20b: {  	v30 =	vbroadcast v9, $0x1;
	(erf) = vpow2.f32 v1;
	v1 =	vsub.f32 $0.0e+00, v10  }
0x20c: {  	v3 =	vmul.f32 v29, v29;
	(erf) = vpow2.f32 v0;
	v0 =	vsub.f32 v5, v28  }
0x20d: {  	v31 =	vbroadcast v8, $0x1;
	v1 =	vmul.f32 v1, v7;
	v7 =	vsub.f32 v6, v28  }
0x20e: {  	v32 =	vsub.f32 v35, v30;
	v3 =	vsub.f32 $0.0e+00, v3;
	v0 =	vmul.f32 v0, v0  }
0x20f: {  	v1 =	vmul.f32 $1.442695020e+00, v1;
	v7 =	vmul.f32 v7, v7  }
0x210: {  	v10 =	vmul.f32 v32, v32;
	v3 =	vmul.f32 v3, v31;
	v0 =	vsub.f32 $0.0e+00, v0  }
0x211: {  	(erf) = vpow2.f32 v1;
	v1 =	vsub.f32 $0.0e+00, v7;
	v7 =	vsub.f32 v5, v30  }
0x212: {  	v10 =	vsub.f32 $0.0e+00, v10;
	v0 =	vmul.f32 v0, v31  }
0x213: {  	v3 =	vmul.f32 $1.442695020e+00, v3;
	v7 =	vmul.f32 v7, v7  }
0x214: {  	v10 =	vmul.f32 v10, v31;
	v0 =	vmul.f32 $1.442695020e+00, v0  }
0x215: {  	(erf) = vpow2.f32 v3;
	v1 =	vmul.f32 v1, v31;
	v3 =	vsub.f32 $0.0e+00, v7  }
0x216: {  	(erf) = vpow2.f32 v0;
	v0 =	vmul.f32 $1.442695020e+00, v10  }
0x217: {  	v1 =	vmul.f32 $1.442695020e+00, v1;
	_ =	sdelay $0x1  }
0x218: {  	v10 =	vld [tilespmem:s21+$0x0];
	(erf) = vpow2.f32 v1;
	v1 =	vmul.f32 v3, v31;
	v3 =	vpop (erf)  }
0x219: {  	(erf) = vpow2.f32 v0;
	v0 =	vpop (erf)  }
0x21a: {  	[tilespmem:$0x1FF30] =	vst v0;
	v0 =	vmul.f32 $1.442695020e+00, v1;
	_ =	sdelay $0x1  }
0x21b: {  	v1 =	vpop (erf)  }
0x21c: {  	[tilespmem:$0x1FF20] =	vst v3;
	v7 =	vbroadcast v10, $0x0;
	v3 =	vpop (erf)  }
0x21d: {  	(erf) = vpow2.f32 v0;
	v0 =	vpop (erf)  }
0x21e: {  	v3 =	vmul.f32 v3, v7;
	v0 =	vmul.f32 v0, v7  }
0x21f: {  	[tilespmem:$0x1FF40] =	vst v1;
	v33 =	vpop (erf)  }
0x220: {  	v1 =	vsub.f32 v6, v30;
	[tilespmem:$0x1FF50] =	vst v3;
	v4 =	vpop (erf)  }
0x221: {  	v14 =	vbroadcast v11, $0x2;
	[tilespmem:$0x1FF80] =	vst v4  }
0x222: {  	v1 =	vmul.f32 v1, v1;
	[tilespmem:$0x1FF60] =	vst v0;
	v0 =	vpop (erf)  }
0x223: {  	v3 =	vsub.f32 v35, v14;
	[tilespmem:$0x1FF90] =	vst v0;
	v0 =	vpop (erf)  }
0x224: {  	v1 =	vsub.f32 $0.0e+00, v1;
	v4 =	vmul.f32 v33, v7;
	[tilespmem:$0x1FFA0] =	vst v0;
	v0 =	vbroadcast v10, $0x1  }
0x225: {  	v36 =	vbroadcast v8, $0x2;
	v34 =	vsub.f32 v5, v14;
	v3 =	vmul.f32 v3, v3;
	v7 =	vpop (erf)  }
0x226: {  	v1 =	vmul.f32 v1, v31;
	[tilespmem:$0x1FF70] =	vst v4;
	v4 =	vmul.f32 v7, v0;
	v7 =	vsub.f32 v6, v14  }
0x227: {  	v15 =	vbroadcast v9, $0x2;
	v12 =	vmul.f32 v34, v34;
	v3 =	vsub.f32 $0.0e+00, v3  }
0x228: {  	v1 =	vmul.f32 $1.442695020e+00, v1;
	v7 =	vmul.f32 v7, v7  }
0x229: {  	v12 =	vsub.f32 $0.0e+00, v12;
	v3 =	vmul.f32 v3, v36  }
0x22a: {  	(erf) = vpow2.f32 v1;
	v1 =	vsub.f32 $0.0e+00, v7;
	v7 =	vsub.f32 v35, v15  }
0x22b: {  	v40 =	vbroadcast v11, $0x3;
	v38 =	vsub.f32 v5, v15;
	v12 =	vmul.f32 v12, v36  }
0x22c: {  	v3 =	vmul.f32 $1.442695020e+00, v3;
	v7 =	vmul.f32 v7, v7  }
0x22d: {  	v39 =	vsub.f32 v6, v15;
	v14 =	vmul.f32 v38, v38;
	v1 =	vmul.f32 v1, v36  }
0x22e: {  	(erf) = vpow2.f32 v3;
	v3 =	vmul.f32 $1.442695020e+00, v12;
	v7 =	vsub.f32 $0.0e+00, v7  }
0x22f: {  	v12 =	vmul.f32 v39, v39;
	v1 =	vmul.f32 $1.442695020e+00, v1  }
0x230: {  	(erf) = vpow2.f32 v3;
	v3 =	vmul.f32 v7, v36;
	v7 =	vsub.f32 $0.0e+00, v14  }
0x231: {  	v41 =	vsub.f32 v35, v40;
	(erf) = vpow2.f32 v1;
	v1 =	vsub.f32 $0.0e+00, v12  }
0x232: {  	v3 =	vmul.f32 $1.442695020e+00, v3;
	v7 =	vmul.f32 v7, v36  }
0x233: {  	v12 =	vmul.f32 v41, v41;
	v1 =	vmul.f32 v1, v36  }
0x234: {  	v37 =	vpop (erf);
	(erf) = vpow2.f32 v3;
	v3 =	vmul.f32 $1.442695020e+00, v7;
	v7 =	vsub.f32 v5, v40  }
0x235: {  	v42 =	vbroadcast v8, $0x3;
	v43 =	vbroadcast v9, $0x3;
	v12 =	vsub.f32 $0.0e+00, v12  }
0x236: {  	v1 =	vmul.f32 $1.442695020e+00, v1;
	v7 =	vmul.f32 v7, v7  }
0x237: {  	v12 =	vmul.f32 v12, v42;
	(erf) = vpow2.f32 v3;
	v3 =	vsub.f32 v6, v40  }
0x238: {  	(erf) = vpow2.f32 v1;
	v1 =	vsub.f32 $0.0e+00, v7;
	v7 =	vsub.f32 v35, v43  }
0x239: {  	v45 =	vbroadcast v11, $0x4;
	v14 =	vsub.f32 v6, v43;
	v3 =	vmul.f32 v3, v3  }
0x23a: {  	v12 =	vmul.f32 $1.442695020e+00, v12;
	v7 =	vmul.f32 v7, v7  }
0x23b: {  	v44 =	vsub.f32 v5, v43;
	v14 =	vmul.f32 v14, v14;
	v3 =	vsub.f32 $0.0e+00, v3  }
0x23c: {  	(erf) = vpow2.f32 v12;
	v1 =	vmul.f32 v1, v42;
	v7 =	vsub.f32 $0.0e+00, v7  }
0x23d: {  	v12 =	vmul.f32 v44, v44;
	v3 =	vmul.f32 v3, v42  }
0x23e: {  	v1 =	vmul.f32 $1.442695020e+00, v1;
	v7 =	vmul.f32 v7, v42  }
0x23f: {  	v47 =	vbroadcast v8, $0x4;
	v12 =	vsub.f32 $0.0e+00, v12;
	v3 =	vmul.f32 $1.442695020e+00, v3  }
0x240: {  	(erf) = vpow2.f32 v1;
	v1 =	vmul.f32 $1.442695020e+00, v7;
	v7 =	vsub.f32 $0.0e+00, v14  }
0x241: {  	v46 =	vsub.f32 v35, v45;
	(erf) = vpow2.f32 v3;
	v3 =	vmul.f32 v12, v42  }
0x242: {  	(erf) = vpow2.f32 v1;
	v1 =	vmul.f32 v7, v42;
	v7 =	vsub.f32 v5, v45  }
0x243: {  	v48 =	vbroadcast v9, $0x4;
	v12 =	vmul.f32 v46, v46  }
0x244: {  	v3 =	vmul.f32 $1.442695020e+00, v3;
	v7 =	vmul.f32 v7, v7  }
0x245: {  	[tilespmem:$0x1FFB0] =	vst v4;
	v4 =	vmul.f32 v37, v0;
	v12 =	vsub.f32 $0.0e+00, v12;
	v1 =	vmul.f32 $1.442695020e+00, v1  }
0x246: {  	v26 =	vpop (erf);
	(erf) = vpow2.f32 v3;
	v3 =	vsub.f32 v6, v45;
	v7 =	vsub.f32 $0.0e+00, v7  }
0x247: {  	v49 =	vsub.f32 v35, v48;
	(erf) = vpow2.f32 v1;
	v1 =	vmul.f32 v12, v47  }
0x248: {  	v50 =	vsub.f32 v5, v48;
	v3 =	vmul.f32 v3, v3;
	v7 =	vmul.f32 v7, v47  }
0x249: {  	v12 =	vmul.f32 v49, v49;
	v1 =	vmul.f32 $1.442695020e+00, v1  }
0x24a: {  	[tilespmem:$0x1FFC0] =	vst v4;
	v15 =	vmul.f32 v50, v50;
	v4 =	vpop (erf);
	v3 =	vsub.f32 $0.0e+00, v3;
	v7 =	vmul.f32 $1.442695020e+00, v7  }
0x24b: {  	v24 =	vpop (erf);
	(erf) = vpow2.f32 v1;
	v1 =	vsub.f32 $0.0e+00, v12  }
0x24c: {  	v3 =	vmul.f32 v3, v47;
	(erf) = vpow2.f32 v7;
	v7 =	vsub.f32 $0.0e+00, v15  }
0x24d: {  	v52 =	vbroadcast v11, $0x5;
	v51 =	vsub.f32 v6, v48;
	v1 =	vmul.f32 v1, v47  }
0x24e: {  	v3 =	vmul.f32 $1.442695020e+00, v3;
	v7 =	vmul.f32 v7, v47  }
0x24f: {  	v12 =	vmul.f32 v51, v51;
	v1 =	vmul.f32 $1.442695020e+00, v1  }
0x250: {  	v53 =	vsub.f32 v35, v52;
	v25 =	vpop (erf);
	(erf) = vpow2.f32 v3;
	v3 =	vmul.f32 $1.442695020e+00, v7  }
0x251: {  	v55 =	vbroadcast v9, $0x5;
	v28 =	vpop (erf);
	(erf) = vpow2.f32 v1;
	v1 =	vsub.f32 $0.0e+00, v12  }
0x252: {  	v54 =	vmul.f32 v53, v53;
	v7 =	vpop (erf);
	(erf) = vpow2.f32 v3;
	v3 =	vsub.f32 v5, v52  }
0x253: {  	v57 =	vbroadcast v8, $0x5;
	v56 =	vsub.f32 v6, v52;
	v1 =	vmul.f32 v1, v47  }
0x254: {  	v29 =	vsub.f32 v35, v55;
	v12 =	vsub.f32 $0.0e+00, v54;
	v3 =	vmul.f32 v3, v3  }
0x255: {  	v13 =	vmul.f32 v56, v56;
	v1 =	vmul.f32 $1.442695020e+00, v1  }
0x256: {  	v29 =	vmul.f32 v29, v29;
	v12 =	vmul.f32 v12, v57;
	v3 =	vsub.f32 $0.0e+00, v3  }
0x257: {  	v58 =	vsub.f32 v5, v55;
	v33 =	vpop (erf);
	(erf) = vpow2.f32 v1;
	v1 =	vsub.f32 $0.0e+00, v13  }
0x258: {  	v29 =	vsub.f32 $0.0e+00, v29;
	v12 =	vmul.f32 $1.442695020e+00, v12;
	v3 =	vmul.f32 v3, v57  }
0x259: {  	v16 =	vpop (erf);
	v13 =	vmul.f32 v58, v58;
	v1 =	vmul.f32 v1, v57  }
0x25a: {  	v29 =	vmul.f32 v29, v57;
	v36 =	vpop (erf);
	v3 =	vmul.f32 $1.442695020e+00, v3  }
0x25b: {  	v17 =	vpop (erf);
	(erf) = vpow2.f32 v12;
	v59 =	vsub.f32 $0.0e+00, v13;
	v1 =	vmul.f32 $1.442695020e+00, v1  }
0x25c: {  	v37 =	vpop (erf);
	(erf) = vpow2.f32 v3;
	v3 =	vmul.f32 $1.442695020e+00, v29  }
0x25d: {  	v60 =	vpop (erf);
	(erf) = vpow2.f32 v1;
	v1 =	vmul.f32 v59, v57  }
0x25e: {  	v46 =	vmul.f32 v26, v0;
	v61 =	vpop (erf)  }
0x25f: {  	v20 =	vpop (erf);
	(erf) = vpow2.f32 v3;
	v0 =	vmul.f32 $1.442695020e+00, v1  }
0x260: {  	v27 =	vbroadcast v10, $0x2;
	v22 =	vpop (erf)  }
0x261: {  	v18 =	vbroadcast v11, $0x6;
	v62 =	vbroadcast v10, $0x4;
	v19 =	vpop (erf)  }
0x262: {  	v45 =	vmul.f32 v28, v27;
	v43 =	vmul.f32 v7, v27;
	v7 =	vpop (erf);
	v3 =	vsub.f32 v6, v55  }
0x263: {  	v1 =	vbroadcast v10, $0x3;
	(erf) = vpow2.f32 v0;
	v0 =	vpop (erf)  }
0x264: {  	v49 =	vbroadcast v9, $0x6;
	v3 =	vmul.f32 v3, v3;
	v63 =	vpop (erf)  }
0x265: {  	v41 =	vmul.f32 v37, v1;
	v42 =	vmul.f32 v60, v1;
	v23 =	vpop (erf)  }
0x266: {  	v40 =	vmul.f32 v61, v1;
	v1 =	vsub.f32 $0.0e+00, v3;
	v3 =	vsub.f32 v35, v18;
	v28 =	vpop (erf)  }
0x267: {  	v34 =	vsub.f32 v5, v18;
	v37 =	vmul.f32 v0, v62;
	v0 =	vbroadcast v10, $0x5;
	v26 =	vpop (erf)  }
0x268: {  	v50 =	vsub.f32 v5, v49;
	v39 =	vmul.f32 v7, v62;
	v3 =	vmul.f32 v3, v3;
	v7 =	vpop (erf)  }
0x269: {  	v1 =	vmul.f32 v1, v57;
	v29 =	vmul.f32 v7, v0;
	v7 =	vsub.f32 v6, v18  }
0x26a: {  	v47 =	vbroadcast v8, $0x6;
	v12 =	vmul.f32 v34, v34;
	v3 =	vsub.f32 $0.0e+00, v3  }
0x26b: {  	v1 =	vmul.f32 $1.442695020e+00, v1;
	v7 =	vmul.f32 v7, v7  }
0x26c: {  	v14 =	vmul.f32 v50, v50;
	v12 =	vsub.f32 $0.0e+00, v12;
	v3 =	vmul.f32 v3, v47  }
0x26d: {  	(erf) = vpow2.f32 v1;
	v1 =	vsub.f32 $0.0e+00, v7;
	v7 =	vsub.f32 v35, v49  }
0x26e: {  	v54 =	vbroadcast v8, $0x7;
	v12 =	vmul.f32 v12, v47  }
0x26f: {  	v3 =	vmul.f32 $1.442695020e+00, v3;
	v7 =	vmul.f32 v7, v7  }
0x270: {  	v51 =	vsub.f32 v6, v49;
	v52 =	vbroadcast v11, $0x7;
	v1 =	vmul.f32 v1, v47  }
0x271: {  	(erf) = vpow2.f32 v3;
	v3 =	vmul.f32 $1.442695020e+00, v12;
	v7 =	vsub.f32 $0.0e+00, v7  }
0x272: {  	v12 =	vmul.f32 v51, v51;
	v1 =	vmul.f32 $1.442695020e+00, v1  }
0x273: {  	(erf) = vpow2.f32 v3;
	v3 =	vmul.f32 v7, v47;
	v7 =	vsub.f32 $0.0e+00, v14  }
0x274: {  	v53 =	vsub.f32 v35, v52;
	(erf) = vpow2.f32 v1;
	v1 =	vsub.f32 $0.0e+00, v12  }
0x275: {  	v3 =	vmul.f32 $1.442695020e+00, v3;
	v7 =	vmul.f32 v7, v47  }
0x276: {  	v12 =	vmul.f32 v53, v53;
	v1 =	vmul.f32 v1, v47  }
0x277: {  	(erf) = vpow2.f32 v3;
	v3 =	vmul.f32 $1.442695020e+00, v7;
	v7 =	vsub.f32 v5, v52  }
0x278: {  	v44 =	vmul.f32 v33, v27;
	v55 =	vbroadcast v9, $0x7;
	v12 =	vsub.f32 $0.0e+00, v12  }
0x279: {  	v1 =	vmul.f32 $1.442695020e+00, v1;
	v7 =	vmul.f32 v7, v7  }
0x27a: {  	v48 =	vpop (erf);
	v12 =	vmul.f32 v12, v54;
	(erf) = vpow2.f32 v3;
	v3 =	vsub.f32 v6, v52  }
0x27b: {  	(erf) = vpow2.f32 v1;
	v1 =	vsub.f32 $0.0e+00, v7;
	v7 =	vsub.f32 v35, v55  }
0x27c: {  	v59 =	vbroadcast v8, $0x8;
	v14 =	vsub.f32 v6, v55;
	v3 =	vmul.f32 v3, v3  }
0x27d: {  	v56 =	vsub.f32 v5, v55;
	v12 =	vmul.f32 $1.442695020e+00, v12;
	v7 =	vmul.f32 v7, v7  }
0x27e: {  	v60 =	vbroadcast v9, $0x8;
	v14 =	vmul.f32 v14, v14;
	v3 =	vsub.f32 $0.0e+00, v3  }
0x27f: {  	(erf) = vpow2.f32 v12;
	v1 =	vmul.f32 v1, v54;
	v7 =	vsub.f32 $0.0e+00, v7  }
0x280: {  	v12 =	vmul.f32 v56, v56;
	v3 =	vmul.f32 v3, v54  }
0x281: {  	v1 =	vmul.f32 $1.442695020e+00, v1;
	v7 =	vmul.f32 v7, v54  }
0x282: {  	v57 =	vbroadcast v11, $0x8;
	v12 =	vsub.f32 $0.0e+00, v12;
	v3 =	vmul.f32 $1.442695020e+00, v3  }
0x283: {  	(erf) = vpow2.f32 v1;
	v1 =	vmul.f32 $1.442695020e+00, v7;
	v7 =	vsub.f32 $0.0e+00, v14  }
0x284: {  	v58 =	vsub.f32 v35, v57;
	(erf) = vpow2.f32 v3;
	v3 =	vmul.f32 v12, v54  }
0x285: {  	(erf) = vpow2.f32 v1;
	v1 =	vmul.f32 v7, v54;
	v7 =	vsub.f32 v5, v57  }
0x286: {  	v38 =	vmul.f32 v63, v62;
	v62 =	vsub.f32 v5, v60;
	v12 =	vmul.f32 v58, v58  }
0x287: {  	v3 =	vmul.f32 $1.442695020e+00, v3;
	v7 =	vmul.f32 v7, v7  }
0x288: {  	v15 =	vmul.f32 v62, v62;
	v12 =	vsub.f32 $0.0e+00, v12;
	v1 =	vmul.f32 $1.442695020e+00, v1  }
0x289: {  	v50 =	vpop (erf);
	(erf) = vpow2.f32 v3;
	v3 =	vsub.f32 v6, v57;
	v7 =	vsub.f32 $0.0e+00, v7  }
0x28a: {  	v61 =	vsub.f32 v35, v60;
	(erf) = vpow2.f32 v1;
	v1 =	vmul.f32 v12, v59  }
0x28b: {  	v3 =	vmul.f32 v3, v3;
	v7 =	vmul.f32 v7, v59  }
0x28c: {  	v12 =	vmul.f32 v61, v61;
	v1 =	vmul.f32 $1.442695020e+00, v1  }
0x28d: {  	v33 =	vmul.f32 v48, v0;
	v48 =	vpop (erf);
	v3 =	vsub.f32 $0.0e+00, v3;
	v7 =	vmul.f32 $1.442695020e+00, v7  }
0x28e: {  	v47 =	vpop (erf);
	v12 =	vsub.f32 $0.0e+00, v12;
	(erf) = vpow2.f32 v1;
	v1 =	vsub.f32 v6, v60  }
0x28f: {  	v3 =	vmul.f32 v3, v59;
	(erf) = vpow2.f32 v7;
	v7 =	vsub.f32 $0.0e+00, v15  }
0x290: {  	v12 =	vmul.f32 v12, v59;
	v1 =	vmul.f32 v1, v1  }
0x291: {  	v3 =	vmul.f32 $1.442695020e+00, v3;
	v7 =	vmul.f32 v7, v59  }
0x292: {  	v63 =	vbroadcast v11, $0x9;
	v12 =	vmul.f32 $1.442695020e+00, v12  }
0x293: {  	v49 =	vpop (erf);
	v1 =	vsub.f32 $0.0e+00, v1;
	(erf) = vpow2.f32 v3;
	v3 =	vmul.f32 $1.442695020e+00, v7  }
0x294: {  	[tilespmem:$0x1FFD0] =	vst v4;
	v4 =	vbroadcast v11, $0xA;
	v18 =	vpop (erf);
	(erf) = vpow2.f32 v12  }
0x295: {  	v1 =	vmul.f32 v1, v59;
	v7 =	vpop (erf);
	(erf) = vpow2.f32 v3;
	v3 =	vsub.f32 v5, v63  }
0x296: {  	v32 =	vsub.f32 v35, v63;
	v51 =	vbroadcast v9, $0x9;
	v14 =	vsub.f32 v6, v63  }
0x297: {  	v1 =	vmul.f32 $1.442695020e+00, v1;
	v3 =	vmul.f32 v3, v3  }
0x298: {  	v14 =	vmul.f32 v14, v14;
	v12 =	vmul.f32 v32, v32  }
0x299: {  	v52 =	vpop (erf);
	(erf) = vpow2.f32 v1;
	v1 =	vsub.f32 $0.0e+00, v3;
	v3 =	vsub.f32 v35, v51  }
0x29a: {  	v56 =	vbroadcast v8, $0x9;
	v54 =	vsub.f32 v5, v51;
	v12 =	vsub.f32 $0.0e+00, v12  }
0x29b: {  	v34 =	vbroadcast v10, $0x6;
	v14 =	vsub.f32 $0.0e+00, v14;
	v3 =	vmul.f32 v3, v3  }
0x29c: {  	v55 =	vmul.f32 v54, v54;
	v12 =	vmul.f32 v12, v56;
	v51 =	vsub.f32 v6, v51  }
0x29d: {  	v14 =	vmul.f32 v14, v56;
	v1 =	vmul.f32 v1, v56;
	v3 =	vsub.f32 $0.0e+00, v3  }
0x29e: {  	v53 =	vpop (erf);
	v12 =	vmul.f32 $1.442695020e+00, v12;
	v51 =	vmul.f32 v51, v51  }
0x29f: {  	v59 =	vpop (erf);
	v1 =	vmul.f32 $1.442695020e+00, v1;
	v3 =	vmul.f32 v3, v56  }
0x2a0: {  	v27 =	vsub.f32 $0.0e+00, v55;
	v21 =	vmul.f32 $1.442695020e+00, v14;
	v54 =	vpop (erf);
	(erf) = vpow2.f32 v12  }
0x2a1: {  	v58 =	vpop (erf);
	(erf) = vpow2.f32 v1;
	v1 =	vmul.f32 $1.442695020e+00, v3;
	v3 =	vsub.f32 $0.0e+00, v51  }
0x2a2: {  	v31 =	vmul.f32 v27, v56;
	v60 =	vpop (erf);
	(erf) = vpow2.f32 v21  }
0x2a3: {  	v30 =	vpop (erf);
	(erf) = vpow2.f32 v1;
	v1 =	vmul.f32 v3, v56  }
0x2a4: {  	v27 =	vmul.f32 v18, v34;
	v12 =	vmul.f32 $1.442695020e+00, v31  }
0x2a5: {  	v18 =	vbroadcast v10, $0x7;
	v55 =	vpop (erf);
	v1 =	vmul.f32 $1.442695020e+00, v1  }
0x2a6: {  	v7 =	vmul.f32 v7, v34;
	v31 =	vsub.f32 v5, v4;
	v56 =	vpop (erf);
	(erf) = vpow2.f32 v12  }
0x2a7: {  	v13 =	vmul.f32 v60, v18;
	v57 =	vpop (erf);
	(erf) = vpow2.f32 v1  }
0x2a8: {  	v31 =	vmul.f32 v31, v31;
	v14 =	vmul.f32 v30, v18;
	v32 =	vpop (erf)  }
0x2a9: {  	v30 =	vbroadcast v10, $0x9;
	v21 =	vbroadcast v10, $0x8;
	v61 =	vpop (erf)  }
0x2aa: {  	v3 =	vmul.f32 v50, v0;
	v1 =	vmul.f32 v52, v34;
	v0 =	vpop (erf);
	v34 =	vsub.f32 v35, v4  }
0x2ab: {  	v63 =	vmul.f32 v32, v21;
	v32 =	vbroadcast v9, $0xA;
	v52 =	vpop (erf)  }
0x2ac: {  	v15 =	vmul.f32 v0, v21;
	v0 =	vsub.f32 v6, v4;
	v51 =	vpop (erf);
	v60 =	vmul.f32 v34, v34  }
0x2ad: {  	v31 =	vsub.f32 $0.0e+00, v31;
	v62 =	vmul.f32 v61, v21;
	v61 =	vbroadcast v8, $0xA;
	v50 =	vpop (erf)  }
0x2ae: {  	v12 =	vmul.f32 v58, v18;
	v0 =	vmul.f32 v0, v0;
	v4 =	vsub.f32 $0.0e+00, v60;
	v18 =	vpop (erf)  }
0x2af: {  	v34 =	vsub.f32 v35, v32;
	v31 =	vmul.f32 v31, v61;
	v58 =	vmul.f32 v18, v30;
	v21 =	vpop (erf)  }
0x2b0: {  	v0 =	vsub.f32 $0.0e+00, v0;
	v4 =	vmul.f32 v4, v61;
	v60 =	vmul.f32 v21, v30;
	v21 =	vpop (erf)  }
0x2b1: {  	v30 =	vmul.f32 v21, v30;
	v21 =	vmul.f32 v34, v34  }
0x2b2: {  	v0 =	vmul.f32 v0, v61;
	v4 =	vmul.f32 $1.442695020e+00, v4  }
0x2b3: {  	v31 =	vmul.f32 $1.442695020e+00, v31;
	v21 =	vsub.f32 $0.0e+00, v21  }
0x2b4: {  	v0 =	vmul.f32 $1.442695020e+00, v0;
	(erf) = vpow2.f32 v4  }
0x2b5: {  	v34 =	vbroadcast v11, $0xB;
	v21 =	vmul.f32 v21, v61  }
0x2b6: {  	(erf) = vpow2.f32 v31  }
0x2b7: {  	(erf) = vpow2.f32 v0;
	v18 =	vsub.f32 v35, v34;
	v0 =	vmul.f32 $1.442695020e+00, v21;
	_ =	sdelay $0x1  }
0x2b8: {  	(erf) = vpow2.f32 v0;
	v0 =	vmul.f32 v18, v18;
	v18 =	vld [tilespmem:$0x1FF20];
	_ =	sdelay $0x2  }
0x2b9: {  	v4 =	vsub.f32 v5, v32;
	v32 =	vsub.f32 v6, v32;
	_ =	sdelay $0x1  }
0x2ba: {  	v4 =	vmul.f32 v4, v4;
	v32 =	vmul.f32 v32, v32;
	[tilespmem:s25+$0xFFFFFE80] =	vst v18;
	v18 =	vld [tilespmem:$0x1FF40];
	_ =	sdelay $0x1  }
0x2bb: {  	v4 =	vsub.f32 $0.0e+00, v4;
	v31 =	vsub.f32 $0.0e+00, v32;
	_ =	sdelay $0x1  }
0x2bc: {  	v4 =	vmul.f32 v4, v61;
	v31 =	vmul.f32 v31, v61;
	v61 =	vld [tilespmem:$0x1FF30]  }
0x2bd: {  	[tilespmem:s25+$0xFFFFFEA0] =	vst v18;
	v18 =	vld [tilespmem:$0x1FF50];
	_ =	sdelay $0x3  }
0x2be: {  	[tilespmem:s25+$0xFFFFFE90] =	vst v61  }
0x2bf: {  	[tilespmem:s24+$0xFFFFFE80] =	vst v18;
	v18 =	vld [tilespmem:$0x1FF60];
	_ =	sdelay $0x4  }
0x2c0: {  	[tilespmem:s24+$0xFFFFFE90] =	vst v18;
	v18 =	vld [tilespmem:$0x1FF70];
	_ =	sdelay $0x4  }
0x2c1: {  	[tilespmem:s24+$0xFFFFFEA0] =	vst v18;
	v18 =	vld [tilespmem:$0x1FF80];
	_ =	sdelay $0x4  }
0x2c2: {  	[tilespmem:s25+$0xFFFFFEB0] =	vst v18;
	v18 =	vld [tilespmem:$0x1FF90];
	_ =	sdelay $0x4  }
0x2c3: {  	[tilespmem:s25+$0xFFFFFEC0] =	vst v18;
	v18 =	vld [tilespmem:$0x1FFA0]  }
0x2c4: {  	v21 =	vsub.f32 v5, v34  }
0x2c5: {  	v32 =	vsub.f32 v6, v34  }
0x2c6: {  	v4 =	vmul.f32 $1.442695020e+00, v4;
	v21 =	vmul.f32 v21, v21  }
0x2c7: {  	v34 =	vbroadcast v8, $0xB;
	v32 =	vmul.f32 v32, v32;
	v0 =	vsub.f32 $0.0e+00, v0  }
0x2c8: {  	(erf) = vpow2.f32 v4;
	v4 =	vsub.f32 $0.0e+00, v21;
	v61 =	vbroadcast v9, $0xB;
	[tilespmem:s25+$0xFFFFFED0] =	vst v18;
	v18 =	vld [tilespmem:$0x1FFB0]  }
0x2c9: {  	v31 =	vmul.f32 $1.442695020e+00, v31;
	v0 =	vmul.f32 v0, v34  }
0x2ca: {  	v21 =	vsub.f32 $0.0e+00, v32;
	v4 =	vmul.f32 v4, v34;
	v32 =	vsub.f32 v6, v61  }
0x2cb: {  	(erf) = vpow2.f32 v31;
	v0 =	vmul.f32 $1.442695020e+00, v0  }
0x2cc: {  	v4 =	vmul.f32 $1.442695020e+00, v4;
	v32 =	vmul.f32 v32, v32  }
0x2cd: {  	(erf) = vpow2.f32 v0;
	[tilespmem:s24+$0xFFFFFEB0] =	vst v18;
	v18 =	vld [tilespmem:$0x1FFC0]  }
0x2ce: {  	(erf) = vpow2.f32 v4;
	v4 =	vsub.f32 $0.0e+00, v32;
	v32 =	vld [tilespmem:$0x1FFD0];
	_ =	sdelay $0x2  }
0x2cf: {  	[tilespmem:s24+$0xFFFFFED0] =	vst v46  }
0x2d0: {  	[tilespmem:s24+$0xFFFFFEC0] =	vst v18  }
0x2d1: {  	[tilespmem:s25+$0xFFFFFEE0] =	vst v32  }
0x2d2: {  	[tilespmem:s25+$0xFFFFFEF0] =	vst v24  }
0x2d3: {  	[tilespmem:s25+$0xFFFFFF00] =	vst v25  }
0x2d4: {  	[tilespmem:s24+$0xFFFFFEE0] =	vst v45  }
0x2d5: {  	[tilespmem:s24+$0xFFFFFEF0] =	vst v43  }
0x2d6: {  	[tilespmem:s24+$0xFFFFFF00] =	vst v44  }
0x2d7: {  	[tilespmem:s25+$0xFFFFFF10] =	vst v16  }
0x2d8: {  	v31 =	vsub.f32 v35, v61;
	[tilespmem:s25+$0xFFFFFF20] =	vst v36  }
0x2d9: {  	v0 =	vsub.f32 v5, v61;
	[tilespmem:s25+$0xFFFFFF30] =	vst v17  }
0x2da: {  	v31 =	vmul.f32 v31, v31;
	[tilespmem:s24+$0xFFFFFF10] =	vst v41  }
0x2db: {  	v0 =	vmul.f32 v0, v0;
	[tilespmem:s24+$0xFFFFFF20] =	vst v42  }
0x2dc: {  	v31 =	vsub.f32 $0.0e+00, v31;
	[tilespmem:s24+$0xFFFFFF30] =	vst v40  }
0x2dd: {  	v21 =	vmul.f32 v21, v34;
	v0 =	vsub.f32 $0.0e+00, v0;
	[tilespmem:s25+$0xFFFFFF40] =	vst v20  }
0x2de: {  	v31 =	vmul.f32 v31, v34;
	[tilespmem:s25+$0xFFFFFF50] =	vst v22  }
0x2df: {  	v21 =	vmul.f32 $1.442695020e+00, v21;
	v0 =	vmul.f32 v0, v34;
	[tilespmem:s25+$0xFFFFFF60] =	vst v19  }
0x2e0: {  	v61 =	vbroadcast v11, $0xC;
	v46 =	vmul.f32 $1.442695020e+00, v31;
	[tilespmem:s24+$0xFFFFFF40] =	vst v39  }
0x2e1: {  	(erf) = vpow2.f32 v21;
	v0 =	vmul.f32 $1.442695020e+00, v0;
	[tilespmem:s24+$0xFFFFFF50] =	vst v37  }
0x2e2: {  	(erf) = vpow2.f32 v46;
	[tilespmem:s24+$0xFFFFFF60] =	vst v38  }
0x2e3: {  	v4 =	vmul.f32 v4, v34;
	(erf) = vpow2.f32 v0;
	v0 =	vsub.f32 v6, v61;
	[tilespmem:s25+$0xFFFFFF70] =	vst v23  }
0x2e4: {  	v31 =	vsub.f32 v35, v61;
	[tilespmem:s25+$0xFFFFFF80] =	vst v28  }
0x2e5: {  	v4 =	vmul.f32 $1.442695020e+00, v4;
	v34 =	vsub.f32 v5, v61;
	v0 =	vmul.f32 v0, v0;
	[tilespmem:s25+$0xFFFFFF90] =	vst v26  }
0x2e6: {  	v32 =	vmul.f32 v31, v31;
	v43 =	vbroadcast v9, $0xC;
	[tilespmem:s24+$0xFFFFFF70] =	vst v29  }
0x2e7: {  	v21 =	vmul.f32 v34, v34;
	v0 =	vsub.f32 $0.0e+00, v0;
	v24 =	vbroadcast v8, $0xC;
	[tilespmem:s24+$0xFFFFFF80] =	vst v33  }
0x2e8: {  	(erf) = vpow2.f32 v4;
	v18 =	vsub.f32 $0.0e+00, v32;
	v44 =	vsub.f32 v35, v43;
	[tilespmem:s24+$0xFFFFFF90] =	vst v3  }
0x2e9: {  	v45 =	vsub.f32 $0.0e+00, v21;
	v0 =	vmul.f32 v0, v24;
	v41 =	vbroadcast v10, $0xA;
	[tilespmem:s25+$0xFFFFFFA0] =	vst v48  }
0x2ea: {  	v46 =	vsub.f32 v5, v43;
	v4 =	vmul.f32 v18, v24;
	v61 =	vmul.f32 v44, v44;
	[tilespmem:s25+$0xFFFFFFB0] =	vst v47  }
0x2eb: {  	v42 =	vbroadcast v10, $0xB;
	v18 =	vmul.f32 v45, v24;
	[tilespmem:s25+$0xFFFFFFC0] =	vst v49  }
0x2ec: {  	v21 =	vmul.f32 v46, v46;
	v4 =	vmul.f32 $1.442695020e+00, v4;
	v17 =	vsub.f32 $0.0e+00, v61;
	[tilespmem:s24+$0xFFFFFFA0] =	vst v27  }
0x2ed: {  	v0 =	vmul.f32 $1.442695020e+00, v0;
	v31 =	vmul.f32 $1.442695020e+00, v18;
	[tilespmem:s24+$0xFFFFFFB0] =	vst v7  }
0x2ee: {  	v16 =	vpop (erf);
	v21 =	vsub.f32 $0.0e+00, v21;
	(erf) = vpow2.f32 v4;
	v4 =	vsub.f32 v6, v43;
	[tilespmem:s24+$0xFFFFFFC0] =	vst v1  }
0x2ef: {  	v61 =	vbroadcast v10, $0xC;
	v18 =	vpop (erf);
	v32 =	vmul.f32 v17, v24;
	[tilespmem:s25+$0xFFFFFFD0] =	vst v53  }
0x2f0: {  	v21 =	vmul.f32 v21, v24;
	v4 =	vmul.f32 v4, v4;
	[tilespmem:s25+$0xFFFFFFE0] =	vst v59;
	v17 =	vpop (erf)  }
0x2f1: {  	(erf) = vpow2.f32 v31;
	[tilespmem:s25+$0xFFFFFFF0] =	vst v54;
	v59 =	vbroadcast v11, $0xE;
	v34 =	vpop (erf)  }
0x2f2: {  	v36 =	vmul.f32 $1.442695020e+00, v32;
	[tilespmem:s24+$0xFFFFFFD0] =	vst v12;
	v4 =	vsub.f32 $0.0e+00, v4;
	v39 =	vpop (erf);
	(erf) = vpow2.f32 v0  }
0x2f3: {  	[tilespmem:s24+$0xFFFFFFE0] =	vst v13;
	v0 =	vmul.f32 $1.442695020e+00, v21;
	v28 =	vmul.f32 v34, v41  }
0x2f4: {  	[tilespmem:s24+$0xFFFFFFF0] =	vst v14;
	v40 =	vpop (erf);
	(erf) = vpow2.f32 v36;
	v4 =	vmul.f32 v4, v24  }
0x2f5: {  	[tilespmem:s25+$0x0] =	vst v55;
	v32 =	vmul.f32 v39, v41;
	v21 =	vpop (erf);
	(erf) = vpow2.f32 v0  }
0x2f6: {  	[tilespmem:s25+$0x10] =	vst v56;
	v29 =	vmul.f32 v40, v41;
	v41 =	vbroadcast v9, $0xD  }
0x2f7: {  	[tilespmem:s25+$0x20] =	vst v57;
	v0 =	vmul.f32 $1.442695020e+00, v4;
	v4 =	vbroadcast v11, $0xD  }
0x2f8: {  	v38 =	vsub.f32 v35, v59;
	[tilespmem:s24+$0x0] =	vst v63;
	v19 =	vpop (erf);
	v11 =	vbroadcast v11, $0xF;
	v49 =	vsub.f32 v5, v41  }
0x2f9: {  	[tilespmem:s24+$0x10] =	vst v62;
	v20 =	vpop (erf);
	v53 =	vsub.f32 v6, v41;
	(erf) = vpow2.f32 v0;
	v0 =	vsub.f32 v35, v4  }
0x2fa: {  	v34 =	vbroadcast v8, $0xD;
	[tilespmem:s24+$0x20] =	vst v15;
	v43 =	vpop (erf);
	v3 =	vsub.f32 v5, v4;
	v4 =	vsub.f32 v6, v4  }
0x2fb: {  	[tilespmem:s25+$0x30] =	vst v52;
	v57 =	vsub.f32 v35, v11;
	v24 =	vmul.f32 v43, v42;
	v44 =	vpop (erf);
	v37 =	vmul.f32 v53, v53  }
0x2fc: {  	[tilespmem:s25+$0x40] =	vst v51;
	v43 =	vsub.f32 v35, v41;
	v25 =	vmul.f32 v44, v42;
	v46 =	vmul.f32 v0, v0  }
0x2fd: {  	[tilespmem:s25+$0x50] =	vst v50;
	v41 =	vsub.f32 v5, v59;
	v45 =	vpop (erf);
	v40 =	vmul.f32 v3, v3;
	v4 =	vmul.f32 v4, v4  }
0x2fe: {  	[tilespmem:s24+$0x40] =	vst v60;
	v60 =	vmul.f32 v57, v57;
	v26 =	vmul.f32 v45, v42;
	v39 =	vsub.f32 $0.0e+00, v37  }
0x2ff: {  	v14 =	vmul.f32 v41, v41;
	v31 =	vsub.f32 $0.0e+00, v46;
	v46 =	vmul.f32 v43, v43  }
0x300: {  	v0 =	vpop (erf);
	v36 =	vsub.f32 $0.0e+00, v40;
	v40 =	vmul.f32 v38, v38;
	v43 =	vbroadcast v8, $0xE  }
0x301: {  	v4 =	vsub.f32 $0.0e+00, v4;
	v8 =	vbroadcast v8, $0xF;
	v22 =	vpop (erf);
	v13 =	vmul.f32 v39, v34  }
0x302: {  	v23 =	vpop (erf);
	v31 =	vmul.f32 v31, v34;
	v45 =	vmul.f32 v36, v34  }
0x303: {  	v4 =	vmul.f32 v4, v34;
	v3 =	vpop (erf);
	v13 =	vmul.f32 $1.442695020e+00, v13  }
0x304: {  	v3 =	vmul.f32 v3, v61;
	v42 =	vpop (erf);
	v44 =	vmul.f32 $1.442695020e+00, v31  }
0x305: {  	v47 =	vmul.f32 $1.442695020e+00, v45;
	v4 =	vmul.f32 $1.442695020e+00, v4;
	v1 =	vpop (erf)  }
0x306: {  	v48 =	vsub.f32 $0.0e+00, v46;
	v7 =	vmul.f32 v42, v61;
	v1 =	vmul.f32 v1, v61  }
0x307: {  	(erf) = vpow2.f32 v44;
	v61 =	vmul.f32 v49, v49  }
0x308: {  	v54 =	vmul.f32 v48, v34;
	(erf) = vpow2.f32 v47  }
0x309: {  	v45 =	vbroadcast v9, $0xE;
	(erf) = vpow2.f32 v4;
	v4 =	vsub.f32 $0.0e+00, v61  }
0x30a: {  	[tilespmem:s24+$0x30] =	vst v58;
	v14 =	vsub.f32 $0.0e+00, v14;
	v9 =	vbroadcast v9, $0xF;
	v12 =	vmul.f32 $1.442695020e+00, v54  }
0x30b: {  	[tilespmem:s24+$0x50] =	vst v30;
	v42 =	vsub.f32 v6, v59;
	v48 =	vsub.f32 v35, v45;
	v4 =	vmul.f32 v4, v34  }
0x30c: {  	[tilespmem:s25+$0x60] =	vst v16;
	v47 =	vmul.f32 v14, v43;
	(erf) = vpow2.f32 v12;
	v12 =	vsub.f32 $0.0e+00, v40  }
0x30d: {  	[tilespmem:s25+$0x70] =	vst v18;
	v52 =	vsub.f32 v6, v45;
	v14 =	vmul.f32 v48, v48;
	v4 =	vmul.f32 $1.442695020e+00, v4  }
0x30e: {  	[tilespmem:s25+$0x80] =	vst v17;
	v49 =	vsub.f32 v5, v45;
	v44 =	vmul.f32 v42, v42;
	v12 =	vmul.f32 v12, v43  }
0x30f: {  	[tilespmem:s24+$0x60] =	vst v28;
	v16 =	vmul.f32 v52, v52;
	v14 =	vsub.f32 $0.0e+00, v14;
	(erf) = vpow2.f32 v4  }
0x310: {  	[tilespmem:s24+$0x70] =	vst v32;
	v46 =	vsub.f32 $0.0e+00, v44;
	v4 =	vmul.f32 $1.442695020e+00, v12;
	v12 =	vmul.f32 v49, v49  }
0x311: {  	[tilespmem:s24+$0x80] =	vst v29;
	v16 =	vsub.f32 $0.0e+00, v16;
	v14 =	vmul.f32 v14, v43;
	(erf) = vpow2.f32 v13  }
0x312: {  	[tilespmem:s25+$0x90] =	vst v21;
	(erf) = vpow2.f32 v4;
	v4 =	vmul.f32 v46, v43;
	v12 =	vsub.f32 $0.0e+00, v12  }
0x313: {  	[tilespmem:s25+$0xA0] =	vst v19;
	v16 =	vmul.f32 v16, v43;
	v13 =	vmul.f32 $1.442695020e+00, v47  }
0x314: {  	v58 =	vsub.f32 v5, v11;
	[tilespmem:s25+$0xB0] =	vst v20;
	v4 =	vmul.f32 $1.442695020e+00, v4;
	v12 =	vmul.f32 v12, v43  }
0x315: {  	v11 =	vsub.f32 v6, v11;
	[tilespmem:s24+$0x90] =	vst v24;
	v14 =	vmul.f32 $1.442695020e+00, v14;
	(erf) = vpow2.f32 v13  }
0x316: {  	[tilespmem:s24+$0xA0] =	vst v25;
	v62 =	vsub.f32 v5, v9;
	(erf) = vpow2.f32 v4;
	v12 =	vmul.f32 $1.442695020e+00, v12  }
0x317: {  	[tilespmem:s24+$0xB0] =	vst v26;
	v59 =	vmul.f32 $1.442695020e+00, v16;
	v16 =	vsub.f32 $0.0e+00, v60;
	v50 =	vpop (erf);
	(erf) = vpow2.f32 v14  }
0x318: {  	[tilespmem:s25+$0xC0] =	vst v0;
	v61 =	vsub.f32 v35, v9;
	v51 =	vpop (erf);
	(erf) = vpow2.f32 v12;
	v12 =	vmul.f32 v58, v58  }
0x319: {  	[tilespmem:s25+$0xD0] =	vst v22;
	v9 =	vsub.f32 v6, v9;
	v0 =	vmul.f32 v16, v8;
	v16 =	vmul.f32 v62, v62  }
0x31a: {  	v11 =	vmul.f32 v11, v11;
	[tilespmem:s25+$0xE0] =	vst v23;
	v12 =	vsub.f32 $0.0e+00, v12  }
0x31b: {  	[tilespmem:s24+$0xD0] =	vst v7;
	v9 =	vmul.f32 v9, v9;
	v0 =	vmul.f32 $1.442695020e+00, v0;
	v7 =	vsub.f32 $0.0e+00, v16  }
0x31c: {  	v14 =	vmul.f32 v61, v61;
	v12 =	vmul.f32 v12, v8  }
0x31d: {  	v11 =	vsub.f32 $0.0e+00, v11;
	v4 =	vbroadcast v10, $0xD;
	v7 =	vmul.f32 v7, v8  }
0x31e: {  	[tilespmem:s24+$0xC0] =	vst v3;
	v53 =	vpop (erf);
	(erf) = vpow2.f32 v59;
	v63 =	vsub.f32 $0.0e+00, v14;
	v3 =	vmul.f32 $1.442695020e+00, v12  }
0x31f: {  	v54 =	vpop (erf);
	(erf) = vpow2.f32 v0;
	v0 =	vmul.f32 v11, v8  }
0x320: {  	[tilespmem:s24+$0xE0] =	vst v1;
	v55 =	vpop (erf);
	v1 =	vmul.f32 v63, v8;
	(erf) = vpow2.f32 v3;
	v3 =	vsub.f32 $0.0e+00, v9  }
0x321: {  	v17 =	vmul.f32 v54, v4;
	v0 =	vmul.f32 $1.442695020e+00, v0  }
0x322: {  	v1 =	vmul.f32 $1.442695020e+00, v1;
	v3 =	vmul.f32 v3, v8  }
0x323: {  	[tilespmem:s25+$0xF0] =	vst v50;
	v56 =	vpop (erf);
	(erf) = vpow2.f32 v0;
	v0 =	vmul.f32 $1.442695020e+00, v7  }
0x324: {  	[tilespmem:s25+$0x100] =	vst v51;
	v7 =	vpop (erf);
	(erf) = vpow2.f32 v1;
	v1 =	vmul.f32 $1.442695020e+00, v3  }
0x325: {  	[tilespmem:s25+$0x110] =	vst v53;
	v27 =	vmul.f32 v55, v4  }
0x326: {  	[tilespmem:s24+$0xF0] =	vst v17;
	v4 =	vmul.f32 v56, v4;
	v3 =	vpop (erf)  }
0x327: {  	[tilespmem:s24+$0x100] =	vst v27;
	(erf) = vpow2.f32 v0;
	v0 =	vpop (erf)  }
0x328: {  	[tilespmem:s24+$0x110] =	vst v4;
	v4 =	vbroadcast v10, $0xE;
	(erf) = vpow2.f32 v1;
	v1 =	vpop (erf)  }
0x329: {  	[tilespmem:s25+$0x120] =	vst v7;
	v7 =	vpop (erf)  }
0x32a: {  	[tilespmem:s25+$0x140] =	vst v0;
	v1 =	vmul.f32 v1, v4;
	v0 =	vmul.f32 v7, v4  }
0x32b: {  	[tilespmem:s25+$0x130] =	vst v3;
	v3 =	vpop (erf)  }
0x32c: {  	v7 =	vpop (erf);
	[tilespmem:s24+$0x120] =	vst v1;
	v1 =	vmul.f32 v3, v4  }
0x32d: {  	v3 =	vpop (erf);
	[tilespmem:s24+$0x130] =	vst v0  }
0x32e: {  	[tilespmem:s24+$0x140] =	vst v1;
	v1 =	vbroadcast v10, $0xF;
	v0 =	vpop (erf)  }
0x32f: {  	p0 =	seq.s32 s23, $0x1;
	[tilespmem:s25+$0x150] =	vst v7;
	v4 =	vpop (erf)  }
.Ltmp4:
0x330: {  	[tilespmem:s25+$0x160] =	vst v3;
	v7 =	vpop (erf);
	v3 =	vmul.f32 v4, v1;
	(pc) =	sbr.rel @!p0 .LBB2_5-.Ltmp4, $4  }
0x331: {  	[tilespmem:s25+$0x170] =	vst v0;
	v0 =	vmul.f32 v7, v1;
	v4 =	vpop (erf)  }
0x332: {  	s20 =	sadd.s32 $0x10, s20;
	[tilespmem:s24+$0x150] =	vst v3;
	v1 =	vmul.f32 v4, v1  }
0x333: {  	s19 =	sadd.s32 $0x10, s19;
	s18 =	sadd.s32 $0x10, s18;
	s23 =	sadd.s32 $0xFFFFFFFF, s23;
	[tilespmem:s24+$0x160] =	vst v0  }
0x334: {  	s21 =	sadd.s32 $0x10, s21;
	s25 =	sadd.s32 $0x300, s25;
	[tilespmem:s24+$0x170] =	vst v1;
	s24 =	sadd.s32 $0x300, s24  }
.LBB2_6:
0x335: {  	p0 =	sgt.s32 s22, $0x0  }
.Ltmp5:
0x336: {  	_ = 	snop;
	(pc) =	sbr.rel @p0 .LBB2_7-.Ltmp5, $4  }
.Ltmp6:
0x337: {  	_ = 	snop;
	(pc) =	sbr.rel @!p0 .LBB2_12-.Ltmp6, $4  }
0x338: {  	_ = 	snop  }
0x339: {  	_ = 	snop  }
0x33a: {  	s18 =	simm.s32 $0x0;
	s19 =	simm.s32 $0x0;
	v15 =	vlaneseq.u32  }
0x33b: {  	_ = 	snop  }
.LBB2_10:
0x33c: {  	_ =	sdelay $0x3  }
0x33d: {  	[tilespmem:v8+s16+$0x0] =	vst.idx.add.f32.msk $0xffff, v9;
	v7 =	vadd.s32 $0x240, v7  }
.LBB2_11:
0x33e: {  	p0 =	seq.s32 s23, $0x0  }
0x33f: {  	s23 =	sshll.u32 @!p0 s24, $0x3  }
0x340: {  	s20 =	sadd.s32 s21, s20;
	s21 =	sshra.s32 @!p0 s23, $0x2  }
0x341: {  	s20 =	sadd.s32 @!p0 s21, s20  }
0x342: {  	v4 =	vld.msk @!p0 [tilespmem:s20+$0x3080 ss:$0x0], $0xffff;
	_ =	sdelay $0x2  }
0x343: {  	s19 =	sadd.s32 $0x1, s19;
	v8 =	vadd.s32 @!p0 $0x10, v7  }
0x344: {  	v9 =	vadd.s32 @!p0 $0x20, v7;
	p1 =	slt.s32 s19, s22  }
.Ltmp7:
0x345: {  	v1 =	vmul.f32 @!p0 v4, v1;
	(pc) =	sbr.rel @!p1 .LBB2_12-.Ltmp7, $4  }
0x346: {  	s20 =	simm.s32 @!p0 $0x6300;
	v0 =	vmul.f32 @!p0 v4, v0  }
0x347: {  	[tilespmem:v7+s20+$0x0] =	vst.idx.add.f32.msk @!p0 $0xffff, v1;
	v1 =	vmul.f32 @!p0 v4, v3  }
0x348: {  	[tilespmem:v8+s20+$0x0] =	vst.idx.add.f32.msk @!p0 $0xffff, v0  }
0x349: {  	s18 =	sadd.s32 $0x30, s18;
	[tilespmem:v9+s20+$0x0] =	vst.idx.add.f32.msk @!p0 $0xffff, v1  }
.LBB2_7:
0x34a: {  	v0 =	vld [tilespmem:s19+$0x5F00]  }
0x34b: {  	v1 =	vld [tilespmem:s19+$0x6000]  }
0x34c: {  	v3 =	vld [tilespmem:s19+$0x6100]  }
0x34d: {  	v4 =	vld [tilespmem:s19+$0x6200];
	_ =	sdelay $0x1  }
0x34e: {  	(v2sf) =	vpush v0, $0x0  }
0x34f: {  	(v2sf) =	vpush v1, $0x0  }
0x350: {  	(v2sf) =	vpush v3, $0x0  }
0x351: {  	(v2sf) =	vpush v4, $0x0;
	_ =	sdelay $0xb  }
0x352: {  	s25 =	spop (v2sf)  }
0x353: {  	s24 =	spop (v2sf)  }
0x354: {  	s21 =	spop (v2sf)  }
0x355: {  	s20 =	ssub.s32 s1, s24;
	s26 =	ssub.s32 s2, s24;
	s23 =	spop (v2sf)  }
0x356: {  	p0 =	sgt.s32 s21, s20;
	p1 =	slt.s32 s23, s26  }
0x357: {  	s20 =	smov.u32 @p0 s21;
	s26 =	smov.u32 @p1 s23  }
0x358: {  	s26 =	ssub.s32 s26, s20  }
0x359: {  	p0 =	sgt.s32 s26, $0x0  }
0x35a: {  	p5 =	slt.s32 s26, $0x1;
	s26 =	simm.s32 @!p0 $0x0  }
0x35b: {  	s21 =	smul.u32 $0x30, s19;
	s23 =	sand.u32 $0x1, s26  }
0x35c: {  	p6 =	seq.s32 s23, $0x1  }
0x35d: {  	s28 =	sadd.s32 $0x10, s21;
	p0 =	por !p5, !p6  }
0x35e: {  	s24 =	ssub.s32 s24, s1;
	v3 =	vor.u32 s28, v15;
	s28 =	simm.s32 $0x1;
	p0 =	por !p0, !p0  }
0x35f: {  	s24 =	sadd.s32 s20, s24;
	v0 =	vor.u32 s21, v15;
	s31 =	sshrl.u32 s26, $0x1;
	s28 =	simm.s32 @!p0 $0x0  }
0x360: {  	s30 =	sadd.s32 $0x20, s21;
	s29 =	smul.u32 $0x120, s24;
	s24 =	ssub.s32 s31, s28  }
0x361: {  	v4 =	vor.u32 s30, v15;
	p0 =	slt.s32 s24, $0x1  }
.Ltmp8:
0x362: {  	_ = 	snop;
	(pc) =	sbr.rel @p0 .LBB2_11-.Ltmp8, $4  }
0x363: {  	_ = 	snop  }
0x364: {  	v1 =	vld.idx.msk [tilespmem:v0+s15+$0x0], $0xffff  }
0x365: {  	s25 =	sadd.s32 s25, s29;
	v0 =	vld.idx.msk [tilespmem:v3+s15+$0x0], $0xffff  }
0x366: {  	v7 =	vadd.s32 s25, v15;
	v3 =	vld.idx.msk [tilespmem:v4+s15+$0x0], $0xffff  }
0x367: {  	s25 =	sadd.s32 s18, s20  }
0x368: {  	s25 =	sshll.u32 s25, $0x2  }
0x369: {  	s25 =	sshra.s32 s25, $0x2  }
0x36a: {  	s25 =	sadd.s32 $0x3080, s25  }
0x36b: {  	v4 =	vld [tilespmem:s25+$0x0];
	_ =	sdelay $0x4  }
0x36c: {  	v9 =	vadd.s32 $0x10, v7;
	v8 =	vbroadcast v4, $0x0  }
0x36d: {  	v10 =	vadd.s32 $0x20, v7  }
0x36e: {  	v11 =	vmul.f32 v8, v1  }
0x36f: {  	s26 =	ssub.s32 $0x0, s24;
	v13 =	vmul.f32 v8, v0  }
0x370: {  	v12 =	vadd.s32 $0x120, v7;
	s26 =	sadd.s32 $0x1, s26;
	v8 =	vmul.f32 v8, v3;
	[tilespmem:v7+s16+$0x0] =	vst.idx.add.f32.msk $0xffff, v11  }
0x371: {  	v14 =	vadd.s32 $0x130, v7;
	p0 =	seq.s32 s26, $0x0;
	v4 =	vbroadcast v4, $0x1;
	[tilespmem:v9+s16+$0x0] =	vst.idx.add.f32.msk $0xffff, v13  }
.Ltmp9:
0x372: {  	[tilespmem:v10+s16+$0x0] =	vst.idx.add.f32.msk $0xffff, v8;
	v8 =	vadd.s32 $0x140, v7;
	(pc) =	sbr.rel @p0 .LBB2_10-.Ltmp9, $4  }
0x373: {  	v9 =	vmul.f32 v4, v1  }
0x374: {  	v10 =	vmul.f32 v4, v0  }
0x375: {  	[tilespmem:v12+s16+$0x0] =	vst.idx.add.f32.msk $0xffff, v9;
	v9 =	vmul.f32 v4, v3  }
0x376: {  	[tilespmem:v14+s16+$0x0] =	vst.idx.add.f32.msk $0xffff, v10  }
.LBB2_9:
0x377: {  	s26 =	sadd.s32 $0x1, s26;
	[tilespmem:v8+s16+$0x0] =	vst.idx.add.f32.msk $0xffff, v9;
	v7 =	vadd.s32 $0x240, v7;
	s25 =	sadd.s32 $0x2, s25  }
0x378: {  	v4 =	vld [tilespmem:s25+$0x0];
	p0 =	seq.s32 s26, $0x0;
	_ =	sdelay $0x4  }
0x379: {  	v9 =	vadd.s32 $0x10, v7;
	v8 =	vbroadcast v4, $0x0;
	v4 =	vbroadcast v4, $0x1  }
0x37a: {  	v10 =	vadd.s32 $0x20, v7  }
0x37b: {  	v12 =	vadd.s32 $0x120, v7;
	v11 =	vmul.f32 v8, v1  }
0x37c: {  	v14 =	vadd.s32 $0x130, v7;
	v13 =	vmul.f32 v8, v0  }
.Ltmp10:
0x37d: {  	[tilespmem:v7+s16+$0x0] =	vst.idx.add.f32.msk $0xffff, v11;
	v11 =	vmul.f32 v8, v3;
	v8 =	vadd.s32 $0x140, v7;
	(pc) =	sbr.rel @!p0 .LBB2_9-.Ltmp10, $4  }
0x37e: {  	[tilespmem:v9+s16+$0x0] =	vst.idx.add.f32.msk $0xffff, v13;
	v9 =	vmul.f32 v4, v1  }
0x37f: {  	[tilespmem:v10+s16+$0x0] =	vst.idx.add.f32.msk $0xffff, v11;
	v10 =	vmul.f32 v4, v0  }
0x380: {  	[tilespmem:v12+s16+$0x0] =	vst.idx.add.f32.msk $0xffff, v9;
	v9 =	vmul.f32 v4, v3  }
0x381: {  	[tilespmem:v14+s16+$0x0] =	vst.idx.add.f32.msk $0xffff, v10  }
.Ltmp11:
0x382: {  	_ = 	snop;
	(pc) =	sbr.rel .LBB2_10-.Ltmp11, $1  }
0x383: {  	_ =	sdelay $0x3  }
.LBB2_13:
0x384: {  	_ =	sfence.sel $0x180000  }
0x385: {  	[bflag:$0x0] =	sbarrier.arrive $0xFFFF  }
0x386: {  	p0 =	sne.s32 s0, $0x0;
	_ =	strace $0x90000047  }
0x387: {  	s0 =	sadd.s32 @!p0 $0x100000, s3;
	[bflag:$0x2] =	sbarrier.arrive $0xFFFF  }
0x388: {  	[sflag:s0] =	ssyncadd.tile.s32 @!p0 $0x1;
	_ =	shalt  }
.Lfunc_end2:
_tile_overlayer_lowered:
.L_overlay_start_2:
0x389: {  	(tag) =	ssettag $0x2  }
0x38a: {  	s0 =	rddreg [dreg:$0x0];
	s2 =	stileid.u32  }
0x38b: {  	s1 =	rddreg [dreg:$0x1];
	p0 =	sne.s32 s2, $0x0  }
0x38c: {  	s3 =	rddreg [dreg:$0x2];
	[bflag:$0x3] =	sbarrier.arrive $0xFFFF;
	s2 =	simm.s32 @!p0 $0x1C01  }
0x38d: {  	[timem:s3], [sflag:s2] =	dma.local @!p0 [hbm:s0], s1  }
0x38e: {  	s0 =	simm.s32 @!p0 $0x1  }
0x38f: {  	_ =	swait.ge @!p0 [sflag:s0], s1  }
0x390: {  	s1 =	ssub.s32 @!p0 $0x0, s1;
	[sflag:s0] =	ssyncset.done @!p0 $0x0  }
0x391: {  	[sflag:s0] =	ssyncadd.s32 @!p0 s1  }
0x392: {  	[bflag:$0x3] =	sbarrier.arrive $0xFFFF  }
0x393: {  	_ =	shalt  }

</sc_bundles>
